<compile_context>
chip_gen: v7x
topology: tpu7x:2x2x1
jax: 0.10.2.dev20260603
libtpu: 0.0.44.dev20260713+nightly
codegen_flags: <defaults>
</compile_context>

<pallas_src>
import functools

import jax
import jax.numpy as jnp
from jax import lax
from jax.experimental import pallas as pl
from jax.experimental.pallas import tpu as pltpu
from jax.experimental.pallas import tpu_sc as plsc

_N = 8192
_BATCH = 4096
_DIM = 512
_BB = 256

_NC = 2
_NS = 16
_NW = _NC * _NS
_RPW = _BATCH // _NW
_L = 16
_CHUNKS = _N // _L
_UNROLL = 8


def _count_body(x_ref, w_ref, c_ref):
    z = jnp.dot(x_ref[...], w_ref[...], preferred_element_type=jnp.float32)
    c_ref[...] = jax.nn.sigmoid(z) * _N


def _count(x, w_count):
    return pl.pallas_call(
        _count_body,
        grid=(_BATCH // _BB,),
        in_specs=[
            pl.BlockSpec((_BB, _DIM), lambda i: (i, 0)),
            pl.BlockSpec((_DIM, 1), lambda i: (0, 0)),
        ],
        out_specs=pl.BlockSpec((_BB, 1), lambda i: (i, 0)),
        out_shape=jax.ShapeDtypeStruct((_BATCH, 1), jnp.float32),
    )(x, w_count)


_mesh = plsc.VectorSubcoreMesh(core_axis_name="c", subcore_axis_name="s")


@functools.partial(
    pl.kernel,
    mesh=_mesh,
    out_type=jax.ShapeDtypeStruct((_BATCH, _N), jnp.float32),
    scratch_types=[
        pltpu.VMEM((_RPW,), jnp.float32),
        pltpu.VMEM((2 * _N,), jnp.float32),
        pltpu.SemaphoreType.DMA,
        pltpu.SemaphoreType.DMA,
    ],
)
def _sc_gate(c_hbm, out_hbm, c_v, row_v, sem0, sem1):
    wid = lax.axis_index("s") * _NC + lax.axis_index("c")
    base = wid * _RPW
    pltpu.sync_copy(c_hbm.at[pl.ds(base, _RPW)], c_v)
    sems = (sem0, sem1)
    iota_f = lax.iota(jnp.int32, _L).astype(jnp.float32)

    def fill_row(row, buf, csplat):
        off = buf * _N

        def chunk_grp(k, idxf):
            for u in range(_UNROLL):
                kk = k * _UNROLL + u
                g16 = jnp.clip(csplat - idxf, 0.0, 1.0)
                row_v[pl.ds(off + kk * _L, _L)] = g16
                idxf = idxf + jnp.float32(_L)
            return idxf

        lax.fori_loop(0, _CHUNKS // _UNROLL, chunk_grp, iota_f, unroll=False)
        pltpu.async_copy(
            row_v.at[pl.ds(off, _N)], out_hbm.at[base + row], sems[buf])

    def wait_row(buf):
        pltpu.make_async_copy(
            row_v.at[pl.ds(buf * _N, _N)], out_hbm.at[base], sems[buf]).wait()

    def group(g, _):
        cvec = c_v[pl.ds(g * _L, _L)]
        for r in range(_L):
            buf = r % 2
            if r < 2:
                @pl.when(g > 0)
                def _wait():
                    wait_row(buf)
            else:
                wait_row(buf)
            csplat = jnp.full((_L,), cvec[r], dtype=jnp.float32)
            fill_row(g * _L + r, buf, csplat)
        return 0

    lax.fori_loop(0, _RPW // _L, group, 0, unroll=False)
    wait_row(0)
    wait_row(1)


def kernel(x, w_count):
    c = _count(x, w_count).reshape(_BATCH)
    return _sc_gate(c)

# --- scband reference (transcript-rebuilt; emitter-appended) ---
"""Pipeline reference for scband-count-gate-45483703664679 (READ-ONLY COPY).

The authoritative reference and input builder live on the scoring server;
editing this copy changes nothing except your own understanding.
"""

import jax, jax.numpy as jnp
import numpy as np

NCOMPONENTS = 8192
BATCH = 4096
DIM = 512


def setup_inputs(seed: int = 0) -> dict:
    key = jax.random.key(seed)
    k1, k2 = jax.random.split(key)
    x = jax.random.normal(k1, (BATCH, DIM), dtype=jnp.float32)
    # learned parameter for the `count` head: x -> continuous count in [0, ncomponents]
    w_count = jax.random.normal(k2, (DIM, 1), dtype=jnp.float32) * 0.05
    return {"x": x, "w_count": w_count}


def reference(x, w_count):
    """CountGate forward (training / gate_during_eval=True path).

    count(x) produces a (relaxed, differentiable) scalar count c in [0, n]
    per batch row; relax.gate_matrix_from_count builds the nested gate matrix
    g[i, j] = clip(c[i] - j, 0, 1), i.e. the first floor(c) components are
    fully on, component floor(c) is fractionally on, the rest are off.
    NestedGate's _arrange_gate_matrix is the identity (C_{n-1} subset C_n).
    """
    n = NCOMPONENTS
    # count head: x -> continuous count in [0, n]  [batch, 1]
    c = jax.nn.sigmoid(x @ w_count) * n
    # relaxed nested gate matrix from count  [batch, n]
    idx = jnp.arange(n, dtype=x.dtype)[None, :]
    g = jnp.clip(c - idx, 0.0, 1.0)
    return g

if __name__ == "__main__":
    import jax
    _d = setup_inputs()
    print(jax.jit(kernel)(*tuple(_d.values())))

</pallas_src>

<mosaic_0001>
#map = affine_map<(d0, d1) -> (0)>
#map1 = affine_map<(d0, d1) -> (0, 0)>
module attributes {stable_mosaic.version = 14 : i64} {
  func.func @_sc_gate(%arg0: i32, %arg1: i32, %arg2: memref<4096xf32, #tpu.memory_space<hbm>>, %arg3: memref<4096x8192xf32, #tpu.memory_space<hbm>>, %arg4: memref<128xf32, #tpu.memory_space<vmem>>, %arg5: memref<16384xf32, #tpu.memory_space<vmem>>, %arg6: memref<!tpu.dma_semaphore, #tpu.memory_space<semaphore_mem>>, %arg7: memref<!tpu.dma_semaphore, #tpu.memory_space<semaphore_mem>>) attributes {dimension_semantics = [#tpu.dimension_semantics<core_parallel>, #tpu.dimension_semantics<subcore_parallel>], iteration_bounds = array<i64: 2, 16>, scalar_prefetch = 0 : i64, scratch_operands = 4 : i64, tpu.core_type = #tpu.core_type<sc_vector_subcore>, window_params = [{transform_indices = #map}, {transform_indices = #map1}]} {
    %mul3A = arith.constant 2 : i32
    %mul3A_0 = arith.muli %arg1, %mul3A : i32
    %add3A = arith.addi %mul3A_0, %arg0 : i32
    %mul3A_1 = arith.constant 128 : i32
    %mul3A_2 = arith.muli %add3A, %mul3A_1 : i32
    "tpu.region"() ({
      %run_scoped3A = tpu.sem_alloc : memref<!tpu.dma_semaphore, #tpu.memory_space<semaphore_mem>>
      %dma_start3A = tpu.memref_slice %arg2[%mul3A_2] : memref<4096xf32, #tpu.memory_space<hbm>> -> memref<128xf32, #tpu.memory_space<hbm>>
      %dma_start3A_28 = tpu.memref_slice %arg2[%mul3A_2] : memref<4096xf32, #tpu.memory_space<hbm>> -> memref<128xf32, #tpu.memory_space<hbm>>
      tpu.enqueue_dma source(%dma_start3A_28 : memref<128xf32, #tpu.memory_space<hbm>>) target(%arg4 : memref<128xf32, #tpu.memory_space<vmem>>) target_semaphore(%run_scoped3A : memref<!tpu.dma_semaphore, #tpu.memory_space<semaphore_mem>>)
      %dma_wait3A_29 = tpu.memref_slice %arg2[%mul3A_2] : memref<4096xf32, #tpu.memory_space<hbm>> -> memref<128xf32, #tpu.memory_space<hbm>>
      %dma_wait3A_30 = tpu.memref_slice %arg2[%mul3A_2] : memref<4096xf32, #tpu.memory_space<hbm>> -> memref<128xf32, #tpu.memory_space<hbm>>
      tpu.wait_dma2 semaphore(%run_scoped3A : memref<!tpu.dma_semaphore, #tpu.memory_space<semaphore_mem>>) src(%dma_wait3A_30 : memref<128xf32, #tpu.memory_space<hbm>>) dst(%arg4 : memref<128xf32, #tpu.memory_space<vmem>>)
      tpu.yield
    }) : () -> ()
    %iota3A = tpu.iota {dimensions = array<i32: 0>} : vector<16xi32>
    %convert_element_type3A = arith.sitofp %iota3A : vector<16xi32> to vector<16xf32>
    %scan3A = arith.constant 0 : i32
    %scan3A_3 = arith.constant 0 : i32
    %scan3A_4 = arith.constant 8 : i32
    %scan3A_5 = arith.addi %scan3A_3, %scan3A_4 : i32
    %scan3A_6 = arith.constant 1 : i32
    %scan3A_7 = scf.for %scan3A_28 = %scan3A_3 to %scan3A_5 step %scan3A_6 iter_args(%scan3A_29 = %scan3A) -> (i32)  : i32 {
      %mul3A_30 = arith.constant 16 : i32
      %mul3A_31 = arith.muli %scan3A_28, %mul3A_30 : i32
      %get3A = arith.index_cast %mul3A_31 : i32 to index
      %get3A_32 = tpu.vector_load %arg4[%get3A] {strides = array<i32>} : memref<128xf32, #tpu.memory_space<vmem>>, vector<16xf32>,
      %get3A_33 = vector.shape_cast %get3A_32 : vector<16xf32> to vector<16xf32>
      %gt3A = arith.constant 0 : i32
      %gt3A_34 = arith.cmpi sgt, %scan3A_28, %gt3A : i32
      %convert_element_type3A_35 = arith.extui %gt3A_34 : i1 to i32
      %cond3A = arith.constant 0 : i32
      %cond3A_36 = arith.cmpi ne, %convert_element_type3A_35, %cond3A : i32
      scf.if %cond3A_36 {
        %dma_wait3A_563 = arith.constant 0 : i32
        %dma_wait3A_564 = tpu.memref_slice %arg5[%dma_wait3A_563] : memref<16384xf32, #tpu.memory_space<vmem>> -> memref<8192xf32, #tpu.memory_space<vmem>>
        %dma_wait3A_565 = arith.constant 0 : i32
        %dma_wait3A_566 = tpu.memref_slice %arg3[%mul3A_2, %dma_wait3A_565] : memref<4096x8192xf32, #tpu.memory_space<hbm>> -> memref<1x8192xf32, #tpu.memory_space<hbm>>
        %dma_wait3A_567 = tpu.memref_squeeze %dma_wait3A_566 : memref<1x8192xf32, #tpu.memory_space<hbm>> -> memref<8192xf32, #tpu.memory_space<hbm>>
        %dma_wait3A_568 = arith.constant 0 : i32
        %dma_wait3A_569 = tpu.memref_slice %arg3[%mul3A_2, %dma_wait3A_568] : memref<4096x8192xf32, #tpu.memory_space<hbm>> -> memref<1x8192xf32, #tpu.memory_space<hbm>>
        %dma_wait3A_570 = tpu.memref_squeeze %dma_wait3A_569 : memref<1x8192xf32, #tpu.memory_space<hbm>> -> memref<8192xf32, #tpu.memory_space<hbm>>
        %dma_wait3A_571 = arith.constant 0 : i32
        %dma_wait3A_572 = tpu.memref_slice %arg5[%dma_wait3A_571] : memref<16384xf32, #tpu.memory_space<vmem>> -> memref<8192xf32, #tpu.memory_space<vmem>>
        tpu.wait_dma2 semaphore(%arg6 : memref<!tpu.dma_semaphore, #tpu.memory_space<semaphore_mem>>) src(%dma_wait3A_572 : memref<8192xf32, #tpu.memory_space<vmem>>) dst(%dma_wait3A_570 : memref<8192xf32, #tpu.memory_space<hbm>>)
      } else {
      }
      %slice3A = vector.extract_strided_slice %get3A_33 {offsets = [0], sizes = [1], strides = [1]} : vector<16xf32> to vector<1xf32>
      %squeeze3A = vector.extract %slice3A[0] : f32 from vector<1xf32>
      %broadcast_in_dim3A = vector.broadcast %squeeze3A : f32 to vector<16xf32>
      %mul3A_37 = arith.constant 16 : i32
      %mul3A_38 = arith.muli %scan3A_28, %mul3A_37 : i32
      %add3A_39 = arith.constant 0 : i32
      %add3A_40 = arith.addi %mul3A_38, %add3A_39 : i32
      %scan3A_41 = arith.constant 0 : i32
      %scan3A_42 = arith.constant 64 : i32
      %scan3A_43 = arith.addi %scan3A_41, %scan3A_42 : i32
      %scan3A_44 = arith.constant 1 : i32
      %scan3A_45 = scf.for %scan3A_563 = %scan3A_41 to %scan3A_43 step %scan3A_44 iter_args(%scan3A_564 = %convert_element_type3A) -> (vector<16xf32>)  : i32 {
        %mul3A_565 = arith.constant 8 : i32
        %mul3A_566 = arith.muli %scan3A_563, %mul3A_565 : i32
        %add3A_567 = arith.constant 0 : i32
        %add3A_568 = arith.addi %mul3A_566, %add3A_567 : i32
        %sub3A = arith.subf %broadcast_in_dim3A, %scan3A_564 : vector<16xf32>
        %jit3A = arith.constant 0.000000e+00 : f32
        %jit3A_569 = arith.constant 1.000000e+00 : f32
        %max3A = vector.broadcast %jit3A : f32 to vector<16xf32>
        %max3A_570 = arith.maximumf %max3A, %sub3A : vector<16xf32>
        %min3A = vector.broadcast %jit3A_569 : f32 to vector<16xf32>
        %min3A_571 = arith.minimumf %min3A, %max3A_570 : vector<16xf32>
        %mul3A_572 = arith.constant 16 : i32
        %mul3A_573 = arith.muli %add3A_568, %mul3A_572 : i32
        %add3A_574 = arith.constant 0 : i32
        %add3A_575 = arith.addi %add3A_574, %mul3A_573 : i32
        %swap3A = arith.index_cast %add3A_575 : i32 to index
        %swap3A_576 = tpu.vector_load %arg5[%swap3A] {strides = array<i32>} : memref<16384xf32, #tpu.memory_space<vmem>>, vector<16xf32>,
        %swap3A_577 = vector.shape_cast %swap3A_576 : vector<16xf32> to vector<16xf32>
        %swap3A_578 = vector.shape_cast %min3A_571 : vector<16xf32> to vector<16xf32>
        tpu.vector_store %arg5[%swap3A], %swap3A_578 {strides = array<i32>} : memref<16384xf32, #tpu.memory_space<vmem>>, vector<16xf32>,
        %add3A_579 = arith.constant 1.600000e+01 : f32
        %add3A_580 = vector.broadcast %add3A_579 : f32 to vector<16xf32>
        %add3A_581 = arith.addf %scan3A_564, %add3A_580 : vector<16xf32>
        %mul3A_582 = arith.constant 8 : i32
        %mul3A_583 = arith.muli %scan3A_563, %mul3A_582 : i32
        %add3A_584 = arith.constant 1 : i32
        %add3A_585 = arith.addi %mul3A_583, %add3A_584 : i32
        %sub3A_586 = arith.subf %broadcast_in_dim3A, %add3A_581 : vector<16xf32>
        %jit3A_587 = arith.constant 0.000000e+00 : f32
        %jit3A_588 = arith.constant 1.000000e+00 : f32
        %max3A_589 = vector.broadcast %jit3A_587 : f32 to vector<16xf32>
        %max3A_590 = arith.maximumf %max3A_589, %sub3A_586 : vector<16xf32>
        %min3A_591 = vector.broadcast %jit3A_588 : f32 to vector<16xf32>
        %min3A_592 = arith.minimumf %min3A_591, %max3A_590 : vector<16xf32>
        %mul3A_593 = arith.constant 16 : i32
        %mul3A_594 = arith.muli %add3A_585, %mul3A_593 : i32
        %add3A_595 = arith.constant 0 : i32
        %add3A_596 = arith.addi %add3A_595, %mul3A_594 : i32
        %swap3A_597 = arith.index_cast %add3A_596 : i32 to index
        %swap3A_598 = tpu.vector_load %arg5[%swap3A_597] {strides = array<i32>} : memref<16384xf32, #tpu.memory_space<vmem>>, vector<16xf32>,
        %swap3A_599 = vector.shape_cast %swap3A_598 : vector<16xf32> to vector<16xf32>
        %swap3A_600 = vector.shape_cast %min3A_592 : vector<16xf32> to vector<16xf32>
        tpu.vector_store %arg5[%swap3A_597], %swap3A_600 {strides = array<i32>} : memref<16384xf32, #tpu.memory_space<vmem>>, vector<16xf32>,
        %add3A_601 = arith.constant 1.600000e+01 : f32
        %add3A_602 = vector.broadcast %add3A_601 : f32 to vector<16xf32>
        %add3A_603 = arith.addf %add3A_581, %add3A_602 : vector<16xf32>
        %mul3A_604 = arith.constant 8 : i32
        %mul3A_605 = arith.muli %scan3A_563, %mul3A_604 : i32
        %add3A_606 = arith.constant 2 : i32
        %add3A_607 = arith.addi %mul3A_605, %add3A_606 : i32
        %sub3A_608 = arith.subf %broadcast_in_dim3A, %add3A_603 : vector<16xf32>
        %jit3A_609 = arith.constant 0.000000e+00 : f32
        %jit3A_610 = arith.constant 1.000000e+00 : f32
        %max3A_611 = vector.broadcast %jit3A_609 : f32 to vector<16xf32>
        %max3A_612 = arith.maximumf %max3A_611, %sub3A_608 : vector<16xf32>
        %min3A_613 = vector.broadcast %jit3A_610 : f32 to vector<16xf32>
        %min3A_614 = arith.minimumf %min3A_613, %max3A_612 : vector<16xf32>
        %mul3A_615 = arith.constant 16 : i32
        %mul3A_616 = arith.muli %add3A_607, %mul3A_615 : i32
        %add3A_617 = arith.constant 0 : i32
        %add3A_618 = arith.addi %add3A_617, %mul3A_616 : i32
        %swap3A_619 = arith.index_cast %add3A_618 : i32 to index
        %swap3A_620 = tpu.vector_load %arg5[%swap3A_619] {strides = array<i32>} : memref<16384xf32, #tpu.memory_space<vmem>>, vector<16xf32>,
        %swap3A_621 = vector.shape_cast %swap3A_620 : vector<16xf32> to vector<16xf32>
        %swap3A_622 = vector.shape_cast %min3A_614 : vector<16xf32> to vector<16xf32>
        tpu.vector_store %arg5[%swap3A_619], %swap3A_622 {strides = array<i32>} : memref<16384xf32, #tpu.memory_space<vmem>>, vector<16xf32>,
        %add3A_623 = arith.constant 1.600000e+01 : f32
        %add3A_624 = vector.broadcast %add3A_623 : f32 to vector<16xf32>
        %add3A_625 = arith.addf %add3A_603, %add3A_624 : vector<16xf32>
        %mul3A_626 = arith.constant 8 : i32
        %mul3A_627 = arith.muli %scan3A_563, %mul3A_626 : i32
        %add3A_628 = arith.constant 3 : i32
        %add3A_629 = arith.addi %mul3A_627, %add3A_628 : i32
        %sub3A_630 = arith.subf %broadcast_in_dim3A, %add3A_625 : vector<16xf32>
        %jit3A_631 = arith.constant 0.000000e+00 : f32
        %jit3A_632 = arith.constant 1.000000e+00 : f32
        %max3A_633 = vector.broadcast %jit3A_631 : f32 to vector<16xf32>
        %max3A_634 = arith.maximumf %max3A_633, %sub3A_630 : vector<16xf32>
        %min3A_635 = vector.broadcast %jit3A_632 : f32 to vector<16xf32>
        %min3A_636 = arith.minimumf %min3A_635, %max3A_634 : vector<16xf32>
        %mul3A_637 = arith.constant 16 : i32
        %mul3A_638 = arith.muli %add3A_629, %mul3A_637 : i32
        %add3A_639 = arith.constant 0 : i32
        %add3A_640 = arith.addi %add3A_639, %mul3A_638 : i32
        %swap3A_641 = arith.index_cast %add3A_640 : i32 to index
        %swap3A_642 = tpu.vector_load %arg5[%swap3A_641] {strides = array<i32>} : memref<16384xf32, #tpu.memory_space<vmem>>, vector<16xf32>,
        %swap3A_643 = vector.shape_cast %swap3A_642 : vector<16xf32> to vector<16xf32>
        %swap3A_644 = vector.shape_cast %min3A_636 : vector<16xf32> to vector<16xf32>
        tpu.vector_store %arg5[%swap3A_641], %swap3A_644 {strides = array<i32>} : memref<16384xf32, #tpu.memory_space<vmem>>, vector<16xf32>,
        %add3A_645 = arith.constant 1.600000e+01 : f32
        %add3A_646 = vector.broadcast %add3A_645 : f32 to vector<16xf32>
        %add3A_647 = arith.addf %add3A_625, %add3A_646 : vector<16xf32>
        %mul3A_648 = arith.constant 8 : i32
        %mul3A_649 = arith.muli %scan3A_563, %mul3A_648 : i32
        %add3A_650 = arith.constant 4 : i32
        %add3A_651 = arith.addi %mul3A_649, %add3A_650 : i32
        %sub3A_652 = arith.subf %broadcast_in_dim3A, %add3A_647 : vector<16xf32>
        %jit3A_653 = arith.constant 0.000000e+00 : f32
        %jit3A_654 = arith.constant 1.000000e+00 : f32
        %max3A_655 = vector.broadcast %jit3A_653 : f32 to vector<16xf32>
        %max3A_656 = arith.maximumf %max3A_655, %sub3A_652 : vector<16xf32>
        %min3A_657 = vector.broadcast %jit3A_654 : f32 to vector<16xf32>
        %min3A_658 = arith.minimumf %min3A_657, %max3A_656 : vector<16xf32>
        %mul3A_659 = arith.constant 16 : i32
        %mul3A_660 = arith.muli %add3A_651, %mul3A_659 : i32
        %add3A_661 = arith.constant 0 : i32
        %add3A_662 = arith.addi %add3A_661, %mul3A_660 : i32
        %swap3A_663 = arith.index_cast %add3A_662 : i32 to index
        %swap3A_664 = tpu.vector_load %arg5[%swap3A_663] {strides = array<i32>} : memref<16384xf32, #tpu.memory_space<vmem>>, vector<16xf32>,
        %swap3A_665 = vector.shape_cast %swap3A_664 : vector<16xf32> to vector<16xf32>
        %swap3A_666 = vector.shape_cast %min3A_658 : vector<16xf32> to vector<16xf32>
        tpu.vector_store %arg5[%swap3A_663], %swap3A_666 {strides = array<i32>} : memref<16384xf32, #tpu.memory_space<vmem>>, vector<16xf32>,
        %add3A_667 = arith.constant 1.600000e+01 : f32
        %add3A_668 = vector.broadcast %add3A_667 : f32 to vector<16xf32>
        %add3A_669 = arith.addf %add3A_647, %add3A_668 : vector<16xf32>
        %mul3A_670 = arith.constant 8 : i32
        %mul3A_671 = arith.muli %scan3A_563, %mul3A_670 : i32
        %add3A_672 = arith.constant 5 : i32
        %add3A_673 = arith.addi %mul3A_671, %add3A_672 : i32
        %sub3A_674 = arith.subf %broadcast_in_dim3A, %add3A_669 : vector<16xf32>
        %jit3A_675 = arith.constant 0.000000e+00 : f32
        %jit3A_676 = arith.constant 1.000000e+00 : f32
        %max3A_677 = vector.broadcast %jit3A_675 : f32 to vector<16xf32>
        %max3A_678 = arith.maximumf %max3A_677, %sub3A_674 : vector<16xf32>
        %min3A_679 = vector.broadcast %jit3A_676 : f32 to vector<16xf32>
        %min3A_680 = arith.minimumf %min3A_679, %max3A_678 : vector<16xf32>
        %mul3A_681 = arith.constant 16 : i32
        %mul3A_682 = arith.muli %add3A_673, %mul3A_681 : i32
        %add3A_683 = arith.constant 0 : i32
        %add3A_684 = arith.addi %add3A_683, %mul3A_682 : i32
        %swap3A_685 = arith.index_cast %add3A_684 : i32 to index
        %swap3A_686 = tpu.vector_load %arg5[%swap3A_685] {strides = array<i32>} : memref<16384xf32, #tpu.memory_space<vmem>>, vector<16xf32>,
        %swap3A_687 = vector.shape_cast %swap3A_686 : vector<16xf32> to vector<16xf32>
        %swap3A_688 = vector.shape_cast %min3A_680 : vector<16xf32> to vector<16xf32>
        tpu.vector_store %arg5[%swap3A_685], %swap3A_688 {strides = array<i32>} : memref<16384xf32, #tpu.memory_space<vmem>>, vector<16xf32>,
        %add3A_689 = arith.constant 1.600000e+01 : f32
        %add3A_690 = vector.broadcast %add3A_689 : f32 to vector<16xf32>
        %add3A_691 = arith.addf %add3A_669, %add3A_690 : vector<16xf32>
        %mul3A_692 = arith.constant 8 : i32
        %mul3A_693 = arith.muli %scan3A_563, %mul3A_692 : i32
        %add3A_694 = arith.constant 6 : i32
        %add3A_695 = arith.addi %mul3A_693, %add3A_694 : i32
        %sub3A_696 = arith.subf %broadcast_in_dim3A, %add3A_691 : vector<16xf32>
        %jit3A_697 = arith.constant 0.000000e+00 : f32
        %jit3A_698 = arith.constant 1.000000e+00 : f32
        %max3A_699 = vector.broadcast %jit3A_697 : f32 to vector<16xf32>
        %max3A_700 = arith.maximumf %max3A_699, %sub3A_696 : vector<16xf32>
        %min3A_701 = vector.broadcast %jit3A_698 : f32 to vector<16xf32>
        %min3A_702 = arith.minimumf %min3A_701, %max3A_700 : vector<16xf32>
        %mul3A_703 = arith.constant 16 : i32
        %mul3A_704 = arith.muli %add3A_695, %mul3A_703 : i32
        %add3A_705 = arith.constant 0 : i32
        %add3A_706 = arith.addi %add3A_705, %mul3A_704 : i32
        %swap3A_707 = arith.index_cast %add3A_706 : i32 to index
        %swap3A_708 = tpu.vector_load %arg5[%swap3A_707] {strides = array<i32>} : memref<16384xf32, #tpu.memory_space<vmem>>, vector<16xf32>,
        %swap3A_709 = vector.shape_cast %swap3A_708 : vector<16xf32> to vector<16xf32>
        %swap3A_710 = vector.shape_cast %min3A_702 : vector<16xf32> to vector<16xf32>
        tpu.vector_store %arg5[%swap3A_707], %swap3A_710 {strides = array<i32>} : memref<16384xf32, #tpu.memory_space<vmem>>, vector<16xf32>,
        %add3A_711 = arith.constant 1.600000e+01 : f32
        %add3A_712 = vector.broadcast %add3A_711 : f32 to vector<16xf32>
        %add3A_713 = arith.addf %add3A_691, %add3A_712 : vector<16xf32>
        %mul3A_714 = arith.constant 8 : i32
        %mul3A_715 = arith.muli %scan3A_563, %mul3A_714 : i32
        %add3A_716 = arith.constant 7 : i32
        %add3A_717 = arith.addi %mul3A_715, %add3A_716 : i32
        %sub3A_718 = arith.subf %broadcast_in_dim3A, %add3A_713 : vector<16xf32>
        %jit3A_719 = arith.constant 0.000000e+00 : f32
        %jit3A_720 = arith.constant 1.000000e+00 : f32
        %max3A_721 = vector.broadcast %jit3A_719 : f32 to vector<16xf32>
        %max3A_722 = arith.maximumf %max3A_721, %sub3A_718 : vector<16xf32>
        %min3A_723 = vector.broadcast %jit3A_720 : f32 to vector<16xf32>
        %min3A_724 = arith.minimumf %min3A_723, %max3A_722 : vector<16xf32>
        %mul3A_725 = arith.constant 16 : i32
        %mul3A_726 = arith.muli %add3A_717, %mul3A_725 : i32
        %add3A_727 = arith.constant 0 : i32
        %add3A_728 = arith.addi %add3A_727, %mul3A_726 : i32
        %swap3A_729 = arith.index_cast %add3A_728 : i32 to index
        %swap3A_730 = tpu.vector_load %arg5[%swap3A_729] {strides = array<i32>} : memref<16384xf32, #tpu.memory_space<vmem>>, vector<16xf32>,
        %swap3A_731 = vector.shape_cast %swap3A_730 : vector<16xf32> to vector<16xf32>
        %swap3A_732 = vector.shape_cast %min3A_724 : vector<16xf32> to vector<16xf32>
        tpu.vector_store %arg5[%swap3A_729], %swap3A_732 {strides = array<i32>} : memref<16384xf32, #tpu.memory_space<vmem>>, vector<16xf32>,
        %add3A_733 = arith.constant 1.600000e+01 : f32
        %add3A_734 = vector.broadcast %add3A_733 : f32 to vector<16xf32>
        %add3A_735 = arith.addf %add3A_713, %add3A_734 : vector<16xf32>
        scf.yield %add3A_735 : vector<16xf32>
      }
      %scan3A_46 = arith.constant 64 : i32
      %add3A_47 = arith.addi %mul3A_2, %add3A_40 : i32
      %dma_start3A = arith.constant 0 : i32
      %dma_start3A_48 = tpu.memref_slice %arg5[%dma_start3A] : memref<16384xf32, #tpu.memory_space<vmem>> -> memref<8192xf32, #tpu.memory_space<vmem>>
      %dma_start3A_49 = arith.constant 0 : i32
      %dma_start3A_50 = tpu.memref_slice %arg3[%add3A_47, %dma_start3A_49] : memref<4096x8192xf32, #tpu.memory_space<hbm>> -> memref<1x8192xf32, #tpu.memory_space<hbm>>
      %dma_start3A_51 = tpu.memref_squeeze %dma_start3A_50 : memref<1x8192xf32, #tpu.memory_space<hbm>> -> memref<8192xf32, #tpu.memory_space<hbm>>
      %dma_start3A_52 = arith.constant 0 : i32
      %dma_start3A_53 = tpu.memref_slice %arg3[%add3A_47, %dma_start3A_52] : memref<4096x8192xf32, #tpu.memory_space<hbm>> -> memref<1x8192xf32, #tpu.memory_space<hbm>>
      %dma_start3A_54 = tpu.memref_squeeze %dma_start3A_53 : memref<1x8192xf32, #tpu.memory_space<hbm>> -> memref<8192xf32, #tpu.memory_space<hbm>>
      %dma_start3A_55 = arith.constant 0 : i32
      %dma_start3A_56 = tpu.memref_slice %arg5[%dma_start3A_55] : memref<16384xf32, #tpu.memory_space<vmem>> -> memref<8192xf32, #tpu.memory_space<vmem>>
      tpu.enqueue_dma source(%dma_start3A_56 : memref<8192xf32, #tpu.memory_space<vmem>>) target(%dma_start3A_54 : memref<8192xf32, #tpu.memory_space<hbm>>) target_semaphore(%arg6 : memref<!tpu.dma_semaphore, #tpu.memory_space<semaphore_mem>>)
      %gt3A_57 = arith.constant 0 : i32
      %gt3A_58 = arith.cmpi sgt, %scan3A_28, %gt3A_57 : i32
      %convert_element_type3A_59 = arith.extui %gt3A_58 : i1 to i32
      %cond3A_60 = arith.constant 0 : i32
      %cond3A_61 = arith.cmpi ne, %convert_element_type3A_59, %cond3A_60 : i32
      scf.if %cond3A_61 {
        %dma_wait3A_563 = arith.constant 8192 : i32
        %dma_wait3A_564 = tpu.memref_slice %arg5[%dma_wait3A_563] : memref<16384xf32, #tpu.memory_space<vmem>> -> memref<8192xf32, #tpu.memory_space<vmem>>
        %dma_wait3A_565 = arith.constant 0 : i32
        %dma_wait3A_566 = tpu.memref_slice %arg3[%mul3A_2, %dma_wait3A_565] : memref<4096x8192xf32, #tpu.memory_space<hbm>> -> memref<1x8192xf32, #tpu.memory_space<hbm>>
        %dma_wait3A_567 = tpu.memref_squeeze %dma_wait3A_566 : memref<1x8192xf32, #tpu.memory_space<hbm>> -> memref<8192xf32, #tpu.memory_space<hbm>>
        %dma_wait3A_568 = arith.constant 0 : i32
        %dma_wait3A_569 = tpu.memref_slice %arg3[%mul3A_2, %dma_wait3A_568] : memref<4096x8192xf32, #tpu.memory_space<hbm>> -> memref<1x8192xf32, #tpu.memory_space<hbm>>
        %dma_wait3A_570 = tpu.memref_squeeze %dma_wait3A_569 : memref<1x8192xf32, #tpu.memory_space<hbm>> -> memref<8192xf32, #tpu.memory_space<hbm>>
        %dma_wait3A_571 = arith.constant 8192 : i32
        %dma_wait3A_572 = tpu.memref_slice %arg5[%dma_wait3A_571] : memref<16384xf32, #tpu.memory_space<vmem>> -> memref<8192xf32, #tpu.memory_space<vmem>>
        tpu.wait_dma2 semaphore(%arg7 : memref<!tpu.dma_semaphore, #tpu.memory_space<semaphore_mem>>) src(%dma_wait3A_572 : memref<8192xf32, #tpu.memory_space<vmem>>) dst(%dma_wait3A_570 : memref<8192xf32, #tpu.memory_space<hbm>>)
      } else {
      }
      %slice3A_62 = vector.extract_strided_slice %get3A_33 {offsets = [1], sizes = [1], strides = [1]} : vector<16xf32> to vector<1xf32>
      %squeeze3A_63 = vector.extract %slice3A_62[0] : f32 from vector<1xf32>
      %broadcast_in_dim3A_64 = vector.broadcast %squeeze3A_63 : f32 to vector<16xf32>
      %mul3A_65 = arith.constant 16 : i32
      %mul3A_66 = arith.muli %scan3A_28, %mul3A_65 : i32
      %add3A_67 = arith.constant 1 : i32
      %add3A_68 = arith.addi %mul3A_66, %add3A_67 : i32
      %scan3A_69 = arith.constant 0 : i32
      %scan3A_70 = arith.constant 64 : i32
      %scan3A_71 = arith.addi %scan3A_69, %scan3A_70 : i32
      %scan3A_72 = arith.constant 1 : i32
      %scan3A_73 = scf.for %scan3A_563 = %scan3A_69 to %scan3A_71 step %scan3A_72 iter_args(%scan3A_564 = %convert_element_type3A) -> (vector<16xf32>)  : i32 {
        %mul3A_565 = arith.constant 8 : i32
        %mul3A_566 = arith.muli %scan3A_563, %mul3A_565 : i32
        %add3A_567 = arith.constant 0 : i32
        %add3A_568 = arith.addi %mul3A_566, %add3A_567 : i32
        %sub3A = arith.subf %broadcast_in_dim3A_64, %scan3A_564 : vector<16xf32>
        %jit3A = arith.constant 0.000000e+00 : f32
        %jit3A_569 = arith.constant 1.000000e+00 : f32
        %max3A = vector.broadcast %jit3A : f32 to vector<16xf32>
        %max3A_570 = arith.maximumf %max3A, %sub3A : vector<16xf32>
        %min3A = vector.broadcast %jit3A_569 : f32 to vector<16xf32>
        %min3A_571 = arith.minimumf %min3A, %max3A_570 : vector<16xf32>
        %mul3A_572 = arith.constant 16 : i32
        %mul3A_573 = arith.muli %add3A_568, %mul3A_572 : i32
        %add3A_574 = arith.constant 8192 : i32
        %add3A_575 = arith.addi %add3A_574, %mul3A_573 : i32
        %swap3A = arith.index_cast %add3A_575 : i32 to index
        %swap3A_576 = tpu.vector_load %arg5[%swap3A] {strides = array<i32>} : memref<16384xf32, #tpu.memory_space<vmem>>, vector<16xf32>,
        %swap3A_577 = vector.shape_cast %swap3A_576 : vector<16xf32> to vector<16xf32>
        %swap3A_578 = vector.shape_cast %min3A_571 : vector<16xf32> to vector<16xf32>
        tpu.vector_store %arg5[%swap3A], %swap3A_578 {strides = array<i32>} : memref<16384xf32, #tpu.memory_space<vmem>>, vector<16xf32>,
        %add3A_579 = arith.constant 1.600000e+01 : f32
        %add3A_580 = vector.broadcast %add3A_579 : f32 to vector<16xf32>
        %add3A_581 = arith.addf %scan3A_564, %add3A_580 : vector<16xf32>
        %mul3A_582 = arith.constant 8 : i32
        %mul3A_583 = arith.muli %scan3A_563, %mul3A_582 : i32
        %add3A_584 = arith.constant 1 : i32
        %add3A_585 = arith.addi %mul3A_583, %add3A_584 : i32
        %sub3A_586 = arith.subf %broadcast_in_dim3A_64, %add3A_581 : vector<16xf32>
        %jit3A_587 = arith.constant 0.000000e+00 : f32
        %jit3A_588 = arith.constant 1.000000e+00 : f32
        %max3A_589 = vector.broadcast %jit3A_587 : f32 to vector<16xf32>
        %max3A_590 = arith.maximumf %max3A_589, %sub3A_586 : vector<16xf32>
        %min3A_591 = vector.broadcast %jit3A_588 : f32 to vector<16xf32>
        %min3A_592 = arith.minimumf %min3A_591, %max3A_590 : vector<16xf32>
        %mul3A_593 = arith.constant 16 : i32
        %mul3A_594 = arith.muli %add3A_585, %mul3A_593 : i32
        %add3A_595 = arith.constant 8192 : i32
        %add3A_596 = arith.addi %add3A_595, %mul3A_594 : i32
        %swap3A_597 = arith.index_cast %add3A_596 : i32 to index
        %swap3A_598 = tpu.vector_load %arg5[%swap3A_597] {strides = array<i32>} : memref<16384xf32, #tpu.memory_space<vmem>>, vector<16xf32>,
        %swap3A_599 = vector.shape_cast %swap3A_598 : vector<16xf32> to vector<16xf32>
        %swap3A_600 = vector.shape_cast %min3A_592 : vector<16xf32> to vector<16xf32>
        tpu.vector_store %arg5[%swap3A_597], %swap3A_600 {strides = array<i32>} : memref<16384xf32, #tpu.memory_space<vmem>>, vector<16xf32>,
        %add3A_601 = arith.constant 1.600000e+01 : f32
        %add3A_602 = vector.broadcast %add3A_601 : f32 to vector<16xf32>
        %add3A_603 = arith.addf %add3A_581, %add3A_602 : vector<16xf32>
        %mul3A_604 = arith.constant 8 : i32
        %mul3A_605 = arith.muli %scan3A_563, %mul3A_604 : i32
        %add3A_606 = arith.constant 2 : i32
        %add3A_607 = arith.addi %mul3A_605, %add3A_606 : i32
        %sub3A_608 = arith.subf %broadcast_in_dim3A_64, %add3A_603 : vector<16xf32>
        %jit3A_609 = arith.constant 0.000000e+00 : f32
        %jit3A_610 = arith.constant 1.000000e+00 : f32
        %max3A_611 = vector.broadcast %jit3A_609 : f32 to vector<16xf32>
        %max3A_612 = arith.maximumf %max3A_611, %sub3A_608 : vector<16xf32>
        %min3A_613 = vector.broadcast %jit3A_610 : f32 to vector<16xf32>
        %min3A_614 = arith.minimumf %min3A_613, %max3A_612 : vector<16xf32>
        %mul3A_615 = arith.constant 16 : i32
        %mul3A_616 = arith.muli %add3A_607, %mul3A_615 : i32
        %add3A_617 = arith.constant 8192 : i32
        %add3A_618 = arith.addi %add3A_617, %mul3A_616 : i32
        %swap3A_619 = arith.index_cast %add3A_618 : i32 to index
        %swap3A_620 = tpu.vector_load %arg5[%swap3A_619] {strides = array<i32>} : memref<16384xf32, #tpu.memory_space<vmem>>, vector<16xf32>,
        %swap3A_621 = vector.shape_cast %swap3A_620 : vector<16xf32> to vector<16xf32>
        %swap3A_622 = vector.shape_cast %min3A_614 : vector<16xf32> to vector<16xf32>
        tpu.vector_store %arg5[%swap3A_619], %swap3A_622 {strides = array<i32>} : memref<16384xf32, #tpu.memory_space<vmem>>, vector<16xf32>,
        %add3A_623 = arith.constant 1.600000e+01 : f32
        %add3A_624 = vector.broadcast %add3A_623 : f32 to vector<16xf32>
        %add3A_625 = arith.addf %add3A_603, %add3A_624 : vector<16xf32>
        %mul3A_626 = arith.constant 8 : i32
        %mul3A_627 = arith.muli %scan3A_563, %mul3A_626 : i32
        %add3A_628 = arith.constant 3 : i32
        %add3A_629 = arith.addi %mul3A_627, %add3A_628 : i32
        %sub3A_630 = arith.subf %broadcast_in_dim3A_64, %add3A_625 : vector<16xf32>
        %jit3A_631 = arith.constant 0.000000e+00 : f32
        %jit3A_632 = arith.constant 1.000000e+00 : f32
        %max3A_633 = vector.broadcast %jit3A_631 : f32 to vector<16xf32>
        %max3A_634 = arith.maximumf %max3A_633, %sub3A_630 : vector<16xf32>
        %min3A_635 = vector.broadcast %jit3A_632 : f32 to vector<16xf32>
        %min3A_636 = arith.minimumf %min3A_635, %max3A_634 : vector<16xf32>
        %mul3A_637 = arith.constant 16 : i32
        %mul3A_638 = arith.muli %add3A_629, %mul3A_637 : i32
        %add3A_639 = arith.constant 8192 : i32
        %add3A_640 = arith.addi %add3A_639, %mul3A_638 : i32
        %swap3A_641 = arith.index_cast %add3A_640 : i32 to index
        %swap3A_642 = tpu.vector_load %arg5[%swap3A_641] {strides = array<i32>} : memref<16384xf32, #tpu.memory_space<vmem>>, vector<16xf32>,
        %swap3A_643 = vector.shape_cast %swap3A_642 : vector<16xf32> to vector<16xf32>
        %swap3A_644 = vector.shape_cast %min3A_636 : vector<16xf32> to vector<16xf32>
        tpu.vector_store %arg5[%swap3A_641], %swap3A_644 {strides = array<i32>} : memref<16384xf32, #tpu.memory_space<vmem>>, vector<16xf32>,
        %add3A_645 = arith.constant 1.600000e+01 : f32
        %add3A_646 = vector.broadcast %add3A_645 : f32 to vector<16xf32>
        %add3A_647 = arith.addf %add3A_625, %add3A_646 : vector<16xf32>
        %mul3A_648 = arith.constant 8 : i32
        %mul3A_649 = arith.muli %scan3A_563, %mul3A_648 : i32
        %add3A_650 = arith.constant 4 : i32
        %add3A_651 = arith.addi %mul3A_649, %add3A_650 : i32
        %sub3A_652 = arith.subf %broadcast_in_dim3A_64, %add3A_647 : vector<16xf32>
        %jit3A_653 = arith.constant 0.000000e+00 : f32
        %jit3A_654 = arith.constant 1.000000e+00 : f32
        %max3A_655 = vector.broadcast %jit3A_653 : f32 to vector<16xf32>
        %max3A_656 = arith.maximumf %max3A_655, %sub3A_652 : vector<16xf32>
        %min3A_657 = vector.broadcast %jit3A_654 : f32 to vector<16xf32>
        %min3A_658 = arith.minimumf %min3A_657, %max3A_656 : vector<16xf32>
        %mul3A_659 = arith.constant 16 : i32
        %mul3A_660 = arith.muli %add3A_651, %mul3A_659 : i32
        %add3A_661 = arith.constant 8192 : i32
        %add3A_662 = arith.addi %add3A_661, %mul3A_660 : i32
        %swap3A_663 = arith.index_cast %add3A_662 : i32 to index
        %swap3A_664 = tpu.vector_load %arg5[%swap3A_663] {strides = array<i32>} : memref<16384xf32, #tpu.memory_space<vmem>>, vector<16xf32>,
        %swap3A_665 = vector.shape_cast %swap3A_664 : vector<16xf32> to vector<16xf32>
        %swap3A_666 = vector.shape_cast %min3A_658 : vector<16xf32> to vector<16xf32>
        tpu.vector_store %arg5[%swap3A_663], %swap3A_666 {strides = array<i32>} : memref<16384xf32, #tpu.memory_space<vmem>>, vector<16xf32>,
        %add3A_667 = arith.constant 1.600000e+01 : f32
        %add3A_668 = vector.broadcast %add3A_667 : f32 to vector<16xf32>
        %add3A_669 = arith.addf %add3A_647, %add3A_668 : vector<16xf32>
        %mul3A_670 = arith.constant 8 : i32
        %mul3A_671 = arith.muli %scan3A_563, %mul3A_670 : i32
        %add3A_672 = arith.constant 5 : i32
        %add3A_673 = arith.addi %mul3A_671, %add3A_672 : i32
        %sub3A_674 = arith.subf %broadcast_in_dim3A_64, %add3A_669 : vector<16xf32>
        %jit3A_675 = arith.constant 0.000000e+00 : f32
        %jit3A_676 = arith.constant 1.000000e+00 : f32
        %max3A_677 = vector.broadcast %jit3A_675 : f32 to vector<16xf32>
        %max3A_678 = arith.maximumf %max3A_677, %sub3A_674 : vector<16xf32>
        %min3A_679 = vector.broadcast %jit3A_676 : f32 to vector<16xf32>
        %min3A_680 = arith.minimumf %min3A_679, %max3A_678 : vector<16xf32>
        %mul3A_681 = arith.constant 16 : i32
        %mul3A_682 = arith.muli %add3A_673, %mul3A_681 : i32
        %add3A_683 = arith.constant 8192 : i32
        %add3A_684 = arith.addi %add3A_683, %mul3A_682 : i32
        %swap3A_685 = arith.index_cast %add3A_684 : i32 to index
        %swap3A_686 = tpu.vector_load %arg5[%swap3A_685] {strides = array<i32>} : memref<16384xf32, #tpu.memory_space<vmem>>, vector<16xf32>,
        %swap3A_687 = vector.shape_cast %swap3A_686 : vector<16xf32> to vector<16xf32>
        %swap3A_688 = vector.shape_cast %min3A_680 : vector<16xf32> to vector<16xf32>
        tpu.vector_store %arg5[%swap3A_685], %swap3A_688 {strides = array<i32>} : memref<16384xf32, #tpu.memory_space<vmem>>, vector<16xf32>,
        %add3A_689 = arith.constant 1.600000e+01 : f32
        %add3A_690 = vector.broadcast %add3A_689 : f32 to vector<16xf32>
        %add3A_691 = arith.addf %add3A_669, %add3A_690 : vector<16xf32>
        %mul3A_692 = arith.constant 8 : i32
        %mul3A_693 = arith.muli %scan3A_563, %mul3A_692 : i32
        %add3A_694 = arith.constant 6 : i32
        %add3A_695 = arith.addi %mul3A_693, %add3A_694 : i32
        %sub3A_696 = arith.subf %broadcast_in_dim3A_64, %add3A_691 : vector<16xf32>
        %jit3A_697 = arith.constant 0.000000e+00 : f32
        %jit3A_698 = arith.constant 1.000000e+00 : f32
        %max3A_699 = vector.broadcast %jit3A_697 : f32 to vector<16xf32>
        %max3A_700 = arith.maximumf %max3A_699, %sub3A_696 : vector<16xf32>
        %min3A_701 = vector.broadcast %jit3A_698 : f32 to vector<16xf32>
        %min3A_702 = arith.minimumf %min3A_701, %max3A_700 : vector<16xf32>
        %mul3A_703 = arith.constant 16 : i32
        %mul3A_704 = arith.muli %add3A_695, %mul3A_703 : i32
        %add3A_705 = arith.constant 8192 : i32
        %add3A_706 = arith.addi %add3A_705, %mul3A_704 : i32
        %swap3A_707 = arith.index_cast %add3A_706 : i32 to index
        %swap3A_708 = tpu.vector_load %arg5[%swap3A_707] {strides = array<i32>} : memref<16384xf32, #tpu.memory_space<vmem>>, vector<16xf32>,
        %swap3A_709 = vector.shape_cast %swap3A_708 : vector<16xf32> to vector<16xf32>
        %swap3A_710 = vector.shape_cast %min3A_702 : vector<16xf32> to vector<16xf32>
        tpu.vector_store %arg5[%swap3A_707], %swap3A_710 {strides = array<i32>} : memref<16384xf32, #tpu.memory_space<vmem>>, vector<16xf32>,
        %add3A_711 = arith.constant 1.600000e+01 : f32
        %add3A_712 = vector.broadcast %add3A_711 : f32 to vector<16xf32>
        %add3A_713 = arith.addf %add3A_691, %add3A_712 : vector<16xf32>
        %mul3A_714 = arith.constant 8 : i32
        %mul3A_715 = arith.muli %scan3A_563, %mul3A_714 : i32
        %add3A_716 = arith.constant 7 : i32
        %add3A_717 = arith.addi %mul3A_715, %add3A_716 : i32
        %sub3A_718 = arith.subf %broadcast_in_dim3A_64, %add3A_713 : vector<16xf32>
        %jit3A_719 = arith.constant 0.000000e+00 : f32
        %jit3A_720 = arith.constant 1.000000e+00 : f32
        %max3A_721 = vector.broadcast %jit3A_719 : f32 to vector<16xf32>
        %max3A_722 = arith.maximumf %max3A_721, %sub3A_718 : vector<16xf32>
        %min3A_723 = vector.broadcast %jit3A_720 : f32 to vector<16xf32>
        %min3A_724 = arith.minimumf %min3A_723, %max3A_722 : vector<16xf32>
        %mul3A_725 = arith.constant 16 : i32
        %mul3A_726 = arith.muli %add3A_717, %mul3A_725 : i32
        %add3A_727 = arith.constant 8192 : i32
        %add3A_728 = arith.addi %add3A_727, %mul3A_726 : i32
        %swap3A_729 = arith.index_cast %add3A_728 : i32 to index
        %swap3A_730 = tpu.vector_load %arg5[%swap3A_729] {strides = array<i32>} : memref<16384xf32, #tpu.memory_space<vmem>>, vector<16xf32>,
        %swap3A_731 = vector.shape_cast %swap3A_730 : vector<16xf32> to vector<16xf32>
        %swap3A_732 = vector.shape_cast %min3A_724 : vector<16xf32> to vector<16xf32>
        tpu.vector_store %arg5[%swap3A_729], %swap3A_732 {strides = array<i32>} : memref<16384xf32, #tpu.memory_space<vmem>>, vector<16xf32>,
        %add3A_733 = arith.constant 1.600000e+01 : f32
        %add3A_734 = vector.broadcast %add3A_733 : f32 to vector<16xf32>
        %add3A_735 = arith.addf %add3A_713, %add3A_734 : vector<16xf32>
        scf.yield %add3A_735 : vector<16xf32>
      }
      %scan3A_74 = arith.constant 64 : i32
      %add3A_75 = arith.addi %mul3A_2, %add3A_68 : i32
      %dma_start3A_76 = arith.constant 8192 : i32
      %dma_start3A_77 = tpu.memref_slice %arg5[%dma_start3A_76] : memref<16384xf32, #tpu.memory_space<vmem>> -> memref<8192xf32, #tpu.memory_space<vmem>>
      %dma_start3A_78 = arith.constant 0 : i32
      %dma_start3A_79 = tpu.memref_slice %arg3[%add3A_75, %dma_start3A_78] : memref<4096x8192xf32, #tpu.memory_space<hbm>> -> memref<1x8192xf32, #tpu.memory_space<hbm>>
      %dma_start3A_80 = tpu.memref_squeeze %dma_start3A_79 : memref<1x8192xf32, #tpu.memory_space<hbm>> -> memref<8192xf32, #tpu.memory_space<hbm>>
      %dma_start3A_81 = arith.constant 0 : i32
      %dma_start3A_82 = tpu.memref_slice %arg3[%add3A_75, %dma_start3A_81] : memref<4096x8192xf32, #tpu.memory_space<hbm>> -> memref<1x8192xf32, #tpu.memory_space<hbm>>
      %dma_start3A_83 = tpu.memref_squeeze %dma_start3A_82 : memref<1x8192xf32, #tpu.memory_space<hbm>> -> memref<8192xf32, #tpu.memory_space<hbm>>
      %dma_start3A_84 = arith.constant 8192 : i32
      %dma_start3A_85 = tpu.memref_slice %arg5[%dma_start3A_84] : memref<16384xf32, #tpu.memory_space<vmem>> -> memref<8192xf32, #tpu.memory_space<vmem>>
      tpu.enqueue_dma source(%dma_start3A_85 : memref<8192xf32, #tpu.memory_space<vmem>>) target(%dma_start3A_83 : memref<8192xf32, #tpu.memory_space<hbm>>) target_semaphore(%arg7 : memref<!tpu.dma_semaphore, #tpu.memory_space<semaphore_mem>>)
      %dma_wait3A_86 = arith.constant 0 : i32
      %dma_wait3A_87 = tpu.memref_slice %arg5[%dma_wait3A_86] : memref<16384xf32, #tpu.memory_space<vmem>> -> memref<8192xf32, #tpu.memory_space<vmem>>
      %dma_wait3A_88 = arith.constant 0 : i32
      %dma_wait3A_89 = tpu.memref_slice %arg3[%mul3A_2, %dma_wait3A_88] : memref<4096x8192xf32, #tpu.memory_space<hbm>> -> memref<1x8192xf32, #tpu.memory_space<hbm>>
      %dma_wait3A_90 = tpu.memref_squeeze %dma_wait3A_89 : memref<1x8192xf32, #tpu.memory_space<hbm>> -> memref<8192xf32, #tpu.memory_space<hbm>>
      %dma_wait3A_91 = arith.constant 0 : i32
      %dma_wait3A_92 = tpu.memref_slice %arg3[%mul3A_2, %dma_wait3A_91] : memref<4096x8192xf32, #tpu.memory_space<hbm>> -> memref<1x8192xf32, #tpu.memory_space<hbm>>
      %dma_wait3A_93 = tpu.memref_squeeze %dma_wait3A_92 : memref<1x8192xf32, #tpu.memory_space<hbm>> -> memref<8192xf32, #tpu.memory_space<hbm>>
      %dma_wait3A_94 = arith.constant 0 : i32
      %dma_wait3A_95 = tpu.memref_slice %arg5[%dma_wait3A_94] : memref<16384xf32, #tpu.memory_space<vmem>> -> memref<8192xf32, #tpu.memory_space<vmem>>
      tpu.wait_dma2 semaphore(%arg6 : memref<!tpu.dma_semaphore, #tpu.memory_space<semaphore_mem>>) src(%dma_wait3A_95 : memref<8192xf32, #tpu.memory_space<vmem>>) dst(%dma_wait3A_93 : memref<8192xf32, #tpu.memory_space<hbm>>)
      %slice3A_96 = vector.extract_strided_slice %get3A_33 {offsets = [2], sizes = [1], strides = [1]} : vector<16xf32> to vector<1xf32>
      %squeeze3A_97 = vector.extract %slice3A_96[0] : f32 from vector<1xf32>
      %broadcast_in_dim3A_98 = vector.broadcast %squeeze3A_97 : f32 to vector<16xf32>
      %mul3A_99 = arith.constant 16 : i32
      %mul3A_100 = arith.muli %scan3A_28, %mul3A_99 : i32
      %add3A_101 = arith.constant 2 : i32
      %add3A_102 = arith.addi %mul3A_100, %add3A_101 : i32
      %scan3A_103 = arith.constant 0 : i32
      %scan3A_104 = arith.constant 64 : i32
      %scan3A_105 = arith.addi %scan3A_103, %scan3A_104 : i32
      %scan3A_106 = arith.constant 1 : i32
      %scan3A_107 = scf.for %scan3A_563 = %scan3A_103 to %scan3A_105 step %scan3A_106 iter_args(%scan3A_564 = %convert_element_type3A) -> (vector<16xf32>)  : i32 {
        %mul3A_565 = arith.constant 8 : i32
        %mul3A_566 = arith.muli %scan3A_563, %mul3A_565 : i32
        %add3A_567 = arith.constant 0 : i32
        %add3A_568 = arith.addi %mul3A_566, %add3A_567 : i32
        %sub3A = arith.subf %broadcast_in_dim3A_98, %scan3A_564 : vector<16xf32>
        %jit3A = arith.constant 0.000000e+00 : f32
        %jit3A_569 = arith.constant 1.000000e+00 : f32
        %max3A = vector.broadcast %jit3A : f32 to vector<16xf32>
        %max3A_570 = arith.maximumf %max3A, %sub3A : vector<16xf32>
        %min3A = vector.broadcast %jit3A_569 : f32 to vector<16xf32>
        %min3A_571 = arith.minimumf %min3A, %max3A_570 : vector<16xf32>
        %mul3A_572 = arith.constant 16 : i32
        %mul3A_573 = arith.muli %add3A_568, %mul3A_572 : i32
        %add3A_574 = arith.constant 0 : i32
        %add3A_575 = arith.addi %add3A_574, %mul3A_573 : i32
        %swap3A = arith.index_cast %add3A_575 : i32 to index
        %swap3A_576 = tpu.vector_load %arg5[%swap3A] {strides = array<i32>} : memref<16384xf32, #tpu.memory_space<vmem>>, vector<16xf32>,
        %swap3A_577 = vector.shape_cast %swap3A_576 : vector<16xf32> to vector<16xf32>
        %swap3A_578 = vector.shape_cast %min3A_571 : vector<16xf32> to vector<16xf32>
        tpu.vector_store %arg5[%swap3A], %swap3A_578 {strides = array<i32>} : memref<16384xf32, #tpu.memory_space<vmem>>, vector<16xf32>,
        %add3A_579 = arith.constant 1.600000e+01 : f32
        %add3A_580 = vector.broadcast %add3A_579 : f32 to vector<16xf32>
        %add3A_581 = arith.addf %scan3A_564, %add3A_580 : vector<16xf32>
        %mul3A_582 = arith.constant 8 : i32
        %mul3A_583 = arith.muli %scan3A_563, %mul3A_582 : i32
        %add3A_584 = arith.constant 1 : i32
        %add3A_585 = arith.addi %mul3A_583, %add3A_584 : i32
        %sub3A_586 = arith.subf %broadcast_in_dim3A_98, %add3A_581 : vector<16xf32>
        %jit3A_587 = arith.constant 0.000000e+00 : f32
        %jit3A_588 = arith.constant 1.000000e+00 : f32
        %max3A_589 = vector.broadcast %jit3A_587 : f32 to vector<16xf32>
        %max3A_590 = arith.maximumf %max3A_589, %sub3A_586 : vector<16xf32>
        %min3A_591 = vector.broadcast %jit3A_588 : f32 to vector<16xf32>
        %min3A_592 = arith.minimumf %min3A_591, %max3A_590 : vector<16xf32>
        %mul3A_593 = arith.constant 16 : i32
        %mul3A_594 = arith.muli %add3A_585, %mul3A_593 : i32
        %add3A_595 = arith.constant 0 : i32
        %add3A_596 = arith.addi %add3A_595, %mul3A_594 : i32
        %swap3A_597 = arith.index_cast %add3A_596 : i32 to index
        %swap3A_598 = tpu.vector_load %arg5[%swap3A_597] {strides = array<i32>} : memref<16384xf32, #tpu.memory_space<vmem>>, vector<16xf32>,
        %swap3A_599 = vector.shape_cast %swap3A_598 : vector<16xf32> to vector<16xf32>
        %swap3A_600 = vector.shape_cast %min3A_592 : vector<16xf32> to vector<16xf32>
        tpu.vector_store %arg5[%swap3A_597], %swap3A_600 {strides = array<i32>} : memref<16384xf32, #tpu.memory_space<vmem>>, vector<16xf32>,
        %add3A_601 = arith.constant 1.600000e+01 : f32
        %add3A_602 = vector.broadcast %add3A_601 : f32 to vector<16xf32>
        %add3A_603 = arith.addf %add3A_581, %add3A_602 : vector<16xf32>
        %mul3A_604 = arith.constant 8 : i32
        %mul3A_605 = arith.muli %scan3A_563, %mul3A_604 : i32
        %add3A_606 = arith.constant 2 : i32
        %add3A_607 = arith.addi %mul3A_605, %add3A_606 : i32
        %sub3A_608 = arith.subf %broadcast_in_dim3A_98, %add3A_603 : vector<16xf32>
        %jit3A_609 = arith.constant 0.000000e+00 : f32
        %jit3A_610 = arith.constant 1.000000e+00 : f32
        %max3A_611 = vector.broadcast %jit3A_609 : f32 to vector<16xf32>
        %max3A_612 = arith.maximumf %max3A_611, %sub3A_608 : vector<16xf32>
        %min3A_613 = vector.broadcast %jit3A_610 : f32 to vector<16xf32>
        %min3A_614 = arith.minimumf %min3A_613, %max3A_612 : vector<16xf32>
        %mul3A_615 = arith.constant 16 : i32
        %mul3A_616 = arith.muli %add3A_607, %mul3A_615 : i32
        %add3A_617 = arith.constant 0 : i32
        %add3A_618 = arith.addi %add3A_617, %mul3A_616 : i32
        %swap3A_619 = arith.index_cast %add3A_618 : i32 to index
        %swap3A_620 = tpu.vector_load %arg5[%swap3A_619] {strides = array<i32>} : memref<16384xf32, #tpu.memory_space<vmem>>, vector<16xf32>,
        %swap3A_621 = vector.shape_cast %swap3A_620 : vector<16xf32> to vector<16xf32>
        %swap3A_622 = vector.shape_cast %min3A_614 : vector<16xf32> to vector<16xf32>
        tpu.vector_store %arg5[%swap3A_619], %swap3A_622 {strides = array<i32>} : memref<16384xf32, #tpu.memory_space<vmem>>, vector<16xf32>,
        %add3A_623 = arith.constant 1.600000e+01 : f32
        %add3A_624 = vector.broadcast %add3A_623 : f32 to vector<16xf32>
        %add3A_625 = arith.addf %add3A_603, %add3A_624 : vector<16xf32>
        %mul3A_626 = arith.constant 8 : i32
        %mul3A_627 = arith.muli %scan3A_563, %mul3A_626 : i32
        %add3A_628 = arith.constant 3 : i32
        %add3A_629 = arith.addi %mul3A_627, %add3A_628 : i32
        %sub3A_630 = arith.subf %broadcast_in_dim3A_98, %add3A_625 : vector<16xf32>
        %jit3A_631 = arith.constant 0.000000e+00 : f32
        %jit3A_632 = arith.constant 1.000000e+00 : f32
        %max3A_633 = vector.broadcast %jit3A_631 : f32 to vector<16xf32>
        %max3A_634 = arith.maximumf %max3A_633, %sub3A_630 : vector<16xf32>
        %min3A_635 = vector.broadcast %jit3A_632 : f32 to vector<16xf32>
        %min3A_636 = arith.minimumf %min3A_635, %max3A_634 : vector<16xf32>
        %mul3A_637 = arith.constant 16 : i32
        %mul3A_638 = arith.muli %add3A_629, %mul3A_637 : i32
        %add3A_639 = arith.constant 0 : i32
        %add3A_640 = arith.addi %add3A_639, %mul3A_638 : i32
        %swap3A_641 = arith.index_cast %add3A_640 : i32 to index
        %swap3A_642 = tpu.vector_load %arg5[%swap3A_641] {strides = array<i32>} : memref<16384xf32, #tpu.memory_space<vmem>>, vector<16xf32>,
        %swap3A_643 = vector.shape_cast %swap3A_642 : vector<16xf32> to vector<16xf32>
        %swap3A_644 = vector.shape_cast %min3A_636 : vector<16xf32> to vector<16xf32>
        tpu.vector_store %arg5[%swap3A_641], %swap3A_644 {strides = array<i32>} : memref<16384xf32, #tpu.memory_space<vmem>>, vector<16xf32>,
        %add3A_645 = arith.constant 1.600000e+01 : f32
        %add3A_646 = vector.broadcast %add3A_645 : f32 to vector<16xf32>
        %add3A_647 = arith.addf %add3A_625, %add3A_646 : vector<16xf32>
        %mul3A_648 = arith.constant 8 : i32
        %mul3A_649 = arith.muli %scan3A_563, %mul3A_648 : i32
        %add3A_650 = arith.constant 4 : i32
        %add3A_651 = arith.addi %mul3A_649, %add3A_650 : i32
        %sub3A_652 = arith.subf %broadcast_in_dim3A_98, %add3A_647 : vector<16xf32>
        %jit3A_653 = arith.constant 0.000000e+00 : f32
        %jit3A_654 = arith.constant 1.000000e+00 : f32
        %max3A_655 = vector.broadcast %jit3A_653 : f32 to vector<16xf32>
        %max3A_656 = arith.maximumf %max3A_655, %sub3A_652 : vector<16xf32>
        %min3A_657 = vector.broadcast %jit3A_654 : f32 to vector<16xf32>
        %min3A_658 = arith.minimumf %min3A_657, %max3A_656 : vector<16xf32>
        %mul3A_659 = arith.constant 16 : i32
        %mul3A_660 = arith.muli %add3A_651, %mul3A_659 : i32
        %add3A_661 = arith.constant 0 : i32
        %add3A_662 = arith.addi %add3A_661, %mul3A_660 : i32
        %swap3A_663 = arith.index_cast %add3A_662 : i32 to index
        %swap3A_664 = tpu.vector_load %arg5[%swap3A_663] {strides = array<i32>} : memref<16384xf32, #tpu.memory_space<vmem>>, vector<16xf32>,
        %swap3A_665 = vector.shape_cast %swap3A_664 : vector<16xf32> to vector<16xf32>
        %swap3A_666 = vector.shape_cast %min3A_658 : vector<16xf32> to vector<16xf32>
        tpu.vector_store %arg5[%swap3A_663], %swap3A_666 {strides = array<i32>} : memref<16384xf32, #tpu.memory_space<vmem>>, vector<16xf32>,
        %add3A_667 = arith.constant 1.600000e+01 : f32
        %add3A_668 = vector.broadcast %add3A_667 : f32 to vector<16xf32>
        %add3A_669 = arith.addf %add3A_647, %add3A_668 : vector<16xf32>
        %mul3A_670 = arith.constant 8 : i32
        %mul3A_671 = arith.muli %scan3A_563, %mul3A_670 : i32
        %add3A_672 = arith.constant 5 : i32
        %add3A_673 = arith.addi %mul3A_671, %add3A_672 : i32
        %sub3A_674 = arith.subf %broadcast_in_dim3A_98, %add3A_669 : vector<16xf32>
        %jit3A_675 = arith.constant 0.000000e+00 : f32
        %jit3A_676 = arith.constant 1.000000e+00 : f32
        %max3A_677 = vector.broadcast %jit3A_675 : f32 to vector<16xf32>
        %max3A_678 = arith.maximumf %max3A_677, %sub3A_674 : vector<16xf32>
        %min3A_679 = vector.broadcast %jit3A_676 : f32 to vector<16xf32>
        %min3A_680 = arith.minimumf %min3A_679, %max3A_678 : vector<16xf32>
        %mul3A_681 = arith.constant 16 : i32
        %mul3A_682 = arith.muli %add3A_673, %mul3A_681 : i32
        %add3A_683 = arith.constant 0 : i32
        %add3A_684 = arith.addi %add3A_683, %mul3A_682 : i32
        %swap3A_685 = arith.index_cast %add3A_684 : i32 to index
        %swap3A_686 = tpu.vector_load %arg5[%swap3A_685] {strides = array<i32>} : memref<16384xf32, #tpu.memory_space<vmem>>, vector<16xf32>,
        %swap3A_687 = vector.shape_cast %swap3A_686 : vector<16xf32> to vector<16xf32>
        %swap3A_688 = vector.shape_cast %min3A_680 : vector<16xf32> to vector<16xf32>
        tpu.vector_store %arg5[%swap3A_685], %swap3A_688 {strides = array<i32>} : memref<16384xf32, #tpu.memory_space<vmem>>, vector<16xf32>,
        %add3A_689 = arith.constant 1.600000e+01 : f32
        %add3A_690 = vector.broadcast %add3A_689 : f32 to vector<16xf32>
        %add3A_691 = arith.addf %add3A_669, %add3A_690 : vector<16xf32>
        %mul3A_692 = arith.constant 8 : i32
        %mul3A_693 = arith.muli %scan3A_563, %mul3A_692 : i32
        %add3A_694 = arith.constant 6 : i32
        %add3A_695 = arith.addi %mul3A_693, %add3A_694 : i32
        %sub3A_696 = arith.subf %broadcast_in_dim3A_98, %add3A_691 : vector<16xf32>
        %jit3A_697 = arith.constant 0.000000e+00 : f32
        %jit3A_698 = arith.constant 1.000000e+00 : f32
        %max3A_699 = vector.broadcast %jit3A_697 : f32 to vector<16xf32>
        %max3A_700 = arith.maximumf %max3A_699, %sub3A_696 : vector<16xf32>
        %min3A_701 = vector.broadcast %jit3A_698 : f32 to vector<16xf32>
        %min3A_702 = arith.minimumf %min3A_701, %max3A_700 : vector<16xf32>
        %mul3A_703 = arith.constant 16 : i32
        %mul3A_704 = arith.muli %add3A_695, %mul3A_703 : i32
        %add3A_705 = arith.constant 0 : i32
        %add3A_706 = arith.addi %add3A_705, %mul3A_704 : i32
        %swap3A_707 = arith.index_cast %add3A_706 : i32 to index
        %swap3A_708 = tpu.vector_load %arg5[%swap3A_707] {strides = array<i32>} : memref<16384xf32, #tpu.memory_space<vmem>>, vector<16xf32>,
        %swap3A_709 = vector.shape_cast %swap3A_708 : vector<16xf32> to vector<16xf32>
        %swap3A_710 = vector.shape_cast %min3A_702 : vector<16xf32> to vector<16xf32>
        tpu.vector_store %arg5[%swap3A_707], %swap3A_710 {strides = array<i32>} : memref<16384xf32, #tpu.memory_space<vmem>>, vector<16xf32>,
        %add3A_711 = arith.constant 1.600000e+01 : f32
        %add3A_712 = vector.broadcast %add3A_711 : f32 to vector<16xf32>
        %add3A_713 = arith.addf %add3A_691, %add3A_712 : vector<16xf32>
        %mul3A_714 = arith.constant 8 : i32
        %mul3A_715 = arith.muli %scan3A_563, %mul3A_714 : i32
        %add3A_716 = arith.constant 7 : i32
        %add3A_717 = arith.addi %mul3A_715, %add3A_716 : i32
        %sub3A_718 = arith.subf %broadcast_in_dim3A_98, %add3A_713 : vector<16xf32>
        %jit3A_719 = arith.constant 0.000000e+00 : f32
        %jit3A_720 = arith.constant 1.000000e+00 : f32
        %max3A_721 = vector.broadcast %jit3A_719 : f32 to vector<16xf32>
        %max3A_722 = arith.maximumf %max3A_721, %sub3A_718 : vector<16xf32>
        %min3A_723 = vector.broadcast %jit3A_720 : f32 to vector<16xf32>
        %min3A_724 = arith.minimumf %min3A_723, %max3A_722 : vector<16xf32>
        %mul3A_725 = arith.constant 16 : i32
        %mul3A_726 = arith.muli %add3A_717, %mul3A_725 : i32
        %add3A_727 = arith.constant 0 : i32
        %add3A_728 = arith.addi %add3A_727, %mul3A_726 : i32
        %swap3A_729 = arith.index_cast %add3A_728 : i32 to index
        %swap3A_730 = tpu.vector_load %arg5[%swap3A_729] {strides = array<i32>} : memref<16384xf32, #tpu.memory_space<vmem>>, vector<16xf32>,
        %swap3A_731 = vector.shape_cast %swap3A_730 : vector<16xf32> to vector<16xf32>
        %swap3A_732 = vector.shape_cast %min3A_724 : vector<16xf32> to vector<16xf32>
        tpu.vector_store %arg5[%swap3A_729], %swap3A_732 {strides = array<i32>} : memref<16384xf32, #tpu.memory_space<vmem>>, vector<16xf32>,
        %add3A_733 = arith.constant 1.600000e+01 : f32
        %add3A_734 = vector.broadcast %add3A_733 : f32 to vector<16xf32>
        %add3A_735 = arith.addf %add3A_713, %add3A_734 : vector<16xf32>
        scf.yield %add3A_735 : vector<16xf32>
      }
      %scan3A_108 = arith.constant 64 : i32
      %add3A_109 = arith.addi %mul3A_2, %add3A_102 : i32
      %dma_start3A_110 = arith.constant 0 : i32
      %dma_start3A_111 = tpu.memref_slice %arg5[%dma_start3A_110] : memref<16384xf32, #tpu.memory_space<vmem>> -> memref<8192xf32, #tpu.memory_space<vmem>>
      %dma_start3A_112 = arith.constant 0 : i32
      %dma_start3A_113 = tpu.memref_slice %arg3[%add3A_109, %dma_start3A_112] : memref<4096x8192xf32, #tpu.memory_space<hbm>> -> memref<1x8192xf32, #tpu.memory_space<hbm>>
      %dma_start3A_114 = tpu.memref_squeeze %dma_start3A_113 : memref<1x8192xf32, #tpu.memory_space<hbm>> -> memref<8192xf32, #tpu.memory_space<hbm>>
      %dma_start3A_115 = arith.constant 0 : i32
      %dma_start3A_116 = tpu.memref_slice %arg3[%add3A_109, %dma_start3A_115] : memref<4096x8192xf32, #tpu.memory_space<hbm>> -> memref<1x8192xf32, #tpu.memory_space<hbm>>
      %dma_start3A_117 = tpu.memref_squeeze %dma_start3A_116 : memref<1x8192xf32, #tpu.memory_space<hbm>> -> memref<8192xf32, #tpu.memory_space<hbm>>
      %dma_start3A_118 = arith.constant 0 : i32
      %dma_start3A_119 = tpu.memref_slice %arg5[%dma_start3A_118] : memref<16384xf32, #tpu.memory_space<vmem>> -> memref<8192xf32, #tpu.memory_space<vmem>>
      tpu.enqueue_dma source(%dma_start3A_119 : memref<8192xf32, #tpu.memory_space<vmem>>) target(%dma_start3A_117 : memref<8192xf32, #tpu.memory_space<hbm>>) target_semaphore(%arg6 : memref<!tpu.dma_semaphore, #tpu.memory_space<semaphore_mem>>)
      %dma_wait3A_120 = arith.constant 8192 : i32
      %dma_wait3A_121 = tpu.memref_slice %arg5[%dma_wait3A_120] : memref<16384xf32, #tpu.memory_space<vmem>> -> memref<8192xf32, #tpu.memory_space<vmem>>
      %dma_wait3A_122 = arith.constant 0 : i32
      %dma_wait3A_123 = tpu.memref_slice %arg3[%mul3A_2, %dma_wait3A_122] : memref<4096x8192xf32, #tpu.memory_space<hbm>> -> memref<1x8192xf32, #tpu.memory_space<hbm>>
      %dma_wait3A_124 = tpu.memref_squeeze %dma_wait3A_123 : memref<1x8192xf32, #tpu.memory_space<hbm>> -> memref<8192xf32, #tpu.memory_space<hbm>>
      %dma_wait3A_125 = arith.constant 0 : i32
      %dma_wait3A_126 = tpu.memref_slice %arg3[%mul3A_2, %dma_wait3A_125] : memref<4096x8192xf32, #tpu.memory_space<hbm>> -> memref<1x8192xf32, #tpu.memory_space<hbm>>
      %dma_wait3A_127 = tpu.memref_squeeze %dma_wait3A_126 : memref<1x8192xf32, #tpu.memory_space<hbm>> -> memref<8192xf32, #tpu.memory_space<hbm>>
      %dma_wait3A_128 = arith.constant 8192 : i32
      %dma_wait3A_129 = tpu.memref_slice %arg5[%dma_wait3A_128] : memref<16384xf32, #tpu.memory_space<vmem>> -> memref<8192xf32, #tpu.memory_space<vmem>>
      tpu.wait_dma2 semaphore(%arg7 : memref<!tpu.dma_semaphore, #tpu.memory_space<semaphore_mem>>) src(%dma_wait3A_129 : memref<8192xf32, #tpu.memory_space<vmem>>) dst(%dma_wait3A_127 : memref<8192xf32, #tpu.memory_space<hbm>>)
      %slice3A_130 = vector.extract_strided_slice %get3A_33 {offsets = [3], sizes = [1], strides = [1]} : vector<16xf32> to vector<1xf32>
      %squeeze3A_131 = vector.extract %slice3A_130[0] : f32 from vector<1xf32>
      %broadcast_in_dim3A_132 = vector.broadcast %squeeze3A_131 : f32 to vector<16xf32>
      %mul3A_133 = arith.constant 16 : i32
      %mul3A_134 = arith.muli %scan3A_28, %mul3A_133 : i32
      %add3A_135 = arith.constant 3 : i32
      %add3A_136 = arith.addi %mul3A_134, %add3A_135 : i32
      %scan3A_137 = arith.constant 0 : i32
      %scan3A_138 = arith.constant 64 : i32
      %scan3A_139 = arith.addi %scan3A_137, %scan3A_138 : i32
      %scan3A_140 = arith.constant 1 : i32
      %scan3A_141 = scf.for %scan3A_563 = %scan3A_137 to %scan3A_139 step %scan3A_140 iter_args(%scan3A_564 = %convert_element_type3A) -> (vector<16xf32>)  : i32 {
        %mul3A_565 = arith.constant 8 : i32
        %mul3A_566 = arith.muli %scan3A_563, %mul3A_565 : i32
        %add3A_567 = arith.constant 0 : i32
        %add3A_568 = arith.addi %mul3A_566, %add3A_567 : i32
        %sub3A = arith.subf %broadcast_in_dim3A_132, %scan3A_564 : vector<16xf32>
        %jit3A = arith.constant 0.000000e+00 : f32
        %jit3A_569 = arith.constant 1.000000e+00 : f32
        %max3A = vector.broadcast %jit3A : f32 to vector<16xf32>
        %max3A_570 = arith.maximumf %max3A, %sub3A : vector<16xf32>
        %min3A = vector.broadcast %jit3A_569 : f32 to vector<16xf32>
        %min3A_571 = arith.minimumf %min3A, %max3A_570 : vector<16xf32>
        %mul3A_572 = arith.constant 16 : i32
        %mul3A_573 = arith.muli %add3A_568, %mul3A_572 : i32
        %add3A_574 = arith.constant 8192 : i32
        %add3A_575 = arith.addi %add3A_574, %mul3A_573 : i32
        %swap3A = arith.index_cast %add3A_575 : i32 to index
        %swap3A_576 = tpu.vector_load %arg5[%swap3A] {strides = array<i32>} : memref<16384xf32, #tpu.memory_space<vmem>>, vector<16xf32>,
        %swap3A_577 = vector.shape_cast %swap3A_576 : vector<16xf32> to vector<16xf32>
        %swap3A_578 = vector.shape_cast %min3A_571 : vector<16xf32> to vector<16xf32>
        tpu.vector_store %arg5[%swap3A], %swap3A_578 {strides = array<i32>} : memref<16384xf32, #tpu.memory_space<vmem>>, vector<16xf32>,
        %add3A_579 = arith.constant 1.600000e+01 : f32
        %add3A_580 = vector.broadcast %add3A_579 : f32 to vector<16xf32>
        %add3A_581 = arith.addf %scan3A_564, %add3A_580 : vector<16xf32>
        %mul3A_582 = arith.constant 8 : i32
        %mul3A_583 = arith.muli %scan3A_563, %mul3A_582 : i32
        %add3A_584 = arith.constant 1 : i32
        %add3A_585 = arith.addi %mul3A_583, %add3A_584 : i32
        %sub3A_586 = arith.subf %broadcast_in_dim3A_132, %add3A_581 : vector<16xf32>
        %jit3A_587 = arith.constant 0.000000e+00 : f32
        %jit3A_588 = arith.constant 1.000000e+00 : f32
        %max3A_589 = vector.broadcast %jit3A_587 : f32 to vector<16xf32>
        %max3A_590 = arith.maximumf %max3A_589, %sub3A_586 : vector<16xf32>
        %min3A_591 = vector.broadcast %jit3A_588 : f32 to vector<16xf32>
        %min3A_592 = arith.minimumf %min3A_591, %max3A_590 : vector<16xf32>
        %mul3A_593 = arith.constant 16 : i32
        %mul3A_594 = arith.muli %add3A_585, %mul3A_593 : i32
        %add3A_595 = arith.constant 8192 : i32
        %add3A_596 = arith.addi %add3A_595, %mul3A_594 : i32
        %swap3A_597 = arith.index_cast %add3A_596 : i32 to index
        %swap3A_598 = tpu.vector_load %arg5[%swap3A_597] {strides = array<i32>} : memref<16384xf32, #tpu.memory_space<vmem>>, vector<16xf32>,
        %swap3A_599 = vector.shape_cast %swap3A_598 : vector<16xf32> to vector<16xf32>
        %swap3A_600 = vector.shape_cast %min3A_592 : vector<16xf32> to vector<16xf32>
        tpu.vector_store %arg5[%swap3A_597], %swap3A_600 {strides = array<i32>} : memref<16384xf32, #tpu.memory_space<vmem>>, vector<16xf32>,
        %add3A_601 = arith.constant 1.600000e+01 : f32
        %add3A_602 = vector.broadcast %add3A_601 : f32 to vector<16xf32>
        %add3A_603 = arith.addf %add3A_581, %add3A_602 : vector<16xf32>
        %mul3A_604 = arith.constant 8 : i32
        %mul3A_605 = arith.muli %scan3A_563, %mul3A_604 : i32
        %add3A_606 = arith.constant 2 : i32
        %add3A_607 = arith.addi %mul3A_605, %add3A_606 : i32
        %sub3A_608 = arith.subf %broadcast_in_dim3A_132, %add3A_603 : vector<16xf32>
        %jit3A_609 = arith.constant 0.000000e+00 : f32
        %jit3A_610 = arith.constant 1.000000e+00 : f32
        %max3A_611 = vector.broadcast %jit3A_609 : f32 to vector<16xf32>
        %max3A_612 = arith.maximumf %max3A_611, %sub3A_608 : vector<16xf32>
        %min3A_613 = vector.broadcast %jit3A_610 : f32 to vector<16xf32>
        %min3A_614 = arith.minimumf %min3A_613, %max3A_612 : vector<16xf32>
        %mul3A_615 = arith.constant 16 : i32
        %mul3A_616 = arith.muli %add3A_607, %mul3A_615 : i32
        %add3A_617 = arith.constant 8192 : i32
        %add3A_618 = arith.addi %add3A_617, %mul3A_616 : i32
        %swap3A_619 = arith.index_cast %add3A_618 : i32 to index
        %swap3A_620 = tpu.vector_load %arg5[%swap3A_619] {strides = array<i32>} : memref<16384xf32, #tpu.memory_space<vmem>>, vector<16xf32>,
        %swap3A_621 = vector.shape_cast %swap3A_620 : vector<16xf32> to vector<16xf32>
        %swap3A_622 = vector.shape_cast %min3A_614 : vector<16xf32> to vector<16xf32>
        tpu.vector_store %arg5[%swap3A_619], %swap3A_622 {strides = array<i32>} : memref<16384xf32, #tpu.memory_space<vmem>>, vector<16xf32>,
        %add3A_623 = arith.constant 1.600000e+01 : f32
        %add3A_624 = vector.broadcast %add3A_623 : f32 to vector<16xf32>
        %add3A_625 = arith.addf %add3A_603, %add3A_624 : vector<16xf32>
        %mul3A_626 = arith.constant 8 : i32
        %mul3A_627 = arith.muli %scan3A_563, %mul3A_626 : i32
        %add3A_628 = arith.constant 3 : i32
        %add3A_629 = arith.addi %mul3A_627, %add3A_628 : i32
        %sub3A_630 = arith.subf %broadcast_in_dim3A_132, %add3A_625 : vector<16xf32>
        %jit3A_631 = arith.constant 0.000000e+00 : f32
        %jit3A_632 = arith.constant 1.000000e+00 : f32
        %max3A_633 = vector.broadcast %jit3A_631 : f32 to vector<16xf32>
        %max3A_634 = arith.maximumf %max3A_633, %sub3A_630 : vector<16xf32>
        %min3A_635 = vector.broadcast %jit3A_632 : f32 to vector<16xf32>
        %min3A_636 = arith.minimumf %min3A_635, %max3A_634 : vector<16xf32>
        %mul3A_637 = arith.constant 16 : i32
        %mul3A_638 = arith.muli %add3A_629, %mul3A_637 : i32
        %add3A_639 = arith.constant 8192 : i32
        %add3A_640 = arith.addi %add3A_639, %mul3A_638 : i32
        %swap3A_641 = arith.index_cast %add3A_640 : i32 to index
        %swap3A_642 = tpu.vector_load %arg5[%swap3A_641] {strides = array<i32>} : memref<16384xf32, #tpu.memory_space<vmem>>, vector<16xf32>,
        %swap3A_643 = vector.shape_cast %swap3A_642 : vector<16xf32> to vector<16xf32>
        %swap3A_644 = vector.shape_cast %min3A_636 : vector<16xf32> to vector<16xf32>
        tpu.vector_store %arg5[%swap3A_641], %swap3A_644 {strides = array<i32>} : memref<16384xf32, #tpu.memory_space<vmem>>, vector<16xf32>,
        %add3A_645 = arith.constant 1.600000e+01 : f32
        %add3A_646 = vector.broadcast %add3A_645 : f32 to vector<16xf32>
        %add3A_647 = arith.addf %add3A_625, %add3A_646 : vector<16xf32>
        %mul3A_648 = arith.constant 8 : i32
        %mul3A_649 = arith.muli %scan3A_563, %mul3A_648 : i32
        %add3A_650 = arith.constant 4 : i32
        %add3A_651 = arith.addi %mul3A_649, %add3A_650 : i32
        %sub3A_652 = arith.subf %broadcast_in_dim3A_132, %add3A_647 : vector<16xf32>
        %jit3A_653 = arith.constant 0.000000e+00 : f32
        %jit3A_654 = arith.constant 1.000000e+00 : f32
        %max3A_655 = vector.broadcast %jit3A_653 : f32 to vector<16xf32>
        %max3A_656 = arith.maximumf %max3A_655, %sub3A_652 : vector<16xf32>
        %min3A_657 = vector.broadcast %jit3A_654 : f32 to vector<16xf32>
        %min3A_658 = arith.minimumf %min3A_657, %max3A_656 : vector<16xf32>
        %mul3A_659 = arith.constant 16 : i32
        %mul3A_660 = arith.muli %add3A_651, %mul3A_659 : i32
        %add3A_661 = arith.constant 8192 : i32
        %add3A_662 = arith.addi %add3A_661, %mul3A_660 : i32
        %swap3A_663 = arith.index_cast %add3A_662 : i32 to index
        %swap3A_664 = tpu.vector_load %arg5[%swap3A_663] {strides = array<i32>} : memref<16384xf32, #tpu.memory_space<vmem>>, vector<16xf32>,
        %swap3A_665 = vector.shape_cast %swap3A_664 : vector<16xf32> to vector<16xf32>
        %swap3A_666 = vector.shape_cast %min3A_658 : vector<16xf32> to vector<16xf32>
        tpu.vector_store %arg5[%swap3A_663], %swap3A_666 {strides = array<i32>} : memref<16384xf32, #tpu.memory_space<vmem>>, vector<16xf32>,
        %add3A_667 = arith.constant 1.600000e+01 : f32
        %add3A_668 = vector.broadcast %add3A_667 : f32 to vector<16xf32>
        %add3A_669 = arith.addf %add3A_647, %add3A_668 : vector<16xf32>
        %mul3A_670 = arith.constant 8 : i32
        %mul3A_671 = arith.muli %scan3A_563, %mul3A_670 : i32
        %add3A_672 = arith.constant 5 : i32
        %add3A_673 = arith.addi %mul3A_671, %add3A_672 : i32
        %sub3A_674 = arith.subf %broadcast_in_dim3A_132, %add3A_669 : vector<16xf32>
        %jit3A_675 = arith.constant 0.000000e+00 : f32
        %jit3A_676 = arith.constant 1.000000e+00 : f32
        %max3A_677 = vector.broadcast %jit3A_675 : f32 to vector<16xf32>
        %max3A_678 = arith.maximumf %max3A_677, %sub3A_674 : vector<16xf32>
        %min3A_679 = vector.broadcast %jit3A_676 : f32 to vector<16xf32>
        %min3A_680 = arith.minimumf %min3A_679, %max3A_678 : vector<16xf32>
        %mul3A_681 = arith.constant 16 : i32
        %mul3A_682 = arith.muli %add3A_673, %mul3A_681 : i32
        %add3A_683 = arith.constant 8192 : i32
        %add3A_684 = arith.addi %add3A_683, %mul3A_682 : i32
        %swap3A_685 = arith.index_cast %add3A_684 : i32 to index
        %swap3A_686 = tpu.vector_load %arg5[%swap3A_685] {strides = array<i32>} : memref<16384xf32, #tpu.memory_space<vmem>>, vector<16xf32>,
        %swap3A_687 = vector.shape_cast %swap3A_686 : vector<16xf32> to vector<16xf32>
        %swap3A_688 = vector.shape_cast %min3A_680 : vector<16xf32> to vector<16xf32>
        tpu.vector_store %arg5[%swap3A_685], %swap3A_688 {strides = array<i32>} : memref<16384xf32, #tpu.memory_space<vmem>>, vector<16xf32>,
        %add3A_689 = arith.constant 1.600000e+01 : f32
        %add3A_690 = vector.broadcast %add3A_689 : f32 to vector<16xf32>
        %add3A_691 = arith.addf %add3A_669, %add3A_690 : vector<16xf32>
        %mul3A_692 = arith.constant 8 : i32
        %mul3A_693 = arith.muli %scan3A_563, %mul3A_692 : i32
        %add3A_694 = arith.constant 6 : i32
        %add3A_695 = arith.addi %mul3A_693, %add3A_694 : i32
        %sub3A_696 = arith.subf %broadcast_in_dim3A_132, %add3A_691 : vector<16xf32>
        %jit3A_697 = arith.constant 0.000000e+00 : f32
        %jit3A_698 = arith.constant 1.000000e+00 : f32
        %max3A_699 = vector.broadcast %jit3A_697 : f32 to vector<16xf32>
        %max3A_700 = arith.maximumf %max3A_699, %sub3A_696 : vector<16xf32>
        %min3A_701 = vector.broadcast %jit3A_698 : f32 to vector<16xf32>
        %min3A_702 = arith.minimumf %min3A_701, %max3A_700 : vector<16xf32>
        %mul3A_703 = arith.constant 16 : i32
        %mul3A_704 = arith.muli %add3A_695, %mul3A_703 : i32
        %add3A_705 = arith.constant 8192 : i32
        %add3A_706 = arith.addi %add3A_705, %mul3A_704 : i32
        %swap3A_707 = arith.index_cast %add3A_706 : i32 to index
        %swap3A_708 = tpu.vector_load %arg5[%swap3A_707] {strides = array<i32>} : memref<16384xf32, #tpu.memory_space<vmem>>, vector<16xf32>,
        %swap3A_709 = vector.shape_cast %swap3A_708 : vector<16xf32> to vector<16xf32>
        %swap3A_710 = vector.shape_cast %min3A_702 : vector<16xf32> to vector<16xf32>
        tpu.vector_store %arg5[%swap3A_707], %swap3A_710 {strides = array<i32>} : memref<16384xf32, #tpu.memory_space<vmem>>, vector<16xf32>,
        %add3A_711 = arith.constant 1.600000e+01 : f32
        %add3A_712 = vector.broadcast %add3A_711 : f32 to vector<16xf32>
        %add3A_713 = arith.addf %add3A_691, %add3A_712 : vector<16xf32>
        %mul3A_714 = arith.constant 8 : i32
        %mul3A_715 = arith.muli %scan3A_563, %mul3A_714 : i32
        %add3A_716 = arith.constant 7 : i32
        %add3A_717 = arith.addi %mul3A_715, %add3A_716 : i32
        %sub3A_718 = arith.subf %broadcast_in_dim3A_132, %add3A_713 : vector<16xf32>
        %jit3A_719 = arith.constant 0.000000e+00 : f32
        %jit3A_720 = arith.constant 1.000000e+00 : f32
        %max3A_721 = vector.broadcast %jit3A_719 : f32 to vector<16xf32>
        %max3A_722 = arith.maximumf %max3A_721, %sub3A_718 : vector<16xf32>
        %min3A_723 = vector.broadcast %jit3A_720 : f32 to vector<16xf32>
        %min3A_724 = arith.minimumf %min3A_723, %max3A_722 : vector<16xf32>
        %mul3A_725 = arith.constant 16 : i32
        %mul3A_726 = arith.muli %add3A_717, %mul3A_725 : i32
        %add3A_727 = arith.constant 8192 : i32
        %add3A_728 = arith.addi %add3A_727, %mul3A_726 : i32
        %swap3A_729 = arith.index_cast %add3A_728 : i32 to index
        %swap3A_730 = tpu.vector_load %arg5[%swap3A_729] {strides = array<i32>} : memref<16384xf32, #tpu.memory_space<vmem>>, vector<16xf32>,
        %swap3A_731 = vector.shape_cast %swap3A_730 : vector<16xf32> to vector<16xf32>
        %swap3A_732 = vector.shape_cast %min3A_724 : vector<16xf32> to vector<16xf32>
        tpu.vector_store %arg5[%swap3A_729], %swap3A_732 {strides = array<i32>} : memref<16384xf32, #tpu.memory_space<vmem>>, vector<16xf32>,
        %add3A_733 = arith.constant 1.600000e+01 : f32
        %add3A_734 = vector.broadcast %add3A_733 : f32 to vector<16xf32>
        %add3A_735 = arith.addf %add3A_713, %add3A_734 : vector<16xf32>
        scf.yield %add3A_735 : vector<16xf32>
      }
      %scan3A_142 = arith.constant 64 : i32
      %add3A_143 = arith.addi %mul3A_2, %add3A_136 : i32
      %dma_start3A_144 = arith.constant 8192 : i32
      %dma_start3A_145 = tpu.memref_slice %arg5[%dma_start3A_144] : memref<16384xf32, #tpu.memory_space<vmem>> -> memref<8192xf32, #tpu.memory_space<vmem>>
      %dma_start3A_146 = arith.constant 0 : i32
      %dma_start3A_147 = tpu.memref_slice %arg3[%add3A_143, %dma_start3A_146] : memref<4096x8192xf32, #tpu.memory_space<hbm>> -> memref<1x8192xf32, #tpu.memory_space<hbm>>
      %dma_start3A_148 = tpu.memref_squeeze %dma_start3A_147 : memref<1x8192xf32, #tpu.memory_space<hbm>> -> memref<8192xf32, #tpu.memory_space<hbm>>
      %dma_start3A_149 = arith.constant 0 : i32
      %dma_start3A_150 = tpu.memref_slice %arg3[%add3A_143, %dma_start3A_149] : memref<4096x8192xf32, #tpu.memory_space<hbm>> -> memref<1x8192xf32, #tpu.memory_space<hbm>>
      %dma_start3A_151 = tpu.memref_squeeze %dma_start3A_150 : memref<1x8192xf32, #tpu.memory_space<hbm>> -> memref<8192xf32, #tpu.memory_space<hbm>>
      %dma_start3A_152 = arith.constant 8192 : i32
      %dma_start3A_153 = tpu.memref_slice %arg5[%dma_start3A_152] : memref<16384xf32, #tpu.memory_space<vmem>> -> memref<8192xf32, #tpu.memory_space<vmem>>
      tpu.enqueue_dma source(%dma_start3A_153 : memref<8192xf32, #tpu.memory_space<vmem>>) target(%dma_start3A_151 : memref<8192xf32, #tpu.memory_space<hbm>>) target_semaphore(%arg7 : memref<!tpu.dma_semaphore, #tpu.memory_space<semaphore_mem>>)
      %dma_wait3A_154 = arith.constant 0 : i32
      %dma_wait3A_155 = tpu.memref_slice %arg5[%dma_wait3A_154] : memref<16384xf32, #tpu.memory_space<vmem>> -> memref<8192xf32, #tpu.memory_space<vmem>>
      %dma_wait3A_156 = arith.constant 0 : i32
      %dma_wait3A_157 = tpu.memref_slice %arg3[%mul3A_2, %dma_wait3A_156] : memref<4096x8192xf32, #tpu.memory_space<hbm>> -> memref<1x8192xf32, #tpu.memory_space<hbm>>
      %dma_wait3A_158 = tpu.memref_squeeze %dma_wait3A_157 : memref<1x8192xf32, #tpu.memory_space<hbm>> -> memref<8192xf32, #tpu.memory_space<hbm>>
      %dma_wait3A_159 = arith.constant 0 : i32
      %dma_wait3A_160 = tpu.memref_slice %arg3[%mul3A_2, %dma_wait3A_159] : memref<4096x8192xf32, #tpu.memory_space<hbm>> -> memref<1x8192xf32, #tpu.memory_space<hbm>>
      %dma_wait3A_161 = tpu.memref_squeeze %dma_wait3A_160 : memref<1x8192xf32, #tpu.memory_space<hbm>> -> memref<8192xf32, #tpu.memory_space<hbm>>
      %dma_wait3A_162 = arith.constant 0 : i32
      %dma_wait3A_163 = tpu.memref_slice %arg5[%dma_wait3A_162] : memref<16384xf32, #tpu.memory_space<vmem>> -> memref<8192xf32, #tpu.memory_space<vmem>>
      tpu.wait_dma2 semaphore(%arg6 : memref<!tpu.dma_semaphore, #tpu.memory_space<semaphore_mem>>) src(%dma_wait3A_163 : memref<8192xf32, #tpu.memory_space<vmem>>) dst(%dma_wait3A_161 : memref<8192xf32, #tpu.memory_space<hbm>>)
      %slice3A_164 = vector.extract_strided_slice %get3A_33 {offsets = [4], sizes = [1], strides = [1]} : vector<16xf32> to vector<1xf32>
      %squeeze3A_165 = vector.extract %slice3A_164[0] : f32 from vector<1xf32>
      %broadcast_in_dim3A_166 = vector.broadcast %squeeze3A_165 : f32 to vector<16xf32>
      %mul3A_167 = arith.constant 16 : i32
      %mul3A_168 = arith.muli %scan3A_28, %mul3A_167 : i32
      %add3A_169 = arith.constant 4 : i32
      %add3A_170 = arith.addi %mul3A_168, %add3A_169 : i32
      %scan3A_171 = arith.constant 0 : i32
      %scan3A_172 = arith.constant 64 : i32
      %scan3A_173 = arith.addi %scan3A_171, %scan3A_172 : i32
      %scan3A_174 = arith.constant 1 : i32
      %scan3A_175 = scf.for %scan3A_563 = %scan3A_171 to %scan3A_173 step %scan3A_174 iter_args(%scan3A_564 = %convert_element_type3A) -> (vector<16xf32>)  : i32 {
        %mul3A_565 = arith.constant 8 : i32
        %mul3A_566 = arith.muli %scan3A_563, %mul3A_565 : i32
        %add3A_567 = arith.constant 0 : i32
        %add3A_568 = arith.addi %mul3A_566, %add3A_567 : i32
        %sub3A = arith.subf %broadcast_in_dim3A_166, %scan3A_564 : vector<16xf32>
        %jit3A = arith.constant 0.000000e+00 : f32
        %jit3A_569 = arith.constant 1.000000e+00 : f32
        %max3A = vector.broadcast %jit3A : f32 to vector<16xf32>
        %max3A_570 = arith.maximumf %max3A, %sub3A : vector<16xf32>
        %min3A = vector.broadcast %jit3A_569 : f32 to vector<16xf32>
        %min3A_571 = arith.minimumf %min3A, %max3A_570 : vector<16xf32>
        %mul3A_572 = arith.constant 16 : i32
        %mul3A_573 = arith.muli %add3A_568, %mul3A_572 : i32
        %add3A_574 = arith.constant 0 : i32
        %add3A_575 = arith.addi %add3A_574, %mul3A_573 : i32
        %swap3A = arith.index_cast %add3A_575 : i32 to index
        %swap3A_576 = tpu.vector_load %arg5[%swap3A] {strides = array<i32>} : memref<16384xf32, #tpu.memory_space<vmem>>, vector<16xf32>,
        %swap3A_577 = vector.shape_cast %swap3A_576 : vector<16xf32> to vector<16xf32>
        %swap3A_578 = vector.shape_cast %min3A_571 : vector<16xf32> to vector<16xf32>
        tpu.vector_store %arg5[%swap3A], %swap3A_578 {strides = array<i32>} : memref<16384xf32, #tpu.memory_space<vmem>>, vector<16xf32>,
        %add3A_579 = arith.constant 1.600000e+01 : f32
        %add3A_580 = vector.broadcast %add3A_579 : f32 to vector<16xf32>
        %add3A_581 = arith.addf %scan3A_564, %add3A_580 : vector<16xf32>
        %mul3A_582 = arith.constant 8 : i32
        %mul3A_583 = arith.muli %scan3A_563, %mul3A_582 : i32
        %add3A_584 = arith.constant 1 : i32
        %add3A_585 = arith.addi %mul3A_583, %add3A_584 : i32
        %sub3A_586 = arith.subf %broadcast_in_dim3A_166, %add3A_581 : vector<16xf32>
        %jit3A_587 = arith.constant 0.000000e+00 : f32
        %jit3A_588 = arith.constant 1.000000e+00 : f32
        %max3A_589 = vector.broadcast %jit3A_587 : f32 to vector<16xf32>
        %max3A_590 = arith.maximumf %max3A_589, %sub3A_586 : vector<16xf32>
        %min3A_591 = vector.broadcast %jit3A_588 : f32 to vector<16xf32>
        %min3A_592 = arith.minimumf %min3A_591, %max3A_590 : vector<16xf32>
        %mul3A_593 = arith.constant 16 : i32
        %mul3A_594 = arith.muli %add3A_585, %mul3A_593 : i32
        %add3A_595 = arith.constant 0 : i32
        %add3A_596 = arith.addi %add3A_595, %mul3A_594 : i32
        %swap3A_597 = arith.index_cast %add3A_596 : i32 to index
        %swap3A_598 = tpu.vector_load %arg5[%swap3A_597] {strides = array<i32>} : memref<16384xf32, #tpu.memory_space<vmem>>, vector<16xf32>,
        %swap3A_599 = vector.shape_cast %swap3A_598 : vector<16xf32> to vector<16xf32>
        %swap3A_600 = vector.shape_cast %min3A_592 : vector<16xf32> to vector<16xf32>
        tpu.vector_store %arg5[%swap3A_597], %swap3A_600 {strides = array<i32>} : memref<16384xf32, #tpu.memory_space<vmem>>, vector<16xf32>,
        %add3A_601 = arith.constant 1.600000e+01 : f32
        %add3A_602 = vector.broadcast %add3A_601 : f32 to vector<16xf32>
        %add3A_603 = arith.addf %add3A_581, %add3A_602 : vector<16xf32>
        %mul3A_604 = arith.constant 8 : i32
        %mul3A_605 = arith.muli %scan3A_563, %mul3A_604 : i32
        %add3A_606 = arith.constant 2 : i32
        %add3A_607 = arith.addi %mul3A_605, %add3A_606 : i32
        %sub3A_608 = arith.subf %broadcast_in_dim3A_166, %add3A_603 : vector<16xf32>
        %jit3A_609 = arith.constant 0.000000e+00 : f32
        %jit3A_610 = arith.constant 1.000000e+00 : f32
        %max3A_611 = vector.broadcast %jit3A_609 : f32 to vector<16xf32>
        %max3A_612 = arith.maximumf %max3A_611, %sub3A_608 : vector<16xf32>
        %min3A_613 = vector.broadcast %jit3A_610 : f32 to vector<16xf32>
        %min3A_614 = arith.minimumf %min3A_613, %max3A_612 : vector<16xf32>
        %mul3A_615 = arith.constant 16 : i32
        %mul3A_616 = arith.muli %add3A_607, %mul3A_615 : i32
        %add3A_617 = arith.constant 0 : i32
        %add3A_618 = arith.addi %add3A_617, %mul3A_616 : i32
        %swap3A_619 = arith.index_cast %add3A_618 : i32 to index
        %swap3A_620 = tpu.vector_load %arg5[%swap3A_619] {strides = array<i32>} : memref<16384xf32, #tpu.memory_space<vmem>>, vector<16xf32>,
        %swap3A_621 = vector.shape_cast %swap3A_620 : vector<16xf32> to vector<16xf32>
        %swap3A_622 = vector.shape_cast %min3A_614 : vector<16xf32> to vector<16xf32>
        tpu.vector_store %arg5[%swap3A_619], %swap3A_622 {strides = array<i32>} : memref<16384xf32, #tpu.memory_space<vmem>>, vector<16xf32>,
        %add3A_623 = arith.constant 1.600000e+01 : f32
        %add3A_624 = vector.broadcast %add3A_623 : f32 to vector<16xf32>
        %add3A_625 = arith.addf %add3A_603, %add3A_624 : vector<16xf32>
        %mul3A_626 = arith.constant 8 : i32
        %mul3A_627 = arith.muli %scan3A_563, %mul3A_626 : i32
        %add3A_628 = arith.constant 3 : i32
        %add3A_629 = arith.addi %mul3A_627, %add3A_628 : i32
        %sub3A_630 = arith.subf %broadcast_in_dim3A_166, %add3A_625 : vector<16xf32>
        %jit3A_631 = arith.constant 0.000000e+00 : f32
        %jit3A_632 = arith.constant 1.000000e+00 : f32
        %max3A_633 = vector.broadcast %jit3A_631 : f32 to vector<16xf32>
        %max3A_634 = arith.maximumf %max3A_633, %sub3A_630 : vector<16xf32>
        %min3A_635 = vector.broadcast %jit3A_632 : f32 to vector<16xf32>
        %min3A_636 = arith.minimumf %min3A_635, %max3A_634 : vector<16xf32>
        %mul3A_637 = arith.constant 16 : i32
        %mul3A_638 = arith.muli %add3A_629, %mul3A_637 : i32
        %add3A_639 = arith.constant 0 : i32
        %add3A_640 = arith.addi %add3A_639, %mul3A_638 : i32
        %swap3A_641 = arith.index_cast %add3A_640 : i32 to index
        %swap3A_642 = tpu.vector_load %arg5[%swap3A_641] {strides = array<i32>} : memref<16384xf32, #tpu.memory_space<vmem>>, vector<16xf32>,
        %swap3A_643 = vector.shape_cast %swap3A_642 : vector<16xf32> to vector<16xf32>
        %swap3A_644 = vector.shape_cast %min3A_636 : vector<16xf32> to vector<16xf32>
        tpu.vector_store %arg5[%swap3A_641], %swap3A_644 {strides = array<i32>} : memref<16384xf32, #tpu.memory_space<vmem>>, vector<16xf32>,
        %add3A_645 = arith.constant 1.600000e+01 : f32
        %add3A_646 = vector.broadcast %add3A_645 : f32 to vector<16xf32>
        %add3A_647 = arith.addf %add3A_625, %add3A_646 : vector<16xf32>
        %mul3A_648 = arith.constant 8 : i32
        %mul3A_649 = arith.muli %scan3A_563, %mul3A_648 : i32
        %add3A_650 = arith.constant 4 : i32
        %add3A_651 = arith.addi %mul3A_649, %add3A_650 : i32
        %sub3A_652 = arith.subf %broadcast_in_dim3A_166, %add3A_647 : vector<16xf32>
        %jit3A_653 = arith.constant 0.000000e+00 : f32
        %jit3A_654 = arith.constant 1.000000e+00 : f32
        %max3A_655 = vector.broadcast %jit3A_653 : f32 to vector<16xf32>
        %max3A_656 = arith.maximumf %max3A_655, %sub3A_652 : vector<16xf32>
        %min3A_657 = vector.broadcast %jit3A_654 : f32 to vector<16xf32>
        %min3A_658 = arith.minimumf %min3A_657, %max3A_656 : vector<16xf32>
        %mul3A_659 = arith.constant 16 : i32
        %mul3A_660 = arith.muli %add3A_651, %mul3A_659 : i32
        %add3A_661 = arith.constant 0 : i32
        %add3A_662 = arith.addi %add3A_661, %mul3A_660 : i32
        %swap3A_663 = arith.index_cast %add3A_662 : i32 to index
        %swap3A_664 = tpu.vector_load %arg5[%swap3A_663] {strides = array<i32>} : memref<16384xf32, #tpu.memory_space<vmem>>, vector<16xf32>,
        %swap3A_665 = vector.shape_cast %swap3A_664 : vector<16xf32> to vector<16xf32>
        %swap3A_666 = vector.shape_cast %min3A_658 : vector<16xf32> to vector<16xf32>
        tpu.vector_store %arg5[%swap3A_663], %swap3A_666 {strides = array<i32>} : memref<16384xf32, #tpu.memory_space<vmem>>, vector<16xf32>,
        %add3A_667 = arith.constant 1.600000e+01 : f32
        %add3A_668 = vector.broadcast %add3A_667 : f32 to vector<16xf32>
        %add3A_669 = arith.addf %add3A_647, %add3A_668 : vector<16xf32>
        %mul3A_670 = arith.constant 8 : i32
        %mul3A_671 = arith.muli %scan3A_563, %mul3A_670 : i32
        %add3A_672 = arith.constant 5 : i32
        %add3A_673 = arith.addi %mul3A_671, %add3A_672 : i32
        %sub3A_674 = arith.subf %broadcast_in_dim3A_166, %add3A_669 : vector<16xf32>
        %jit3A_675 = arith.constant 0.000000e+00 : f32
        %jit3A_676 = arith.constant 1.000000e+00 : f32
        %max3A_677 = vector.broadcast %jit3A_675 : f32 to vector<16xf32>
        %max3A_678 = arith.maximumf %max3A_677, %sub3A_674 : vector<16xf32>
        %min3A_679 = vector.broadcast %jit3A_676 : f32 to vector<16xf32>
        %min3A_680 = arith.minimumf %min3A_679, %max3A_678 : vector<16xf32>
        %mul3A_681 = arith.constant 16 : i32
        %mul3A_682 = arith.muli %add3A_673, %mul3A_681 : i32
        %add3A_683 = arith.constant 0 : i32
        %add3A_684 = arith.addi %add3A_683, %mul3A_682 : i32
        %swap3A_685 = arith.index_cast %add3A_684 : i32 to index
        %swap3A_686 = tpu.vector_load %arg5[%swap3A_685] {strides = array<i32>} : memref<16384xf32, #tpu.memory_space<vmem>>, vector<16xf32>,
        %swap3A_687 = vector.shape_cast %swap3A_686 : vector<16xf32> to vector<16xf32>
        %swap3A_688 = vector.shape_cast %min3A_680 : vector<16xf32> to vector<16xf32>
        tpu.vector_store %arg5[%swap3A_685], %swap3A_688 {strides = array<i32>} : memref<16384xf32, #tpu.memory_space<vmem>>, vector<16xf32>,
        %add3A_689 = arith.constant 1.600000e+01 : f32
        %add3A_690 = vector.broadcast %add3A_689 : f32 to vector<16xf32>
        %add3A_691 = arith.addf %add3A_669, %add3A_690 : vector<16xf32>
        %mul3A_692 = arith.constant 8 : i32
        %mul3A_693 = arith.muli %scan3A_563, %mul3A_692 : i32
        %add3A_694 = arith.constant 6 : i32
        %add3A_695 = arith.addi %mul3A_693, %add3A_694 : i32
        %sub3A_696 = arith.subf %broadcast_in_dim3A_166, %add3A_691 : vector<16xf32>
        %jit3A_697 = arith.constant 0.000000e+00 : f32
        %jit3A_698 = arith.constant 1.000000e+00 : f32
        %max3A_699 = vector.broadcast %jit3A_697 : f32 to vector<16xf32>
        %max3A_700 = arith.maximumf %max3A_699, %sub3A_696 : vector<16xf32>
        %min3A_701 = vector.broadcast %jit3A_698 : f32 to vector<16xf32>
        %min3A_702 = arith.minimumf %min3A_701, %max3A_700 : vector<16xf32>
        %mul3A_703 = arith.constant 16 : i32
        %mul3A_704 = arith.muli %add3A_695, %mul3A_703 : i32
        %add3A_705 = arith.constant 0 : i32
        %add3A_706 = arith.addi %add3A_705, %mul3A_704 : i32
        %swap3A_707 = arith.index_cast %add3A_706 : i32 to index
        %swap3A_708 = tpu.vector_load %arg5[%swap3A_707] {strides = array<i32>} : memref<16384xf32, #tpu.memory_space<vmem>>, vector<16xf32>,
        %swap3A_709 = vector.shape_cast %swap3A_708 : vector<16xf32> to vector<16xf32>
        %swap3A_710 = vector.shape_cast %min3A_702 : vector<16xf32> to vector<16xf32>
        tpu.vector_store %arg5[%swap3A_707], %swap3A_710 {strides = array<i32>} : memref<16384xf32, #tpu.memory_space<vmem>>, vector<16xf32>,
        %add3A_711 = arith.constant 1.600000e+01 : f32
        %add3A_712 = vector.broadcast %add3A_711 : f32 to vector<16xf32>
        %add3A_713 = arith.addf %add3A_691, %add3A_712 : vector<16xf32>
        %mul3A_714 = arith.constant 8 : i32
        %mul3A_715 = arith.muli %scan3A_563, %mul3A_714 : i32
        %add3A_716 = arith.constant 7 : i32
        %add3A_717 = arith.addi %mul3A_715, %add3A_716 : i32
        %sub3A_718 = arith.subf %broadcast_in_dim3A_166, %add3A_713 : vector<16xf32>
        %jit3A_719 = arith.constant 0.000000e+00 : f32
        %jit3A_720 = arith.constant 1.000000e+00 : f32
        %max3A_721 = vector.broadcast %jit3A_719 : f32 to vector<16xf32>
        %max3A_722 = arith.maximumf %max3A_721, %sub3A_718 : vector<16xf32>
        %min3A_723 = vector.broadcast %jit3A_720 : f32 to vector<16xf32>
        %min3A_724 = arith.minimumf %min3A_723, %max3A_722 : vector<16xf32>
        %mul3A_725 = arith.constant 16 : i32
        %mul3A_726 = arith.muli %add3A_717, %mul3A_725 : i32
        %add3A_727 = arith.constant 0 : i32
        %add3A_728 = arith.addi %add3A_727, %mul3A_726 : i32
        %swap3A_729 = arith.index_cast %add3A_728 : i32 to index
        %swap3A_730 = tpu.vector_load %arg5[%swap3A_729] {strides = array<i32>} : memref<16384xf32, #tpu.memory_space<vmem>>, vector<16xf32>,
        %swap3A_731 = vector.shape_cast %swap3A_730 : vector<16xf32> to vector<16xf32>
        %swap3A_732 = vector.shape_cast %min3A_724 : vector<16xf32> to vector<16xf32>
        tpu.vector_store %arg5[%swap3A_729], %swap3A_732 {strides = array<i32>} : memref<16384xf32, #tpu.memory_space<vmem>>, vector<16xf32>,
        %add3A_733 = arith.constant 1.600000e+01 : f32
        %add3A_734 = vector.broadcast %add3A_733 : f32 to vector<16xf32>
        %add3A_735 = arith.addf %add3A_713, %add3A_734 : vector<16xf32>
        scf.yield %add3A_735 : vector<16xf32>
      }
      %scan3A_176 = arith.constant 64 : i32
      %add3A_177 = arith.addi %mul3A_2, %add3A_170 : i32
      %dma_start3A_178 = arith.constant 0 : i32
      %dma_start3A_179 = tpu.memref_slice %arg5[%dma_start3A_178] : memref<16384xf32, #tpu.memory_space<vmem>> -> memref<8192xf32, #tpu.memory_space<vmem>>
      %dma_start3A_180 = arith.constant 0 : i32
      %dma_start3A_181 = tpu.memref_slice %arg3[%add3A_177, %dma_start3A_180] : memref<4096x8192xf32, #tpu.memory_space<hbm>> -> memref<1x8192xf32, #tpu.memory_space<hbm>>
      %dma_start3A_182 = tpu.memref_squeeze %dma_start3A_181 : memref<1x8192xf32, #tpu.memory_space<hbm>> -> memref<8192xf32, #tpu.memory_space<hbm>>
      %dma_start3A_183 = arith.constant 0 : i32
      %dma_start3A_184 = tpu.memref_slice %arg3[%add3A_177, %dma_start3A_183] : memref<4096x8192xf32, #tpu.memory_space<hbm>> -> memref<1x8192xf32, #tpu.memory_space<hbm>>
      %dma_start3A_185 = tpu.memref_squeeze %dma_start3A_184 : memref<1x8192xf32, #tpu.memory_space<hbm>> -> memref<8192xf32, #tpu.memory_space<hbm>>
      %dma_start3A_186 = arith.constant 0 : i32
      %dma_start3A_187 = tpu.memref_slice %arg5[%dma_start3A_186] : memref<16384xf32, #tpu.memory_space<vmem>> -> memref<8192xf32, #tpu.memory_space<vmem>>
      tpu.enqueue_dma source(%dma_start3A_187 : memref<8192xf32, #tpu.memory_space<vmem>>) target(%dma_start3A_185 : memref<8192xf32, #tpu.memory_space<hbm>>) target_semaphore(%arg6 : memref<!tpu.dma_semaphore, #tpu.memory_space<semaphore_mem>>)
      %dma_wait3A_188 = arith.constant 8192 : i32
      %dma_wait3A_189 = tpu.memref_slice %arg5[%dma_wait3A_188] : memref<16384xf32, #tpu.memory_space<vmem>> -> memref<8192xf32, #tpu.memory_space<vmem>>
      %dma_wait3A_190 = arith.constant 0 : i32
      %dma_wait3A_191 = tpu.memref_slice %arg3[%mul3A_2, %dma_wait3A_190] : memref<4096x8192xf32, #tpu.memory_space<hbm>> -> memref<1x8192xf32, #tpu.memory_space<hbm>>
      %dma_wait3A_192 = tpu.memref_squeeze %dma_wait3A_191 : memref<1x8192xf32, #tpu.memory_space<hbm>> -> memref<8192xf32, #tpu.memory_space<hbm>>
      %dma_wait3A_193 = arith.constant 0 : i32
      %dma_wait3A_194 = tpu.memref_slice %arg3[%mul3A_2, %dma_wait3A_193] : memref<4096x8192xf32, #tpu.memory_space<hbm>> -> memref<1x8192xf32, #tpu.memory_space<hbm>>
      %dma_wait3A_195 = tpu.memref_squeeze %dma_wait3A_194 : memref<1x8192xf32, #tpu.memory_space<hbm>> -> memref<8192xf32, #tpu.memory_space<hbm>>
      %dma_wait3A_196 = arith.constant 8192 : i32
      %dma_wait3A_197 = tpu.memref_slice %arg5[%dma_wait3A_196] : memref<16384xf32, #tpu.memory_space<vmem>> -> memref<8192xf32, #tpu.memory_space<vmem>>
      tpu.wait_dma2 semaphore(%arg7 : memref<!tpu.dma_semaphore, #tpu.memory_space<semaphore_mem>>) src(%dma_wait3A_197 : memref<8192xf32, #tpu.memory_space<vmem>>) dst(%dma_wait3A_195 : memref<8192xf32, #tpu.memory_space<hbm>>)
      %slice3A_198 = vector.extract_strided_slice %get3A_33 {offsets = [5], sizes = [1], strides = [1]} : vector<16xf32> to vector<1xf32>
      %squeeze3A_199 = vector.extract %slice3A_198[0] : f32 from vector<1xf32>
      %broadcast_in_dim3A_200 = vector.broadcast %squeeze3A_199 : f32 to vector<16xf32>
      %mul3A_201 = arith.constant 16 : i32
      %mul3A_202 = arith.muli %scan3A_28, %mul3A_201 : i32
      %add3A_203 = arith.constant 5 : i32
      %add3A_204 = arith.addi %mul3A_202, %add3A_203 : i32
      %scan3A_205 = arith.constant 0 : i32
      %scan3A_206 = arith.constant 64 : i32
      %scan3A_207 = arith.addi %scan3A_205, %scan3A_206 : i32
      %scan3A_208 = arith.constant 1 : i32
      %scan3A_209 = scf.for %scan3A_563 = %scan3A_205 to %scan3A_207 step %scan3A_208 iter_args(%scan3A_564 = %convert_element_type3A) -> (vector<16xf32>)  : i32 {
        %mul3A_565 = arith.constant 8 : i32
        %mul3A_566 = arith.muli %scan3A_563, %mul3A_565 : i32
        %add3A_567 = arith.constant 0 : i32
        %add3A_568 = arith.addi %mul3A_566, %add3A_567 : i32
        %sub3A = arith.subf %broadcast_in_dim3A_200, %scan3A_564 : vector<16xf32>
        %jit3A = arith.constant 0.000000e+00 : f32
        %jit3A_569 = arith.constant 1.000000e+00 : f32
        %max3A = vector.broadcast %jit3A : f32 to vector<16xf32>
        %max3A_570 = arith.maximumf %max3A, %sub3A : vector<16xf32>
        %min3A = vector.broadcast %jit3A_569 : f32 to vector<16xf32>
        %min3A_571 = arith.minimumf %min3A, %max3A_570 : vector<16xf32>
        %mul3A_572 = arith.constant 16 : i32
        %mul3A_573 = arith.muli %add3A_568, %mul3A_572 : i32
        %add3A_574 = arith.constant 8192 : i32
        %add3A_575 = arith.addi %add3A_574, %mul3A_573 : i32
        %swap3A = arith.index_cast %add3A_575 : i32 to index
        %swap3A_576 = tpu.vector_load %arg5[%swap3A] {strides = array<i32>} : memref<16384xf32, #tpu.memory_space<vmem>>, vector<16xf32>,
        %swap3A_577 = vector.shape_cast %swap3A_576 : vector<16xf32> to vector<16xf32>
        %swap3A_578 = vector.shape_cast %min3A_571 : vector<16xf32> to vector<16xf32>
        tpu.vector_store %arg5[%swap3A], %swap3A_578 {strides = array<i32>} : memref<16384xf32, #tpu.memory_space<vmem>>, vector<16xf32>,
        %add3A_579 = arith.constant 1.600000e+01 : f32
        %add3A_580 = vector.broadcast %add3A_579 : f32 to vector<16xf32>
        %add3A_581 = arith.addf %scan3A_564, %add3A_580 : vector<16xf32>
        %mul3A_582 = arith.constant 8 : i32
        %mul3A_583 = arith.muli %scan3A_563, %mul3A_582 : i32
        %add3A_584 = arith.constant 1 : i32
        %add3A_585 = arith.addi %mul3A_583, %add3A_584 : i32
        %sub3A_586 = arith.subf %broadcast_in_dim3A_200, %add3A_581 : vector<16xf32>
        %jit3A_587 = arith.constant 0.000000e+00 : f32
        %jit3A_588 = arith.constant 1.000000e+00 : f32
        %max3A_589 = vector.broadcast %jit3A_587 : f32 to vector<16xf32>
        %max3A_590 = arith.maximumf %max3A_589, %sub3A_586 : vector<16xf32>
        %min3A_591 = vector.broadcast %jit3A_588 : f32 to vector<16xf32>
        %min3A_592 = arith.minimumf %min3A_591, %max3A_590 : vector<16xf32>
        %mul3A_593 = arith.constant 16 : i32
        %mul3A_594 = arith.muli %add3A_585, %mul3A_593 : i32
        %add3A_595 = arith.constant 8192 : i32
        %add3A_596 = arith.addi %add3A_595, %mul3A_594 : i32
        %swap3A_597 = arith.index_cast %add3A_596 : i32 to index
        %swap3A_598 = tpu.vector_load %arg5[%swap3A_597] {strides = array<i32>} : memref<16384xf32, #tpu.memory_space<vmem>>, vector<16xf32>,
        %swap3A_599 = vector.shape_cast %swap3A_598 : vector<16xf32> to vector<16xf32>
        %swap3A_600 = vector.shape_cast %min3A_592 : vector<16xf32> to vector<16xf32>
        tpu.vector_store %arg5[%swap3A_597], %swap3A_600 {strides = array<i32>} : memref<16384xf32, #tpu.memory_space<vmem>>, vector<16xf32>,
        %add3A_601 = arith.constant 1.600000e+01 : f32
        %add3A_602 = vector.broadcast %add3A_601 : f32 to vector<16xf32>
        %add3A_603 = arith.addf %add3A_581, %add3A_602 : vector<16xf32>
        %mul3A_604 = arith.constant 8 : i32
        %mul3A_605 = arith.muli %scan3A_563, %mul3A_604 : i32
        %add3A_606 = arith.constant 2 : i32
        %add3A_607 = arith.addi %mul3A_605, %add3A_606 : i32
        %sub3A_608 = arith.subf %broadcast_in_dim3A_200, %add3A_603 : vector<16xf32>
        %jit3A_609 = arith.constant 0.000000e+00 : f32
        %jit3A_610 = arith.constant 1.000000e+00 : f32
        %max3A_611 = vector.broadcast %jit3A_609 : f32 to vector<16xf32>
        %max3A_612 = arith.maximumf %max3A_611, %sub3A_608 : vector<16xf32>
        %min3A_613 = vector.broadcast %jit3A_610 : f32 to vector<16xf32>
        %min3A_614 = arith.minimumf %min3A_613, %max3A_612 : vector<16xf32>
        %mul3A_615 = arith.constant 16 : i32
        %mul3A_616 = arith.muli %add3A_607, %mul3A_615 : i32
        %add3A_617 = arith.constant 8192 : i32
        %add3A_618 = arith.addi %add3A_617, %mul3A_616 : i32
        %swap3A_619 = arith.index_cast %add3A_618 : i32 to index
        %swap3A_620 = tpu.vector_load %arg5[%swap3A_619] {strides = array<i32>} : memref<16384xf32, #tpu.memory_space<vmem>>, vector<16xf32>,
        %swap3A_621 = vector.shape_cast %swap3A_620 : vector<16xf32> to vector<16xf32>
        %swap3A_622 = vector.shape_cast %min3A_614 : vector<16xf32> to vector<16xf32>
        tpu.vector_store %arg5[%swap3A_619], %swap3A_622 {strides = array<i32>} : memref<16384xf32, #tpu.memory_space<vmem>>, vector<16xf32>,
        %add3A_623 = arith.constant 1.600000e+01 : f32
        %add3A_624 = vector.broadcast %add3A_623 : f32 to vector<16xf32>
        %add3A_625 = arith.addf %add3A_603, %add3A_624 : vector<16xf32>
        %mul3A_626 = arith.constant 8 : i32
        %mul3A_627 = arith.muli %scan3A_563, %mul3A_626 : i32
        %add3A_628 = arith.constant 3 : i32
        %add3A_629 = arith.addi %mul3A_627, %add3A_628 : i32
        %sub3A_630 = arith.subf %broadcast_in_dim3A_200, %add3A_625 : vector<16xf32>
        %jit3A_631 = arith.constant 0.000000e+00 : f32
        %jit3A_632 = arith.constant 1.000000e+00 : f32
        %max3A_633 = vector.broadcast %jit3A_631 : f32 to vector<16xf32>
        %max3A_634 = arith.maximumf %max3A_633, %sub3A_630 : vector<16xf32>
        %min3A_635 = vector.broadcast %jit3A_632 : f32 to vector<16xf32>
        %min3A_636 = arith.minimumf %min3A_635, %max3A_634 : vector<16xf32>
        %mul3A_637 = arith.constant 16 : i32
        %mul3A_638 = arith.muli %add3A_629, %mul3A_637 : i32
        %add3A_639 = arith.constant 8192 : i32
        %add3A_640 = arith.addi %add3A_639, %mul3A_638 : i32
        %swap3A_641 = arith.index_cast %add3A_640 : i32 to index
        %swap3A_642 = tpu.vector_load %arg5[%swap3A_641] {strides = array<i32>} : memref<16384xf32, #tpu.memory_space<vmem>>, vector<16xf32>,
        %swap3A_643 = vector.shape_cast %swap3A_642 : vector<16xf32> to vector<16xf32>
        %swap3A_644 = vector.shape_cast %min3A_636 : vector<16xf32> to vector<16xf32>
        tpu.vector_store %arg5[%swap3A_641], %swap3A_644 {strides = array<i32>} : memref<16384xf32, #tpu.memory_space<vmem>>, vector<16xf32>,
        %add3A_645 = arith.constant 1.600000e+01 : f32
        %add3A_646 = vector.broadcast %add3A_645 : f32 to vector<16xf32>
        %add3A_647 = arith.addf %add3A_625, %add3A_646 : vector<16xf32>
        %mul3A_648 = arith.constant 8 : i32
        %mul3A_649 = arith.muli %scan3A_563, %mul3A_648 : i32
        %add3A_650 = arith.constant 4 : i32
        %add3A_651 = arith.addi %mul3A_649, %add3A_650 : i32
        %sub3A_652 = arith.subf %broadcast_in_dim3A_200, %add3A_647 : vector<16xf32>
        %jit3A_653 = arith.constant 0.000000e+00 : f32
        %jit3A_654 = arith.constant 1.000000e+00 : f32
        %max3A_655 = vector.broadcast %jit3A_653 : f32 to vector<16xf32>
        %max3A_656 = arith.maximumf %max3A_655, %sub3A_652 : vector<16xf32>
        %min3A_657 = vector.broadcast %jit3A_654 : f32 to vector<16xf32>
        %min3A_658 = arith.minimumf %min3A_657, %max3A_656 : vector<16xf32>
        %mul3A_659 = arith.constant 16 : i32
        %mul3A_660 = arith.muli %add3A_651, %mul3A_659 : i32
        %add3A_661 = arith.constant 8192 : i32
        %add3A_662 = arith.addi %add3A_661, %mul3A_660 : i32
        %swap3A_663 = arith.index_cast %add3A_662 : i32 to index
        %swap3A_664 = tpu.vector_load %arg5[%swap3A_663] {strides = array<i32>} : memref<16384xf32, #tpu.memory_space<vmem>>, vector<16xf32>,
        %swap3A_665 = vector.shape_cast %swap3A_664 : vector<16xf32> to vector<16xf32>
        %swap3A_666 = vector.shape_cast %min3A_658 : vector<16xf32> to vector<16xf32>
        tpu.vector_store %arg5[%swap3A_663], %swap3A_666 {strides = array<i32>} : memref<16384xf32, #tpu.memory_space<vmem>>, vector<16xf32>,
        %add3A_667 = arith.constant 1.600000e+01 : f32
        %add3A_668 = vector.broadcast %add3A_667 : f32 to vector<16xf32>
        %add3A_669 = arith.addf %add3A_647, %add3A_668 : vector<16xf32>
        %mul3A_670 = arith.constant 8 : i32
        %mul3A_671 = arith.muli %scan3A_563, %mul3A_670 : i32
        %add3A_672 = arith.constant 5 : i32
        %add3A_673 = arith.addi %mul3A_671, %add3A_672 : i32
        %sub3A_674 = arith.subf %broadcast_in_dim3A_200, %add3A_669 : vector<16xf32>
        %jit3A_675 = arith.constant 0.000000e+00 : f32
        %jit3A_676 = arith.constant 1.000000e+00 : f32
        %max3A_677 = vector.broadcast %jit3A_675 : f32 to vector<16xf32>
        %max3A_678 = arith.maximumf %max3A_677, %sub3A_674 : vector<16xf32>
        %min3A_679 = vector.broadcast %jit3A_676 : f32 to vector<16xf32>
        %min3A_680 = arith.minimumf %min3A_679, %max3A_678 : vector<16xf32>
        %mul3A_681 = arith.constant 16 : i32
        %mul3A_682 = arith.muli %add3A_673, %mul3A_681 : i32
        %add3A_683 = arith.constant 8192 : i32
        %add3A_684 = arith.addi %add3A_683, %mul3A_682 : i32
        %swap3A_685 = arith.index_cast %add3A_684 : i32 to index
        %swap3A_686 = tpu.vector_load %arg5[%swap3A_685] {strides = array<i32>} : memref<16384xf32, #tpu.memory_space<vmem>>, vector<16xf32>,
        %swap3A_687 = vector.shape_cast %swap3A_686 : vector<16xf32> to vector<16xf32>
        %swap3A_688 = vector.shape_cast %min3A_680 : vector<16xf32> to vector<16xf32>
        tpu.vector_store %arg5[%swap3A_685], %swap3A_688 {strides = array<i32>} : memref<16384xf32, #tpu.memory_space<vmem>>, vector<16xf32>,
        %add3A_689 = arith.constant 1.600000e+01 : f32
        %add3A_690 = vector.broadcast %add3A_689 : f32 to vector<16xf32>
        %add3A_691 = arith.addf %add3A_669, %add3A_690 : vector<16xf32>
        %mul3A_692 = arith.constant 8 : i32
        %mul3A_693 = arith.muli %scan3A_563, %mul3A_692 : i32
        %add3A_694 = arith.constant 6 : i32
        %add3A_695 = arith.addi %mul3A_693, %add3A_694 : i32
        %sub3A_696 = arith.subf %broadcast_in_dim3A_200, %add3A_691 : vector<16xf32>
        %jit3A_697 = arith.constant 0.000000e+00 : f32
        %jit3A_698 = arith.constant 1.000000e+00 : f32
        %max3A_699 = vector.broadcast %jit3A_697 : f32 to vector<16xf32>
        %max3A_700 = arith.maximumf %max3A_699, %sub3A_696 : vector<16xf32>
        %min3A_701 = vector.broadcast %jit3A_698 : f32 to vector<16xf32>
        %min3A_702 = arith.minimumf %min3A_701, %max3A_700 : vector<16xf32>
        %mul3A_703 = arith.constant 16 : i32
        %mul3A_704 = arith.muli %add3A_695, %mul3A_703 : i32
        %add3A_705 = arith.constant 8192 : i32
        %add3A_706 = arith.addi %add3A_705, %mul3A_704 : i32
        %swap3A_707 = arith.index_cast %add3A_706 : i32 to index
        %swap3A_708 = tpu.vector_load %arg5[%swap3A_707] {strides = array<i32>} : memref<16384xf32, #tpu.memory_space<vmem>>, vector<16xf32>,
        %swap3A_709 = vector.shape_cast %swap3A_708 : vector<16xf32> to vector<16xf32>
        %swap3A_710 = vector.shape_cast %min3A_702 : vector<16xf32> to vector<16xf32>
        tpu.vector_store %arg5[%swap3A_707], %swap3A_710 {strides = array<i32>} : memref<16384xf32, #tpu.memory_space<vmem>>, vector<16xf32>,
        %add3A_711 = arith.constant 1.600000e+01 : f32
        %add3A_712 = vector.broadcast %add3A_711 : f32 to vector<16xf32>
        %add3A_713 = arith.addf %add3A_691, %add3A_712 : vector<16xf32>
        %mul3A_714 = arith.constant 8 : i32
        %mul3A_715 = arith.muli %scan3A_563, %mul3A_714 : i32
        %add3A_716 = arith.constant 7 : i32
        %add3A_717 = arith.addi %mul3A_715, %add3A_716 : i32
        %sub3A_718 = arith.subf %broadcast_in_dim3A_200, %add3A_713 : vector<16xf32>
        %jit3A_719 = arith.constant 0.000000e+00 : f32
        %jit3A_720 = arith.constant 1.000000e+00 : f32
        %max3A_721 = vector.broadcast %jit3A_719 : f32 to vector<16xf32>
        %max3A_722 = arith.maximumf %max3A_721, %sub3A_718 : vector<16xf32>
        %min3A_723 = vector.broadcast %jit3A_720 : f32 to vector<16xf32>
        %min3A_724 = arith.minimumf %min3A_723, %max3A_722 : vector<16xf32>
        %mul3A_725 = arith.constant 16 : i32
        %mul3A_726 = arith.muli %add3A_717, %mul3A_725 : i32
        %add3A_727 = arith.constant 8192 : i32
        %add3A_728 = arith.addi %add3A_727, %mul3A_726 : i32
        %swap3A_729 = arith.index_cast %add3A_728 : i32 to index
        %swap3A_730 = tpu.vector_load %arg5[%swap3A_729] {strides = array<i32>} : memref<16384xf32, #tpu.memory_space<vmem>>, vector<16xf32>,
        %swap3A_731 = vector.shape_cast %swap3A_730 : vector<16xf32> to vector<16xf32>
        %swap3A_732 = vector.shape_cast %min3A_724 : vector<16xf32> to vector<16xf32>
        tpu.vector_store %arg5[%swap3A_729], %swap3A_732 {strides = array<i32>} : memref<16384xf32, #tpu.memory_space<vmem>>, vector<16xf32>,
        %add3A_733 = arith.constant 1.600000e+01 : f32
        %add3A_734 = vector.broadcast %add3A_733 : f32 to vector<16xf32>
        %add3A_735 = arith.addf %add3A_713, %add3A_734 : vector<16xf32>
        scf.yield %add3A_735 : vector<16xf32>
      }
      %scan3A_210 = arith.constant 64 : i32
      %add3A_211 = arith.addi %mul3A_2, %add3A_204 : i32
      %dma_start3A_212 = arith.constant 8192 : i32
      %dma_start3A_213 = tpu.memref_slice %arg5[%dma_start3A_212] : memref<16384xf32, #tpu.memory_space<vmem>> -> memref<8192xf32, #tpu.memory_space<vmem>>
      %dma_start3A_214 = arith.constant 0 : i32
      %dma_start3A_215 = tpu.memref_slice %arg3[%add3A_211, %dma_start3A_214] : memref<4096x8192xf32, #tpu.memory_space<hbm>> -> memref<1x8192xf32, #tpu.memory_space<hbm>>
      %dma_start3A_216 = tpu.memref_squeeze %dma_start3A_215 : memref<1x8192xf32, #tpu.memory_space<hbm>> -> memref<8192xf32, #tpu.memory_space<hbm>>
      %dma_start3A_217 = arith.constant 0 : i32
      %dma_start3A_218 = tpu.memref_slice %arg3[%add3A_211, %dma_start3A_217] : memref<4096x8192xf32, #tpu.memory_space<hbm>> -> memref<1x8192xf32, #tpu.memory_space<hbm>>
      %dma_start3A_219 = tpu.memref_squeeze %dma_start3A_218 : memref<1x8192xf32, #tpu.memory_space<hbm>> -> memref<8192xf32, #tpu.memory_space<hbm>>
      %dma_start3A_220 = arith.constant 8192 : i32
      %dma_start3A_221 = tpu.memref_slice %arg5[%dma_start3A_220] : memref<16384xf32, #tpu.memory_space<vmem>> -> memref<8192xf32, #tpu.memory_space<vmem>>
      tpu.enqueue_dma source(%dma_start3A_221 : memref<8192xf32, #tpu.memory_space<vmem>>) target(%dma_start3A_219 : memref<8192xf32, #tpu.memory_space<hbm>>) target_semaphore(%arg7 : memref<!tpu.dma_semaphore, #tpu.memory_space<semaphore_mem>>)
      %dma_wait3A_222 = arith.constant 0 : i32
      %dma_wait3A_223 = tpu.memref_slice %arg5[%dma_wait3A_222] : memref<16384xf32, #tpu.memory_space<vmem>> -> memref<8192xf32, #tpu.memory_space<vmem>>
      %dma_wait3A_224 = arith.constant 0 : i32
      %dma_wait3A_225 = tpu.memref_slice %arg3[%mul3A_2, %dma_wait3A_224] : memref<4096x8192xf32, #tpu.memory_space<hbm>> -> memref<1x8192xf32, #tpu.memory_space<hbm>>
      %dma_wait3A_226 = tpu.memref_squeeze %dma_wait3A_225 : memref<1x8192xf32, #tpu.memory_space<hbm>> -> memref<8192xf32, #tpu.memory_space<hbm>>
      %dma_wait3A_227 = arith.constant 0 : i32
      %dma_wait3A_228 = tpu.memref_slice %arg3[%mul3A_2, %dma_wait3A_227] : memref<4096x8192xf32, #tpu.memory_space<hbm>> -> memref<1x8192xf32, #tpu.memory_space<hbm>>
      %dma_wait3A_229 = tpu.memref_squeeze %dma_wait3A_228 : memref<1x8192xf32, #tpu.memory_space<hbm>> -> memref<8192xf32, #tpu.memory_space<hbm>>
      %dma_wait3A_230 = arith.constant 0 : i32
      %dma_wait3A_231 = tpu.memref_slice %arg5[%dma_wait3A_230] : memref<16384xf32, #tpu.memory_space<vmem>> -> memref<8192xf32, #tpu.memory_space<vmem>>
      tpu.wait_dma2 semaphore(%arg6 : memref<!tpu.dma_semaphore, #tpu.memory_space<semaphore_mem>>) src(%dma_wait3A_231 : memref<8192xf32, #tpu.memory_space<vmem>>) dst(%dma_wait3A_229 : memref<8192xf32, #tpu.memory_space<hbm>>)
      %slice3A_232 = vector.extract_strided_slice %get3A_33 {offsets = [6], sizes = [1], strides = [1]} : vector<16xf32> to vector<1xf32>
      %squeeze3A_233 = vector.extract %slice3A_232[0] : f32 from vector<1xf32>
      %broadcast_in_dim3A_234 = vector.broadcast %squeeze3A_233 : f32 to vector<16xf32>
      %mul3A_235 = arith.constant 16 : i32
      %mul3A_236 = arith.muli %scan3A_28, %mul3A_235 : i32
      %add3A_237 = arith.constant 6 : i32
      %add3A_238 = arith.addi %mul3A_236, %add3A_237 : i32
      %scan3A_239 = arith.constant 0 : i32
      %scan3A_240 = arith.constant 64 : i32
      %scan3A_241 = arith.addi %scan3A_239, %scan3A_240 : i32
      %scan3A_242 = arith.constant 1 : i32
      %scan3A_243 = scf.for %scan3A_563 = %scan3A_239 to %scan3A_241 step %scan3A_242 iter_args(%scan3A_564 = %convert_element_type3A) -> (vector<16xf32>)  : i32 {
        %mul3A_565 = arith.constant 8 : i32
        %mul3A_566 = arith.muli %scan3A_563, %mul3A_565 : i32
        %add3A_567 = arith.constant 0 : i32
        %add3A_568 = arith.addi %mul3A_566, %add3A_567 : i32
        %sub3A = arith.subf %broadcast_in_dim3A_234, %scan3A_564 : vector<16xf32>
        %jit3A = arith.constant 0.000000e+00 : f32
        %jit3A_569 = arith.constant 1.000000e+00 : f32
        %max3A = vector.broadcast %jit3A : f32 to vector<16xf32>
        %max3A_570 = arith.maximumf %max3A, %sub3A : vector<16xf32>
        %min3A = vector.broadcast %jit3A_569 : f32 to vector<16xf32>
        %min3A_571 = arith.minimumf %min3A, %max3A_570 : vector<16xf32>
        %mul3A_572 = arith.constant 16 : i32
        %mul3A_573 = arith.muli %add3A_568, %mul3A_572 : i32
        %add3A_574 = arith.constant 0 : i32
        %add3A_575 = arith.addi %add3A_574, %mul3A_573 : i32
        %swap3A = arith.index_cast %add3A_575 : i32 to index
        %swap3A_576 = tpu.vector_load %arg5[%swap3A] {strides = array<i32>} : memref<16384xf32, #tpu.memory_space<vmem>>, vector<16xf32>,
        %swap3A_577 = vector.shape_cast %swap3A_576 : vector<16xf32> to vector<16xf32>
        %swap3A_578 = vector.shape_cast %min3A_571 : vector<16xf32> to vector<16xf32>
        tpu.vector_store %arg5[%swap3A], %swap3A_578 {strides = array<i32>} : memref<16384xf32, #tpu.memory_space<vmem>>, vector<16xf32>,
        %add3A_579 = arith.constant 1.600000e+01 : f32
        %add3A_580 = vector.broadcast %add3A_579 : f32 to vector<16xf32>
        %add3A_581 = arith.addf %scan3A_564, %add3A_580 : vector<16xf32>
        %mul3A_582 = arith.constant 8 : i32
        %mul3A_583 = arith.muli %scan3A_563, %mul3A_582 : i32
        %add3A_584 = arith.constant 1 : i32
        %add3A_585 = arith.addi %mul3A_583, %add3A_584 : i32
        %sub3A_586 = arith.subf %broadcast_in_dim3A_234, %add3A_581 : vector<16xf32>
        %jit3A_587 = arith.constant 0.000000e+00 : f32
        %jit3A_588 = arith.constant 1.000000e+00 : f32
        %max3A_589 = vector.broadcast %jit3A_587 : f32 to vector<16xf32>
        %max3A_590 = arith.maximumf %max3A_589, %sub3A_586 : vector<16xf32>
        %min3A_591 = vector.broadcast %jit3A_588 : f32 to vector<16xf32>
        %min3A_592 = arith.minimumf %min3A_591, %max3A_590 : vector<16xf32>
        %mul3A_593 = arith.constant 16 : i32
        %mul3A_594 = arith.muli %add3A_585, %mul3A_593 : i32
        %add3A_595 = arith.constant 0 : i32
        %add3A_596 = arith.addi %add3A_595, %mul3A_594 : i32
        %swap3A_597 = arith.index_cast %add3A_596 : i32 to index
        %swap3A_598 = tpu.vector_load %arg5[%swap3A_597] {strides = array<i32>} : memref<16384xf32, #tpu.memory_space<vmem>>, vector<16xf32>,
        %swap3A_599 = vector.shape_cast %swap3A_598 : vector<16xf32> to vector<16xf32>
        %swap3A_600 = vector.shape_cast %min3A_592 : vector<16xf32> to vector<16xf32>
        tpu.vector_store %arg5[%swap3A_597], %swap3A_600 {strides = array<i32>} : memref<16384xf32, #tpu.memory_space<vmem>>, vector<16xf32>,
        %add3A_601 = arith.constant 1.600000e+01 : f32
        %add3A_602 = vector.broadcast %add3A_601 : f32 to vector<16xf32>
        %add3A_603 = arith.addf %add3A_581, %add3A_602 : vector<16xf32>
        %mul3A_604 = arith.constant 8 : i32
        %mul3A_605 = arith.muli %scan3A_563, %mul3A_604 : i32
        %add3A_606 = arith.constant 2 : i32
        %add3A_607 = arith.addi %mul3A_605, %add3A_606 : i32
        %sub3A_608 = arith.subf %broadcast_in_dim3A_234, %add3A_603 : vector<16xf32>
        %jit3A_609 = arith.constant 0.000000e+00 : f32
        %jit3A_610 = arith.constant 1.000000e+00 : f32
        %max3A_611 = vector.broadcast %jit3A_609 : f32 to vector<16xf32>
        %max3A_612 = arith.maximumf %max3A_611, %sub3A_608 : vector<16xf32>
        %min3A_613 = vector.broadcast %jit3A_610 : f32 to vector<16xf32>
        %min3A_614 = arith.minimumf %min3A_613, %max3A_612 : vector<16xf32>
        %mul3A_615 = arith.constant 16 : i32
        %mul3A_616 = arith.muli %add3A_607, %mul3A_615 : i32
        %add3A_617 = arith.constant 0 : i32
        %add3A_618 = arith.addi %add3A_617, %mul3A_616 : i32
        %swap3A_619 = arith.index_cast %add3A_618 : i32 to index
        %swap3A_620 = tpu.vector_load %arg5[%swap3A_619] {strides = array<i32>} : memref<16384xf32, #tpu.memory_space<vmem>>, vector<16xf32>,
        %swap3A_621 = vector.shape_cast %swap3A_620 : vector<16xf32> to vector<16xf32>
        %swap3A_622 = vector.shape_cast %min3A_614 : vector<16xf32> to vector<16xf32>
        tpu.vector_store %arg5[%swap3A_619], %swap3A_622 {strides = array<i32>} : memref<16384xf32, #tpu.memory_space<vmem>>, vector<16xf32>,
        %add3A_623 = arith.constant 1.600000e+01 : f32
        %add3A_624 = vector.broadcast %add3A_623 : f32 to vector<16xf32>
        %add3A_625 = arith.addf %add3A_603, %add3A_624 : vector<16xf32>
        %mul3A_626 = arith.constant 8 : i32
        %mul3A_627 = arith.muli %scan3A_563, %mul3A_626 : i32
        %add3A_628 = arith.constant 3 : i32
        %add3A_629 = arith.addi %mul3A_627, %add3A_628 : i32
        %sub3A_630 = arith.subf %broadcast_in_dim3A_234, %add3A_625 : vector<16xf32>
        %jit3A_631 = arith.constant 0.000000e+00 : f32
        %jit3A_632 = arith.constant 1.000000e+00 : f32
        %max3A_633 = vector.broadcast %jit3A_631 : f32 to vector<16xf32>
        %max3A_634 = arith.maximumf %max3A_633, %sub3A_630 : vector<16xf32>
        %min3A_635 = vector.broadcast %jit3A_632 : f32 to vector<16xf32>
        %min3A_636 = arith.minimumf %min3A_635, %max3A_634 : vector<16xf32>
        %mul3A_637 = arith.constant 16 : i32
        %mul3A_638 = arith.muli %add3A_629, %mul3A_637 : i32
        %add3A_639 = arith.constant 0 : i32
        %add3A_640 = arith.addi %add3A_639, %mul3A_638 : i32
        %swap3A_641 = arith.index_cast %add3A_640 : i32 to index
        %swap3A_642 = tpu.vector_load %arg5[%swap3A_641] {strides = array<i32>} : memref<16384xf32, #tpu.memory_space<vmem>>, vector<16xf32>,
        %swap3A_643 = vector.shape_cast %swap3A_642 : vector<16xf32> to vector<16xf32>
        %swap3A_644 = vector.shape_cast %min3A_636 : vector<16xf32> to vector<16xf32>
        tpu.vector_store %arg5[%swap3A_641], %swap3A_644 {strides = array<i32>} : memref<16384xf32, #tpu.memory_space<vmem>>, vector<16xf32>,
        %add3A_645 = arith.constant 1.600000e+01 : f32
        %add3A_646 = vector.broadcast %add3A_645 : f32 to vector<16xf32>
        %add3A_647 = arith.addf %add3A_625, %add3A_646 : vector<16xf32>
        %mul3A_648 = arith.constant 8 : i32
        %mul3A_649 = arith.muli %scan3A_563, %mul3A_648 : i32
        %add3A_650 = arith.constant 4 : i32
        %add3A_651 = arith.addi %mul3A_649, %add3A_650 : i32
        %sub3A_652 = arith.subf %broadcast_in_dim3A_234, %add3A_647 : vector<16xf32>
        %jit3A_653 = arith.constant 0.000000e+00 : f32
        %jit3A_654 = arith.constant 1.000000e+00 : f32
        %max3A_655 = vector.broadcast %jit3A_653 : f32 to vector<16xf32>
        %max3A_656 = arith.maximumf %max3A_655, %sub3A_652 : vector<16xf32>
        %min3A_657 = vector.broadcast %jit3A_654 : f32 to vector<16xf32>
        %min3A_658 = arith.minimumf %min3A_657, %max3A_656 : vector<16xf32>
        %mul3A_659 = arith.constant 16 : i32
        %mul3A_660 = arith.muli %add3A_651, %mul3A_659 : i32
        %add3A_661 = arith.constant 0 : i32
        %add3A_662 = arith.addi %add3A_661, %mul3A_660 : i32
        %swap3A_663 = arith.index_cast %add3A_662 : i32 to index
        %swap3A_664 = tpu.vector_load %arg5[%swap3A_663] {strides = array<i32>} : memref<16384xf32, #tpu.memory_space<vmem>>, vector<16xf32>,
        %swap3A_665 = vector.shape_cast %swap3A_664 : vector<16xf32> to vector<16xf32>
        %swap3A_666 = vector.shape_cast %min3A_658 : vector<16xf32> to vector<16xf32>
        tpu.vector_store %arg5[%swap3A_663], %swap3A_666 {strides = array<i32>} : memref<16384xf32, #tpu.memory_space<vmem>>, vector<16xf32>,
        %add3A_667 = arith.constant 1.600000e+01 : f32
        %add3A_668 = vector.broadcast %add3A_667 : f32 to vector<16xf32>
        %add3A_669 = arith.addf %add3A_647, %add3A_668 : vector<16xf32>
        %mul3A_670 = arith.constant 8 : i32
        %mul3A_671 = arith.muli %scan3A_563, %mul3A_670 : i32
        %add3A_672 = arith.constant 5 : i32
        %add3A_673 = arith.addi %mul3A_671, %add3A_672 : i32
        %sub3A_674 = arith.subf %broadcast_in_dim3A_234, %add3A_669 : vector<16xf32>
        %jit3A_675 = arith.constant 0.000000e+00 : f32
        %jit3A_676 = arith.constant 1.000000e+00 : f32
        %max3A_677 = vector.broadcast %jit3A_675 : f32 to vector<16xf32>
        %max3A_678 = arith.maximumf %max3A_677, %sub3A_674 : vector<16xf32>
        %min3A_679 = vector.broadcast %jit3A_676 : f32 to vector<16xf32>
        %min3A_680 = arith.minimumf %min3A_679, %max3A_678 : vector<16xf32>
        %mul3A_681 = arith.constant 16 : i32
        %mul3A_682 = arith.muli %add3A_673, %mul3A_681 : i32
        %add3A_683 = arith.constant 0 : i32
        %add3A_684 = arith.addi %add3A_683, %mul3A_682 : i32
        %swap3A_685 = arith.index_cast %add3A_684 : i32 to index
        %swap3A_686 = tpu.vector_load %arg5[%swap3A_685] {strides = array<i32>} : memref<16384xf32, #tpu.memory_space<vmem>>, vector<16xf32>,
        %swap3A_687 = vector.shape_cast %swap3A_686 : vector<16xf32> to vector<16xf32>
        %swap3A_688 = vector.shape_cast %min3A_680 : vector<16xf32> to vector<16xf32>
        tpu.vector_store %arg5[%swap3A_685], %swap3A_688 {strides = array<i32>} : memref<16384xf32, #tpu.memory_space<vmem>>, vector<16xf32>,
        %add3A_689 = arith.constant 1.600000e+01 : f32
        %add3A_690 = vector.broadcast %add3A_689 : f32 to vector<16xf32>
        %add3A_691 = arith.addf %add3A_669, %add3A_690 : vector<16xf32>
        %mul3A_692 = arith.constant 8 : i32
        %mul3A_693 = arith.muli %scan3A_563, %mul3A_692 : i32
        %add3A_694 = arith.constant 6 : i32
        %add3A_695 = arith.addi %mul3A_693, %add3A_694 : i32
        %sub3A_696 = arith.subf %broadcast_in_dim3A_234, %add3A_691 : vector<16xf32>
        %jit3A_697 = arith.constant 0.000000e+00 : f32
        %jit3A_698 = arith.constant 1.000000e+00 : f32
        %max3A_699 = vector.broadcast %jit3A_697 : f32 to vector<16xf32>
        %max3A_700 = arith.maximumf %max3A_699, %sub3A_696 : vector<16xf32>
        %min3A_701 = vector.broadcast %jit3A_698 : f32 to vector<16xf32>
        %min3A_702 = arith.minimumf %min3A_701, %max3A_700 : vector<16xf32>
        %mul3A_703 = arith.constant 16 : i32
        %mul3A_704 = arith.muli %add3A_695, %mul3A_703 : i32
        %add3A_705 = arith.constant 0 : i32
        %add3A_706 = arith.addi %add3A_705, %mul3A_704 : i32
        %swap3A_707 = arith.index_cast %add3A_706 : i32 to index
        %swap3A_708 = tpu.vector_load %arg5[%swap3A_707] {strides = array<i32>} : memref<16384xf32, #tpu.memory_space<vmem>>, vector<16xf32>,
        %swap3A_709 = vector.shape_cast %swap3A_708 : vector<16xf32> to vector<16xf32>
        %swap3A_710 = vector.shape_cast %min3A_702 : vector<16xf32> to vector<16xf32>
        tpu.vector_store %arg5[%swap3A_707], %swap3A_710 {strides = array<i32>} : memref<16384xf32, #tpu.memory_space<vmem>>, vector<16xf32>,
        %add3A_711 = arith.constant 1.600000e+01 : f32
        %add3A_712 = vector.broadcast %add3A_711 : f32 to vector<16xf32>
        %add3A_713 = arith.addf %add3A_691, %add3A_712 : vector<16xf32>
        %mul3A_714 = arith.constant 8 : i32
        %mul3A_715 = arith.muli %scan3A_563, %mul3A_714 : i32
        %add3A_716 = arith.constant 7 : i32
        %add3A_717 = arith.addi %mul3A_715, %add3A_716 : i32
        %sub3A_718 = arith.subf %broadcast_in_dim3A_234, %add3A_713 : vector<16xf32>
        %jit3A_719 = arith.constant 0.000000e+00 : f32
        %jit3A_720 = arith.constant 1.000000e+00 : f32
        %max3A_721 = vector.broadcast %jit3A_719 : f32 to vector<16xf32>
        %max3A_722 = arith.maximumf %max3A_721, %sub3A_718 : vector<16xf32>
        %min3A_723 = vector.broadcast %jit3A_720 : f32 to vector<16xf32>
        %min3A_724 = arith.minimumf %min3A_723, %max3A_722 : vector<16xf32>
        %mul3A_725 = arith.constant 16 : i32
        %mul3A_726 = arith.muli %add3A_717, %mul3A_725 : i32
        %add3A_727 = arith.constant 0 : i32
        %add3A_728 = arith.addi %add3A_727, %mul3A_726 : i32
        %swap3A_729 = arith.index_cast %add3A_728 : i32 to index
        %swap3A_730 = tpu.vector_load %arg5[%swap3A_729] {strides = array<i32>} : memref<16384xf32, #tpu.memory_space<vmem>>, vector<16xf32>,
        %swap3A_731 = vector.shape_cast %swap3A_730 : vector<16xf32> to vector<16xf32>
        %swap3A_732 = vector.shape_cast %min3A_724 : vector<16xf32> to vector<16xf32>
        tpu.vector_store %arg5[%swap3A_729], %swap3A_732 {strides = array<i32>} : memref<16384xf32, #tpu.memory_space<vmem>>, vector<16xf32>,
        %add3A_733 = arith.constant 1.600000e+01 : f32
        %add3A_734 = vector.broadcast %add3A_733 : f32 to vector<16xf32>
        %add3A_735 = arith.addf %add3A_713, %add3A_734 : vector<16xf32>
        scf.yield %add3A_735 : vector<16xf32>
      }
      %scan3A_244 = arith.constant 64 : i32
      %add3A_245 = arith.addi %mul3A_2, %add3A_238 : i32
      %dma_start3A_246 = arith.constant 0 : i32
      %dma_start3A_247 = tpu.memref_slice %arg5[%dma_start3A_246] : memref<16384xf32, #tpu.memory_space<vmem>> -> memref<8192xf32, #tpu.memory_space<vmem>>
      %dma_start3A_248 = arith.constant 0 : i32
      %dma_start3A_249 = tpu.memref_slice %arg3[%add3A_245, %dma_start3A_248] : memref<4096x8192xf32, #tpu.memory_space<hbm>> -> memref<1x8192xf32, #tpu.memory_space<hbm>>
      %dma_start3A_250 = tpu.memref_squeeze %dma_start3A_249 : memref<1x8192xf32, #tpu.memory_space<hbm>> -> memref<8192xf32, #tpu.memory_space<hbm>>
      %dma_start3A_251 = arith.constant 0 : i32
      %dma_start3A_252 = tpu.memref_slice %arg3[%add3A_245, %dma_start3A_251] : memref<4096x8192xf32, #tpu.memory_space<hbm>> -> memref<1x8192xf32, #tpu.memory_space<hbm>>
      %dma_start3A_253 = tpu.memref_squeeze %dma_start3A_252 : memref<1x8192xf32, #tpu.memory_space<hbm>> -> memref<8192xf32, #tpu.memory_space<hbm>>
      %dma_start3A_254 = arith.constant 0 : i32
      %dma_start3A_255 = tpu.memref_slice %arg5[%dma_start3A_254] : memref<16384xf32, #tpu.memory_space<vmem>> -> memref<8192xf32, #tpu.memory_space<vmem>>
      tpu.enqueue_dma source(%dma_start3A_255 : memref<8192xf32, #tpu.memory_space<vmem>>) target(%dma_start3A_253 : memref<8192xf32, #tpu.memory_space<hbm>>) target_semaphore(%arg6 : memref<!tpu.dma_semaphore, #tpu.memory_space<semaphore_mem>>)
      %dma_wait3A_256 = arith.constant 8192 : i32
      %dma_wait3A_257 = tpu.memref_slice %arg5[%dma_wait3A_256] : memref<16384xf32, #tpu.memory_space<vmem>> -> memref<8192xf32, #tpu.memory_space<vmem>>
      %dma_wait3A_258 = arith.constant 0 : i32
      %dma_wait3A_259 = tpu.memref_slice %arg3[%mul3A_2, %dma_wait3A_258] : memref<4096x8192xf32, #tpu.memory_space<hbm>> -> memref<1x8192xf32, #tpu.memory_space<hbm>>
      %dma_wait3A_260 = tpu.memref_squeeze %dma_wait3A_259 : memref<1x8192xf32, #tpu.memory_space<hbm>> -> memref<8192xf32, #tpu.memory_space<hbm>>
      %dma_wait3A_261 = arith.constant 0 : i32
      %dma_wait3A_262 = tpu.memref_slice %arg3[%mul3A_2, %dma_wait3A_261] : memref<4096x8192xf32, #tpu.memory_space<hbm>> -> memref<1x8192xf32, #tpu.memory_space<hbm>>
      %dma_wait3A_263 = tpu.memref_squeeze %dma_wait3A_262 : memref<1x8192xf32, #tpu.memory_space<hbm>> -> memref<8192xf32, #tpu.memory_space<hbm>>
      %dma_wait3A_264 = arith.constant 8192 : i32
      %dma_wait3A_265 = tpu.memref_slice %arg5[%dma_wait3A_264] : memref<16384xf32, #tpu.memory_space<vmem>> -> memref<8192xf32, #tpu.memory_space<vmem>>
      tpu.wait_dma2 semaphore(%arg7 : memref<!tpu.dma_semaphore, #tpu.memory_space<semaphore_mem>>) src(%dma_wait3A_265 : memref<8192xf32, #tpu.memory_space<vmem>>) dst(%dma_wait3A_263 : memref<8192xf32, #tpu.memory_space<hbm>>)
      %slice3A_266 = vector.extract_strided_slice %get3A_33 {offsets = [7], sizes = [1], strides = [1]} : vector<16xf32> to vector<1xf32>
      %squeeze3A_267 = vector.extract %slice3A_266[0] : f32 from vector<1xf32>
      %broadcast_in_dim3A_268 = vector.broadcast %squeeze3A_267 : f32 to vector<16xf32>
      %mul3A_269 = arith.constant 16 : i32
      %mul3A_270 = arith.muli %scan3A_28, %mul3A_269 : i32
      %add3A_271 = arith.constant 7 : i32
      %add3A_272 = arith.addi %mul3A_270, %add3A_271 : i32
      %scan3A_273 = arith.constant 0 : i32
      %scan3A_274 = arith.constant 64 : i32
      %scan3A_275 = arith.addi %scan3A_273, %scan3A_274 : i32
      %scan3A_276 = arith.constant 1 : i32
      %scan3A_277 = scf.for %scan3A_563 = %scan3A_273 to %scan3A_275 step %scan3A_276 iter_args(%scan3A_564 = %convert_element_type3A) -> (vector<16xf32>)  : i32 {
        %mul3A_565 = arith.constant 8 : i32
        %mul3A_566 = arith.muli %scan3A_563, %mul3A_565 : i32
        %add3A_567 = arith.constant 0 : i32
        %add3A_568 = arith.addi %mul3A_566, %add3A_567 : i32
        %sub3A = arith.subf %broadcast_in_dim3A_268, %scan3A_564 : vector<16xf32>
        %jit3A = arith.constant 0.000000e+00 : f32
        %jit3A_569 = arith.constant 1.000000e+00 : f32
        %max3A = vector.broadcast %jit3A : f32 to vector<16xf32>
        %max3A_570 = arith.maximumf %max3A, %sub3A : vector<16xf32>
        %min3A = vector.broadcast %jit3A_569 : f32 to vector<16xf32>
        %min3A_571 = arith.minimumf %min3A, %max3A_570 : vector<16xf32>
        %mul3A_572 = arith.constant 16 : i32
        %mul3A_573 = arith.muli %add3A_568, %mul3A_572 : i32
        %add3A_574 = arith.constant 8192 : i32
        %add3A_575 = arith.addi %add3A_574, %mul3A_573 : i32
        %swap3A = arith.index_cast %add3A_575 : i32 to index
        %swap3A_576 = tpu.vector_load %arg5[%swap3A] {strides = array<i32>} : memref<16384xf32, #tpu.memory_space<vmem>>, vector<16xf32>,
        %swap3A_577 = vector.shape_cast %swap3A_576 : vector<16xf32> to vector<16xf32>
        %swap3A_578 = vector.shape_cast %min3A_571 : vector<16xf32> to vector<16xf32>
        tpu.vector_store %arg5[%swap3A], %swap3A_578 {strides = array<i32>} : memref<16384xf32, #tpu.memory_space<vmem>>, vector<16xf32>,
        %add3A_579 = arith.constant 1.600000e+01 : f32
        %add3A_580 = vector.broadcast %add3A_579 : f32 to vector<16xf32>
        %add3A_581 = arith.addf %scan3A_564, %add3A_580 : vector<16xf32>
        %mul3A_582 = arith.constant 8 : i32
        %mul3A_583 = arith.muli %scan3A_563, %mul3A_582 : i32
        %add3A_584 = arith.constant 1 : i32
        %add3A_585 = arith.addi %mul3A_583, %add3A_584 : i32
        %sub3A_586 = arith.subf %broadcast_in_dim3A_268, %add3A_581 : vector<16xf32>
        %jit3A_587 = arith.constant 0.000000e+00 : f32
        %jit3A_588 = arith.constant 1.000000e+00 : f32
        %max3A_589 = vector.broadcast %jit3A_587 : f32 to vector<16xf32>
        %max3A_590 = arith.maximumf %max3A_589, %sub3A_586 : vector<16xf32>
        %min3A_591 = vector.broadcast %jit3A_588 : f32 to vector<16xf32>
        %min3A_592 = arith.minimumf %min3A_591, %max3A_590 : vector<16xf32>
        %mul3A_593 = arith.constant 16 : i32
        %mul3A_594 = arith.muli %add3A_585, %mul3A_593 : i32
        %add3A_595 = arith.constant 8192 : i32
        %add3A_596 = arith.addi %add3A_595, %mul3A_594 : i32
        %swap3A_597 = arith.index_cast %add3A_596 : i32 to index
        %swap3A_598 = tpu.vector_load %arg5[%swap3A_597] {strides = array<i32>} : memref<16384xf32, #tpu.memory_space<vmem>>, vector<16xf32>,
        %swap3A_599 = vector.shape_cast %swap3A_598 : vector<16xf32> to vector<16xf32>
        %swap3A_600 = vector.shape_cast %min3A_592 : vector<16xf32> to vector<16xf32>
        tpu.vector_store %arg5[%swap3A_597], %swap3A_600 {strides = array<i32>} : memref<16384xf32, #tpu.memory_space<vmem>>, vector<16xf32>,
        %add3A_601 = arith.constant 1.600000e+01 : f32
        %add3A_602 = vector.broadcast %add3A_601 : f32 to vector<16xf32>
        %add3A_603 = arith.addf %add3A_581, %add3A_602 : vector<16xf32>
        %mul3A_604 = arith.constant 8 : i32
        %mul3A_605 = arith.muli %scan3A_563, %mul3A_604 : i32
        %add3A_606 = arith.constant 2 : i32
        %add3A_607 = arith.addi %mul3A_605, %add3A_606 : i32
        %sub3A_608 = arith.subf %broadcast_in_dim3A_268, %add3A_603 : vector<16xf32>
        %jit3A_609 = arith.constant 0.000000e+00 : f32
        %jit3A_610 = arith.constant 1.000000e+00 : f32
        %max3A_611 = vector.broadcast %jit3A_609 : f32 to vector<16xf32>
        %max3A_612 = arith.maximumf %max3A_611, %sub3A_608 : vector<16xf32>
        %min3A_613 = vector.broadcast %jit3A_610 : f32 to vector<16xf32>
        %min3A_614 = arith.minimumf %min3A_613, %max3A_612 : vector<16xf32>
        %mul3A_615 = arith.constant 16 : i32
        %mul3A_616 = arith.muli %add3A_607, %mul3A_615 : i32
        %add3A_617 = arith.constant 8192 : i32
        %add3A_618 = arith.addi %add3A_617, %mul3A_616 : i32
        %swap3A_619 = arith.index_cast %add3A_618 : i32 to index
        %swap3A_620 = tpu.vector_load %arg5[%swap3A_619] {strides = array<i32>} : memref<16384xf32, #tpu.memory_space<vmem>>, vector<16xf32>,
        %swap3A_621 = vector.shape_cast %swap3A_620 : vector<16xf32> to vector<16xf32>
        %swap3A_622 = vector.shape_cast %min3A_614 : vector<16xf32> to vector<16xf32>
        tpu.vector_store %arg5[%swap3A_619], %swap3A_622 {strides = array<i32>} : memref<16384xf32, #tpu.memory_space<vmem>>, vector<16xf32>,
        %add3A_623 = arith.constant 1.600000e+01 : f32
        %add3A_624 = vector.broadcast %add3A_623 : f32 to vector<16xf32>
        %add3A_625 = arith.addf %add3A_603, %add3A_624 : vector<16xf32>
        %mul3A_626 = arith.constant 8 : i32
        %mul3A_627 = arith.muli %scan3A_563, %mul3A_626 : i32
        %add3A_628 = arith.constant 3 : i32
        %add3A_629 = arith.addi %mul3A_627, %add3A_628 : i32
        %sub3A_630 = arith.subf %broadcast_in_dim3A_268, %add3A_625 : vector<16xf32>
        %jit3A_631 = arith.constant 0.000000e+00 : f32
        %jit3A_632 = arith.constant 1.000000e+00 : f32
        %max3A_633 = vector.broadcast %jit3A_631 : f32 to vector<16xf32>
        %max3A_634 = arith.maximumf %max3A_633, %sub3A_630 : vector<16xf32>
        %min3A_635 = vector.broadcast %jit3A_632 : f32 to vector<16xf32>
        %min3A_636 = arith.minimumf %min3A_635, %max3A_634 : vector<16xf32>
        %mul3A_637 = arith.constant 16 : i32
        %mul3A_638 = arith.muli %add3A_629, %mul3A_637 : i32
        %add3A_639 = arith.constant 8192 : i32
        %add3A_640 = arith.addi %add3A_639, %mul3A_638 : i32
        %swap3A_641 = arith.index_cast %add3A_640 : i32 to index
        %swap3A_642 = tpu.vector_load %arg5[%swap3A_641] {strides = array<i32>} : memref<16384xf32, #tpu.memory_space<vmem>>, vector<16xf32>,
        %swap3A_643 = vector.shape_cast %swap3A_642 : vector<16xf32> to vector<16xf32>
        %swap3A_644 = vector.shape_cast %min3A_636 : vector<16xf32> to vector<16xf32>
        tpu.vector_store %arg5[%swap3A_641], %swap3A_644 {strides = array<i32>} : memref<16384xf32, #tpu.memory_space<vmem>>, vector<16xf32>,
        %add3A_645 = arith.constant 1.600000e+01 : f32
        %add3A_646 = vector.broadcast %add3A_645 : f32 to vector<16xf32>
        %add3A_647 = arith.addf %add3A_625, %add3A_646 : vector<16xf32>
        %mul3A_648 = arith.constant 8 : i32
        %mul3A_649 = arith.muli %scan3A_563, %mul3A_648 : i32
        %add3A_650 = arith.constant 4 : i32
        %add3A_651 = arith.addi %mul3A_649, %add3A_650 : i32
        %sub3A_652 = arith.subf %broadcast_in_dim3A_268, %add3A_647 : vector<16xf32>
        %jit3A_653 = arith.constant 0.000000e+00 : f32
        %jit3A_654 = arith.constant 1.000000e+00 : f32
        %max3A_655 = vector.broadcast %jit3A_653 : f32 to vector<16xf32>
        %max3A_656 = arith.maximumf %max3A_655, %sub3A_652 : vector<16xf32>
        %min3A_657 = vector.broadcast %jit3A_654 : f32 to vector<16xf32>
        %min3A_658 = arith.minimumf %min3A_657, %max3A_656 : vector<16xf32>
        %mul3A_659 = arith.constant 16 : i32
        %mul3A_660 = arith.muli %add3A_651, %mul3A_659 : i32
        %add3A_661 = arith.constant 8192 : i32
        %add3A_662 = arith.addi %add3A_661, %mul3A_660 : i32
        %swap3A_663 = arith.index_cast %add3A_662 : i32 to index
        %swap3A_664 = tpu.vector_load %arg5[%swap3A_663] {strides = array<i32>} : memref<16384xf32, #tpu.memory_space<vmem>>, vector<16xf32>,
        %swap3A_665 = vector.shape_cast %swap3A_664 : vector<16xf32> to vector<16xf32>
        %swap3A_666 = vector.shape_cast %min3A_658 : vector<16xf32> to vector<16xf32>
        tpu.vector_store %arg5[%swap3A_663], %swap3A_666 {strides = array<i32>} : memref<16384xf32, #tpu.memory_space<vmem>>, vector<16xf32>,
        %add3A_667 = arith.constant 1.600000e+01 : f32
        %add3A_668 = vector.broadcast %add3A_667 : f32 to vector<16xf32>
        %add3A_669 = arith.addf %add3A_647, %add3A_668 : vector<16xf32>
        %mul3A_670 = arith.constant 8 : i32
        %mul3A_671 = arith.muli %scan3A_563, %mul3A_670 : i32
        %add3A_672 = arith.constant 5 : i32
        %add3A_673 = arith.addi %mul3A_671, %add3A_672 : i32
        %sub3A_674 = arith.subf %broadcast_in_dim3A_268, %add3A_669 : vector<16xf32>
        %jit3A_675 = arith.constant 0.000000e+00 : f32
        %jit3A_676 = arith.constant 1.000000e+00 : f32
        %max3A_677 = vector.broadcast %jit3A_675 : f32 to vector<16xf32>
        %max3A_678 = arith.maximumf %max3A_677, %sub3A_674 : vector<16xf32>
        %min3A_679 = vector.broadcast %jit3A_676 : f32 to vector<16xf32>
        %min3A_680 = arith.minimumf %min3A_679, %max3A_678 : vector<16xf32>
        %mul3A_681 = arith.constant 16 : i32
        %mul3A_682 = arith.muli %add3A_673, %mul3A_681 : i32
        %add3A_683 = arith.constant 8192 : i32
        %add3A_684 = arith.addi %add3A_683, %mul3A_682 : i32
        %swap3A_685 = arith.index_cast %add3A_684 : i32 to index
        %swap3A_686 = tpu.vector_load %arg5[%swap3A_685] {strides = array<i32>} : memref<16384xf32, #tpu.memory_space<vmem>>, vector<16xf32>,
        %swap3A_687 = vector.shape_cast %swap3A_686 : vector<16xf32> to vector<16xf32>
        %swap3A_688 = vector.shape_cast %min3A_680 : vector<16xf32> to vector<16xf32>
        tpu.vector_store %arg5[%swap3A_685], %swap3A_688 {strides = array<i32>} : memref<16384xf32, #tpu.memory_space<vmem>>, vector<16xf32>,
        %add3A_689 = arith.constant 1.600000e+01 : f32
        %add3A_690 = vector.broadcast %add3A_689 : f32 to vector<16xf32>
        %add3A_691 = arith.addf %add3A_669, %add3A_690 : vector<16xf32>
        %mul3A_692 = arith.constant 8 : i32
        %mul3A_693 = arith.muli %scan3A_563, %mul3A_692 : i32
        %add3A_694 = arith.constant 6 : i32
        %add3A_695 = arith.addi %mul3A_693, %add3A_694 : i32
        %sub3A_696 = arith.subf %broadcast_in_dim3A_268, %add3A_691 : vector<16xf32>
        %jit3A_697 = arith.constant 0.000000e+00 : f32
        %jit3A_698 = arith.constant 1.000000e+00 : f32
        %max3A_699 = vector.broadcast %jit3A_697 : f32 to vector<16xf32>
        %max3A_700 = arith.maximumf %max3A_699, %sub3A_696 : vector<16xf32>
        %min3A_701 = vector.broadcast %jit3A_698 : f32 to vector<16xf32>
        %min3A_702 = arith.minimumf %min3A_701, %max3A_700 : vector<16xf32>
        %mul3A_703 = arith.constant 16 : i32
        %mul3A_704 = arith.muli %add3A_695, %mul3A_703 : i32
        %add3A_705 = arith.constant 8192 : i32
        %add3A_706 = arith.addi %add3A_705, %mul3A_704 : i32
        %swap3A_707 = arith.index_cast %add3A_706 : i32 to index
        %swap3A_708 = tpu.vector_load %arg5[%swap3A_707] {strides = array<i32>} : memref<16384xf32, #tpu.memory_space<vmem>>, vector<16xf32>,
        %swap3A_709 = vector.shape_cast %swap3A_708 : vector<16xf32> to vector<16xf32>
        %swap3A_710 = vector.shape_cast %min3A_702 : vector<16xf32> to vector<16xf32>
        tpu.vector_store %arg5[%swap3A_707], %swap3A_710 {strides = array<i32>} : memref<16384xf32, #tpu.memory_space<vmem>>, vector<16xf32>,
        %add3A_711 = arith.constant 1.600000e+01 : f32
        %add3A_712 = vector.broadcast %add3A_711 : f32 to vector<16xf32>
        %add3A_713 = arith.addf %add3A_691, %add3A_712 : vector<16xf32>
        %mul3A_714 = arith.constant 8 : i32
        %mul3A_715 = arith.muli %scan3A_563, %mul3A_714 : i32
        %add3A_716 = arith.constant 7 : i32
        %add3A_717 = arith.addi %mul3A_715, %add3A_716 : i32
        %sub3A_718 = arith.subf %broadcast_in_dim3A_268, %add3A_713 : vector<16xf32>
        %jit3A_719 = arith.constant 0.000000e+00 : f32
        %jit3A_720 = arith.constant 1.000000e+00 : f32
        %max3A_721 = vector.broadcast %jit3A_719 : f32 to vector<16xf32>
        %max3A_722 = arith.maximumf %max3A_721, %sub3A_718 : vector<16xf32>
        %min3A_723 = vector.broadcast %jit3A_720 : f32 to vector<16xf32>
        %min3A_724 = arith.minimumf %min3A_723, %max3A_722 : vector<16xf32>
        %mul3A_725 = arith.constant 16 : i32
        %mul3A_726 = arith.muli %add3A_717, %mul3A_725 : i32
        %add3A_727 = arith.constant 8192 : i32
        %add3A_728 = arith.addi %add3A_727, %mul3A_726 : i32
        %swap3A_729 = arith.index_cast %add3A_728 : i32 to index
        %swap3A_730 = tpu.vector_load %arg5[%swap3A_729] {strides = array<i32>} : memref<16384xf32, #tpu.memory_space<vmem>>, vector<16xf32>,
        %swap3A_731 = vector.shape_cast %swap3A_730 : vector<16xf32> to vector<16xf32>
        %swap3A_732 = vector.shape_cast %min3A_724 : vector<16xf32> to vector<16xf32>
        tpu.vector_store %arg5[%swap3A_729], %swap3A_732 {strides = array<i32>} : memref<16384xf32, #tpu.memory_space<vmem>>, vector<16xf32>,
        %add3A_733 = arith.constant 1.600000e+01 : f32
        %add3A_734 = vector.broadcast %add3A_733 : f32 to vector<16xf32>
        %add3A_735 = arith.addf %add3A_713, %add3A_734 : vector<16xf32>
        scf.yield %add3A_735 : vector<16xf32>
      }
      %scan3A_278 = arith.constant 64 : i32
      %add3A_279 = arith.addi %mul3A_2, %add3A_272 : i32
      %dma_start3A_280 = arith.constant 8192 : i32
      %dma_start3A_281 = tpu.memref_slice %arg5[%dma_start3A_280] : memref<16384xf32, #tpu.memory_space<vmem>> -> memref<8192xf32, #tpu.memory_space<vmem>>
      %dma_start3A_282 = arith.constant 0 : i32
      %dma_start3A_283 = tpu.memref_slice %arg3[%add3A_279, %dma_start3A_282] : memref<4096x8192xf32, #tpu.memory_space<hbm>> -> memref<1x8192xf32, #tpu.memory_space<hbm>>
      %dma_start3A_284 = tpu.memref_squeeze %dma_start3A_283 : memref<1x8192xf32, #tpu.memory_space<hbm>> -> memref<8192xf32, #tpu.memory_space<hbm>>
      %dma_start3A_285 = arith.constant 0 : i32
      %dma_start3A_286 = tpu.memref_slice %arg3[%add3A_279, %dma_start3A_285] : memref<4096x8192xf32, #tpu.memory_space<hbm>> -> memref<1x8192xf32, #tpu.memory_space<hbm>>
      %dma_start3A_287 = tpu.memref_squeeze %dma_start3A_286 : memref<1x8192xf32, #tpu.memory_space<hbm>> -> memref<8192xf32, #tpu.memory_space<hbm>>
      %dma_start3A_288 = arith.constant 8192 : i32
      %dma_start3A_289 = tpu.memref_slice %arg5[%dma_start3A_288] : memref<16384xf32, #tpu.memory_space<vmem>> -> memref<8192xf32, #tpu.memory_space<vmem>>
      tpu.enqueue_dma source(%dma_start3A_289 : memref<8192xf32, #tpu.memory_space<vmem>>) target(%dma_start3A_287 : memref<8192xf32, #tpu.memory_space<hbm>>) target_semaphore(%arg7 : memref<!tpu.dma_semaphore, #tpu.memory_space<semaphore_mem>>)
      %dma_wait3A_290 = arith.constant 0 : i32
      %dma_wait3A_291 = tpu.memref_slice %arg5[%dma_wait3A_290] : memref<16384xf32, #tpu.memory_space<vmem>> -> memref<8192xf32, #tpu.memory_space<vmem>>
      %dma_wait3A_292 = arith.constant 0 : i32
      %dma_wait3A_293 = tpu.memref_slice %arg3[%mul3A_2, %dma_wait3A_292] : memref<4096x8192xf32, #tpu.memory_space<hbm>> -> memref<1x8192xf32, #tpu.memory_space<hbm>>
      %dma_wait3A_294 = tpu.memref_squeeze %dma_wait3A_293 : memref<1x8192xf32, #tpu.memory_space<hbm>> -> memref<8192xf32, #tpu.memory_space<hbm>>
      %dma_wait3A_295 = arith.constant 0 : i32
      %dma_wait3A_296 = tpu.memref_slice %arg3[%mul3A_2, %dma_wait3A_295] : memref<4096x8192xf32, #tpu.memory_space<hbm>> -> memref<1x8192xf32, #tpu.memory_space<hbm>>
      %dma_wait3A_297 = tpu.memref_squeeze %dma_wait3A_296 : memref<1x8192xf32, #tpu.memory_space<hbm>> -> memref<8192xf32, #tpu.memory_space<hbm>>
      %dma_wait3A_298 = arith.constant 0 : i32
      %dma_wait3A_299 = tpu.memref_slice %arg5[%dma_wait3A_298] : memref<16384xf32, #tpu.memory_space<vmem>> -> memref<8192xf32, #tpu.memory_space<vmem>>
      tpu.wait_dma2 semaphore(%arg6 : memref<!tpu.dma_semaphore, #tpu.memory_space<semaphore_mem>>) src(%dma_wait3A_299 : memref<8192xf32, #tpu.memory_space<vmem>>) dst(%dma_wait3A_297 : memref<8192xf32, #tpu.memory_space<hbm>>)
      %slice3A_300 = vector.extract_strided_slice %get3A_33 {offsets = [8], sizes = [1], strides = [1]} : vector<16xf32> to vector<1xf32>
      %squeeze3A_301 = vector.extract %slice3A_300[0] : f32 from vector<1xf32>
      %broadcast_in_dim3A_302 = vector.broadcast %squeeze3A_301 : f32 to vector<16xf32>
      %mul3A_303 = arith.constant 16 : i32
      %mul3A_304 = arith.muli %scan3A_28, %mul3A_303 : i32
      %add3A_305 = arith.constant 8 : i32
      %add3A_306 = arith.addi %mul3A_304, %add3A_305 : i32
      %scan3A_307 = arith.constant 0 : i32
      %scan3A_308 = arith.constant 64 : i32
      %scan3A_309 = arith.addi %scan3A_307, %scan3A_308 : i32
      %scan3A_310 = arith.constant 1 : i32
      %scan3A_311 = scf.for %scan3A_563 = %scan3A_307 to %scan3A_309 step %scan3A_310 iter_args(%scan3A_564 = %convert_element_type3A) -> (vector<16xf32>)  : i32 {
        %mul3A_565 = arith.constant 8 : i32
        %mul3A_566 = arith.muli %scan3A_563, %mul3A_565 : i32
        %add3A_567 = arith.constant 0 : i32
        %add3A_568 = arith.addi %mul3A_566, %add3A_567 : i32
        %sub3A = arith.subf %broadcast_in_dim3A_302, %scan3A_564 : vector<16xf32>
        %jit3A = arith.constant 0.000000e+00 : f32
        %jit3A_569 = arith.constant 1.000000e+00 : f32
        %max3A = vector.broadcast %jit3A : f32 to vector<16xf32>
        %max3A_570 = arith.maximumf %max3A, %sub3A : vector<16xf32>
        %min3A = vector.broadcast %jit3A_569 : f32 to vector<16xf32>
        %min3A_571 = arith.minimumf %min3A, %max3A_570 : vector<16xf32>
        %mul3A_572 = arith.constant 16 : i32
        %mul3A_573 = arith.muli %add3A_568, %mul3A_572 : i32
        %add3A_574 = arith.constant 0 : i32
        %add3A_575 = arith.addi %add3A_574, %mul3A_573 : i32
        %swap3A = arith.index_cast %add3A_575 : i32 to index
        %swap3A_576 = tpu.vector_load %arg5[%swap3A] {strides = array<i32>} : memref<16384xf32, #tpu.memory_space<vmem>>, vector<16xf32>,
        %swap3A_577 = vector.shape_cast %swap3A_576 : vector<16xf32> to vector<16xf32>
        %swap3A_578 = vector.shape_cast %min3A_571 : vector<16xf32> to vector<16xf32>
        tpu.vector_store %arg5[%swap3A], %swap3A_578 {strides = array<i32>} : memref<16384xf32, #tpu.memory_space<vmem>>, vector<16xf32>,
        %add3A_579 = arith.constant 1.600000e+01 : f32
        %add3A_580 = vector.broadcast %add3A_579 : f32 to vector<16xf32>
        %add3A_581 = arith.addf %scan3A_564, %add3A_580 : vector<16xf32>
        %mul3A_582 = arith.constant 8 : i32
        %mul3A_583 = arith.muli %scan3A_563, %mul3A_582 : i32
        %add3A_584 = arith.constant 1 : i32
        %add3A_585 = arith.addi %mul3A_583, %add3A_584 : i32
        %sub3A_586 = arith.subf %broadcast_in_dim3A_302, %add3A_581 : vector<16xf32>
        %jit3A_587 = arith.constant 0.000000e+00 : f32
        %jit3A_588 = arith.constant 1.000000e+00 : f32
        %max3A_589 = vector.broadcast %jit3A_587 : f32 to vector<16xf32>
        %max3A_590 = arith.maximumf %max3A_589, %sub3A_586 : vector<16xf32>
        %min3A_591 = vector.broadcast %jit3A_588 : f32 to vector<16xf32>
        %min3A_592 = arith.minimumf %min3A_591, %max3A_590 : vector<16xf32>
        %mul3A_593 = arith.constant 16 : i32
        %mul3A_594 = arith.muli %add3A_585, %mul3A_593 : i32
        %add3A_595 = arith.constant 0 : i32
        %add3A_596 = arith.addi %add3A_595, %mul3A_594 : i32
        %swap3A_597 = arith.index_cast %add3A_596 : i32 to index
        %swap3A_598 = tpu.vector_load %arg5[%swap3A_597] {strides = array<i32>} : memref<16384xf32, #tpu.memory_space<vmem>>, vector<16xf32>,
        %swap3A_599 = vector.shape_cast %swap3A_598 : vector<16xf32> to vector<16xf32>
        %swap3A_600 = vector.shape_cast %min3A_592 : vector<16xf32> to vector<16xf32>
        tpu.vector_store %arg5[%swap3A_597], %swap3A_600 {strides = array<i32>} : memref<16384xf32, #tpu.memory_space<vmem>>, vector<16xf32>,
        %add3A_601 = arith.constant 1.600000e+01 : f32
        %add3A_602 = vector.broadcast %add3A_601 : f32 to vector<16xf32>
        %add3A_603 = arith.addf %add3A_581, %add3A_602 : vector<16xf32>
        %mul3A_604 = arith.constant 8 : i32
        %mul3A_605 = arith.muli %scan3A_563, %mul3A_604 : i32
        %add3A_606 = arith.constant 2 : i32
        %add3A_607 = arith.addi %mul3A_605, %add3A_606 : i32
        %sub3A_608 = arith.subf %broadcast_in_dim3A_302, %add3A_603 : vector<16xf32>
        %jit3A_609 = arith.constant 0.000000e+00 : f32
        %jit3A_610 = arith.constant 1.000000e+00 : f32
        %max3A_611 = vector.broadcast %jit3A_609 : f32 to vector<16xf32>
        %max3A_612 = arith.maximumf %max3A_611, %sub3A_608 : vector<16xf32>
        %min3A_613 = vector.broadcast %jit3A_610 : f32 to vector<16xf32>
        %min3A_614 = arith.minimumf %min3A_613, %max3A_612 : vector<16xf32>
        %mul3A_615 = arith.constant 16 : i32
        %mul3A_616 = arith.muli %add3A_607, %mul3A_615 : i32
        %add3A_617 = arith.constant 0 : i32
        %add3A_618 = arith.addi %add3A_617, %mul3A_616 : i32
        %swap3A_619 = arith.index_cast %add3A_618 : i32 to index
        %swap3A_620 = tpu.vector_load %arg5[%swap3A_619] {strides = array<i32>} : memref<16384xf32, #tpu.memory_space<vmem>>, vector<16xf32>,
        %swap3A_621 = vector.shape_cast %swap3A_620 : vector<16xf32> to vector<16xf32>
        %swap3A_622 = vector.shape_cast %min3A_614 : vector<16xf32> to vector<16xf32>
        tpu.vector_store %arg5[%swap3A_619], %swap3A_622 {strides = array<i32>} : memref<16384xf32, #tpu.memory_space<vmem>>, vector<16xf32>,
        %add3A_623 = arith.constant 1.600000e+01 : f32
        %add3A_624 = vector.broadcast %add3A_623 : f32 to vector<16xf32>
        %add3A_625 = arith.addf %add3A_603, %add3A_624 : vector<16xf32>
        %mul3A_626 = arith.constant 8 : i32
        %mul3A_627 = arith.muli %scan3A_563, %mul3A_626 : i32
        %add3A_628 = arith.constant 3 : i32
        %add3A_629 = arith.addi %mul3A_627, %add3A_628 : i32
        %sub3A_630 = arith.subf %broadcast_in_dim3A_302, %add3A_625 : vector<16xf32>
        %jit3A_631 = arith.constant 0.000000e+00 : f32
        %jit3A_632 = arith.constant 1.000000e+00 : f32
        %max3A_633 = vector.broadcast %jit3A_631 : f32 to vector<16xf32>
        %max3A_634 = arith.maximumf %max3A_633, %sub3A_630 : vector<16xf32>
        %min3A_635 = vector.broadcast %jit3A_632 : f32 to vector<16xf32>
        %min3A_636 = arith.minimumf %min3A_635, %max3A_634 : vector<16xf32>
        %mul3A_637 = arith.constant 16 : i32
        %mul3A_638 = arith.muli %add3A_629, %mul3A_637 : i32
        %add3A_639 = arith.constant 0 : i32
        %add3A_640 = arith.addi %add3A_639, %mul3A_638 : i32
        %swap3A_641 = arith.index_cast %add3A_640 : i32 to index
        %swap3A_642 = tpu.vector_load %arg5[%swap3A_641] {strides = array<i32>} : memref<16384xf32, #tpu.memory_space<vmem>>, vector<16xf32>,
        %swap3A_643 = vector.shape_cast %swap3A_642 : vector<16xf32> to vector<16xf32>
        %swap3A_644 = vector.shape_cast %min3A_636 : vector<16xf32> to vector<16xf32>
        tpu.vector_store %arg5[%swap3A_641], %swap3A_644 {strides = array<i32>} : memref<16384xf32, #tpu.memory_space<vmem>>, vector<16xf32>,
        %add3A_645 = arith.constant 1.600000e+01 : f32
        %add3A_646 = vector.broadcast %add3A_645 : f32 to vector<16xf32>
        %add3A_647 = arith.addf %add3A_625, %add3A_646 : vector<16xf32>
        %mul3A_648 = arith.constant 8 : i32
        %mul3A_649 = arith.muli %scan3A_563, %mul3A_648 : i32
        %add3A_650 = arith.constant 4 : i32
        %add3A_651 = arith.addi %mul3A_649, %add3A_650 : i32
        %sub3A_652 = arith.subf %broadcast_in_dim3A_302, %add3A_647 : vector<16xf32>
        %jit3A_653 = arith.constant 0.000000e+00 : f32
        %jit3A_654 = arith.constant 1.000000e+00 : f32
        %max3A_655 = vector.broadcast %jit3A_653 : f32 to vector<16xf32>
        %max3A_656 = arith.maximumf %max3A_655, %sub3A_652 : vector<16xf32>
        %min3A_657 = vector.broadcast %jit3A_654 : f32 to vector<16xf32>
        %min3A_658 = arith.minimumf %min3A_657, %max3A_656 : vector<16xf32>
        %mul3A_659 = arith.constant 16 : i32
        %mul3A_660 = arith.muli %add3A_651, %mul3A_659 : i32
        %add3A_661 = arith.constant 0 : i32
        %add3A_662 = arith.addi %add3A_661, %mul3A_660 : i32
        %swap3A_663 = arith.index_cast %add3A_662 : i32 to index
        %swap3A_664 = tpu.vector_load %arg5[%swap3A_663] {strides = array<i32>} : memref<16384xf32, #tpu.memory_space<vmem>>, vector<16xf32>,
        %swap3A_665 = vector.shape_cast %swap3A_664 : vector<16xf32> to vector<16xf32>
        %swap3A_666 = vector.shape_cast %min3A_658 : vector<16xf32> to vector<16xf32>
        tpu.vector_store %arg5[%swap3A_663], %swap3A_666 {strides = array<i32>} : memref<16384xf32, #tpu.memory_space<vmem>>, vector<16xf32>,
        %add3A_667 = arith.constant 1.600000e+01 : f32
        %add3A_668 = vector.broadcast %add3A_667 : f32 to vector<16xf32>
        %add3A_669 = arith.addf %add3A_647, %add3A_668 : vector<16xf32>
        %mul3A_670 = arith.constant 8 : i32
        %mul3A_671 = arith.muli %scan3A_563, %mul3A_670 : i32
        %add3A_672 = arith.constant 5 : i32
        %add3A_673 = arith.addi %mul3A_671, %add3A_672 : i32
        %sub3A_674 = arith.subf %broadcast_in_dim3A_302, %add3A_669 : vector<16xf32>
        %jit3A_675 = arith.constant 0.000000e+00 : f32
        %jit3A_676 = arith.constant 1.000000e+00 : f32
        %max3A_677 = vector.broadcast %jit3A_675 : f32 to vector<16xf32>
        %max3A_678 = arith.maximumf %max3A_677, %sub3A_674 : vector<16xf32>
        %min3A_679 = vector.broadcast %jit3A_676 : f32 to vector<16xf32>
        %min3A_680 = arith.minimumf %min3A_679, %max3A_678 : vector<16xf32>
        %mul3A_681 = arith.constant 16 : i32
        %mul3A_682 = arith.muli %add3A_673, %mul3A_681 : i32
        %add3A_683 = arith.constant 0 : i32
        %add3A_684 = arith.addi %add3A_683, %mul3A_682 : i32
        %swap3A_685 = arith.index_cast %add3A_684 : i32 to index
        %swap3A_686 = tpu.vector_load %arg5[%swap3A_685] {strides = array<i32>} : memref<16384xf32, #tpu.memory_space<vmem>>, vector<16xf32>,
        %swap3A_687 = vector.shape_cast %swap3A_686 : vector<16xf32> to vector<16xf32>
        %swap3A_688 = vector.shape_cast %min3A_680 : vector<16xf32> to vector<16xf32>
        tpu.vector_store %arg5[%swap3A_685], %swap3A_688 {strides = array<i32>} : memref<16384xf32, #tpu.memory_space<vmem>>, vector<16xf32>,
        %add3A_689 = arith.constant 1.600000e+01 : f32
        %add3A_690 = vector.broadcast %add3A_689 : f32 to vector<16xf32>
        %add3A_691 = arith.addf %add3A_669, %add3A_690 : vector<16xf32>
        %mul3A_692 = arith.constant 8 : i32
        %mul3A_693 = arith.muli %scan3A_563, %mul3A_692 : i32
        %add3A_694 = arith.constant 6 : i32
        %add3A_695 = arith.addi %mul3A_693, %add3A_694 : i32
        %sub3A_696 = arith.subf %broadcast_in_dim3A_302, %add3A_691 : vector<16xf32>
        %jit3A_697 = arith.constant 0.000000e+00 : f32
        %jit3A_698 = arith.constant 1.000000e+00 : f32
        %max3A_699 = vector.broadcast %jit3A_697 : f32 to vector<16xf32>
        %max3A_700 = arith.maximumf %max3A_699, %sub3A_696 : vector<16xf32>
        %min3A_701 = vector.broadcast %jit3A_698 : f32 to vector<16xf32>
        %min3A_702 = arith.minimumf %min3A_701, %max3A_700 : vector<16xf32>
        %mul3A_703 = arith.constant 16 : i32
        %mul3A_704 = arith.muli %add3A_695, %mul3A_703 : i32
        %add3A_705 = arith.constant 0 : i32
        %add3A_706 = arith.addi %add3A_705, %mul3A_704 : i32
        %swap3A_707 = arith.index_cast %add3A_706 : i32 to index
        %swap3A_708 = tpu.vector_load %arg5[%swap3A_707] {strides = array<i32>} : memref<16384xf32, #tpu.memory_space<vmem>>, vector<16xf32>,
        %swap3A_709 = vector.shape_cast %swap3A_708 : vector<16xf32> to vector<16xf32>
        %swap3A_710 = vector.shape_cast %min3A_702 : vector<16xf32> to vector<16xf32>
        tpu.vector_store %arg5[%swap3A_707], %swap3A_710 {strides = array<i32>} : memref<16384xf32, #tpu.memory_space<vmem>>, vector<16xf32>,
        %add3A_711 = arith.constant 1.600000e+01 : f32
        %add3A_712 = vector.broadcast %add3A_711 : f32 to vector<16xf32>
        %add3A_713 = arith.addf %add3A_691, %add3A_712 : vector<16xf32>
        %mul3A_714 = arith.constant 8 : i32
        %mul3A_715 = arith.muli %scan3A_563, %mul3A_714 : i32
        %add3A_716 = arith.constant 7 : i32
        %add3A_717 = arith.addi %mul3A_715, %add3A_716 : i32
        %sub3A_718 = arith.subf %broadcast_in_dim3A_302, %add3A_713 : vector<16xf32>
        %jit3A_719 = arith.constant 0.000000e+00 : f32
        %jit3A_720 = arith.constant 1.000000e+00 : f32
        %max3A_721 = vector.broadcast %jit3A_719 : f32 to vector<16xf32>
        %max3A_722 = arith.maximumf %max3A_721, %sub3A_718 : vector<16xf32>
        %min3A_723 = vector.broadcast %jit3A_720 : f32 to vector<16xf32>
        %min3A_724 = arith.minimumf %min3A_723, %max3A_722 : vector<16xf32>
        %mul3A_725 = arith.constant 16 : i32
        %mul3A_726 = arith.muli %add3A_717, %mul3A_725 : i32
        %add3A_727 = arith.constant 0 : i32
        %add3A_728 = arith.addi %add3A_727, %mul3A_726 : i32
        %swap3A_729 = arith.index_cast %add3A_728 : i32 to index
        %swap3A_730 = tpu.vector_load %arg5[%swap3A_729] {strides = array<i32>} : memref<16384xf32, #tpu.memory_space<vmem>>, vector<16xf32>,
        %swap3A_731 = vector.shape_cast %swap3A_730 : vector<16xf32> to vector<16xf32>
        %swap3A_732 = vector.shape_cast %min3A_724 : vector<16xf32> to vector<16xf32>
        tpu.vector_store %arg5[%swap3A_729], %swap3A_732 {strides = array<i32>} : memref<16384xf32, #tpu.memory_space<vmem>>, vector<16xf32>,
        %add3A_733 = arith.constant 1.600000e+01 : f32
        %add3A_734 = vector.broadcast %add3A_733 : f32 to vector<16xf32>
        %add3A_735 = arith.addf %add3A_713, %add3A_734 : vector<16xf32>
        scf.yield %add3A_735 : vector<16xf32>
      }
      %scan3A_312 = arith.constant 64 : i32
      %add3A_313 = arith.addi %mul3A_2, %add3A_306 : i32
      %dma_start3A_314 = arith.constant 0 : i32
      %dma_start3A_315 = tpu.memref_slice %arg5[%dma_start3A_314] : memref<16384xf32, #tpu.memory_space<vmem>> -> memref<8192xf32, #tpu.memory_space<vmem>>
      %dma_start3A_316 = arith.constant 0 : i32
      %dma_start3A_317 = tpu.memref_slice %arg3[%add3A_313, %dma_start3A_316] : memref<4096x8192xf32, #tpu.memory_space<hbm>> -> memref<1x8192xf32, #tpu.memory_space<hbm>>
      %dma_start3A_318 = tpu.memref_squeeze %dma_start3A_317 : memref<1x8192xf32, #tpu.memory_space<hbm>> -> memref<8192xf32, #tpu.memory_space<hbm>>
      %dma_start3A_319 = arith.constant 0 : i32
      %dma_start3A_320 = tpu.memref_slice %arg3[%add3A_313, %dma_start3A_319] : memref<4096x8192xf32, #tpu.memory_space<hbm>> -> memref<1x8192xf32, #tpu.memory_space<hbm>>
      %dma_start3A_321 = tpu.memref_squeeze %dma_start3A_320 : memref<1x8192xf32, #tpu.memory_space<hbm>> -> memref<8192xf32, #tpu.memory_space<hbm>>
      %dma_start3A_322 = arith.constant 0 : i32
      %dma_start3A_323 = tpu.memref_slice %arg5[%dma_start3A_322] : memref<16384xf32, #tpu.memory_space<vmem>> -> memref<8192xf32, #tpu.memory_space<vmem>>
      tpu.enqueue_dma source(%dma_start3A_323 : memref<8192xf32, #tpu.memory_space<vmem>>) target(%dma_start3A_321 : memref<8192xf32, #tpu.memory_space<hbm>>) target_semaphore(%arg6 : memref<!tpu.dma_semaphore, #tpu.memory_space<semaphore_mem>>)
      %dma_wait3A_324 = arith.constant 8192 : i32
      %dma_wait3A_325 = tpu.memref_slice %arg5[%dma_wait3A_324] : memref<16384xf32, #tpu.memory_space<vmem>> -> memref<8192xf32, #tpu.memory_space<vmem>>
      %dma_wait3A_326 = arith.constant 0 : i32
      %dma_wait3A_327 = tpu.memref_slice %arg3[%mul3A_2, %dma_wait3A_326] : memref<4096x8192xf32, #tpu.memory_space<hbm>> -> memref<1x8192xf32, #tpu.memory_space<hbm>>
      %dma_wait3A_328 = tpu.memref_squeeze %dma_wait3A_327 : memref<1x8192xf32, #tpu.memory_space<hbm>> -> memref<8192xf32, #tpu.memory_space<hbm>>
      %dma_wait3A_329 = arith.constant 0 : i32
      %dma_wait3A_330 = tpu.memref_slice %arg3[%mul3A_2, %dma_wait3A_329] : memref<4096x8192xf32, #tpu.memory_space<hbm>> -> memref<1x8192xf32, #tpu.memory_space<hbm>>
      %dma_wait3A_331 = tpu.memref_squeeze %dma_wait3A_330 : memref<1x8192xf32, #tpu.memory_space<hbm>> -> memref<8192xf32, #tpu.memory_space<hbm>>
      %dma_wait3A_332 = arith.constant 8192 : i32
      %dma_wait3A_333 = tpu.memref_slice %arg5[%dma_wait3A_332] : memref<16384xf32, #tpu.memory_space<vmem>> -> memref<8192xf32, #tpu.memory_space<vmem>>
      tpu.wait_dma2 semaphore(%arg7 : memref<!tpu.dma_semaphore, #tpu.memory_space<semaphore_mem>>) src(%dma_wait3A_333 : memref<8192xf32, #tpu.memory_space<vmem>>) dst(%dma_wait3A_331 : memref<8192xf32, #tpu.memory_space<hbm>>)
      %slice3A_334 = vector.extract_strided_slice %get3A_33 {offsets = [9], sizes = [1], strides = [1]} : vector<16xf32> to vector<1xf32>
      %squeeze3A_335 = vector.extract %slice3A_334[0] : f32 from vector<1xf32>
      %broadcast_in_dim3A_336 = vector.broadcast %squeeze3A_335 : f32 to vector<16xf32>
      %mul3A_337 = arith.constant 16 : i32
      %mul3A_338 = arith.muli %scan3A_28, %mul3A_337 : i32
      %add3A_339 = arith.constant 9 : i32
      %add3A_340 = arith.addi %mul3A_338, %add3A_339 : i32
      %scan3A_341 = arith.constant 0 : i32
      %scan3A_342 = arith.constant 64 : i32
      %scan3A_343 = arith.addi %scan3A_341, %scan3A_342 : i32
      %scan3A_344 = arith.constant 1 : i32
      %scan3A_345 = scf.for %scan3A_563 = %scan3A_341 to %scan3A_343 step %scan3A_344 iter_args(%scan3A_564 = %convert_element_type3A) -> (vector<16xf32>)  : i32 {
        %mul3A_565 = arith.constant 8 : i32
        %mul3A_566 = arith.muli %scan3A_563, %mul3A_565 : i32
        %add3A_567 = arith.constant 0 : i32
        %add3A_568 = arith.addi %mul3A_566, %add3A_567 : i32
        %sub3A = arith.subf %broadcast_in_dim3A_336, %scan3A_564 : vector<16xf32>
        %jit3A = arith.constant 0.000000e+00 : f32
        %jit3A_569 = arith.constant 1.000000e+00 : f32
        %max3A = vector.broadcast %jit3A : f32 to vector<16xf32>
        %max3A_570 = arith.maximumf %max3A, %sub3A : vector<16xf32>
        %min3A = vector.broadcast %jit3A_569 : f32 to vector<16xf32>
        %min3A_571 = arith.minimumf %min3A, %max3A_570 : vector<16xf32>
        %mul3A_572 = arith.constant 16 : i32
        %mul3A_573 = arith.muli %add3A_568, %mul3A_572 : i32
        %add3A_574 = arith.constant 8192 : i32
        %add3A_575 = arith.addi %add3A_574, %mul3A_573 : i32
        %swap3A = arith.index_cast %add3A_575 : i32 to index
        %swap3A_576 = tpu.vector_load %arg5[%swap3A] {strides = array<i32>} : memref<16384xf32, #tpu.memory_space<vmem>>, vector<16xf32>,
        %swap3A_577 = vector.shape_cast %swap3A_576 : vector<16xf32> to vector<16xf32>
        %swap3A_578 = vector.shape_cast %min3A_571 : vector<16xf32> to vector<16xf32>
        tpu.vector_store %arg5[%swap3A], %swap3A_578 {strides = array<i32>} : memref<16384xf32, #tpu.memory_space<vmem>>, vector<16xf32>,
        %add3A_579 = arith.constant 1.600000e+01 : f32
        %add3A_580 = vector.broadcast %add3A_579 : f32 to vector<16xf32>
        %add3A_581 = arith.addf %scan3A_564, %add3A_580 : vector<16xf32>
        %mul3A_582 = arith.constant 8 : i32
        %mul3A_583 = arith.muli %scan3A_563, %mul3A_582 : i32
        %add3A_584 = arith.constant 1 : i32
        %add3A_585 = arith.addi %mul3A_583, %add3A_584 : i32
        %sub3A_586 = arith.subf %broadcast_in_dim3A_336, %add3A_581 : vector<16xf32>
        %jit3A_587 = arith.constant 0.000000e+00 : f32
        %jit3A_588 = arith.constant 1.000000e+00 : f32
        %max3A_589 = vector.broadcast %jit3A_587 : f32 to vector<16xf32>
        %max3A_590 = arith.maximumf %max3A_589, %sub3A_586 : vector<16xf32>
        %min3A_591 = vector.broadcast %jit3A_588 : f32 to vector<16xf32>
        %min3A_592 = arith.minimumf %min3A_591, %max3A_590 : vector<16xf32>
        %mul3A_593 = arith.constant 16 : i32
        %mul3A_594 = arith.muli %add3A_585, %mul3A_593 : i32
        %add3A_595 = arith.constant 8192 : i32
        %add3A_596 = arith.addi %add3A_595, %mul3A_594 : i32
        %swap3A_597 = arith.index_cast %add3A_596 : i32 to index
        %swap3A_598 = tpu.vector_load %arg5[%swap3A_597] {strides = array<i32>} : memref<16384xf32, #tpu.memory_space<vmem>>, vector<16xf32>,
        %swap3A_599 = vector.shape_cast %swap3A_598 : vector<16xf32> to vector<16xf32>
        %swap3A_600 = vector.shape_cast %min3A_592 : vector<16xf32> to vector<16xf32>
        tpu.vector_store %arg5[%swap3A_597], %swap3A_600 {strides = array<i32>} : memref<16384xf32, #tpu.memory_space<vmem>>, vector<16xf32>,
        %add3A_601 = arith.constant 1.600000e+01 : f32
        %add3A_602 = vector.broadcast %add3A_601 : f32 to vector<16xf32>
        %add3A_603 = arith.addf %add3A_581, %add3A_602 : vector<16xf32>
        %mul3A_604 = arith.constant 8 : i32
        %mul3A_605 = arith.muli %scan3A_563, %mul3A_604 : i32
        %add3A_606 = arith.constant 2 : i32
        %add3A_607 = arith.addi %mul3A_605, %add3A_606 : i32
        %sub3A_608 = arith.subf %broadcast_in_dim3A_336, %add3A_603 : vector<16xf32>
        %jit3A_609 = arith.constant 0.000000e+00 : f32
        %jit3A_610 = arith.constant 1.000000e+00 : f32
        %max3A_611 = vector.broadcast %jit3A_609 : f32 to vector<16xf32>
        %max3A_612 = arith.maximumf %max3A_611, %sub3A_608 : vector<16xf32>
        %min3A_613 = vector.broadcast %jit3A_610 : f32 to vector<16xf32>
        %min3A_614 = arith.minimumf %min3A_613, %max3A_612 : vector<16xf32>
        %mul3A_615 = arith.constant 16 : i32
        %mul3A_616 = arith.muli %add3A_607, %mul3A_615 : i32
        %add3A_617 = arith.constant 8192 : i32
        %add3A_618 = arith.addi %add3A_617, %mul3A_616 : i32
        %swap3A_619 = arith.index_cast %add3A_618 : i32 to index
        %swap3A_620 = tpu.vector_load %arg5[%swap3A_619] {strides = array<i32>} : memref<16384xf32, #tpu.memory_space<vmem>>, vector<16xf32>,
        %swap3A_621 = vector.shape_cast %swap3A_620 : vector<16xf32> to vector<16xf32>
        %swap3A_622 = vector.shape_cast %min3A_614 : vector<16xf32> to vector<16xf32>
        tpu.vector_store %arg5[%swap3A_619], %swap3A_622 {strides = array<i32>} : memref<16384xf32, #tpu.memory_space<vmem>>, vector<16xf32>,
        %add3A_623 = arith.constant 1.600000e+01 : f32
        %add3A_624 = vector.broadcast %add3A_623 : f32 to vector<16xf32>
        %add3A_625 = arith.addf %add3A_603, %add3A_624 : vector<16xf32>
        %mul3A_626 = arith.constant 8 : i32
        %mul3A_627 = arith.muli %scan3A_563, %mul3A_626 : i32
        %add3A_628 = arith.constant 3 : i32
        %add3A_629 = arith.addi %mul3A_627, %add3A_628 : i32
        %sub3A_630 = arith.subf %broadcast_in_dim3A_336, %add3A_625 : vector<16xf32>
        %jit3A_631 = arith.constant 0.000000e+00 : f32
        %jit3A_632 = arith.constant 1.000000e+00 : f32
        %max3A_633 = vector.broadcast %jit3A_631 : f32 to vector<16xf32>
        %max3A_634 = arith.maximumf %max3A_633, %sub3A_630 : vector<16xf32>
        %min3A_635 = vector.broadcast %jit3A_632 : f32 to vector<16xf32>
        %min3A_636 = arith.minimumf %min3A_635, %max3A_634 : vector<16xf32>
        %mul3A_637 = arith.constant 16 : i32
        %mul3A_638 = arith.muli %add3A_629, %mul3A_637 : i32
        %add3A_639 = arith.constant 8192 : i32
        %add3A_640 = arith.addi %add3A_639, %mul3A_638 : i32
        %swap3A_641 = arith.index_cast %add3A_640 : i32 to index
        %swap3A_642 = tpu.vector_load %arg5[%swap3A_641] {strides = array<i32>} : memref<16384xf32, #tpu.memory_space<vmem>>, vector<16xf32>,
        %swap3A_643 = vector.shape_cast %swap3A_642 : vector<16xf32> to vector<16xf32>
        %swap3A_644 = vector.shape_cast %min3A_636 : vector<16xf32> to vector<16xf32>
        tpu.vector_store %arg5[%swap3A_641], %swap3A_644 {strides = array<i32>} : memref<16384xf32, #tpu.memory_space<vmem>>, vector<16xf32>,
        %add3A_645 = arith.constant 1.600000e+01 : f32
        %add3A_646 = vector.broadcast %add3A_645 : f32 to vector<16xf32>
        %add3A_647 = arith.addf %add3A_625, %add3A_646 : vector<16xf32>
        %mul3A_648 = arith.constant 8 : i32
        %mul3A_649 = arith.muli %scan3A_563, %mul3A_648 : i32
        %add3A_650 = arith.constant 4 : i32
        %add3A_651 = arith.addi %mul3A_649, %add3A_650 : i32
        %sub3A_652 = arith.subf %broadcast_in_dim3A_336, %add3A_647 : vector<16xf32>
        %jit3A_653 = arith.constant 0.000000e+00 : f32
        %jit3A_654 = arith.constant 1.000000e+00 : f32
        %max3A_655 = vector.broadcast %jit3A_653 : f32 to vector<16xf32>
        %max3A_656 = arith.maximumf %max3A_655, %sub3A_652 : vector<16xf32>
        %min3A_657 = vector.broadcast %jit3A_654 : f32 to vector<16xf32>
        %min3A_658 = arith.minimumf %min3A_657, %max3A_656 : vector<16xf32>
        %mul3A_659 = arith.constant 16 : i32
        %mul3A_660 = arith.muli %add3A_651, %mul3A_659 : i32
        %add3A_661 = arith.constant 8192 : i32
        %add3A_662 = arith.addi %add3A_661, %mul3A_660 : i32
        %swap3A_663 = arith.index_cast %add3A_662 : i32 to index
        %swap3A_664 = tpu.vector_load %arg5[%swap3A_663] {strides = array<i32>} : memref<16384xf32, #tpu.memory_space<vmem>>, vector<16xf32>,
        %swap3A_665 = vector.shape_cast %swap3A_664 : vector<16xf32> to vector<16xf32>
        %swap3A_666 = vector.shape_cast %min3A_658 : vector<16xf32> to vector<16xf32>
        tpu.vector_store %arg5[%swap3A_663], %swap3A_666 {strides = array<i32>} : memref<16384xf32, #tpu.memory_space<vmem>>, vector<16xf32>,
        %add3A_667 = arith.constant 1.600000e+01 : f32
        %add3A_668 = vector.broadcast %add3A_667 : f32 to vector<16xf32>
        %add3A_669 = arith.addf %add3A_647, %add3A_668 : vector<16xf32>
        %mul3A_670 = arith.constant 8 : i32
        %mul3A_671 = arith.muli %scan3A_563, %mul3A_670 : i32
        %add3A_672 = arith.constant 5 : i32
        %add3A_673 = arith.addi %mul3A_671, %add3A_672 : i32
        %sub3A_674 = arith.subf %broadcast_in_dim3A_336, %add3A_669 : vector<16xf32>
        %jit3A_675 = arith.constant 0.000000e+00 : f32
        %jit3A_676 = arith.constant 1.000000e+00 : f32
        %max3A_677 = vector.broadcast %jit3A_675 : f32 to vector<16xf32>
        %max3A_678 = arith.maximumf %max3A_677, %sub3A_674 : vector<16xf32>
        %min3A_679 = vector.broadcast %jit3A_676 : f32 to vector<16xf32>
        %min3A_680 = arith.minimumf %min3A_679, %max3A_678 : vector<16xf32>
        %mul3A_681 = arith.constant 16 : i32
        %mul3A_682 = arith.muli %add3A_673, %mul3A_681 : i32
        %add3A_683 = arith.constant 8192 : i32
        %add3A_684 = arith.addi %add3A_683, %mul3A_682 : i32
        %swap3A_685 = arith.index_cast %add3A_684 : i32 to index
        %swap3A_686 = tpu.vector_load %arg5[%swap3A_685] {strides = array<i32>} : memref<16384xf32, #tpu.memory_space<vmem>>, vector<16xf32>,
        %swap3A_687 = vector.shape_cast %swap3A_686 : vector<16xf32> to vector<16xf32>
        %swap3A_688 = vector.shape_cast %min3A_680 : vector<16xf32> to vector<16xf32>
        tpu.vector_store %arg5[%swap3A_685], %swap3A_688 {strides = array<i32>} : memref<16384xf32, #tpu.memory_space<vmem>>, vector<16xf32>,
        %add3A_689 = arith.constant 1.600000e+01 : f32
        %add3A_690 = vector.broadcast %add3A_689 : f32 to vector<16xf32>
        %add3A_691 = arith.addf %add3A_669, %add3A_690 : vector<16xf32>
        %mul3A_692 = arith.constant 8 : i32
        %mul3A_693 = arith.muli %scan3A_563, %mul3A_692 : i32
        %add3A_694 = arith.constant 6 : i32
        %add3A_695 = arith.addi %mul3A_693, %add3A_694 : i32
        %sub3A_696 = arith.subf %broadcast_in_dim3A_336, %add3A_691 : vector<16xf32>
        %jit3A_697 = arith.constant 0.000000e+00 : f32
        %jit3A_698 = arith.constant 1.000000e+00 : f32
        %max3A_699 = vector.broadcast %jit3A_697 : f32 to vector<16xf32>
        %max3A_700 = arith.maximumf %max3A_699, %sub3A_696 : vector<16xf32>
        %min3A_701 = vector.broadcast %jit3A_698 : f32 to vector<16xf32>
        %min3A_702 = arith.minimumf %min3A_701, %max3A_700 : vector<16xf32>
        %mul3A_703 = arith.constant 16 : i32
        %mul3A_704 = arith.muli %add3A_695, %mul3A_703 : i32
        %add3A_705 = arith.constant 8192 : i32
        %add3A_706 = arith.addi %add3A_705, %mul3A_704 : i32
        %swap3A_707 = arith.index_cast %add3A_706 : i32 to index
        %swap3A_708 = tpu.vector_load %arg5[%swap3A_707] {strides = array<i32>} : memref<16384xf32, #tpu.memory_space<vmem>>, vector<16xf32>,
        %swap3A_709 = vector.shape_cast %swap3A_708 : vector<16xf32> to vector<16xf32>
        %swap3A_710 = vector.shape_cast %min3A_702 : vector<16xf32> to vector<16xf32>
        tpu.vector_store %arg5[%swap3A_707], %swap3A_710 {strides = array<i32>} : memref<16384xf32, #tpu.memory_space<vmem>>, vector<16xf32>,
        %add3A_711 = arith.constant 1.600000e+01 : f32
        %add3A_712 = vector.broadcast %add3A_711 : f32 to vector<16xf32>
        %add3A_713 = arith.addf %add3A_691, %add3A_712 : vector<16xf32>
        %mul3A_714 = arith.constant 8 : i32
        %mul3A_715 = arith.muli %scan3A_563, %mul3A_714 : i32
        %add3A_716 = arith.constant 7 : i32
        %add3A_717 = arith.addi %mul3A_715, %add3A_716 : i32
        %sub3A_718 = arith.subf %broadcast_in_dim3A_336, %add3A_713 : vector<16xf32>
        %jit3A_719 = arith.constant 0.000000e+00 : f32
        %jit3A_720 = arith.constant 1.000000e+00 : f32
        %max3A_721 = vector.broadcast %jit3A_719 : f32 to vector<16xf32>
        %max3A_722 = arith.maximumf %max3A_721, %sub3A_718 : vector<16xf32>
        %min3A_723 = vector.broadcast %jit3A_720 : f32 to vector<16xf32>
        %min3A_724 = arith.minimumf %min3A_723, %max3A_722 : vector<16xf32>
        %mul3A_725 = arith.constant 16 : i32
        %mul3A_726 = arith.muli %add3A_717, %mul3A_725 : i32
        %add3A_727 = arith.constant 8192 : i32
        %add3A_728 = arith.addi %add3A_727, %mul3A_726 : i32
        %swap3A_729 = arith.index_cast %add3A_728 : i32 to index
        %swap3A_730 = tpu.vector_load %arg5[%swap3A_729] {strides = array<i32>} : memref<16384xf32, #tpu.memory_space<vmem>>, vector<16xf32>,
        %swap3A_731 = vector.shape_cast %swap3A_730 : vector<16xf32> to vector<16xf32>
        %swap3A_732 = vector.shape_cast %min3A_724 : vector<16xf32> to vector<16xf32>
        tpu.vector_store %arg5[%swap3A_729], %swap3A_732 {strides = array<i32>} : memref<16384xf32, #tpu.memory_space<vmem>>, vector<16xf32>,
        %add3A_733 = arith.constant 1.600000e+01 : f32
        %add3A_734 = vector.broadcast %add3A_733 : f32 to vector<16xf32>
        %add3A_735 = arith.addf %add3A_713, %add3A_734 : vector<16xf32>
        scf.yield %add3A_735 : vector<16xf32>
      }
      %scan3A_346 = arith.constant 64 : i32
      %add3A_347 = arith.addi %mul3A_2, %add3A_340 : i32
      %dma_start3A_348 = arith.constant 8192 : i32
      %dma_start3A_349 = tpu.memref_slice %arg5[%dma_start3A_348] : memref<16384xf32, #tpu.memory_space<vmem>> -> memref<8192xf32, #tpu.memory_space<vmem>>
      %dma_start3A_350 = arith.constant 0 : i32
      %dma_start3A_351 = tpu.memref_slice %arg3[%add3A_347, %dma_start3A_350] : memref<4096x8192xf32, #tpu.memory_space<hbm>> -> memref<1x8192xf32, #tpu.memory_space<hbm>>
      %dma_start3A_352 = tpu.memref_squeeze %dma_start3A_351 : memref<1x8192xf32, #tpu.memory_space<hbm>> -> memref<8192xf32, #tpu.memory_space<hbm>>
      %dma_start3A_353 = arith.constant 0 : i32
      %dma_start3A_354 = tpu.memref_slice %arg3[%add3A_347, %dma_start3A_353] : memref<4096x8192xf32, #tpu.memory_space<hbm>> -> memref<1x8192xf32, #tpu.memory_space<hbm>>
      %dma_start3A_355 = tpu.memref_squeeze %dma_start3A_354 : memref<1x8192xf32, #tpu.memory_space<hbm>> -> memref<8192xf32, #tpu.memory_space<hbm>>
      %dma_start3A_356 = arith.constant 8192 : i32
      %dma_start3A_357 = tpu.memref_slice %arg5[%dma_start3A_356] : memref<16384xf32, #tpu.memory_space<vmem>> -> memref<8192xf32, #tpu.memory_space<vmem>>
      tpu.enqueue_dma source(%dma_start3A_357 : memref<8192xf32, #tpu.memory_space<vmem>>) target(%dma_start3A_355 : memref<8192xf32, #tpu.memory_space<hbm>>) target_semaphore(%arg7 : memref<!tpu.dma_semaphore, #tpu.memory_space<semaphore_mem>>)
      %dma_wait3A_358 = arith.constant 0 : i32
      %dma_wait3A_359 = tpu.memref_slice %arg5[%dma_wait3A_358] : memref<16384xf32, #tpu.memory_space<vmem>> -> memref<8192xf32, #tpu.memory_space<vmem>>
      %dma_wait3A_360 = arith.constant 0 : i32
      %dma_wait3A_361 = tpu.memref_slice %arg3[%mul3A_2, %dma_wait3A_360] : memref<4096x8192xf32, #tpu.memory_space<hbm>> -> memref<1x8192xf32, #tpu.memory_space<hbm>>
      %dma_wait3A_362 = tpu.memref_squeeze %dma_wait3A_361 : memref<1x8192xf32, #tpu.memory_space<hbm>> -> memref<8192xf32, #tpu.memory_space<hbm>>
      %dma_wait3A_363 = arith.constant 0 : i32
      %dma_wait3A_364 = tpu.memref_slice %arg3[%mul3A_2, %dma_wait3A_363] : memref<4096x8192xf32, #tpu.memory_space<hbm>> -> memref<1x8192xf32, #tpu.memory_space<hbm>>
      %dma_wait3A_365 = tpu.memref_squeeze %dma_wait3A_364 : memref<1x8192xf32, #tpu.memory_space<hbm>> -> memref<8192xf32, #tpu.memory_space<hbm>>
      %dma_wait3A_366 = arith.constant 0 : i32
      %dma_wait3A_367 = tpu.memref_slice %arg5[%dma_wait3A_366] : memref<16384xf32, #tpu.memory_space<vmem>> -> memref<8192xf32, #tpu.memory_space<vmem>>
      tpu.wait_dma2 semaphore(%arg6 : memref<!tpu.dma_semaphore, #tpu.memory_space<semaphore_mem>>) src(%dma_wait3A_367 : memref<8192xf32, #tpu.memory_space<vmem>>) dst(%dma_wait3A_365 : memref<8192xf32, #tpu.memory_space<hbm>>)
      %slice3A_368 = vector.extract_strided_slice %get3A_33 {offsets = [10], sizes = [1], strides = [1]} : vector<16xf32> to vector<1xf32>
      %squeeze3A_369 = vector.extract %slice3A_368[0] : f32 from vector<1xf32>
      %broadcast_in_dim3A_370 = vector.broadcast %squeeze3A_369 : f32 to vector<16xf32>
      %mul3A_371 = arith.constant 16 : i32
      %mul3A_372 = arith.muli %scan3A_28, %mul3A_371 : i32
      %add3A_373 = arith.constant 10 : i32
      %add3A_374 = arith.addi %mul3A_372, %add3A_373 : i32
      %scan3A_375 = arith.constant 0 : i32
      %scan3A_376 = arith.constant 64 : i32
      %scan3A_377 = arith.addi %scan3A_375, %scan3A_376 : i32
      %scan3A_378 = arith.constant 1 : i32
      %scan3A_379 = scf.for %scan3A_563 = %scan3A_375 to %scan3A_377 step %scan3A_378 iter_args(%scan3A_564 = %convert_element_type3A) -> (vector<16xf32>)  : i32 {
        %mul3A_565 = arith.constant 8 : i32
        %mul3A_566 = arith.muli %scan3A_563, %mul3A_565 : i32
        %add3A_567 = arith.constant 0 : i32
        %add3A_568 = arith.addi %mul3A_566, %add3A_567 : i32
        %sub3A = arith.subf %broadcast_in_dim3A_370, %scan3A_564 : vector<16xf32>
        %jit3A = arith.constant 0.000000e+00 : f32
        %jit3A_569 = arith.constant 1.000000e+00 : f32
        %max3A = vector.broadcast %jit3A : f32 to vector<16xf32>
        %max3A_570 = arith.maximumf %max3A, %sub3A : vector<16xf32>
        %min3A = vector.broadcast %jit3A_569 : f32 to vector<16xf32>
        %min3A_571 = arith.minimumf %min3A, %max3A_570 : vector<16xf32>
        %mul3A_572 = arith.constant 16 : i32
        %mul3A_573 = arith.muli %add3A_568, %mul3A_572 : i32
        %add3A_574 = arith.constant 0 : i32
        %add3A_575 = arith.addi %add3A_574, %mul3A_573 : i32
        %swap3A = arith.index_cast %add3A_575 : i32 to index
        %swap3A_576 = tpu.vector_load %arg5[%swap3A] {strides = array<i32>} : memref<16384xf32, #tpu.memory_space<vmem>>, vector<16xf32>,
        %swap3A_577 = vector.shape_cast %swap3A_576 : vector<16xf32> to vector<16xf32>
        %swap3A_578 = vector.shape_cast %min3A_571 : vector<16xf32> to vector<16xf32>
        tpu.vector_store %arg5[%swap3A], %swap3A_578 {strides = array<i32>} : memref<16384xf32, #tpu.memory_space<vmem>>, vector<16xf32>,
        %add3A_579 = arith.constant 1.600000e+01 : f32
        %add3A_580 = vector.broadcast %add3A_579 : f32 to vector<16xf32>
        %add3A_581 = arith.addf %scan3A_564, %add3A_580 : vector<16xf32>
        %mul3A_582 = arith.constant 8 : i32
        %mul3A_583 = arith.muli %scan3A_563, %mul3A_582 : i32
        %add3A_584 = arith.constant 1 : i32
        %add3A_585 = arith.addi %mul3A_583, %add3A_584 : i32
        %sub3A_586 = arith.subf %broadcast_in_dim3A_370, %add3A_581 : vector<16xf32>
        %jit3A_587 = arith.constant 0.000000e+00 : f32
        %jit3A_588 = arith.constant 1.000000e+00 : f32
        %max3A_589 = vector.broadcast %jit3A_587 : f32 to vector<16xf32>
        %max3A_590 = arith.maximumf %max3A_589, %sub3A_586 : vector<16xf32>
        %min3A_591 = vector.broadcast %jit3A_588 : f32 to vector<16xf32>
        %min3A_592 = arith.minimumf %min3A_591, %max3A_590 : vector<16xf32>
        %mul3A_593 = arith.constant 16 : i32
        %mul3A_594 = arith.muli %add3A_585, %mul3A_593 : i32
        %add3A_595 = arith.constant 0 : i32
        %add3A_596 = arith.addi %add3A_595, %mul3A_594 : i32
        %swap3A_597 = arith.index_cast %add3A_596 : i32 to index
        %swap3A_598 = tpu.vector_load %arg5[%swap3A_597] {strides = array<i32>} : memref<16384xf32, #tpu.memory_space<vmem>>, vector<16xf32>,
        %swap3A_599 = vector.shape_cast %swap3A_598 : vector<16xf32> to vector<16xf32>
        %swap3A_600 = vector.shape_cast %min3A_592 : vector<16xf32> to vector<16xf32>
        tpu.vector_store %arg5[%swap3A_597], %swap3A_600 {strides = array<i32>} : memref<16384xf32, #tpu.memory_space<vmem>>, vector<16xf32>,
        %add3A_601 = arith.constant 1.600000e+01 : f32
        %add3A_602 = vector.broadcast %add3A_601 : f32 to vector<16xf32>
        %add3A_603 = arith.addf %add3A_581, %add3A_602 : vector<16xf32>
        %mul3A_604 = arith.constant 8 : i32
        %mul3A_605 = arith.muli %scan3A_563, %mul3A_604 : i32
        %add3A_606 = arith.constant 2 : i32
        %add3A_607 = arith.addi %mul3A_605, %add3A_606 : i32
        %sub3A_608 = arith.subf %broadcast_in_dim3A_370, %add3A_603 : vector<16xf32>
        %jit3A_609 = arith.constant 0.000000e+00 : f32
        %jit3A_610 = arith.constant 1.000000e+00 : f32
        %max3A_611 = vector.broadcast %jit3A_609 : f32 to vector<16xf32>
        %max3A_612 = arith.maximumf %max3A_611, %sub3A_608 : vector<16xf32>
        %min3A_613 = vector.broadcast %jit3A_610 : f32 to vector<16xf32>
        %min3A_614 = arith.minimumf %min3A_613, %max3A_612 : vector<16xf32>
        %mul3A_615 = arith.constant 16 : i32
        %mul3A_616 = arith.muli %add3A_607, %mul3A_615 : i32
        %add3A_617 = arith.constant 0 : i32
        %add3A_618 = arith.addi %add3A_617, %mul3A_616 : i32
        %swap3A_619 = arith.index_cast %add3A_618 : i32 to index
        %swap3A_620 = tpu.vector_load %arg5[%swap3A_619] {strides = array<i32>} : memref<16384xf32, #tpu.memory_space<vmem>>, vector<16xf32>,
        %swap3A_621 = vector.shape_cast %swap3A_620 : vector<16xf32> to vector<16xf32>
        %swap3A_622 = vector.shape_cast %min3A_614 : vector<16xf32> to vector<16xf32>
        tpu.vector_store %arg5[%swap3A_619], %swap3A_622 {strides = array<i32>} : memref<16384xf32, #tpu.memory_space<vmem>>, vector<16xf32>,
        %add3A_623 = arith.constant 1.600000e+01 : f32
        %add3A_624 = vector.broadcast %add3A_623 : f32 to vector<16xf32>
        %add3A_625 = arith.addf %add3A_603, %add3A_624 : vector<16xf32>
        %mul3A_626 = arith.constant 8 : i32
        %mul3A_627 = arith.muli %scan3A_563, %mul3A_626 : i32
        %add3A_628 = arith.constant 3 : i32
        %add3A_629 = arith.addi %mul3A_627, %add3A_628 : i32
        %sub3A_630 = arith.subf %broadcast_in_dim3A_370, %add3A_625 : vector<16xf32>
        %jit3A_631 = arith.constant 0.000000e+00 : f32
        %jit3A_632 = arith.constant 1.000000e+00 : f32
        %max3A_633 = vector.broadcast %jit3A_631 : f32 to vector<16xf32>
        %max3A_634 = arith.maximumf %max3A_633, %sub3A_630 : vector<16xf32>
        %min3A_635 = vector.broadcast %jit3A_632 : f32 to vector<16xf32>
        %min3A_636 = arith.minimumf %min3A_635, %max3A_634 : vector<16xf32>
        %mul3A_637 = arith.constant 16 : i32
        %mul3A_638 = arith.muli %add3A_629, %mul3A_637 : i32
        %add3A_639 = arith.constant 0 : i32
        %add3A_640 = arith.addi %add3A_639, %mul3A_638 : i32
        %swap3A_641 = arith.index_cast %add3A_640 : i32 to index
        %swap3A_642 = tpu.vector_load %arg5[%swap3A_641] {strides = array<i32>} : memref<16384xf32, #tpu.memory_space<vmem>>, vector<16xf32>,
        %swap3A_643 = vector.shape_cast %swap3A_642 : vector<16xf32> to vector<16xf32>
        %swap3A_644 = vector.shape_cast %min3A_636 : vector<16xf32> to vector<16xf32>
        tpu.vector_store %arg5[%swap3A_641], %swap3A_644 {strides = array<i32>} : memref<16384xf32, #tpu.memory_space<vmem>>, vector<16xf32>,
        %add3A_645 = arith.constant 1.600000e+01 : f32
        %add3A_646 = vector.broadcast %add3A_645 : f32 to vector<16xf32>
        %add3A_647 = arith.addf %add3A_625, %add3A_646 : vector<16xf32>
        %mul3A_648 = arith.constant 8 : i32
        %mul3A_649 = arith.muli %scan3A_563, %mul3A_648 : i32
        %add3A_650 = arith.constant 4 : i32
        %add3A_651 = arith.addi %mul3A_649, %add3A_650 : i32
        %sub3A_652 = arith.subf %broadcast_in_dim3A_370, %add3A_647 : vector<16xf32>
        %jit3A_653 = arith.constant 0.000000e+00 : f32
        %jit3A_654 = arith.constant 1.000000e+00 : f32
        %max3A_655 = vector.broadcast %jit3A_653 : f32 to vector<16xf32>
        %max3A_656 = arith.maximumf %max3A_655, %sub3A_652 : vector<16xf32>
        %min3A_657 = vector.broadcast %jit3A_654 : f32 to vector<16xf32>
        %min3A_658 = arith.minimumf %min3A_657, %max3A_656 : vector<16xf32>
        %mul3A_659 = arith.constant 16 : i32
        %mul3A_660 = arith.muli %add3A_651, %mul3A_659 : i32
        %add3A_661 = arith.constant 0 : i32
        %add3A_662 = arith.addi %add3A_661, %mul3A_660 : i32
        %swap3A_663 = arith.index_cast %add3A_662 : i32 to index
        %swap3A_664 = tpu.vector_load %arg5[%swap3A_663] {strides = array<i32>} : memref<16384xf32, #tpu.memory_space<vmem>>, vector<16xf32>,
        %swap3A_665 = vector.shape_cast %swap3A_664 : vector<16xf32> to vector<16xf32>
        %swap3A_666 = vector.shape_cast %min3A_658 : vector<16xf32> to vector<16xf32>
        tpu.vector_store %arg5[%swap3A_663], %swap3A_666 {strides = array<i32>} : memref<16384xf32, #tpu.memory_space<vmem>>, vector<16xf32>,
        %add3A_667 = arith.constant 1.600000e+01 : f32
        %add3A_668 = vector.broadcast %add3A_667 : f32 to vector<16xf32>
        %add3A_669 = arith.addf %add3A_647, %add3A_668 : vector<16xf32>
        %mul3A_670 = arith.constant 8 : i32
        %mul3A_671 = arith.muli %scan3A_563, %mul3A_670 : i32
        %add3A_672 = arith.constant 5 : i32
        %add3A_673 = arith.addi %mul3A_671, %add3A_672 : i32
        %sub3A_674 = arith.subf %broadcast_in_dim3A_370, %add3A_669 : vector<16xf32>
        %jit3A_675 = arith.constant 0.000000e+00 : f32
        %jit3A_676 = arith.constant 1.000000e+00 : f32
        %max3A_677 = vector.broadcast %jit3A_675 : f32 to vector<16xf32>
        %max3A_678 = arith.maximumf %max3A_677, %sub3A_674 : vector<16xf32>
        %min3A_679 = vector.broadcast %jit3A_676 : f32 to vector<16xf32>
        %min3A_680 = arith.minimumf %min3A_679, %max3A_678 : vector<16xf32>
        %mul3A_681 = arith.constant 16 : i32
        %mul3A_682 = arith.muli %add3A_673, %mul3A_681 : i32
        %add3A_683 = arith.constant 0 : i32
        %add3A_684 = arith.addi %add3A_683, %mul3A_682 : i32
        %swap3A_685 = arith.index_cast %add3A_684 : i32 to index
        %swap3A_686 = tpu.vector_load %arg5[%swap3A_685] {strides = array<i32>} : memref<16384xf32, #tpu.memory_space<vmem>>, vector<16xf32>,
        %swap3A_687 = vector.shape_cast %swap3A_686 : vector<16xf32> to vector<16xf32>
        %swap3A_688 = vector.shape_cast %min3A_680 : vector<16xf32> to vector<16xf32>
        tpu.vector_store %arg5[%swap3A_685], %swap3A_688 {strides = array<i32>} : memref<16384xf32, #tpu.memory_space<vmem>>, vector<16xf32>,
        %add3A_689 = arith.constant 1.600000e+01 : f32
        %add3A_690 = vector.broadcast %add3A_689 : f32 to vector<16xf32>
        %add3A_691 = arith.addf %add3A_669, %add3A_690 : vector<16xf32>
        %mul3A_692 = arith.constant 8 : i32
        %mul3A_693 = arith.muli %scan3A_563, %mul3A_692 : i32
        %add3A_694 = arith.constant 6 : i32
        %add3A_695 = arith.addi %mul3A_693, %add3A_694 : i32
        %sub3A_696 = arith.subf %broadcast_in_dim3A_370, %add3A_691 : vector<16xf32>
        %jit3A_697 = arith.constant 0.000000e+00 : f32
        %jit3A_698 = arith.constant 1.000000e+00 : f32
        %max3A_699 = vector.broadcast %jit3A_697 : f32 to vector<16xf32>
        %max3A_700 = arith.maximumf %max3A_699, %sub3A_696 : vector<16xf32>
        %min3A_701 = vector.broadcast %jit3A_698 : f32 to vector<16xf32>
        %min3A_702 = arith.minimumf %min3A_701, %max3A_700 : vector<16xf32>
        %mul3A_703 = arith.constant 16 : i32
        %mul3A_704 = arith.muli %add3A_695, %mul3A_703 : i32
        %add3A_705 = arith.constant 0 : i32
        %add3A_706 = arith.addi %add3A_705, %mul3A_704 : i32
        %swap3A_707 = arith.index_cast %add3A_706 : i32 to index
        %swap3A_708 = tpu.vector_load %arg5[%swap3A_707] {strides = array<i32>} : memref<16384xf32, #tpu.memory_space<vmem>>, vector<16xf32>,
        %swap3A_709 = vector.shape_cast %swap3A_708 : vector<16xf32> to vector<16xf32>
        %swap3A_710 = vector.shape_cast %min3A_702 : vector<16xf32> to vector<16xf32>
        tpu.vector_store %arg5[%swap3A_707], %swap3A_710 {strides = array<i32>} : memref<16384xf32, #tpu.memory_space<vmem>>, vector<16xf32>,
        %add3A_711 = arith.constant 1.600000e+01 : f32
        %add3A_712 = vector.broadcast %add3A_711 : f32 to vector<16xf32>
        %add3A_713 = arith.addf %add3A_691, %add3A_712 : vector<16xf32>
        %mul3A_714 = arith.constant 8 : i32
        %mul3A_715 = arith.muli %scan3A_563, %mul3A_714 : i32
        %add3A_716 = arith.constant 7 : i32
        %add3A_717 = arith.addi %mul3A_715, %add3A_716 : i32
        %sub3A_718 = arith.subf %broadcast_in_dim3A_370, %add3A_713 : vector<16xf32>
        %jit3A_719 = arith.constant 0.000000e+00 : f32
        %jit3A_720 = arith.constant 1.000000e+00 : f32
        %max3A_721 = vector.broadcast %jit3A_719 : f32 to vector<16xf32>
        %max3A_722 = arith.maximumf %max3A_721, %sub3A_718 : vector<16xf32>
        %min3A_723 = vector.broadcast %jit3A_720 : f32 to vector<16xf32>
        %min3A_724 = arith.minimumf %min3A_723, %max3A_722 : vector<16xf32>
        %mul3A_725 = arith.constant 16 : i32
        %mul3A_726 = arith.muli %add3A_717, %mul3A_725 : i32
        %add3A_727 = arith.constant 0 : i32
        %add3A_728 = arith.addi %add3A_727, %mul3A_726 : i32
        %swap3A_729 = arith.index_cast %add3A_728 : i32 to index
        %swap3A_730 = tpu.vector_load %arg5[%swap3A_729] {strides = array<i32>} : memref<16384xf32, #tpu.memory_space<vmem>>, vector<16xf32>,
        %swap3A_731 = vector.shape_cast %swap3A_730 : vector<16xf32> to vector<16xf32>
        %swap3A_732 = vector.shape_cast %min3A_724 : vector<16xf32> to vector<16xf32>
        tpu.vector_store %arg5[%swap3A_729], %swap3A_732 {strides = array<i32>} : memref<16384xf32, #tpu.memory_space<vmem>>, vector<16xf32>,
        %add3A_733 = arith.constant 1.600000e+01 : f32
        %add3A_734 = vector.broadcast %add3A_733 : f32 to vector<16xf32>
        %add3A_735 = arith.addf %add3A_713, %add3A_734 : vector<16xf32>
        scf.yield %add3A_735 : vector<16xf32>
      }
      %scan3A_380 = arith.constant 64 : i32
      %add3A_381 = arith.addi %mul3A_2, %add3A_374 : i32
      %dma_start3A_382 = arith.constant 0 : i32
      %dma_start3A_383 = tpu.memref_slice %arg5[%dma_start3A_382] : memref<16384xf32, #tpu.memory_space<vmem>> -> memref<8192xf32, #tpu.memory_space<vmem>>
      %dma_start3A_384 = arith.constant 0 : i32
      %dma_start3A_385 = tpu.memref_slice %arg3[%add3A_381, %dma_start3A_384] : memref<4096x8192xf32, #tpu.memory_space<hbm>> -> memref<1x8192xf32, #tpu.memory_space<hbm>>
      %dma_start3A_386 = tpu.memref_squeeze %dma_start3A_385 : memref<1x8192xf32, #tpu.memory_space<hbm>> -> memref<8192xf32, #tpu.memory_space<hbm>>
      %dma_start3A_387 = arith.constant 0 : i32
      %dma_start3A_388 = tpu.memref_slice %arg3[%add3A_381, %dma_start3A_387] : memref<4096x8192xf32, #tpu.memory_space<hbm>> -> memref<1x8192xf32, #tpu.memory_space<hbm>>
      %dma_start3A_389 = tpu.memref_squeeze %dma_start3A_388 : memref<1x8192xf32, #tpu.memory_space<hbm>> -> memref<8192xf32, #tpu.memory_space<hbm>>
      %dma_start3A_390 = arith.constant 0 : i32
      %dma_start3A_391 = tpu.memref_slice %arg5[%dma_start3A_390] : memref<16384xf32, #tpu.memory_space<vmem>> -> memref<8192xf32, #tpu.memory_space<vmem>>
      tpu.enqueue_dma source(%dma_start3A_391 : memref<8192xf32, #tpu.memory_space<vmem>>) target(%dma_start3A_389 : memref<8192xf32, #tpu.memory_space<hbm>>) target_semaphore(%arg6 : memref<!tpu.dma_semaphore, #tpu.memory_space<semaphore_mem>>)
      %dma_wait3A_392 = arith.constant 8192 : i32
      %dma_wait3A_393 = tpu.memref_slice %arg5[%dma_wait3A_392] : memref<16384xf32, #tpu.memory_space<vmem>> -> memref<8192xf32, #tpu.memory_space<vmem>>
      %dma_wait3A_394 = arith.constant 0 : i32
      %dma_wait3A_395 = tpu.memref_slice %arg3[%mul3A_2, %dma_wait3A_394] : memref<4096x8192xf32, #tpu.memory_space<hbm>> -> memref<1x8192xf32, #tpu.memory_space<hbm>>
      %dma_wait3A_396 = tpu.memref_squeeze %dma_wait3A_395 : memref<1x8192xf32, #tpu.memory_space<hbm>> -> memref<8192xf32, #tpu.memory_space<hbm>>
      %dma_wait3A_397 = arith.constant 0 : i32
      %dma_wait3A_398 = tpu.memref_slice %arg3[%mul3A_2, %dma_wait3A_397] : memref<4096x8192xf32, #tpu.memory_space<hbm>> -> memref<1x8192xf32, #tpu.memory_space<hbm>>
      %dma_wait3A_399 = tpu.memref_squeeze %dma_wait3A_398 : memref<1x8192xf32, #tpu.memory_space<hbm>> -> memref<8192xf32, #tpu.memory_space<hbm>>
      %dma_wait3A_400 = arith.constant 8192 : i32
      %dma_wait3A_401 = tpu.memref_slice %arg5[%dma_wait3A_400] : memref<16384xf32, #tpu.memory_space<vmem>> -> memref<8192xf32, #tpu.memory_space<vmem>>
      tpu.wait_dma2 semaphore(%arg7 : memref<!tpu.dma_semaphore, #tpu.memory_space<semaphore_mem>>) src(%dma_wait3A_401 : memref<8192xf32, #tpu.memory_space<vmem>>) dst(%dma_wait3A_399 : memref<8192xf32, #tpu.memory_space<hbm>>)
      %slice3A_402 = vector.extract_strided_slice %get3A_33 {offsets = [11], sizes = [1], strides = [1]} : vector<16xf32> to vector<1xf32>
      %squeeze3A_403 = vector.extract %slice3A_402[0] : f32 from vector<1xf32>
      %broadcast_in_dim3A_404 = vector.broadcast %squeeze3A_403 : f32 to vector<16xf32>
      %mul3A_405 = arith.constant 16 : i32
      %mul3A_406 = arith.muli %scan3A_28, %mul3A_405 : i32
      %add3A_407 = arith.constant 11 : i32
      %add3A_408 = arith.addi %mul3A_406, %add3A_407 : i32
      %scan3A_409 = arith.constant 0 : i32
      %scan3A_410 = arith.constant 64 : i32
      %scan3A_411 = arith.addi %scan3A_409, %scan3A_410 : i32
      %scan3A_412 = arith.constant 1 : i32
      %scan3A_413 = scf.for %scan3A_563 = %scan3A_409 to %scan3A_411 step %scan3A_412 iter_args(%scan3A_564 = %convert_element_type3A) -> (vector<16xf32>)  : i32 {
        %mul3A_565 = arith.constant 8 : i32
        %mul3A_566 = arith.muli %scan3A_563, %mul3A_565 : i32
        %add3A_567 = arith.constant 0 : i32
        %add3A_568 = arith.addi %mul3A_566, %add3A_567 : i32
        %sub3A = arith.subf %broadcast_in_dim3A_404, %scan3A_564 : vector<16xf32>
        %jit3A = arith.constant 0.000000e+00 : f32
        %jit3A_569 = arith.constant 1.000000e+00 : f32
        %max3A = vector.broadcast %jit3A : f32 to vector<16xf32>
        %max3A_570 = arith.maximumf %max3A, %sub3A : vector<16xf32>
        %min3A = vector.broadcast %jit3A_569 : f32 to vector<16xf32>
        %min3A_571 = arith.minimumf %min3A, %max3A_570 : vector<16xf32>
        %mul3A_572 = arith.constant 16 : i32
        %mul3A_573 = arith.muli %add3A_568, %mul3A_572 : i32
        %add3A_574 = arith.constant 8192 : i32
        %add3A_575 = arith.addi %add3A_574, %mul3A_573 : i32
        %swap3A = arith.index_cast %add3A_575 : i32 to index
        %swap3A_576 = tpu.vector_load %arg5[%swap3A] {strides = array<i32>} : memref<16384xf32, #tpu.memory_space<vmem>>, vector<16xf32>,
        %swap3A_577 = vector.shape_cast %swap3A_576 : vector<16xf32> to vector<16xf32>
        %swap3A_578 = vector.shape_cast %min3A_571 : vector<16xf32> to vector<16xf32>
        tpu.vector_store %arg5[%swap3A], %swap3A_578 {strides = array<i32>} : memref<16384xf32, #tpu.memory_space<vmem>>, vector<16xf32>,
        %add3A_579 = arith.constant 1.600000e+01 : f32
        %add3A_580 = vector.broadcast %add3A_579 : f32 to vector<16xf32>
        %add3A_581 = arith.addf %scan3A_564, %add3A_580 : vector<16xf32>
        %mul3A_582 = arith.constant 8 : i32
        %mul3A_583 = arith.muli %scan3A_563, %mul3A_582 : i32
        %add3A_584 = arith.constant 1 : i32
        %add3A_585 = arith.addi %mul3A_583, %add3A_584 : i32
        %sub3A_586 = arith.subf %broadcast_in_dim3A_404, %add3A_581 : vector<16xf32>
        %jit3A_587 = arith.constant 0.000000e+00 : f32
        %jit3A_588 = arith.constant 1.000000e+00 : f32
        %max3A_589 = vector.broadcast %jit3A_587 : f32 to vector<16xf32>
        %max3A_590 = arith.maximumf %max3A_589, %sub3A_586 : vector<16xf32>
        %min3A_591 = vector.broadcast %jit3A_588 : f32 to vector<16xf32>
        %min3A_592 = arith.minimumf %min3A_591, %max3A_590 : vector<16xf32>
        %mul3A_593 = arith.constant 16 : i32
        %mul3A_594 = arith.muli %add3A_585, %mul3A_593 : i32
        %add3A_595 = arith.constant 8192 : i32
        %add3A_596 = arith.addi %add3A_595, %mul3A_594 : i32
        %swap3A_597 = arith.index_cast %add3A_596 : i32 to index
        %swap3A_598 = tpu.vector_load %arg5[%swap3A_597] {strides = array<i32>} : memref<16384xf32, #tpu.memory_space<vmem>>, vector<16xf32>,
        %swap3A_599 = vector.shape_cast %swap3A_598 : vector<16xf32> to vector<16xf32>
        %swap3A_600 = vector.shape_cast %min3A_592 : vector<16xf32> to vector<16xf32>
        tpu.vector_store %arg5[%swap3A_597], %swap3A_600 {strides = array<i32>} : memref<16384xf32, #tpu.memory_space<vmem>>, vector<16xf32>,
        %add3A_601 = arith.constant 1.600000e+01 : f32
        %add3A_602 = vector.broadcast %add3A_601 : f32 to vector<16xf32>
        %add3A_603 = arith.addf %add3A_581, %add3A_602 : vector<16xf32>
        %mul3A_604 = arith.constant 8 : i32
        %mul3A_605 = arith.muli %scan3A_563, %mul3A_604 : i32
        %add3A_606 = arith.constant 2 : i32
        %add3A_607 = arith.addi %mul3A_605, %add3A_606 : i32
        %sub3A_608 = arith.subf %broadcast_in_dim3A_404, %add3A_603 : vector<16xf32>
        %jit3A_609 = arith.constant 0.000000e+00 : f32
        %jit3A_610 = arith.constant 1.000000e+00 : f32
        %max3A_611 = vector.broadcast %jit3A_609 : f32 to vector<16xf32>
        %max3A_612 = arith.maximumf %max3A_611, %sub3A_608 : vector<16xf32>
        %min3A_613 = vector.broadcast %jit3A_610 : f32 to vector<16xf32>
        %min3A_614 = arith.minimumf %min3A_613, %max3A_612 : vector<16xf32>
        %mul3A_615 = arith.constant 16 : i32
        %mul3A_616 = arith.muli %add3A_607, %mul3A_615 : i32
        %add3A_617 = arith.constant 8192 : i32
        %add3A_618 = arith.addi %add3A_617, %mul3A_616 : i32
        %swap3A_619 = arith.index_cast %add3A_618 : i32 to index
        %swap3A_620 = tpu.vector_load %arg5[%swap3A_619] {strides = array<i32>} : memref<16384xf32, #tpu.memory_space<vmem>>, vector<16xf32>,
        %swap3A_621 = vector.shape_cast %swap3A_620 : vector<16xf32> to vector<16xf32>
        %swap3A_622 = vector.shape_cast %min3A_614 : vector<16xf32> to vector<16xf32>
        tpu.vector_store %arg5[%swap3A_619], %swap3A_622 {strides = array<i32>} : memref<16384xf32, #tpu.memory_space<vmem>>, vector<16xf32>,
        %add3A_623 = arith.constant 1.600000e+01 : f32
        %add3A_624 = vector.broadcast %add3A_623 : f32 to vector<16xf32>
        %add3A_625 = arith.addf %add3A_603, %add3A_624 : vector<16xf32>
        %mul3A_626 = arith.constant 8 : i32
        %mul3A_627 = arith.muli %scan3A_563, %mul3A_626 : i32
        %add3A_628 = arith.constant 3 : i32
        %add3A_629 = arith.addi %mul3A_627, %add3A_628 : i32
        %sub3A_630 = arith.subf %broadcast_in_dim3A_404, %add3A_625 : vector<16xf32>
        %jit3A_631 = arith.constant 0.000000e+00 : f32
        %jit3A_632 = arith.constant 1.000000e+00 : f32
        %max3A_633 = vector.broadcast %jit3A_631 : f32 to vector<16xf32>
        %max3A_634 = arith.maximumf %max3A_633, %sub3A_630 : vector<16xf32>
        %min3A_635 = vector.broadcast %jit3A_632 : f32 to vector<16xf32>
        %min3A_636 = arith.minimumf %min3A_635, %max3A_634 : vector<16xf32>
        %mul3A_637 = arith.constant 16 : i32
        %mul3A_638 = arith.muli %add3A_629, %mul3A_637 : i32
        %add3A_639 = arith.constant 8192 : i32
        %add3A_640 = arith.addi %add3A_639, %mul3A_638 : i32
        %swap3A_641 = arith.index_cast %add3A_640 : i32 to index
        %swap3A_642 = tpu.vector_load %arg5[%swap3A_641] {strides = array<i32>} : memref<16384xf32, #tpu.memory_space<vmem>>, vector<16xf32>,
        %swap3A_643 = vector.shape_cast %swap3A_642 : vector<16xf32> to vector<16xf32>
        %swap3A_644 = vector.shape_cast %min3A_636 : vector<16xf32> to vector<16xf32>
        tpu.vector_store %arg5[%swap3A_641], %swap3A_644 {strides = array<i32>} : memref<16384xf32, #tpu.memory_space<vmem>>, vector<16xf32>,
        %add3A_645 = arith.constant 1.600000e+01 : f32
        %add3A_646 = vector.broadcast %add3A_645 : f32 to vector<16xf32>
        %add3A_647 = arith.addf %add3A_625, %add3A_646 : vector<16xf32>
        %mul3A_648 = arith.constant 8 : i32
        %mul3A_649 = arith.muli %scan3A_563, %mul3A_648 : i32
        %add3A_650 = arith.constant 4 : i32
        %add3A_651 = arith.addi %mul3A_649, %add3A_650 : i32
        %sub3A_652 = arith.subf %broadcast_in_dim3A_404, %add3A_647 : vector<16xf32>
        %jit3A_653 = arith.constant 0.000000e+00 : f32
        %jit3A_654 = arith.constant 1.000000e+00 : f32
        %max3A_655 = vector.broadcast %jit3A_653 : f32 to vector<16xf32>
        %max3A_656 = arith.maximumf %max3A_655, %sub3A_652 : vector<16xf32>
        %min3A_657 = vector.broadcast %jit3A_654 : f32 to vector<16xf32>
        %min3A_658 = arith.minimumf %min3A_657, %max3A_656 : vector<16xf32>
        %mul3A_659 = arith.constant 16 : i32
        %mul3A_660 = arith.muli %add3A_651, %mul3A_659 : i32
        %add3A_661 = arith.constant 8192 : i32
        %add3A_662 = arith.addi %add3A_661, %mul3A_660 : i32
        %swap3A_663 = arith.index_cast %add3A_662 : i32 to index
        %swap3A_664 = tpu.vector_load %arg5[%swap3A_663] {strides = array<i32>} : memref<16384xf32, #tpu.memory_space<vmem>>, vector<16xf32>,
        %swap3A_665 = vector.shape_cast %swap3A_664 : vector<16xf32> to vector<16xf32>
        %swap3A_666 = vector.shape_cast %min3A_658 : vector<16xf32> to vector<16xf32>
        tpu.vector_store %arg5[%swap3A_663], %swap3A_666 {strides = array<i32>} : memref<16384xf32, #tpu.memory_space<vmem>>, vector<16xf32>,
        %add3A_667 = arith.constant 1.600000e+01 : f32
        %add3A_668 = vector.broadcast %add3A_667 : f32 to vector<16xf32>
        %add3A_669 = arith.addf %add3A_647, %add3A_668 : vector<16xf32>
        %mul3A_670 = arith.constant 8 : i32
        %mul3A_671 = arith.muli %scan3A_563, %mul3A_670 : i32
        %add3A_672 = arith.constant 5 : i32
        %add3A_673 = arith.addi %mul3A_671, %add3A_672 : i32
        %sub3A_674 = arith.subf %broadcast_in_dim3A_404, %add3A_669 : vector<16xf32>
        %jit3A_675 = arith.constant 0.000000e+00 : f32
        %jit3A_676 = arith.constant 1.000000e+00 : f32
        %max3A_677 = vector.broadcast %jit3A_675 : f32 to vector<16xf32>
        %max3A_678 = arith.maximumf %max3A_677, %sub3A_674 : vector<16xf32>
        %min3A_679 = vector.broadcast %jit3A_676 : f32 to vector<16xf32>
        %min3A_680 = arith.minimumf %min3A_679, %max3A_678 : vector<16xf32>
        %mul3A_681 = arith.constant 16 : i32
        %mul3A_682 = arith.muli %add3A_673, %mul3A_681 : i32
        %add3A_683 = arith.constant 8192 : i32
        %add3A_684 = arith.addi %add3A_683, %mul3A_682 : i32
        %swap3A_685 = arith.index_cast %add3A_684 : i32 to index
        %swap3A_686 = tpu.vector_load %arg5[%swap3A_685] {strides = array<i32>} : memref<16384xf32, #tpu.memory_space<vmem>>, vector<16xf32>,
        %swap3A_687 = vector.shape_cast %swap3A_686 : vector<16xf32> to vector<16xf32>
        %swap3A_688 = vector.shape_cast %min3A_680 : vector<16xf32> to vector<16xf32>
        tpu.vector_store %arg5[%swap3A_685], %swap3A_688 {strides = array<i32>} : memref<16384xf32, #tpu.memory_space<vmem>>, vector<16xf32>,
        %add3A_689 = arith.constant 1.600000e+01 : f32
        %add3A_690 = vector.broadcast %add3A_689 : f32 to vector<16xf32>
        %add3A_691 = arith.addf %add3A_669, %add3A_690 : vector<16xf32>
        %mul3A_692 = arith.constant 8 : i32
        %mul3A_693 = arith.muli %scan3A_563, %mul3A_692 : i32
        %add3A_694 = arith.constant 6 : i32
        %add3A_695 = arith.addi %mul3A_693, %add3A_694 : i32
        %sub3A_696 = arith.subf %broadcast_in_dim3A_404, %add3A_691 : vector<16xf32>
        %jit3A_697 = arith.constant 0.000000e+00 : f32
        %jit3A_698 = arith.constant 1.000000e+00 : f32
        %max3A_699 = vector.broadcast %jit3A_697 : f32 to vector<16xf32>
        %max3A_700 = arith.maximumf %max3A_699, %sub3A_696 : vector<16xf32>
        %min3A_701 = vector.broadcast %jit3A_698 : f32 to vector<16xf32>
        %min3A_702 = arith.minimumf %min3A_701, %max3A_700 : vector<16xf32>
        %mul3A_703 = arith.constant 16 : i32
        %mul3A_704 = arith.muli %add3A_695, %mul3A_703 : i32
        %add3A_705 = arith.constant 8192 : i32
        %add3A_706 = arith.addi %add3A_705, %mul3A_704 : i32
        %swap3A_707 = arith.index_cast %add3A_706 : i32 to index
        %swap3A_708 = tpu.vector_load %arg5[%swap3A_707] {strides = array<i32>} : memref<16384xf32, #tpu.memory_space<vmem>>, vector<16xf32>,
        %swap3A_709 = vector.shape_cast %swap3A_708 : vector<16xf32> to vector<16xf32>
        %swap3A_710 = vector.shape_cast %min3A_702 : vector<16xf32> to vector<16xf32>
        tpu.vector_store %arg5[%swap3A_707], %swap3A_710 {strides = array<i32>} : memref<16384xf32, #tpu.memory_space<vmem>>, vector<16xf32>,
        %add3A_711 = arith.constant 1.600000e+01 : f32
        %add3A_712 = vector.broadcast %add3A_711 : f32 to vector<16xf32>
        %add3A_713 = arith.addf %add3A_691, %add3A_712 : vector<16xf32>
        %mul3A_714 = arith.constant 8 : i32
        %mul3A_715 = arith.muli %scan3A_563, %mul3A_714 : i32
        %add3A_716 = arith.constant 7 : i32
        %add3A_717 = arith.addi %mul3A_715, %add3A_716 : i32
        %sub3A_718 = arith.subf %broadcast_in_dim3A_404, %add3A_713 : vector<16xf32>
        %jit3A_719 = arith.constant 0.000000e+00 : f32
        %jit3A_720 = arith.constant 1.000000e+00 : f32
        %max3A_721 = vector.broadcast %jit3A_719 : f32 to vector<16xf32>
        %max3A_722 = arith.maximumf %max3A_721, %sub3A_718 : vector<16xf32>
        %min3A_723 = vector.broadcast %jit3A_720 : f32 to vector<16xf32>
        %min3A_724 = arith.minimumf %min3A_723, %max3A_722 : vector<16xf32>
        %mul3A_725 = arith.constant 16 : i32
        %mul3A_726 = arith.muli %add3A_717, %mul3A_725 : i32
        %add3A_727 = arith.constant 8192 : i32
        %add3A_728 = arith.addi %add3A_727, %mul3A_726 : i32
        %swap3A_729 = arith.index_cast %add3A_728 : i32 to index
        %swap3A_730 = tpu.vector_load %arg5[%swap3A_729] {strides = array<i32>} : memref<16384xf32, #tpu.memory_space<vmem>>, vector<16xf32>,
        %swap3A_731 = vector.shape_cast %swap3A_730 : vector<16xf32> to vector<16xf32>
        %swap3A_732 = vector.shape_cast %min3A_724 : vector<16xf32> to vector<16xf32>
        tpu.vector_store %arg5[%swap3A_729], %swap3A_732 {strides = array<i32>} : memref<16384xf32, #tpu.memory_space<vmem>>, vector<16xf32>,
        %add3A_733 = arith.constant 1.600000e+01 : f32
        %add3A_734 = vector.broadcast %add3A_733 : f32 to vector<16xf32>
        %add3A_735 = arith.addf %add3A_713, %add3A_734 : vector<16xf32>
        scf.yield %add3A_735 : vector<16xf32>
      }
      %scan3A_414 = arith.constant 64 : i32
      %add3A_415 = arith.addi %mul3A_2, %add3A_408 : i32
      %dma_start3A_416 = arith.constant 8192 : i32
      %dma_start3A_417 = tpu.memref_slice %arg5[%dma_start3A_416] : memref<16384xf32, #tpu.memory_space<vmem>> -> memref<8192xf32, #tpu.memory_space<vmem>>
      %dma_start3A_418 = arith.constant 0 : i32
      %dma_start3A_419 = tpu.memref_slice %arg3[%add3A_415, %dma_start3A_418] : memref<4096x8192xf32, #tpu.memory_space<hbm>> -> memref<1x8192xf32, #tpu.memory_space<hbm>>
      %dma_start3A_420 = tpu.memref_squeeze %dma_start3A_419 : memref<1x8192xf32, #tpu.memory_space<hbm>> -> memref<8192xf32, #tpu.memory_space<hbm>>
      %dma_start3A_421 = arith.constant 0 : i32
      %dma_start3A_422 = tpu.memref_slice %arg3[%add3A_415, %dma_start3A_421] : memref<4096x8192xf32, #tpu.memory_space<hbm>> -> memref<1x8192xf32, #tpu.memory_space<hbm>>
      %dma_start3A_423 = tpu.memref_squeeze %dma_start3A_422 : memref<1x8192xf32, #tpu.memory_space<hbm>> -> memref<8192xf32, #tpu.memory_space<hbm>>
      %dma_start3A_424 = arith.constant 8192 : i32
      %dma_start3A_425 = tpu.memref_slice %arg5[%dma_start3A_424] : memref<16384xf32, #tpu.memory_space<vmem>> -> memref<8192xf32, #tpu.memory_space<vmem>>
      tpu.enqueue_dma source(%dma_start3A_425 : memref<8192xf32, #tpu.memory_space<vmem>>) target(%dma_start3A_423 : memref<8192xf32, #tpu.memory_space<hbm>>) target_semaphore(%arg7 : memref<!tpu.dma_semaphore, #tpu.memory_space<semaphore_mem>>)
      %dma_wait3A_426 = arith.constant 0 : i32
      %dma_wait3A_427 = tpu.memref_slice %arg5[%dma_wait3A_426] : memref<16384xf32, #tpu.memory_space<vmem>> -> memref<8192xf32, #tpu.memory_space<vmem>>
      %dma_wait3A_428 = arith.constant 0 : i32
      %dma_wait3A_429 = tpu.memref_slice %arg3[%mul3A_2, %dma_wait3A_428] : memref<4096x8192xf32, #tpu.memory_space<hbm>> -> memref<1x8192xf32, #tpu.memory_space<hbm>>
      %dma_wait3A_430 = tpu.memref_squeeze %dma_wait3A_429 : memref<1x8192xf32, #tpu.memory_space<hbm>> -> memref<8192xf32, #tpu.memory_space<hbm>>
      %dma_wait3A_431 = arith.constant 0 : i32
      %dma_wait3A_432 = tpu.memref_slice %arg3[%mul3A_2, %dma_wait3A_431] : memref<4096x8192xf32, #tpu.memory_space<hbm>> -> memref<1x8192xf32, #tpu.memory_space<hbm>>
      %dma_wait3A_433 = tpu.memref_squeeze %dma_wait3A_432 : memref<1x8192xf32, #tpu.memory_space<hbm>> -> memref<8192xf32, #tpu.memory_space<hbm>>
      %dma_wait3A_434 = arith.constant 0 : i32
      %dma_wait3A_435 = tpu.memref_slice %arg5[%dma_wait3A_434] : memref<16384xf32, #tpu.memory_space<vmem>> -> memref<8192xf32, #tpu.memory_space<vmem>>
      tpu.wait_dma2 semaphore(%arg6 : memref<!tpu.dma_semaphore, #tpu.memory_space<semaphore_mem>>) src(%dma_wait3A_435 : memref<8192xf32, #tpu.memory_space<vmem>>) dst(%dma_wait3A_433 : memref<8192xf32, #tpu.memory_space<hbm>>)
      %slice3A_436 = vector.extract_strided_slice %get3A_33 {offsets = [12], sizes = [1], strides = [1]} : vector<16xf32> to vector<1xf32>
      %squeeze3A_437 = vector.extract %slice3A_436[0] : f32 from vector<1xf32>
      %broadcast_in_dim3A_438 = vector.broadcast %squeeze3A_437 : f32 to vector<16xf32>
      %mul3A_439 = arith.constant 16 : i32
      %mul3A_440 = arith.muli %scan3A_28, %mul3A_439 : i32
      %add3A_441 = arith.constant 12 : i32
      %add3A_442 = arith.addi %mul3A_440, %add3A_441 : i32
      %scan3A_443 = arith.constant 0 : i32
      %scan3A_444 = arith.constant 64 : i32
      %scan3A_445 = arith.addi %scan3A_443, %scan3A_444 : i32
      %scan3A_446 = arith.constant 1 : i32
      %scan3A_447 = scf.for %scan3A_563 = %scan3A_443 to %scan3A_445 step %scan3A_446 iter_args(%scan3A_564 = %convert_element_type3A) -> (vector<16xf32>)  : i32 {
        %mul3A_565 = arith.constant 8 : i32
        %mul3A_566 = arith.muli %scan3A_563, %mul3A_565 : i32
        %add3A_567 = arith.constant 0 : i32
        %add3A_568 = arith.addi %mul3A_566, %add3A_567 : i32
        %sub3A = arith.subf %broadcast_in_dim3A_438, %scan3A_564 : vector<16xf32>
        %jit3A = arith.constant 0.000000e+00 : f32
        %jit3A_569 = arith.constant 1.000000e+00 : f32
        %max3A = vector.broadcast %jit3A : f32 to vector<16xf32>
        %max3A_570 = arith.maximumf %max3A, %sub3A : vector<16xf32>
        %min3A = vector.broadcast %jit3A_569 : f32 to vector<16xf32>
        %min3A_571 = arith.minimumf %min3A, %max3A_570 : vector<16xf32>
        %mul3A_572 = arith.constant 16 : i32
        %mul3A_573 = arith.muli %add3A_568, %mul3A_572 : i32
        %add3A_574 = arith.constant 0 : i32
        %add3A_575 = arith.addi %add3A_574, %mul3A_573 : i32
        %swap3A = arith.index_cast %add3A_575 : i32 to index
        %swap3A_576 = tpu.vector_load %arg5[%swap3A] {strides = array<i32>} : memref<16384xf32, #tpu.memory_space<vmem>>, vector<16xf32>,
        %swap3A_577 = vector.shape_cast %swap3A_576 : vector<16xf32> to vector<16xf32>
        %swap3A_578 = vector.shape_cast %min3A_571 : vector<16xf32> to vector<16xf32>
        tpu.vector_store %arg5[%swap3A], %swap3A_578 {strides = array<i32>} : memref<16384xf32, #tpu.memory_space<vmem>>, vector<16xf32>,
        %add3A_579 = arith.constant 1.600000e+01 : f32
        %add3A_580 = vector.broadcast %add3A_579 : f32 to vector<16xf32>
        %add3A_581 = arith.addf %scan3A_564, %add3A_580 : vector<16xf32>
        %mul3A_582 = arith.constant 8 : i32
        %mul3A_583 = arith.muli %scan3A_563, %mul3A_582 : i32
        %add3A_584 = arith.constant 1 : i32
        %add3A_585 = arith.addi %mul3A_583, %add3A_584 : i32
        %sub3A_586 = arith.subf %broadcast_in_dim3A_438, %add3A_581 : vector<16xf32>
        %jit3A_587 = arith.constant 0.000000e+00 : f32
        %jit3A_588 = arith.constant 1.000000e+00 : f32
        %max3A_589 = vector.broadcast %jit3A_587 : f32 to vector<16xf32>
        %max3A_590 = arith.maximumf %max3A_589, %sub3A_586 : vector<16xf32>
        %min3A_591 = vector.broadcast %jit3A_588 : f32 to vector<16xf32>
        %min3A_592 = arith.minimumf %min3A_591, %max3A_590 : vector<16xf32>
        %mul3A_593 = arith.constant 16 : i32
        %mul3A_594 = arith.muli %add3A_585, %mul3A_593 : i32
        %add3A_595 = arith.constant 0 : i32
        %add3A_596 = arith.addi %add3A_595, %mul3A_594 : i32
        %swap3A_597 = arith.index_cast %add3A_596 : i32 to index
        %swap3A_598 = tpu.vector_load %arg5[%swap3A_597] {strides = array<i32>} : memref<16384xf32, #tpu.memory_space<vmem>>, vector<16xf32>,
        %swap3A_599 = vector.shape_cast %swap3A_598 : vector<16xf32> to vector<16xf32>
        %swap3A_600 = vector.shape_cast %min3A_592 : vector<16xf32> to vector<16xf32>
        tpu.vector_store %arg5[%swap3A_597], %swap3A_600 {strides = array<i32>} : memref<16384xf32, #tpu.memory_space<vmem>>, vector<16xf32>,
        %add3A_601 = arith.constant 1.600000e+01 : f32
        %add3A_602 = vector.broadcast %add3A_601 : f32 to vector<16xf32>
        %add3A_603 = arith.addf %add3A_581, %add3A_602 : vector<16xf32>
        %mul3A_604 = arith.constant 8 : i32
        %mul3A_605 = arith.muli %scan3A_563, %mul3A_604 : i32
        %add3A_606 = arith.constant 2 : i32
        %add3A_607 = arith.addi %mul3A_605, %add3A_606 : i32
        %sub3A_608 = arith.subf %broadcast_in_dim3A_438, %add3A_603 : vector<16xf32>
        %jit3A_609 = arith.constant 0.000000e+00 : f32
        %jit3A_610 = arith.constant 1.000000e+00 : f32
        %max3A_611 = vector.broadcast %jit3A_609 : f32 to vector<16xf32>
        %max3A_612 = arith.maximumf %max3A_611, %sub3A_608 : vector<16xf32>
        %min3A_613 = vector.broadcast %jit3A_610 : f32 to vector<16xf32>
        %min3A_614 = arith.minimumf %min3A_613, %max3A_612 : vector<16xf32>
        %mul3A_615 = arith.constant 16 : i32
        %mul3A_616 = arith.muli %add3A_607, %mul3A_615 : i32
        %add3A_617 = arith.constant 0 : i32
        %add3A_618 = arith.addi %add3A_617, %mul3A_616 : i32
        %swap3A_619 = arith.index_cast %add3A_618 : i32 to index
        %swap3A_620 = tpu.vector_load %arg5[%swap3A_619] {strides = array<i32>} : memref<16384xf32, #tpu.memory_space<vmem>>, vector<16xf32>,
        %swap3A_621 = vector.shape_cast %swap3A_620 : vector<16xf32> to vector<16xf32>
        %swap3A_622 = vector.shape_cast %min3A_614 : vector<16xf32> to vector<16xf32>
        tpu.vector_store %arg5[%swap3A_619], %swap3A_622 {strides = array<i32>} : memref<16384xf32, #tpu.memory_space<vmem>>, vector<16xf32>,
        %add3A_623 = arith.constant 1.600000e+01 : f32
        %add3A_624 = vector.broadcast %add3A_623 : f32 to vector<16xf32>
        %add3A_625 = arith.addf %add3A_603, %add3A_624 : vector<16xf32>
        %mul3A_626 = arith.constant 8 : i32
        %mul3A_627 = arith.muli %scan3A_563, %mul3A_626 : i32
        %add3A_628 = arith.constant 3 : i32
        %add3A_629 = arith.addi %mul3A_627, %add3A_628 : i32
        %sub3A_630 = arith.subf %broadcast_in_dim3A_438, %add3A_625 : vector<16xf32>
        %jit3A_631 = arith.constant 0.000000e+00 : f32
        %jit3A_632 = arith.constant 1.000000e+00 : f32
        %max3A_633 = vector.broadcast %jit3A_631 : f32 to vector<16xf32>
        %max3A_634 = arith.maximumf %max3A_633, %sub3A_630 : vector<16xf32>
        %min3A_635 = vector.broadcast %jit3A_632 : f32 to vector<16xf32>
        %min3A_636 = arith.minimumf %min3A_635, %max3A_634 : vector<16xf32>
        %mul3A_637 = arith.constant 16 : i32
        %mul3A_638 = arith.muli %add3A_629, %mul3A_637 : i32
        %add3A_639 = arith.constant 0 : i32
        %add3A_640 = arith.addi %add3A_639, %mul3A_638 : i32
        %swap3A_641 = arith.index_cast %add3A_640 : i32 to index
        %swap3A_642 = tpu.vector_load %arg5[%swap3A_641] {strides = array<i32>} : memref<16384xf32, #tpu.memory_space<vmem>>, vector<16xf32>,
        %swap3A_643 = vector.shape_cast %swap3A_642 : vector<16xf32> to vector<16xf32>
        %swap3A_644 = vector.shape_cast %min3A_636 : vector<16xf32> to vector<16xf32>
        tpu.vector_store %arg5[%swap3A_641], %swap3A_644 {strides = array<i32>} : memref<16384xf32, #tpu.memory_space<vmem>>, vector<16xf32>,
        %add3A_645 = arith.constant 1.600000e+01 : f32
        %add3A_646 = vector.broadcast %add3A_645 : f32 to vector<16xf32>
        %add3A_647 = arith.addf %add3A_625, %add3A_646 : vector<16xf32>
        %mul3A_648 = arith.constant 8 : i32
        %mul3A_649 = arith.muli %scan3A_563, %mul3A_648 : i32
        %add3A_650 = arith.constant 4 : i32
        %add3A_651 = arith.addi %mul3A_649, %add3A_650 : i32
        %sub3A_652 = arith.subf %broadcast_in_dim3A_438, %add3A_647 : vector<16xf32>
        %jit3A_653 = arith.constant 0.000000e+00 : f32
        %jit3A_654 = arith.constant 1.000000e+00 : f32
        %max3A_655 = vector.broadcast %jit3A_653 : f32 to vector<16xf32>
        %max3A_656 = arith.maximumf %max3A_655, %sub3A_652 : vector<16xf32>
        %min3A_657 = vector.broadcast %jit3A_654 : f32 to vector<16xf32>
        %min3A_658 = arith.minimumf %min3A_657, %max3A_656 : vector<16xf32>
        %mul3A_659 = arith.constant 16 : i32
        %mul3A_660 = arith.muli %add3A_651, %mul3A_659 : i32
        %add3A_661 = arith.constant 0 : i32
        %add3A_662 = arith.addi %add3A_661, %mul3A_660 : i32
        %swap3A_663 = arith.index_cast %add3A_662 : i32 to index
        %swap3A_664 = tpu.vector_load %arg5[%swap3A_663] {strides = array<i32>} : memref<16384xf32, #tpu.memory_space<vmem>>, vector<16xf32>,
        %swap3A_665 = vector.shape_cast %swap3A_664 : vector<16xf32> to vector<16xf32>
        %swap3A_666 = vector.shape_cast %min3A_658 : vector<16xf32> to vector<16xf32>
        tpu.vector_store %arg5[%swap3A_663], %swap3A_666 {strides = array<i32>} : memref<16384xf32, #tpu.memory_space<vmem>>, vector<16xf32>,
        %add3A_667 = arith.constant 1.600000e+01 : f32
        %add3A_668 = vector.broadcast %add3A_667 : f32 to vector<16xf32>
        %add3A_669 = arith.addf %add3A_647, %add3A_668 : vector<16xf32>
        %mul3A_670 = arith.constant 8 : i32
        %mul3A_671 = arith.muli %scan3A_563, %mul3A_670 : i32
        %add3A_672 = arith.constant 5 : i32
        %add3A_673 = arith.addi %mul3A_671, %add3A_672 : i32
        %sub3A_674 = arith.subf %broadcast_in_dim3A_438, %add3A_669 : vector<16xf32>
        %jit3A_675 = arith.constant 0.000000e+00 : f32
        %jit3A_676 = arith.constant 1.000000e+00 : f32
        %max3A_677 = vector.broadcast %jit3A_675 : f32 to vector<16xf32>
        %max3A_678 = arith.maximumf %max3A_677, %sub3A_674 : vector<16xf32>
        %min3A_679 = vector.broadcast %jit3A_676 : f32 to vector<16xf32>
        %min3A_680 = arith.minimumf %min3A_679, %max3A_678 : vector<16xf32>
        %mul3A_681 = arith.constant 16 : i32
        %mul3A_682 = arith.muli %add3A_673, %mul3A_681 : i32
        %add3A_683 = arith.constant 0 : i32
        %add3A_684 = arith.addi %add3A_683, %mul3A_682 : i32
        %swap3A_685 = arith.index_cast %add3A_684 : i32 to index
        %swap3A_686 = tpu.vector_load %arg5[%swap3A_685] {strides = array<i32>} : memref<16384xf32, #tpu.memory_space<vmem>>, vector<16xf32>,
        %swap3A_687 = vector.shape_cast %swap3A_686 : vector<16xf32> to vector<16xf32>
        %swap3A_688 = vector.shape_cast %min3A_680 : vector<16xf32> to vector<16xf32>
        tpu.vector_store %arg5[%swap3A_685], %swap3A_688 {strides = array<i32>} : memref<16384xf32, #tpu.memory_space<vmem>>, vector<16xf32>,
        %add3A_689 = arith.constant 1.600000e+01 : f32
        %add3A_690 = vector.broadcast %add3A_689 : f32 to vector<16xf32>
        %add3A_691 = arith.addf %add3A_669, %add3A_690 : vector<16xf32>
        %mul3A_692 = arith.constant 8 : i32
        %mul3A_693 = arith.muli %scan3A_563, %mul3A_692 : i32
        %add3A_694 = arith.constant 6 : i32
        %add3A_695 = arith.addi %mul3A_693, %add3A_694 : i32
        %sub3A_696 = arith.subf %broadcast_in_dim3A_438, %add3A_691 : vector<16xf32>
        %jit3A_697 = arith.constant 0.000000e+00 : f32
        %jit3A_698 = arith.constant 1.000000e+00 : f32
        %max3A_699 = vector.broadcast %jit3A_697 : f32 to vector<16xf32>
        %max3A_700 = arith.maximumf %max3A_699, %sub3A_696 : vector<16xf32>
        %min3A_701 = vector.broadcast %jit3A_698 : f32 to vector<16xf32>
        %min3A_702 = arith.minimumf %min3A_701, %max3A_700 : vector<16xf32>
        %mul3A_703 = arith.constant 16 : i32
        %mul3A_704 = arith.muli %add3A_695, %mul3A_703 : i32
        %add3A_705 = arith.constant 0 : i32
        %add3A_706 = arith.addi %add3A_705, %mul3A_704 : i32
        %swap3A_707 = arith.index_cast %add3A_706 : i32 to index
        %swap3A_708 = tpu.vector_load %arg5[%swap3A_707] {strides = array<i32>} : memref<16384xf32, #tpu.memory_space<vmem>>, vector<16xf32>,
        %swap3A_709 = vector.shape_cast %swap3A_708 : vector<16xf32> to vector<16xf32>
        %swap3A_710 = vector.shape_cast %min3A_702 : vector<16xf32> to vector<16xf32>
        tpu.vector_store %arg5[%swap3A_707], %swap3A_710 {strides = array<i32>} : memref<16384xf32, #tpu.memory_space<vmem>>, vector<16xf32>,
        %add3A_711 = arith.constant 1.600000e+01 : f32
        %add3A_712 = vector.broadcast %add3A_711 : f32 to vector<16xf32>
        %add3A_713 = arith.addf %add3A_691, %add3A_712 : vector<16xf32>
        %mul3A_714 = arith.constant 8 : i32
        %mul3A_715 = arith.muli %scan3A_563, %mul3A_714 : i32
        %add3A_716 = arith.constant 7 : i32
        %add3A_717 = arith.addi %mul3A_715, %add3A_716 : i32
        %sub3A_718 = arith.subf %broadcast_in_dim3A_438, %add3A_713 : vector<16xf32>
        %jit3A_719 = arith.constant 0.000000e+00 : f32
        %jit3A_720 = arith.constant 1.000000e+00 : f32
        %max3A_721 = vector.broadcast %jit3A_719 : f32 to vector<16xf32>
        %max3A_722 = arith.maximumf %max3A_721, %sub3A_718 : vector<16xf32>
        %min3A_723 = vector.broadcast %jit3A_720 : f32 to vector<16xf32>
        %min3A_724 = arith.minimumf %min3A_723, %max3A_722 : vector<16xf32>
        %mul3A_725 = arith.constant 16 : i32
        %mul3A_726 = arith.muli %add3A_717, %mul3A_725 : i32
        %add3A_727 = arith.constant 0 : i32
        %add3A_728 = arith.addi %add3A_727, %mul3A_726 : i32
        %swap3A_729 = arith.index_cast %add3A_728 : i32 to index
        %swap3A_730 = tpu.vector_load %arg5[%swap3A_729] {strides = array<i32>} : memref<16384xf32, #tpu.memory_space<vmem>>, vector<16xf32>,
        %swap3A_731 = vector.shape_cast %swap3A_730 : vector<16xf32> to vector<16xf32>
        %swap3A_732 = vector.shape_cast %min3A_724 : vector<16xf32> to vector<16xf32>
        tpu.vector_store %arg5[%swap3A_729], %swap3A_732 {strides = array<i32>} : memref<16384xf32, #tpu.memory_space<vmem>>, vector<16xf32>,
        %add3A_733 = arith.constant 1.600000e+01 : f32
        %add3A_734 = vector.broadcast %add3A_733 : f32 to vector<16xf32>
        %add3A_735 = arith.addf %add3A_713, %add3A_734 : vector<16xf32>
        scf.yield %add3A_735 : vector<16xf32>
      }
      %scan3A_448 = arith.constant 64 : i32
      %add3A_449 = arith.addi %mul3A_2, %add3A_442 : i32
      %dma_start3A_450 = arith.constant 0 : i32
      %dma_start3A_451 = tpu.memref_slice %arg5[%dma_start3A_450] : memref<16384xf32, #tpu.memory_space<vmem>> -> memref<8192xf32, #tpu.memory_space<vmem>>
      %dma_start3A_452 = arith.constant 0 : i32
      %dma_start3A_453 = tpu.memref_slice %arg3[%add3A_449, %dma_start3A_452] : memref<4096x8192xf32, #tpu.memory_space<hbm>> -> memref<1x8192xf32, #tpu.memory_space<hbm>>
      %dma_start3A_454 = tpu.memref_squeeze %dma_start3A_453 : memref<1x8192xf32, #tpu.memory_space<hbm>> -> memref<8192xf32, #tpu.memory_space<hbm>>
      %dma_start3A_455 = arith.constant 0 : i32
      %dma_start3A_456 = tpu.memref_slice %arg3[%add3A_449, %dma_start3A_455] : memref<4096x8192xf32, #tpu.memory_space<hbm>> -> memref<1x8192xf32, #tpu.memory_space<hbm>>
      %dma_start3A_457 = tpu.memref_squeeze %dma_start3A_456 : memref<1x8192xf32, #tpu.memory_space<hbm>> -> memref<8192xf32, #tpu.memory_space<hbm>>
      %dma_start3A_458 = arith.constant 0 : i32
      %dma_start3A_459 = tpu.memref_slice %arg5[%dma_start3A_458] : memref<16384xf32, #tpu.memory_space<vmem>> -> memref<8192xf32, #tpu.memory_space<vmem>>
      tpu.enqueue_dma source(%dma_start3A_459 : memref<8192xf32, #tpu.memory_space<vmem>>) target(%dma_start3A_457 : memref<8192xf32, #tpu.memory_space<hbm>>) target_semaphore(%arg6 : memref<!tpu.dma_semaphore, #tpu.memory_space<semaphore_mem>>)
      %dma_wait3A_460 = arith.constant 8192 : i32
      %dma_wait3A_461 = tpu.memref_slice %arg5[%dma_wait3A_460] : memref<16384xf32, #tpu.memory_space<vmem>> -> memref<8192xf32, #tpu.memory_space<vmem>>
      %dma_wait3A_462 = arith.constant 0 : i32
      %dma_wait3A_463 = tpu.memref_slice %arg3[%mul3A_2, %dma_wait3A_462] : memref<4096x8192xf32, #tpu.memory_space<hbm>> -> memref<1x8192xf32, #tpu.memory_space<hbm>>
      %dma_wait3A_464 = tpu.memref_squeeze %dma_wait3A_463 : memref<1x8192xf32, #tpu.memory_space<hbm>> -> memref<8192xf32, #tpu.memory_space<hbm>>
      %dma_wait3A_465 = arith.constant 0 : i32
      %dma_wait3A_466 = tpu.memref_slice %arg3[%mul3A_2, %dma_wait3A_465] : memref<4096x8192xf32, #tpu.memory_space<hbm>> -> memref<1x8192xf32, #tpu.memory_space<hbm>>
      %dma_wait3A_467 = tpu.memref_squeeze %dma_wait3A_466 : memref<1x8192xf32, #tpu.memory_space<hbm>> -> memref<8192xf32, #tpu.memory_space<hbm>>
      %dma_wait3A_468 = arith.constant 8192 : i32
      %dma_wait3A_469 = tpu.memref_slice %arg5[%dma_wait3A_468] : memref<16384xf32, #tpu.memory_space<vmem>> -> memref<8192xf32, #tpu.memory_space<vmem>>
      tpu.wait_dma2 semaphore(%arg7 : memref<!tpu.dma_semaphore, #tpu.memory_space<semaphore_mem>>) src(%dma_wait3A_469 : memref<8192xf32, #tpu.memory_space<vmem>>) dst(%dma_wait3A_467 : memref<8192xf32, #tpu.memory_space<hbm>>)
      %slice3A_470 = vector.extract_strided_slice %get3A_33 {offsets = [13], sizes = [1], strides = [1]} : vector<16xf32> to vector<1xf32>
      %squeeze3A_471 = vector.extract %slice3A_470[0] : f32 from vector<1xf32>
      %broadcast_in_dim3A_472 = vector.broadcast %squeeze3A_471 : f32 to vector<16xf32>
      %mul3A_473 = arith.constant 16 : i32
      %mul3A_474 = arith.muli %scan3A_28, %mul3A_473 : i32
      %add3A_475 = arith.constant 13 : i32
      %add3A_476 = arith.addi %mul3A_474, %add3A_475 : i32
      %scan3A_477 = arith.constant 0 : i32
      %scan3A_478 = arith.constant 64 : i32
      %scan3A_479 = arith.addi %scan3A_477, %scan3A_478 : i32
      %scan3A_480 = arith.constant 1 : i32
      %scan3A_481 = scf.for %scan3A_563 = %scan3A_477 to %scan3A_479 step %scan3A_480 iter_args(%scan3A_564 = %convert_element_type3A) -> (vector<16xf32>)  : i32 {
        %mul3A_565 = arith.constant 8 : i32
        %mul3A_566 = arith.muli %scan3A_563, %mul3A_565 : i32
        %add3A_567 = arith.constant 0 : i32
        %add3A_568 = arith.addi %mul3A_566, %add3A_567 : i32
        %sub3A = arith.subf %broadcast_in_dim3A_472, %scan3A_564 : vector<16xf32>
        %jit3A = arith.constant 0.000000e+00 : f32
        %jit3A_569 = arith.constant 1.000000e+00 : f32
        %max3A = vector.broadcast %jit3A : f32 to vector<16xf32>
        %max3A_570 = arith.maximumf %max3A, %sub3A : vector<16xf32>
        %min3A = vector.broadcast %jit3A_569 : f32 to vector<16xf32>
        %min3A_571 = arith.minimumf %min3A, %max3A_570 : vector<16xf32>
        %mul3A_572 = arith.constant 16 : i32
        %mul3A_573 = arith.muli %add3A_568, %mul3A_572 : i32
        %add3A_574 = arith.constant 8192 : i32
        %add3A_575 = arith.addi %add3A_574, %mul3A_573 : i32
        %swap3A = arith.index_cast %add3A_575 : i32 to index
        %swap3A_576 = tpu.vector_load %arg5[%swap3A] {strides = array<i32>} : memref<16384xf32, #tpu.memory_space<vmem>>, vector<16xf32>,
        %swap3A_577 = vector.shape_cast %swap3A_576 : vector<16xf32> to vector<16xf32>
        %swap3A_578 = vector.shape_cast %min3A_571 : vector<16xf32> to vector<16xf32>
        tpu.vector_store %arg5[%swap3A], %swap3A_578 {strides = array<i32>} : memref<16384xf32, #tpu.memory_space<vmem>>, vector<16xf32>,
        %add3A_579 = arith.constant 1.600000e+01 : f32
        %add3A_580 = vector.broadcast %add3A_579 : f32 to vector<16xf32>
        %add3A_581 = arith.addf %scan3A_564, %add3A_580 : vector<16xf32>
        %mul3A_582 = arith.constant 8 : i32
        %mul3A_583 = arith.muli %scan3A_563, %mul3A_582 : i32
        %add3A_584 = arith.constant 1 : i32
        %add3A_585 = arith.addi %mul3A_583, %add3A_584 : i32
        %sub3A_586 = arith.subf %broadcast_in_dim3A_472, %add3A_581 : vector<16xf32>
        %jit3A_587 = arith.constant 0.000000e+00 : f32
        %jit3A_588 = arith.constant 1.000000e+00 : f32
        %max3A_589 = vector.broadcast %jit3A_587 : f32 to vector<16xf32>
        %max3A_590 = arith.maximumf %max3A_589, %sub3A_586 : vector<16xf32>
        %min3A_591 = vector.broadcast %jit3A_588 : f32 to vector<16xf32>
        %min3A_592 = arith.minimumf %min3A_591, %max3A_590 : vector<16xf32>
        %mul3A_593 = arith.constant 16 : i32
        %mul3A_594 = arith.muli %add3A_585, %mul3A_593 : i32
        %add3A_595 = arith.constant 8192 : i32
        %add3A_596 = arith.addi %add3A_595, %mul3A_594 : i32
        %swap3A_597 = arith.index_cast %add3A_596 : i32 to index
        %swap3A_598 = tpu.vector_load %arg5[%swap3A_597] {strides = array<i32>} : memref<16384xf32, #tpu.memory_space<vmem>>, vector<16xf32>,
        %swap3A_599 = vector.shape_cast %swap3A_598 : vector<16xf32> to vector<16xf32>
        %swap3A_600 = vector.shape_cast %min3A_592 : vector<16xf32> to vector<16xf32>
        tpu.vector_store %arg5[%swap3A_597], %swap3A_600 {strides = array<i32>} : memref<16384xf32, #tpu.memory_space<vmem>>, vector<16xf32>,
        %add3A_601 = arith.constant 1.600000e+01 : f32
        %add3A_602 = vector.broadcast %add3A_601 : f32 to vector<16xf32>
        %add3A_603 = arith.addf %add3A_581, %add3A_602 : vector<16xf32>
        %mul3A_604 = arith.constant 8 : i32
        %mul3A_605 = arith.muli %scan3A_563, %mul3A_604 : i32
        %add3A_606 = arith.constant 2 : i32
        %add3A_607 = arith.addi %mul3A_605, %add3A_606 : i32
        %sub3A_608 = arith.subf %broadcast_in_dim3A_472, %add3A_603 : vector<16xf32>
        %jit3A_609 = arith.constant 0.000000e+00 : f32
        %jit3A_610 = arith.constant 1.000000e+00 : f32
        %max3A_611 = vector.broadcast %jit3A_609 : f32 to vector<16xf32>
        %max3A_612 = arith.maximumf %max3A_611, %sub3A_608 : vector<16xf32>
        %min3A_613 = vector.broadcast %jit3A_610 : f32 to vector<16xf32>
        %min3A_614 = arith.minimumf %min3A_613, %max3A_612 : vector<16xf32>
        %mul3A_615 = arith.constant 16 : i32
        %mul3A_616 = arith.muli %add3A_607, %mul3A_615 : i32
        %add3A_617 = arith.constant 8192 : i32
        %add3A_618 = arith.addi %add3A_617, %mul3A_616 : i32
        %swap3A_619 = arith.index_cast %add3A_618 : i32 to index
        %swap3A_620 = tpu.vector_load %arg5[%swap3A_619] {strides = array<i32>} : memref<16384xf32, #tpu.memory_space<vmem>>, vector<16xf32>,
        %swap3A_621 = vector.shape_cast %swap3A_620 : vector<16xf32> to vector<16xf32>
        %swap3A_622 = vector.shape_cast %min3A_614 : vector<16xf32> to vector<16xf32>
        tpu.vector_store %arg5[%swap3A_619], %swap3A_622 {strides = array<i32>} : memref<16384xf32, #tpu.memory_space<vmem>>, vector<16xf32>,
        %add3A_623 = arith.constant 1.600000e+01 : f32
        %add3A_624 = vector.broadcast %add3A_623 : f32 to vector<16xf32>
        %add3A_625 = arith.addf %add3A_603, %add3A_624 : vector<16xf32>
        %mul3A_626 = arith.constant 8 : i32
        %mul3A_627 = arith.muli %scan3A_563, %mul3A_626 : i32
        %add3A_628 = arith.constant 3 : i32
        %add3A_629 = arith.addi %mul3A_627, %add3A_628 : i32
        %sub3A_630 = arith.subf %broadcast_in_dim3A_472, %add3A_625 : vector<16xf32>
        %jit3A_631 = arith.constant 0.000000e+00 : f32
        %jit3A_632 = arith.constant 1.000000e+00 : f32
        %max3A_633 = vector.broadcast %jit3A_631 : f32 to vector<16xf32>
        %max3A_634 = arith.maximumf %max3A_633, %sub3A_630 : vector<16xf32>
        %min3A_635 = vector.broadcast %jit3A_632 : f32 to vector<16xf32>
        %min3A_636 = arith.minimumf %min3A_635, %max3A_634 : vector<16xf32>
        %mul3A_637 = arith.constant 16 : i32
        %mul3A_638 = arith.muli %add3A_629, %mul3A_637 : i32
        %add3A_639 = arith.constant 8192 : i32
        %add3A_640 = arith.addi %add3A_639, %mul3A_638 : i32
        %swap3A_641 = arith.index_cast %add3A_640 : i32 to index
        %swap3A_642 = tpu.vector_load %arg5[%swap3A_641] {strides = array<i32>} : memref<16384xf32, #tpu.memory_space<vmem>>, vector<16xf32>,
        %swap3A_643 = vector.shape_cast %swap3A_642 : vector<16xf32> to vector<16xf32>
        %swap3A_644 = vector.shape_cast %min3A_636 : vector<16xf32> to vector<16xf32>
        tpu.vector_store %arg5[%swap3A_641], %swap3A_644 {strides = array<i32>} : memref<16384xf32, #tpu.memory_space<vmem>>, vector<16xf32>,
        %add3A_645 = arith.constant 1.600000e+01 : f32
        %add3A_646 = vector.broadcast %add3A_645 : f32 to vector<16xf32>
        %add3A_647 = arith.addf %add3A_625, %add3A_646 : vector<16xf32>
        %mul3A_648 = arith.constant 8 : i32
        %mul3A_649 = arith.muli %scan3A_563, %mul3A_648 : i32
        %add3A_650 = arith.constant 4 : i32
        %add3A_651 = arith.addi %mul3A_649, %add3A_650 : i32
        %sub3A_652 = arith.subf %broadcast_in_dim3A_472, %add3A_647 : vector<16xf32>
        %jit3A_653 = arith.constant 0.000000e+00 : f32
        %jit3A_654 = arith.constant 1.000000e+00 : f32
        %max3A_655 = vector.broadcast %jit3A_653 : f32 to vector<16xf32>
        %max3A_656 = arith.maximumf %max3A_655, %sub3A_652 : vector<16xf32>
        %min3A_657 = vector.broadcast %jit3A_654 : f32 to vector<16xf32>
        %min3A_658 = arith.minimumf %min3A_657, %max3A_656 : vector<16xf32>
        %mul3A_659 = arith.constant 16 : i32
        %mul3A_660 = arith.muli %add3A_651, %mul3A_659 : i32
        %add3A_661 = arith.constant 8192 : i32
        %add3A_662 = arith.addi %add3A_661, %mul3A_660 : i32
        %swap3A_663 = arith.index_cast %add3A_662 : i32 to index
        %swap3A_664 = tpu.vector_load %arg5[%swap3A_663] {strides = array<i32>} : memref<16384xf32, #tpu.memory_space<vmem>>, vector<16xf32>,
        %swap3A_665 = vector.shape_cast %swap3A_664 : vector<16xf32> to vector<16xf32>
        %swap3A_666 = vector.shape_cast %min3A_658 : vector<16xf32> to vector<16xf32>
        tpu.vector_store %arg5[%swap3A_663], %swap3A_666 {strides = array<i32>} : memref<16384xf32, #tpu.memory_space<vmem>>, vector<16xf32>,
        %add3A_667 = arith.constant 1.600000e+01 : f32
        %add3A_668 = vector.broadcast %add3A_667 : f32 to vector<16xf32>
        %add3A_669 = arith.addf %add3A_647, %add3A_668 : vector<16xf32>
        %mul3A_670 = arith.constant 8 : i32
        %mul3A_671 = arith.muli %scan3A_563, %mul3A_670 : i32
        %add3A_672 = arith.constant 5 : i32
        %add3A_673 = arith.addi %mul3A_671, %add3A_672 : i32
        %sub3A_674 = arith.subf %broadcast_in_dim3A_472, %add3A_669 : vector<16xf32>
        %jit3A_675 = arith.constant 0.000000e+00 : f32
        %jit3A_676 = arith.constant 1.000000e+00 : f32
        %max3A_677 = vector.broadcast %jit3A_675 : f32 to vector<16xf32>
        %max3A_678 = arith.maximumf %max3A_677, %sub3A_674 : vector<16xf32>
        %min3A_679 = vector.broadcast %jit3A_676 : f32 to vector<16xf32>
        %min3A_680 = arith.minimumf %min3A_679, %max3A_678 : vector<16xf32>
        %mul3A_681 = arith.constant 16 : i32
        %mul3A_682 = arith.muli %add3A_673, %mul3A_681 : i32
        %add3A_683 = arith.constant 8192 : i32
        %add3A_684 = arith.addi %add3A_683, %mul3A_682 : i32
        %swap3A_685 = arith.index_cast %add3A_684 : i32 to index
        %swap3A_686 = tpu.vector_load %arg5[%swap3A_685] {strides = array<i32>} : memref<16384xf32, #tpu.memory_space<vmem>>, vector<16xf32>,
        %swap3A_687 = vector.shape_cast %swap3A_686 : vector<16xf32> to vector<16xf32>
        %swap3A_688 = vector.shape_cast %min3A_680 : vector<16xf32> to vector<16xf32>
        tpu.vector_store %arg5[%swap3A_685], %swap3A_688 {strides = array<i32>} : memref<16384xf32, #tpu.memory_space<vmem>>, vector<16xf32>,
        %add3A_689 = arith.constant 1.600000e+01 : f32
        %add3A_690 = vector.broadcast %add3A_689 : f32 to vector<16xf32>
        %add3A_691 = arith.addf %add3A_669, %add3A_690 : vector<16xf32>
        %mul3A_692 = arith.constant 8 : i32
        %mul3A_693 = arith.muli %scan3A_563, %mul3A_692 : i32
        %add3A_694 = arith.constant 6 : i32
        %add3A_695 = arith.addi %mul3A_693, %add3A_694 : i32
        %sub3A_696 = arith.subf %broadcast_in_dim3A_472, %add3A_691 : vector<16xf32>
        %jit3A_697 = arith.constant 0.000000e+00 : f32
        %jit3A_698 = arith.constant 1.000000e+00 : f32
        %max3A_699 = vector.broadcast %jit3A_697 : f32 to vector<16xf32>
        %max3A_700 = arith.maximumf %max3A_699, %sub3A_696 : vector<16xf32>
        %min3A_701 = vector.broadcast %jit3A_698 : f32 to vector<16xf32>
        %min3A_702 = arith.minimumf %min3A_701, %max3A_700 : vector<16xf32>
        %mul3A_703 = arith.constant 16 : i32
        %mul3A_704 = arith.muli %add3A_695, %mul3A_703 : i32
        %add3A_705 = arith.constant 8192 : i32
        %add3A_706 = arith.addi %add3A_705, %mul3A_704 : i32
        %swap3A_707 = arith.index_cast %add3A_706 : i32 to index
        %swap3A_708 = tpu.vector_load %arg5[%swap3A_707] {strides = array<i32>} : memref<16384xf32, #tpu.memory_space<vmem>>, vector<16xf32>,
        %swap3A_709 = vector.shape_cast %swap3A_708 : vector<16xf32> to vector<16xf32>
        %swap3A_710 = vector.shape_cast %min3A_702 : vector<16xf32> to vector<16xf32>
        tpu.vector_store %arg5[%swap3A_707], %swap3A_710 {strides = array<i32>} : memref<16384xf32, #tpu.memory_space<vmem>>, vector<16xf32>,
        %add3A_711 = arith.constant 1.600000e+01 : f32
        %add3A_712 = vector.broadcast %add3A_711 : f32 to vector<16xf32>
        %add3A_713 = arith.addf %add3A_691, %add3A_712 : vector<16xf32>
        %mul3A_714 = arith.constant 8 : i32
        %mul3A_715 = arith.muli %scan3A_563, %mul3A_714 : i32
        %add3A_716 = arith.constant 7 : i32
        %add3A_717 = arith.addi %mul3A_715, %add3A_716 : i32
        %sub3A_718 = arith.subf %broadcast_in_dim3A_472, %add3A_713 : vector<16xf32>
        %jit3A_719 = arith.constant 0.000000e+00 : f32
        %jit3A_720 = arith.constant 1.000000e+00 : f32
        %max3A_721 = vector.broadcast %jit3A_719 : f32 to vector<16xf32>
        %max3A_722 = arith.maximumf %max3A_721, %sub3A_718 : vector<16xf32>
        %min3A_723 = vector.broadcast %jit3A_720 : f32 to vector<16xf32>
        %min3A_724 = arith.minimumf %min3A_723, %max3A_722 : vector<16xf32>
        %mul3A_725 = arith.constant 16 : i32
        %mul3A_726 = arith.muli %add3A_717, %mul3A_725 : i32
        %add3A_727 = arith.constant 8192 : i32
        %add3A_728 = arith.addi %add3A_727, %mul3A_726 : i32
        %swap3A_729 = arith.index_cast %add3A_728 : i32 to index
        %swap3A_730 = tpu.vector_load %arg5[%swap3A_729] {strides = array<i32>} : memref<16384xf32, #tpu.memory_space<vmem>>, vector<16xf32>,
        %swap3A_731 = vector.shape_cast %swap3A_730 : vector<16xf32> to vector<16xf32>
        %swap3A_732 = vector.shape_cast %min3A_724 : vector<16xf32> to vector<16xf32>
        tpu.vector_store %arg5[%swap3A_729], %swap3A_732 {strides = array<i32>} : memref<16384xf32, #tpu.memory_space<vmem>>, vector<16xf32>,
        %add3A_733 = arith.constant 1.600000e+01 : f32
        %add3A_734 = vector.broadcast %add3A_733 : f32 to vector<16xf32>
        %add3A_735 = arith.addf %add3A_713, %add3A_734 : vector<16xf32>
        scf.yield %add3A_735 : vector<16xf32>
      }
      %scan3A_482 = arith.constant 64 : i32
      %add3A_483 = arith.addi %mul3A_2, %add3A_476 : i32
      %dma_start3A_484 = arith.constant 8192 : i32
      %dma_start3A_485 = tpu.memref_slice %arg5[%dma_start3A_484] : memref<16384xf32, #tpu.memory_space<vmem>> -> memref<8192xf32, #tpu.memory_space<vmem>>
      %dma_start3A_486 = arith.constant 0 : i32
      %dma_start3A_487 = tpu.memref_slice %arg3[%add3A_483, %dma_start3A_486] : memref<4096x8192xf32, #tpu.memory_space<hbm>> -> memref<1x8192xf32, #tpu.memory_space<hbm>>
      %dma_start3A_488 = tpu.memref_squeeze %dma_start3A_487 : memref<1x8192xf32, #tpu.memory_space<hbm>> -> memref<8192xf32, #tpu.memory_space<hbm>>
      %dma_start3A_489 = arith.constant 0 : i32
      %dma_start3A_490 = tpu.memref_slice %arg3[%add3A_483, %dma_start3A_489] : memref<4096x8192xf32, #tpu.memory_space<hbm>> -> memref<1x8192xf32, #tpu.memory_space<hbm>>
      %dma_start3A_491 = tpu.memref_squeeze %dma_start3A_490 : memref<1x8192xf32, #tpu.memory_space<hbm>> -> memref<8192xf32, #tpu.memory_space<hbm>>
      %dma_start3A_492 = arith.constant 8192 : i32
      %dma_start3A_493 = tpu.memref_slice %arg5[%dma_start3A_492] : memref<16384xf32, #tpu.memory_space<vmem>> -> memref<8192xf32, #tpu.memory_space<vmem>>
      tpu.enqueue_dma source(%dma_start3A_493 : memref<8192xf32, #tpu.memory_space<vmem>>) target(%dma_start3A_491 : memref<8192xf32, #tpu.memory_space<hbm>>) target_semaphore(%arg7 : memref<!tpu.dma_semaphore, #tpu.memory_space<semaphore_mem>>)
      %dma_wait3A_494 = arith.constant 0 : i32
      %dma_wait3A_495 = tpu.memref_slice %arg5[%dma_wait3A_494] : memref<16384xf32, #tpu.memory_space<vmem>> -> memref<8192xf32, #tpu.memory_space<vmem>>
      %dma_wait3A_496 = arith.constant 0 : i32
      %dma_wait3A_497 = tpu.memref_slice %arg3[%mul3A_2, %dma_wait3A_496] : memref<4096x8192xf32, #tpu.memory_space<hbm>> -> memref<1x8192xf32, #tpu.memory_space<hbm>>
      %dma_wait3A_498 = tpu.memref_squeeze %dma_wait3A_497 : memref<1x8192xf32, #tpu.memory_space<hbm>> -> memref<8192xf32, #tpu.memory_space<hbm>>
      %dma_wait3A_499 = arith.constant 0 : i32
      %dma_wait3A_500 = tpu.memref_slice %arg3[%mul3A_2, %dma_wait3A_499] : memref<4096x8192xf32, #tpu.memory_space<hbm>> -> memref<1x8192xf32, #tpu.memory_space<hbm>>
      %dma_wait3A_501 = tpu.memref_squeeze %dma_wait3A_500 : memref<1x8192xf32, #tpu.memory_space<hbm>> -> memref<8192xf32, #tpu.memory_space<hbm>>
      %dma_wait3A_502 = arith.constant 0 : i32
      %dma_wait3A_503 = tpu.memref_slice %arg5[%dma_wait3A_502] : memref<16384xf32, #tpu.memory_space<vmem>> -> memref<8192xf32, #tpu.memory_space<vmem>>
      tpu.wait_dma2 semaphore(%arg6 : memref<!tpu.dma_semaphore, #tpu.memory_space<semaphore_mem>>) src(%dma_wait3A_503 : memref<8192xf32, #tpu.memory_space<vmem>>) dst(%dma_wait3A_501 : memref<8192xf32, #tpu.memory_space<hbm>>)
      %slice3A_504 = vector.extract_strided_slice %get3A_33 {offsets = [14], sizes = [1], strides = [1]} : vector<16xf32> to vector<1xf32>
      %squeeze3A_505 = vector.extract %slice3A_504[0] : f32 from vector<1xf32>
      %broadcast_in_dim3A_506 = vector.broadcast %squeeze3A_505 : f32 to vector<16xf32>
      %mul3A_507 = arith.constant 16 : i32
      %mul3A_508 = arith.muli %scan3A_28, %mul3A_507 : i32
      %add3A_509 = arith.constant 14 : i32
      %add3A_510 = arith.addi %mul3A_508, %add3A_509 : i32
      %scan3A_511 = arith.constant 0 : i32
      %scan3A_512 = arith.constant 64 : i32
      %scan3A_513 = arith.addi %scan3A_511, %scan3A_512 : i32
      %scan3A_514 = arith.constant 1 : i32
      %scan3A_515 = scf.for %scan3A_563 = %scan3A_511 to %scan3A_513 step %scan3A_514 iter_args(%scan3A_564 = %convert_element_type3A) -> (vector<16xf32>)  : i32 {
        %mul3A_565 = arith.constant 8 : i32
        %mul3A_566 = arith.muli %scan3A_563, %mul3A_565 : i32
        %add3A_567 = arith.constant 0 : i32
        %add3A_568 = arith.addi %mul3A_566, %add3A_567 : i32
        %sub3A = arith.subf %broadcast_in_dim3A_506, %scan3A_564 : vector<16xf32>
        %jit3A = arith.constant 0.000000e+00 : f32
        %jit3A_569 = arith.constant 1.000000e+00 : f32
        %max3A = vector.broadcast %jit3A : f32 to vector<16xf32>
        %max3A_570 = arith.maximumf %max3A, %sub3A : vector<16xf32>
        %min3A = vector.broadcast %jit3A_569 : f32 to vector<16xf32>
        %min3A_571 = arith.minimumf %min3A, %max3A_570 : vector<16xf32>
        %mul3A_572 = arith.constant 16 : i32
        %mul3A_573 = arith.muli %add3A_568, %mul3A_572 : i32
        %add3A_574 = arith.constant 0 : i32
        %add3A_575 = arith.addi %add3A_574, %mul3A_573 : i32
        %swap3A = arith.index_cast %add3A_575 : i32 to index
        %swap3A_576 = tpu.vector_load %arg5[%swap3A] {strides = array<i32>} : memref<16384xf32, #tpu.memory_space<vmem>>, vector<16xf32>,
        %swap3A_577 = vector.shape_cast %swap3A_576 : vector<16xf32> to vector<16xf32>
        %swap3A_578 = vector.shape_cast %min3A_571 : vector<16xf32> to vector<16xf32>
        tpu.vector_store %arg5[%swap3A], %swap3A_578 {strides = array<i32>} : memref<16384xf32, #tpu.memory_space<vmem>>, vector<16xf32>,
        %add3A_579 = arith.constant 1.600000e+01 : f32
        %add3A_580 = vector.broadcast %add3A_579 : f32 to vector<16xf32>
        %add3A_581 = arith.addf %scan3A_564, %add3A_580 : vector<16xf32>
        %mul3A_582 = arith.constant 8 : i32
        %mul3A_583 = arith.muli %scan3A_563, %mul3A_582 : i32
        %add3A_584 = arith.constant 1 : i32
        %add3A_585 = arith.addi %mul3A_583, %add3A_584 : i32
        %sub3A_586 = arith.subf %broadcast_in_dim3A_506, %add3A_581 : vector<16xf32>
        %jit3A_587 = arith.constant 0.000000e+00 : f32
        %jit3A_588 = arith.constant 1.000000e+00 : f32
        %max3A_589 = vector.broadcast %jit3A_587 : f32 to vector<16xf32>
        %max3A_590 = arith.maximumf %max3A_589, %sub3A_586 : vector<16xf32>
        %min3A_591 = vector.broadcast %jit3A_588 : f32 to vector<16xf32>
        %min3A_592 = arith.minimumf %min3A_591, %max3A_590 : vector<16xf32>
        %mul3A_593 = arith.constant 16 : i32
        %mul3A_594 = arith.muli %add3A_585, %mul3A_593 : i32
        %add3A_595 = arith.constant 0 : i32
        %add3A_596 = arith.addi %add3A_595, %mul3A_594 : i32
        %swap3A_597 = arith.index_cast %add3A_596 : i32 to index
        %swap3A_598 = tpu.vector_load %arg5[%swap3A_597] {strides = array<i32>} : memref<16384xf32, #tpu.memory_space<vmem>>, vector<16xf32>,
        %swap3A_599 = vector.shape_cast %swap3A_598 : vector<16xf32> to vector<16xf32>
        %swap3A_600 = vector.shape_cast %min3A_592 : vector<16xf32> to vector<16xf32>
        tpu.vector_store %arg5[%swap3A_597], %swap3A_600 {strides = array<i32>} : memref<16384xf32, #tpu.memory_space<vmem>>, vector<16xf32>,
        %add3A_601 = arith.constant 1.600000e+01 : f32
        %add3A_602 = vector.broadcast %add3A_601 : f32 to vector<16xf32>
        %add3A_603 = arith.addf %add3A_581, %add3A_602 : vector<16xf32>
        %mul3A_604 = arith.constant 8 : i32
        %mul3A_605 = arith.muli %scan3A_563, %mul3A_604 : i32
        %add3A_606 = arith.constant 2 : i32
        %add3A_607 = arith.addi %mul3A_605, %add3A_606 : i32
        %sub3A_608 = arith.subf %broadcast_in_dim3A_506, %add3A_603 : vector<16xf32>
        %jit3A_609 = arith.constant 0.000000e+00 : f32
        %jit3A_610 = arith.constant 1.000000e+00 : f32
        %max3A_611 = vector.broadcast %jit3A_609 : f32 to vector<16xf32>
        %max3A_612 = arith.maximumf %max3A_611, %sub3A_608 : vector<16xf32>
        %min3A_613 = vector.broadcast %jit3A_610 : f32 to vector<16xf32>
        %min3A_614 = arith.minimumf %min3A_613, %max3A_612 : vector<16xf32>
        %mul3A_615 = arith.constant 16 : i32
        %mul3A_616 = arith.muli %add3A_607, %mul3A_615 : i32
        %add3A_617 = arith.constant 0 : i32
        %add3A_618 = arith.addi %add3A_617, %mul3A_616 : i32
        %swap3A_619 = arith.index_cast %add3A_618 : i32 to index
        %swap3A_620 = tpu.vector_load %arg5[%swap3A_619] {strides = array<i32>} : memref<16384xf32, #tpu.memory_space<vmem>>, vector<16xf32>,
        %swap3A_621 = vector.shape_cast %swap3A_620 : vector<16xf32> to vector<16xf32>
        %swap3A_622 = vector.shape_cast %min3A_614 : vector<16xf32> to vector<16xf32>
        tpu.vector_store %arg5[%swap3A_619], %swap3A_622 {strides = array<i32>} : memref<16384xf32, #tpu.memory_space<vmem>>, vector<16xf32>,
        %add3A_623 = arith.constant 1.600000e+01 : f32
        %add3A_624 = vector.broadcast %add3A_623 : f32 to vector<16xf32>
        %add3A_625 = arith.addf %add3A_603, %add3A_624 : vector<16xf32>
        %mul3A_626 = arith.constant 8 : i32
        %mul3A_627 = arith.muli %scan3A_563, %mul3A_626 : i32
        %add3A_628 = arith.constant 3 : i32
        %add3A_629 = arith.addi %mul3A_627, %add3A_628 : i32
        %sub3A_630 = arith.subf %broadcast_in_dim3A_506, %add3A_625 : vector<16xf32>
        %jit3A_631 = arith.constant 0.000000e+00 : f32
        %jit3A_632 = arith.constant 1.000000e+00 : f32
        %max3A_633 = vector.broadcast %jit3A_631 : f32 to vector<16xf32>
        %max3A_634 = arith.maximumf %max3A_633, %sub3A_630 : vector<16xf32>
        %min3A_635 = vector.broadcast %jit3A_632 : f32 to vector<16xf32>
        %min3A_636 = arith.minimumf %min3A_635, %max3A_634 : vector<16xf32>
        %mul3A_637 = arith.constant 16 : i32
        %mul3A_638 = arith.muli %add3A_629, %mul3A_637 : i32
        %add3A_639 = arith.constant 0 : i32
        %add3A_640 = arith.addi %add3A_639, %mul3A_638 : i32
        %swap3A_641 = arith.index_cast %add3A_640 : i32 to index
        %swap3A_642 = tpu.vector_load %arg5[%swap3A_641] {strides = array<i32>} : memref<16384xf32, #tpu.memory_space<vmem>>, vector<16xf32>,
        %swap3A_643 = vector.shape_cast %swap3A_642 : vector<16xf32> to vector<16xf32>
        %swap3A_644 = vector.shape_cast %min3A_636 : vector<16xf32> to vector<16xf32>
        tpu.vector_store %arg5[%swap3A_641], %swap3A_644 {strides = array<i32>} : memref<16384xf32, #tpu.memory_space<vmem>>, vector<16xf32>,
        %add3A_645 = arith.constant 1.600000e+01 : f32
        %add3A_646 = vector.broadcast %add3A_645 : f32 to vector<16xf32>
        %add3A_647 = arith.addf %add3A_625, %add3A_646 : vector<16xf32>
        %mul3A_648 = arith.constant 8 : i32
        %mul3A_649 = arith.muli %scan3A_563, %mul3A_648 : i32
        %add3A_650 = arith.constant 4 : i32
        %add3A_651 = arith.addi %mul3A_649, %add3A_650 : i32
        %sub3A_652 = arith.subf %broadcast_in_dim3A_506, %add3A_647 : vector<16xf32>
        %jit3A_653 = arith.constant 0.000000e+00 : f32
        %jit3A_654 = arith.constant 1.000000e+00 : f32
        %max3A_655 = vector.broadcast %jit3A_653 : f32 to vector<16xf32>
        %max3A_656 = arith.maximumf %max3A_655, %sub3A_652 : vector<16xf32>
        %min3A_657 = vector.broadcast %jit3A_654 : f32 to vector<16xf32>
        %min3A_658 = arith.minimumf %min3A_657, %max3A_656 : vector<16xf32>
        %mul3A_659 = arith.constant 16 : i32
        %mul3A_660 = arith.muli %add3A_651, %mul3A_659 : i32
        %add3A_661 = arith.constant 0 : i32
        %add3A_662 = arith.addi %add3A_661, %mul3A_660 : i32
        %swap3A_663 = arith.index_cast %add3A_662 : i32 to index
        %swap3A_664 = tpu.vector_load %arg5[%swap3A_663] {strides = array<i32>} : memref<16384xf32, #tpu.memory_space<vmem>>, vector<16xf32>,
        %swap3A_665 = vector.shape_cast %swap3A_664 : vector<16xf32> to vector<16xf32>
        %swap3A_666 = vector.shape_cast %min3A_658 : vector<16xf32> to vector<16xf32>
        tpu.vector_store %arg5[%swap3A_663], %swap3A_666 {strides = array<i32>} : memref<16384xf32, #tpu.memory_space<vmem>>, vector<16xf32>,
        %add3A_667 = arith.constant 1.600000e+01 : f32
        %add3A_668 = vector.broadcast %add3A_667 : f32 to vector<16xf32>
        %add3A_669 = arith.addf %add3A_647, %add3A_668 : vector<16xf32>
        %mul3A_670 = arith.constant 8 : i32
        %mul3A_671 = arith.muli %scan3A_563, %mul3A_670 : i32
        %add3A_672 = arith.constant 5 : i32
        %add3A_673 = arith.addi %mul3A_671, %add3A_672 : i32
        %sub3A_674 = arith.subf %broadcast_in_dim3A_506, %add3A_669 : vector<16xf32>
        %jit3A_675 = arith.constant 0.000000e+00 : f32
        %jit3A_676 = arith.constant 1.000000e+00 : f32
        %max3A_677 = vector.broadcast %jit3A_675 : f32 to vector<16xf32>
        %max3A_678 = arith.maximumf %max3A_677, %sub3A_674 : vector<16xf32>
        %min3A_679 = vector.broadcast %jit3A_676 : f32 to vector<16xf32>
        %min3A_680 = arith.minimumf %min3A_679, %max3A_678 : vector<16xf32>
        %mul3A_681 = arith.constant 16 : i32
        %mul3A_682 = arith.muli %add3A_673, %mul3A_681 : i32
        %add3A_683 = arith.constant 0 : i32
        %add3A_684 = arith.addi %add3A_683, %mul3A_682 : i32
        %swap3A_685 = arith.index_cast %add3A_684 : i32 to index
        %swap3A_686 = tpu.vector_load %arg5[%swap3A_685] {strides = array<i32>} : memref<16384xf32, #tpu.memory_space<vmem>>, vector<16xf32>,
        %swap3A_687 = vector.shape_cast %swap3A_686 : vector<16xf32> to vector<16xf32>
        %swap3A_688 = vector.shape_cast %min3A_680 : vector<16xf32> to vector<16xf32>
        tpu.vector_store %arg5[%swap3A_685], %swap3A_688 {strides = array<i32>} : memref<16384xf32, #tpu.memory_space<vmem>>, vector<16xf32>,
        %add3A_689 = arith.constant 1.600000e+01 : f32
        %add3A_690 = vector.broadcast %add3A_689 : f32 to vector<16xf32>
        %add3A_691 = arith.addf %add3A_669, %add3A_690 : vector<16xf32>
        %mul3A_692 = arith.constant 8 : i32
        %mul3A_693 = arith.muli %scan3A_563, %mul3A_692 : i32
        %add3A_694 = arith.constant 6 : i32
        %add3A_695 = arith.addi %mul3A_693, %add3A_694 : i32
        %sub3A_696 = arith.subf %broadcast_in_dim3A_506, %add3A_691 : vector<16xf32>
        %jit3A_697 = arith.constant 0.000000e+00 : f32
        %jit3A_698 = arith.constant 1.000000e+00 : f32
        %max3A_699 = vector.broadcast %jit3A_697 : f32 to vector<16xf32>
        %max3A_700 = arith.maximumf %max3A_699, %sub3A_696 : vector<16xf32>
        %min3A_701 = vector.broadcast %jit3A_698 : f32 to vector<16xf32>
        %min3A_702 = arith.minimumf %min3A_701, %max3A_700 : vector<16xf32>
        %mul3A_703 = arith.constant 16 : i32
        %mul3A_704 = arith.muli %add3A_695, %mul3A_703 : i32
        %add3A_705 = arith.constant 0 : i32
        %add3A_706 = arith.addi %add3A_705, %mul3A_704 : i32
        %swap3A_707 = arith.index_cast %add3A_706 : i32 to index
        %swap3A_708 = tpu.vector_load %arg5[%swap3A_707] {strides = array<i32>} : memref<16384xf32, #tpu.memory_space<vmem>>, vector<16xf32>,
        %swap3A_709 = vector.shape_cast %swap3A_708 : vector<16xf32> to vector<16xf32>
        %swap3A_710 = vector.shape_cast %min3A_702 : vector<16xf32> to vector<16xf32>
        tpu.vector_store %arg5[%swap3A_707], %swap3A_710 {strides = array<i32>} : memref<16384xf32, #tpu.memory_space<vmem>>, vector<16xf32>,
        %add3A_711 = arith.constant 1.600000e+01 : f32
        %add3A_712 = vector.broadcast %add3A_711 : f32 to vector<16xf32>
        %add3A_713 = arith.addf %add3A_691, %add3A_712 : vector<16xf32>
        %mul3A_714 = arith.constant 8 : i32
        %mul3A_715 = arith.muli %scan3A_563, %mul3A_714 : i32
        %add3A_716 = arith.constant 7 : i32
        %add3A_717 = arith.addi %mul3A_715, %add3A_716 : i32
        %sub3A_718 = arith.subf %broadcast_in_dim3A_506, %add3A_713 : vector<16xf32>
        %jit3A_719 = arith.constant 0.000000e+00 : f32
        %jit3A_720 = arith.constant 1.000000e+00 : f32
        %max3A_721 = vector.broadcast %jit3A_719 : f32 to vector<16xf32>
        %max3A_722 = arith.maximumf %max3A_721, %sub3A_718 : vector<16xf32>
        %min3A_723 = vector.broadcast %jit3A_720 : f32 to vector<16xf32>
        %min3A_724 = arith.minimumf %min3A_723, %max3A_722 : vector<16xf32>
        %mul3A_725 = arith.constant 16 : i32
        %mul3A_726 = arith.muli %add3A_717, %mul3A_725 : i32
        %add3A_727 = arith.constant 0 : i32
        %add3A_728 = arith.addi %add3A_727, %mul3A_726 : i32
        %swap3A_729 = arith.index_cast %add3A_728 : i32 to index
        %swap3A_730 = tpu.vector_load %arg5[%swap3A_729] {strides = array<i32>} : memref<16384xf32, #tpu.memory_space<vmem>>, vector<16xf32>,
        %swap3A_731 = vector.shape_cast %swap3A_730 : vector<16xf32> to vector<16xf32>
        %swap3A_732 = vector.shape_cast %min3A_724 : vector<16xf32> to vector<16xf32>
        tpu.vector_store %arg5[%swap3A_729], %swap3A_732 {strides = array<i32>} : memref<16384xf32, #tpu.memory_space<vmem>>, vector<16xf32>,
        %add3A_733 = arith.constant 1.600000e+01 : f32
        %add3A_734 = vector.broadcast %add3A_733 : f32 to vector<16xf32>
        %add3A_735 = arith.addf %add3A_713, %add3A_734 : vector<16xf32>
        scf.yield %add3A_735 : vector<16xf32>
      }
      %scan3A_516 = arith.constant 64 : i32
      %add3A_517 = arith.addi %mul3A_2, %add3A_510 : i32
      %dma_start3A_518 = arith.constant 0 : i32
      %dma_start3A_519 = tpu.memref_slice %arg5[%dma_start3A_518] : memref<16384xf32, #tpu.memory_space<vmem>> -> memref<8192xf32, #tpu.memory_space<vmem>>
      %dma_start3A_520 = arith.constant 0 : i32
      %dma_start3A_521 = tpu.memref_slice %arg3[%add3A_517, %dma_start3A_520] : memref<4096x8192xf32, #tpu.memory_space<hbm>> -> memref<1x8192xf32, #tpu.memory_space<hbm>>
      %dma_start3A_522 = tpu.memref_squeeze %dma_start3A_521 : memref<1x8192xf32, #tpu.memory_space<hbm>> -> memref<8192xf32, #tpu.memory_space<hbm>>
      %dma_start3A_523 = arith.constant 0 : i32
      %dma_start3A_524 = tpu.memref_slice %arg3[%add3A_517, %dma_start3A_523] : memref<4096x8192xf32, #tpu.memory_space<hbm>> -> memref<1x8192xf32, #tpu.memory_space<hbm>>
      %dma_start3A_525 = tpu.memref_squeeze %dma_start3A_524 : memref<1x8192xf32, #tpu.memory_space<hbm>> -> memref<8192xf32, #tpu.memory_space<hbm>>
      %dma_start3A_526 = arith.constant 0 : i32
      %dma_start3A_527 = tpu.memref_slice %arg5[%dma_start3A_526] : memref<16384xf32, #tpu.memory_space<vmem>> -> memref<8192xf32, #tpu.memory_space<vmem>>
      tpu.enqueue_dma source(%dma_start3A_527 : memref<8192xf32, #tpu.memory_space<vmem>>) target(%dma_start3A_525 : memref<8192xf32, #tpu.memory_space<hbm>>) target_semaphore(%arg6 : memref<!tpu.dma_semaphore, #tpu.memory_space<semaphore_mem>>)
      %dma_wait3A_528 = arith.constant 8192 : i32
      %dma_wait3A_529 = tpu.memref_slice %arg5[%dma_wait3A_528] : memref<16384xf32, #tpu.memory_space<vmem>> -> memref<8192xf32, #tpu.memory_space<vmem>>
      %dma_wait3A_530 = arith.constant 0 : i32
      %dma_wait3A_531 = tpu.memref_slice %arg3[%mul3A_2, %dma_wait3A_530] : memref<4096x8192xf32, #tpu.memory_space<hbm>> -> memref<1x8192xf32, #tpu.memory_space<hbm>>
      %dma_wait3A_532 = tpu.memref_squeeze %dma_wait3A_531 : memref<1x8192xf32, #tpu.memory_space<hbm>> -> memref<8192xf32, #tpu.memory_space<hbm>>
      %dma_wait3A_533 = arith.constant 0 : i32
      %dma_wait3A_534 = tpu.memref_slice %arg3[%mul3A_2, %dma_wait3A_533] : memref<4096x8192xf32, #tpu.memory_space<hbm>> -> memref<1x8192xf32, #tpu.memory_space<hbm>>
      %dma_wait3A_535 = tpu.memref_squeeze %dma_wait3A_534 : memref<1x8192xf32, #tpu.memory_space<hbm>> -> memref<8192xf32, #tpu.memory_space<hbm>>
      %dma_wait3A_536 = arith.constant 8192 : i32
      %dma_wait3A_537 = tpu.memref_slice %arg5[%dma_wait3A_536] : memref<16384xf32, #tpu.memory_space<vmem>> -> memref<8192xf32, #tpu.memory_space<vmem>>
      tpu.wait_dma2 semaphore(%arg7 : memref<!tpu.dma_semaphore, #tpu.memory_space<semaphore_mem>>) src(%dma_wait3A_537 : memref<8192xf32, #tpu.memory_space<vmem>>) dst(%dma_wait3A_535 : memref<8192xf32, #tpu.memory_space<hbm>>)
      %slice3A_538 = vector.extract_strided_slice %get3A_33 {offsets = [15], sizes = [1], strides = [1]} : vector<16xf32> to vector<1xf32>
      %squeeze3A_539 = vector.extract %slice3A_538[0] : f32 from vector<1xf32>
      %broadcast_in_dim3A_540 = vector.broadcast %squeeze3A_539 : f32 to vector<16xf32>
      %mul3A_541 = arith.constant 16 : i32
      %mul3A_542 = arith.muli %scan3A_28, %mul3A_541 : i32
      %add3A_543 = arith.constant 15 : i32
      %add3A_544 = arith.addi %mul3A_542, %add3A_543 : i32
      %scan3A_545 = arith.constant 0 : i32
      %scan3A_546 = arith.constant 64 : i32
      %scan3A_547 = arith.addi %scan3A_545, %scan3A_546 : i32
      %scan3A_548 = arith.constant 1 : i32
      %scan3A_549 = scf.for %scan3A_563 = %scan3A_545 to %scan3A_547 step %scan3A_548 iter_args(%scan3A_564 = %convert_element_type3A) -> (vector<16xf32>)  : i32 {
        %mul3A_565 = arith.constant 8 : i32
        %mul3A_566 = arith.muli %scan3A_563, %mul3A_565 : i32
        %add3A_567 = arith.constant 0 : i32
        %add3A_568 = arith.addi %mul3A_566, %add3A_567 : i32
        %sub3A = arith.subf %broadcast_in_dim3A_540, %scan3A_564 : vector<16xf32>
        %jit3A = arith.constant 0.000000e+00 : f32
        %jit3A_569 = arith.constant 1.000000e+00 : f32
        %max3A = vector.broadcast %jit3A : f32 to vector<16xf32>
        %max3A_570 = arith.maximumf %max3A, %sub3A : vector<16xf32>
        %min3A = vector.broadcast %jit3A_569 : f32 to vector<16xf32>
        %min3A_571 = arith.minimumf %min3A, %max3A_570 : vector<16xf32>
        %mul3A_572 = arith.constant 16 : i32
        %mul3A_573 = arith.muli %add3A_568, %mul3A_572 : i32
        %add3A_574 = arith.constant 8192 : i32
        %add3A_575 = arith.addi %add3A_574, %mul3A_573 : i32
        %swap3A = arith.index_cast %add3A_575 : i32 to index
        %swap3A_576 = tpu.vector_load %arg5[%swap3A] {strides = array<i32>} : memref<16384xf32, #tpu.memory_space<vmem>>, vector<16xf32>,
        %swap3A_577 = vector.shape_cast %swap3A_576 : vector<16xf32> to vector<16xf32>
        %swap3A_578 = vector.shape_cast %min3A_571 : vector<16xf32> to vector<16xf32>
        tpu.vector_store %arg5[%swap3A], %swap3A_578 {strides = array<i32>} : memref<16384xf32, #tpu.memory_space<vmem>>, vector<16xf32>,
        %add3A_579 = arith.constant 1.600000e+01 : f32
        %add3A_580 = vector.broadcast %add3A_579 : f32 to vector<16xf32>
        %add3A_581 = arith.addf %scan3A_564, %add3A_580 : vector<16xf32>
        %mul3A_582 = arith.constant 8 : i32
        %mul3A_583 = arith.muli %scan3A_563, %mul3A_582 : i32
        %add3A_584 = arith.constant 1 : i32
        %add3A_585 = arith.addi %mul3A_583, %add3A_584 : i32
        %sub3A_586 = arith.subf %broadcast_in_dim3A_540, %add3A_581 : vector<16xf32>
        %jit3A_587 = arith.constant 0.000000e+00 : f32
        %jit3A_588 = arith.constant 1.000000e+00 : f32
        %max3A_589 = vector.broadcast %jit3A_587 : f32 to vector<16xf32>
        %max3A_590 = arith.maximumf %max3A_589, %sub3A_586 : vector<16xf32>
        %min3A_591 = vector.broadcast %jit3A_588 : f32 to vector<16xf32>
        %min3A_592 = arith.minimumf %min3A_591, %max3A_590 : vector<16xf32>
        %mul3A_593 = arith.constant 16 : i32
        %mul3A_594 = arith.muli %add3A_585, %mul3A_593 : i32
        %add3A_595 = arith.constant 8192 : i32
        %add3A_596 = arith.addi %add3A_595, %mul3A_594 : i32
        %swap3A_597 = arith.index_cast %add3A_596 : i32 to index
        %swap3A_598 = tpu.vector_load %arg5[%swap3A_597] {strides = array<i32>} : memref<16384xf32, #tpu.memory_space<vmem>>, vector<16xf32>,
        %swap3A_599 = vector.shape_cast %swap3A_598 : vector<16xf32> to vector<16xf32>
        %swap3A_600 = vector.shape_cast %min3A_592 : vector<16xf32> to vector<16xf32>
        tpu.vector_store %arg5[%swap3A_597], %swap3A_600 {strides = array<i32>} : memref<16384xf32, #tpu.memory_space<vmem>>, vector<16xf32>,
        %add3A_601 = arith.constant 1.600000e+01 : f32
        %add3A_602 = vector.broadcast %add3A_601 : f32 to vector<16xf32>
        %add3A_603 = arith.addf %add3A_581, %add3A_602 : vector<16xf32>
        %mul3A_604 = arith.constant 8 : i32
        %mul3A_605 = arith.muli %scan3A_563, %mul3A_604 : i32
        %add3A_606 = arith.constant 2 : i32
        %add3A_607 = arith.addi %mul3A_605, %add3A_606 : i32
        %sub3A_608 = arith.subf %broadcast_in_dim3A_540, %add3A_603 : vector<16xf32>
        %jit3A_609 = arith.constant 0.000000e+00 : f32
        %jit3A_610 = arith.constant 1.000000e+00 : f32
        %max3A_611 = vector.broadcast %jit3A_609 : f32 to vector<16xf32>
        %max3A_612 = arith.maximumf %max3A_611, %sub3A_608 : vector<16xf32>
        %min3A_613 = vector.broadcast %jit3A_610 : f32 to vector<16xf32>
        %min3A_614 = arith.minimumf %min3A_613, %max3A_612 : vector<16xf32>
        %mul3A_615 = arith.constant 16 : i32
        %mul3A_616 = arith.muli %add3A_607, %mul3A_615 : i32
        %add3A_617 = arith.constant 8192 : i32
        %add3A_618 = arith.addi %add3A_617, %mul3A_616 : i32
        %swap3A_619 = arith.index_cast %add3A_618 : i32 to index
        %swap3A_620 = tpu.vector_load %arg5[%swap3A_619] {strides = array<i32>} : memref<16384xf32, #tpu.memory_space<vmem>>, vector<16xf32>,
        %swap3A_621 = vector.shape_cast %swap3A_620 : vector<16xf32> to vector<16xf32>
        %swap3A_622 = vector.shape_cast %min3A_614 : vector<16xf32> to vector<16xf32>
        tpu.vector_store %arg5[%swap3A_619], %swap3A_622 {strides = array<i32>} : memref<16384xf32, #tpu.memory_space<vmem>>, vector<16xf32>,
        %add3A_623 = arith.constant 1.600000e+01 : f32
        %add3A_624 = vector.broadcast %add3A_623 : f32 to vector<16xf32>
        %add3A_625 = arith.addf %add3A_603, %add3A_624 : vector<16xf32>
        %mul3A_626 = arith.constant 8 : i32
        %mul3A_627 = arith.muli %scan3A_563, %mul3A_626 : i32
        %add3A_628 = arith.constant 3 : i32
        %add3A_629 = arith.addi %mul3A_627, %add3A_628 : i32
        %sub3A_630 = arith.subf %broadcast_in_dim3A_540, %add3A_625 : vector<16xf32>
        %jit3A_631 = arith.constant 0.000000e+00 : f32
        %jit3A_632 = arith.constant 1.000000e+00 : f32
        %max3A_633 = vector.broadcast %jit3A_631 : f32 to vector<16xf32>
        %max3A_634 = arith.maximumf %max3A_633, %sub3A_630 : vector<16xf32>
        %min3A_635 = vector.broadcast %jit3A_632 : f32 to vector<16xf32>
        %min3A_636 = arith.minimumf %min3A_635, %max3A_634 : vector<16xf32>
        %mul3A_637 = arith.constant 16 : i32
        %mul3A_638 = arith.muli %add3A_629, %mul3A_637 : i32
        %add3A_639 = arith.constant 8192 : i32
        %add3A_640 = arith.addi %add3A_639, %mul3A_638 : i32
        %swap3A_641 = arith.index_cast %add3A_640 : i32 to index
        %swap3A_642 = tpu.vector_load %arg5[%swap3A_641] {strides = array<i32>} : memref<16384xf32, #tpu.memory_space<vmem>>, vector<16xf32>,
        %swap3A_643 = vector.shape_cast %swap3A_642 : vector<16xf32> to vector<16xf32>
        %swap3A_644 = vector.shape_cast %min3A_636 : vector<16xf32> to vector<16xf32>
        tpu.vector_store %arg5[%swap3A_641], %swap3A_644 {strides = array<i32>} : memref<16384xf32, #tpu.memory_space<vmem>>, vector<16xf32>,
        %add3A_645 = arith.constant 1.600000e+01 : f32
        %add3A_646 = vector.broadcast %add3A_645 : f32 to vector<16xf32>
        %add3A_647 = arith.addf %add3A_625, %add3A_646 : vector<16xf32>
        %mul3A_648 = arith.constant 8 : i32
        %mul3A_649 = arith.muli %scan3A_563, %mul3A_648 : i32
        %add3A_650 = arith.constant 4 : i32
        %add3A_651 = arith.addi %mul3A_649, %add3A_650 : i32
        %sub3A_652 = arith.subf %broadcast_in_dim3A_540, %add3A_647 : vector<16xf32>
        %jit3A_653 = arith.constant 0.000000e+00 : f32
        %jit3A_654 = arith.constant 1.000000e+00 : f32
        %max3A_655 = vector.broadcast %jit3A_653 : f32 to vector<16xf32>
        %max3A_656 = arith.maximumf %max3A_655, %sub3A_652 : vector<16xf32>
        %min3A_657 = vector.broadcast %jit3A_654 : f32 to vector<16xf32>
        %min3A_658 = arith.minimumf %min3A_657, %max3A_656 : vector<16xf32>
        %mul3A_659 = arith.constant 16 : i32
        %mul3A_660 = arith.muli %add3A_651, %mul3A_659 : i32
        %add3A_661 = arith.constant 8192 : i32
        %add3A_662 = arith.addi %add3A_661, %mul3A_660 : i32
        %swap3A_663 = arith.index_cast %add3A_662 : i32 to index
        %swap3A_664 = tpu.vector_load %arg5[%swap3A_663] {strides = array<i32>} : memref<16384xf32, #tpu.memory_space<vmem>>, vector<16xf32>,
        %swap3A_665 = vector.shape_cast %swap3A_664 : vector<16xf32> to vector<16xf32>
        %swap3A_666 = vector.shape_cast %min3A_658 : vector<16xf32> to vector<16xf32>
        tpu.vector_store %arg5[%swap3A_663], %swap3A_666 {strides = array<i32>} : memref<16384xf32, #tpu.memory_space<vmem>>, vector<16xf32>,
        %add3A_667 = arith.constant 1.600000e+01 : f32
        %add3A_668 = vector.broadcast %add3A_667 : f32 to vector<16xf32>
        %add3A_669 = arith.addf %add3A_647, %add3A_668 : vector<16xf32>
        %mul3A_670 = arith.constant 8 : i32
        %mul3A_671 = arith.muli %scan3A_563, %mul3A_670 : i32
        %add3A_672 = arith.constant 5 : i32
        %add3A_673 = arith.addi %mul3A_671, %add3A_672 : i32
        %sub3A_674 = arith.subf %broadcast_in_dim3A_540, %add3A_669 : vector<16xf32>
        %jit3A_675 = arith.constant 0.000000e+00 : f32
        %jit3A_676 = arith.constant 1.000000e+00 : f32
        %max3A_677 = vector.broadcast %jit3A_675 : f32 to vector<16xf32>
        %max3A_678 = arith.maximumf %max3A_677, %sub3A_674 : vector<16xf32>
        %min3A_679 = vector.broadcast %jit3A_676 : f32 to vector<16xf32>
        %min3A_680 = arith.minimumf %min3A_679, %max3A_678 : vector<16xf32>
        %mul3A_681 = arith.constant 16 : i32
        %mul3A_682 = arith.muli %add3A_673, %mul3A_681 : i32
        %add3A_683 = arith.constant 8192 : i32
        %add3A_684 = arith.addi %add3A_683, %mul3A_682 : i32
        %swap3A_685 = arith.index_cast %add3A_684 : i32 to index
        %swap3A_686 = tpu.vector_load %arg5[%swap3A_685] {strides = array<i32>} : memref<16384xf32, #tpu.memory_space<vmem>>, vector<16xf32>,
        %swap3A_687 = vector.shape_cast %swap3A_686 : vector<16xf32> to vector<16xf32>
        %swap3A_688 = vector.shape_cast %min3A_680 : vector<16xf32> to vector<16xf32>
        tpu.vector_store %arg5[%swap3A_685], %swap3A_688 {strides = array<i32>} : memref<16384xf32, #tpu.memory_space<vmem>>, vector<16xf32>,
        %add3A_689 = arith.constant 1.600000e+01 : f32
        %add3A_690 = vector.broadcast %add3A_689 : f32 to vector<16xf32>
        %add3A_691 = arith.addf %add3A_669, %add3A_690 : vector<16xf32>
        %mul3A_692 = arith.constant 8 : i32
        %mul3A_693 = arith.muli %scan3A_563, %mul3A_692 : i32
        %add3A_694 = arith.constant 6 : i32
        %add3A_695 = arith.addi %mul3A_693, %add3A_694 : i32
        %sub3A_696 = arith.subf %broadcast_in_dim3A_540, %add3A_691 : vector<16xf32>
        %jit3A_697 = arith.constant 0.000000e+00 : f32
        %jit3A_698 = arith.constant 1.000000e+00 : f32
        %max3A_699 = vector.broadcast %jit3A_697 : f32 to vector<16xf32>
        %max3A_700 = arith.maximumf %max3A_699, %sub3A_696 : vector<16xf32>
        %min3A_701 = vector.broadcast %jit3A_698 : f32 to vector<16xf32>
        %min3A_702 = arith.minimumf %min3A_701, %max3A_700 : vector<16xf32>
        %mul3A_703 = arith.constant 16 : i32
        %mul3A_704 = arith.muli %add3A_695, %mul3A_703 : i32
        %add3A_705 = arith.constant 8192 : i32
        %add3A_706 = arith.addi %add3A_705, %mul3A_704 : i32
        %swap3A_707 = arith.index_cast %add3A_706 : i32 to index
        %swap3A_708 = tpu.vector_load %arg5[%swap3A_707] {strides = array<i32>} : memref<16384xf32, #tpu.memory_space<vmem>>, vector<16xf32>,
        %swap3A_709 = vector.shape_cast %swap3A_708 : vector<16xf32> to vector<16xf32>
        %swap3A_710 = vector.shape_cast %min3A_702 : vector<16xf32> to vector<16xf32>
        tpu.vector_store %arg5[%swap3A_707], %swap3A_710 {strides = array<i32>} : memref<16384xf32, #tpu.memory_space<vmem>>, vector<16xf32>,
        %add3A_711 = arith.constant 1.600000e+01 : f32
        %add3A_712 = vector.broadcast %add3A_711 : f32 to vector<16xf32>
        %add3A_713 = arith.addf %add3A_691, %add3A_712 : vector<16xf32>
        %mul3A_714 = arith.constant 8 : i32
        %mul3A_715 = arith.muli %scan3A_563, %mul3A_714 : i32
        %add3A_716 = arith.constant 7 : i32
        %add3A_717 = arith.addi %mul3A_715, %add3A_716 : i32
        %sub3A_718 = arith.subf %broadcast_in_dim3A_540, %add3A_713 : vector<16xf32>
        %jit3A_719 = arith.constant 0.000000e+00 : f32
        %jit3A_720 = arith.constant 1.000000e+00 : f32
        %max3A_721 = vector.broadcast %jit3A_719 : f32 to vector<16xf32>
        %max3A_722 = arith.maximumf %max3A_721, %sub3A_718 : vector<16xf32>
        %min3A_723 = vector.broadcast %jit3A_720 : f32 to vector<16xf32>
        %min3A_724 = arith.minimumf %min3A_723, %max3A_722 : vector<16xf32>
        %mul3A_725 = arith.constant 16 : i32
        %mul3A_726 = arith.muli %add3A_717, %mul3A_725 : i32
        %add3A_727 = arith.constant 8192 : i32
        %add3A_728 = arith.addi %add3A_727, %mul3A_726 : i32
        %swap3A_729 = arith.index_cast %add3A_728 : i32 to index
        %swap3A_730 = tpu.vector_load %arg5[%swap3A_729] {strides = array<i32>} : memref<16384xf32, #tpu.memory_space<vmem>>, vector<16xf32>,
        %swap3A_731 = vector.shape_cast %swap3A_730 : vector<16xf32> to vector<16xf32>
        %swap3A_732 = vector.shape_cast %min3A_724 : vector<16xf32> to vector<16xf32>
        tpu.vector_store %arg5[%swap3A_729], %swap3A_732 {strides = array<i32>} : memref<16384xf32, #tpu.memory_space<vmem>>, vector<16xf32>,
        %add3A_733 = arith.constant 1.600000e+01 : f32
        %add3A_734 = vector.broadcast %add3A_733 : f32 to vector<16xf32>
        %add3A_735 = arith.addf %add3A_713, %add3A_734 : vector<16xf32>
        scf.yield %add3A_735 : vector<16xf32>
      }
      %scan3A_550 = arith.constant 64 : i32
      %add3A_551 = arith.addi %mul3A_2, %add3A_544 : i32
      %dma_start3A_552 = arith.constant 8192 : i32
      %dma_start3A_553 = tpu.memref_slice %arg5[%dma_start3A_552] : memref<16384xf32, #tpu.memory_space<vmem>> -> memref<8192xf32, #tpu.memory_space<vmem>>
      %dma_start3A_554 = arith.constant 0 : i32
      %dma_start3A_555 = tpu.memref_slice %arg3[%add3A_551, %dma_start3A_554] : memref<4096x8192xf32, #tpu.memory_space<hbm>> -> memref<1x8192xf32, #tpu.memory_space<hbm>>
      %dma_start3A_556 = tpu.memref_squeeze %dma_start3A_555 : memref<1x8192xf32, #tpu.memory_space<hbm>> -> memref<8192xf32, #tpu.memory_space<hbm>>
      %dma_start3A_557 = arith.constant 0 : i32
      %dma_start3A_558 = tpu.memref_slice %arg3[%add3A_551, %dma_start3A_557] : memref<4096x8192xf32, #tpu.memory_space<hbm>> -> memref<1x8192xf32, #tpu.memory_space<hbm>>
      %dma_start3A_559 = tpu.memref_squeeze %dma_start3A_558 : memref<1x8192xf32, #tpu.memory_space<hbm>> -> memref<8192xf32, #tpu.memory_space<hbm>>
      %dma_start3A_560 = arith.constant 8192 : i32
      %dma_start3A_561 = tpu.memref_slice %arg5[%dma_start3A_560] : memref<16384xf32, #tpu.memory_space<vmem>> -> memref<8192xf32, #tpu.memory_space<vmem>>
      tpu.enqueue_dma source(%dma_start3A_561 : memref<8192xf32, #tpu.memory_space<vmem>>) target(%dma_start3A_559 : memref<8192xf32, #tpu.memory_space<hbm>>) target_semaphore(%arg7 : memref<!tpu.dma_semaphore, #tpu.memory_space<semaphore_mem>>)
      %scan3A_562 = arith.constant 0 : i32
      scf.yield %scan3A_562 : i32
    }
    %scan3A_8 = arith.constant 8 : i32
    %dma_wait3A = arith.constant 0 : i32
    %dma_wait3A_9 = tpu.memref_slice %arg5[%dma_wait3A] : memref<16384xf32, #tpu.memory_space<vmem>> -> memref<8192xf32, #tpu.memory_space<vmem>>
    %dma_wait3A_10 = arith.constant 0 : i32
    %dma_wait3A_11 = tpu.memref_slice %arg3[%mul3A_2, %dma_wait3A_10] : memref<4096x8192xf32, #tpu.memory_space<hbm>> -> memref<1x8192xf32, #tpu.memory_space<hbm>>
    %dma_wait3A_12 = tpu.memref_squeeze %dma_wait3A_11 : memref<1x8192xf32, #tpu.memory_space<hbm>> -> memref<8192xf32, #tpu.memory_space<hbm>>
    %dma_wait3A_13 = arith.constant 0 : i32
    %dma_wait3A_14 = tpu.memref_slice %arg3[%mul3A_2, %dma_wait3A_13] : memref<4096x8192xf32, #tpu.memory_space<hbm>> -> memref<1x8192xf32, #tpu.memory_space<hbm>>
    %dma_wait3A_15 = tpu.memref_squeeze %dma_wait3A_14 : memref<1x8192xf32, #tpu.memory_space<hbm>> -> memref<8192xf32, #tpu.memory_space<hbm>>
    %dma_wait3A_16 = arith.constant 0 : i32
    %dma_wait3A_17 = tpu.memref_slice %arg5[%dma_wait3A_16] : memref<16384xf32, #tpu.memory_space<vmem>> -> memref<8192xf32, #tpu.memory_space<vmem>>
    tpu.wait_dma2 semaphore(%arg6 : memref<!tpu.dma_semaphore, #tpu.memory_space<semaphore_mem>>) src(%dma_wait3A_17 : memref<8192xf32, #tpu.memory_space<vmem>>) dst(%dma_wait3A_15 : memref<8192xf32, #tpu.memory_space<hbm>>)
    %dma_wait3A_18 = arith.constant 8192 : i32
    %dma_wait3A_19 = tpu.memref_slice %arg5[%dma_wait3A_18] : memref<16384xf32, #tpu.memory_space<vmem>> -> memref<8192xf32, #tpu.memory_space<vmem>>
    %dma_wait3A_20 = arith.constant 0 : i32
    %dma_wait3A_21 = tpu.memref_slice %arg3[%mul3A_2, %dma_wait3A_20] : memref<4096x8192xf32, #tpu.memory_space<hbm>> -> memref<1x8192xf32, #tpu.memory_space<hbm>>
    %dma_wait3A_22 = tpu.memref_squeeze %dma_wait3A_21 : memref<1x8192xf32, #tpu.memory_space<hbm>> -> memref<8192xf32, #tpu.memory_space<hbm>>
    %dma_wait3A_23 = arith.constant 0 : i32
    %dma_wait3A_24 = tpu.memref_slice %arg3[%mul3A_2, %dma_wait3A_23] : memref<4096x8192xf32, #tpu.memory_space<hbm>> -> memref<1x8192xf32, #tpu.memory_space<hbm>>
    %dma_wait3A_25 = tpu.memref_squeeze %dma_wait3A_24 : memref<1x8192xf32, #tpu.memory_space<hbm>> -> memref<8192xf32, #tpu.memory_space<hbm>>
    %dma_wait3A_26 = arith.constant 8192 : i32
    %dma_wait3A_27 = tpu.memref_slice %arg5[%dma_wait3A_26] : memref<16384xf32, #tpu.memory_space<vmem>> -> memref<8192xf32, #tpu.memory_space<vmem>>
    tpu.wait_dma2 semaphore(%arg7 : memref<!tpu.dma_semaphore, #tpu.memory_space<semaphore_mem>>) src(%dma_wait3A_27 : memref<8192xf32, #tpu.memory_space<vmem>>) dst(%dma_wait3A_25 : memref<8192xf32, #tpu.memory_space<hbm>>)
    return
  }
}

module attributes {stable_mosaic.version = 14 : i64} {
  func.func @_count_body(%arg0: i32, %arg1: memref<256x512xf32, #tpu.memory_space<vmem>>, %arg2: memref<512x1xf32, #tpu.memory_space<vmem>>, %arg3: memref<256x1xf32, #tpu.memory_space<vmem>>) attributes {dimension_semantics = [#tpu.dimension_semantics<arbitrary>], iteration_bounds = array<i64: 16>, scalar_prefetch = 0 : i64, scratch_operands = 0 : i64, tpu.core_type = #tpu.core_type<tc>, window_params = [{transform_indices = @transform_0, window_bounds = array<i64: 256, 512>}, {pipeline_mode = #tpu.pipeline_mode<synchronous>, transform_indices = @transform_1, window_bounds = array<i64: 512, 1>}, {transform_indices = @transform_2, window_bounds = array<i64: 256, 1>}]} {
    %get3A = arith.constant 0 : index
    %get3A_0 = arith.constant 0 : index
    %get3A_1 = vector.load %arg1[%get3A, %get3A_0] : memref<256x512xf32, #tpu.memory_space<vmem>>, vector<256x512xf32>
    %get3A_2 = arith.constant 0 : index
    %get3A_3 = arith.constant 0 : index
    %get3A_4 = vector.load %arg2[%get3A_2, %get3A_3] : memref<512x1xf32, #tpu.memory_space<vmem>>, vector<512x1xf32>
    %dot_general3A = arith.constant dense<0.000000e+00> : vector<256x1xf32>
    %dot_general3A_5 = tpu.matmul %get3A_1, %get3A_4, %dot_general3A {dimension_numbers = #tpu.dot_dimension_numbers<[1], [0], [0], [1], [0, 0, 1, 1], [], []>, transpose_lhs_hint = false} : vector<256x512xf32>, vector<512x1xf32>, vector<256x1xf32> -> vector<256x1xf32>
    %logistic3A = arith.negf %dot_general3A_5 : vector<256x1xf32>
    %logistic3A_6 = math.exp %logistic3A : vector<256x1xf32>
    %logistic3A_7 = arith.constant 1.000000e+00 : f32
    %logistic3A_8 = vector.broadcast %logistic3A_7 : f32 to vector<256x1xf32>
    %logistic3A_9 = arith.addf %logistic3A_8, %logistic3A_6 : vector<256x1xf32>
    %logistic3A_10 = arith.divf %logistic3A_8, %logistic3A_9 : vector<256x1xf32>
    %mul3A = arith.constant 8.192000e+03 : f32
    %mul3A_11 = vector.broadcast %mul3A : f32 to vector<256x1xf32>
    %mul3A_12 = arith.mulf %logistic3A_10, %mul3A_11 : vector<256x1xf32>
    %swap3A = arith.constant 0 : index
    %swap3A_13 = arith.constant 0 : index
    %swap3A_14 = vector.load %arg3[%swap3A, %swap3A_13] : memref<256x1xf32, #tpu.memory_space<vmem>>, vector<256x1xf32>
    tpu.vector_store %arg3[%swap3A, %swap3A_13], %mul3A_12 {strides = array<i32>} : memref<256x1xf32, #tpu.memory_space<vmem>>, vector<256x1xf32>,
    return
  }
  func.func @transform_0(%arg0: i32) -> (i32, i32) {
    %c0_i32 = arith.constant 0 : i32
    %c0_i32_0 = arith.constant 0 : i32
    return %arg0, %c0_i32 : i32, i32
  }
  func.func @transform_1(%arg0: i32) -> (i32, i32) {
    %c0_i32 = arith.constant 0 : i32
    %c0_i32_0 = arith.constant 0 : i32
    %c0_i32_1 = arith.constant 0 : i32
    return %c0_i32, %c0_i32_0 : i32, i32
  }
  func.func @transform_2(%arg0: i32) -> (i32, i32) {
    %c0_i32 = arith.constant 0 : i32
    %c0_i32_0 = arith.constant 0 : i32
    return %arg0, %c0_i32 : i32, i32
  }
}

</mosaic_0001>

<sc_bundles>
// kernel: kernel.4.cloned.1.call-start
scs
__scs_entry_jumppad:
0x0: {  	(pc) =	sbr.rel $0x88, $3  }
0x1: {  	(tag) =	ssettag $0x0;
	lr =	simm.s32 $0x1  }
0x2: {  	[smem:$0x3F9F] =	sst lr;
	_ =	strace $0xD0000000  }
0x3: {  	_ = 	snop  }
0x4: {  	_ = 	snop  }
0x5: {  	_ = 	snop  }
0x6: {  	_ = 	snop  }
0x7: {  	_ = 	snop  }
__scs_overlays_trampoline_lowered:
0x8: {  	[smem:$0x3FAE] =	sst s0  }
0x9: {  	[smem:$0x3FAF] =	sst s1  }
0xa: {  	[smem:$0x3FB0] =	sst s2  }
0xb: {  	[smem:$0x3FB1] =	sst s3  }
0xc: {  	[smem:$0x3FB2] =	sst s4  }
0xd: {  	[smem:$0x3FB3] =	sst s5  }
0xe: {  	[smem:$0x3FB4] =	sst s6  }
0xf: {  	[smem:$0x3FB5] =	sst s7  }
0x10: {  	[smem:$0x3FB6] =	sst s8  }
0x11: {  	[smem:$0x3FB7] =	sst s9;
	s0 =	simm.s32 @!p0 $0x0  }
0x12: {  	s1 =	sld [smem:$0x3F9D];
	s0 =	simm.s32 @p0 $0x1  }
0x13: {  	[smem:$0x3FB8] =	sst s0;
	s0 =	simm.s32 @!p1 $0x0  }
0x14: {  	s2 =	sld [smem:$0x3F9C];
	s0 =	simm.s32 @p1 $0x1  }
0x15: {  	[smem:$0x3FB9] =	sst s0;
	s0 =	simm.s32 @!p2 $0x0  }
0x16: {  	s3 =	sld [smem:$0x3FDB];
	s0 =	simm.s32 @p2 $0x1  }
0x17: {  	s4 =	simm.s32 $0x1BF5;
	[smem:$0x3FBB] =	sst s0  }
0x18: {  	s0 =	sld [smem:$0x3F9E];
	_ =	swait.ge [sflag:s4], $0x0  }
0x19: {  	s7 =	sld [smem:$0x3F9F]  }
0x1a: {  	s8 =	sadd.s32 $0xFFFFE003, lr  }
0x1b: {  	s9 =	sadd.s32 $0xFFFFFEF7, lr;
	s5 =	simm.s32 $0xFFFFFFFF;
	p2 =	slt.u32 s8, $0xFFFFF086  }
0x1c: {  	p1 =	slt.u32 s9, $0xF7A;
	s5 =	simm.s32 @!p2 $0x0  }
0x1d: {  	s5 =	simm.s32 @p1 $0x1;
	p0 =	seq.s32 s7, s2  }
0x1e: {  	s7 =	smul.u32 @!p0 $0xF7A, s2;
	p2 =	seq.s32 @!p0 s5, $0x0  }
0x1f: {  	s9 =	smul.u32 $0xF7A, s1;
	s8 =	simm.s32 @!p0 $0x1BF5;
	p2 =	por !p2, p0  }
0x20: {  	[sflag:s8] =	ssyncset.s32 @!p0 $0xFFFFF086;
	s6 =	sadd.s32 @!p0 s3, s7;
	s7 =	simm.s32 @!p0 $0x108  }
0x21: {  	s3 =	sadd.s32 s3, s9;
	s6 =	sadd.s32 @!p0 $0x88, s6;
	s7 =	simm.s32 @p2 $0x1082  }
0x22: {  	[simem:s7], [sflag:s8] =	dma.local @!p0 [hbm:s6], $0xF7A  }
0x23: {  	s9 =	sor.u32 $0xD0000000, s2;
	s6 =	simm.s32 $0x108;
	_ =	swait.ge @!p0 [sflag:s8], $0x0  }
0x24: {  	s3 =	sadd.s32 $0x88, s3;
	s6 =	simm.s32 @!p1 $0x1082;
	[sflag:s4] =	ssyncset.s32 $0xFFFFF086  }
0x25: {  	[simem:s6], [sflag:s4] =	dma.local [hbm:s3], $0xF7A  }
0x26: {  	[smem:$0x3F9F] =	sst s1;
	(tag) =	ssettag s2;
	_ =	strace s9  }
0x27: {  	s1 =	sld [smem:$0x3FAF]  }
0x28: {  	s2 =	sld [smem:$0x3FB0]  }
0x29: {  	s4 =	sld [smem:$0x3FB2]  }
0x2a: {  	p0 =	seq.s32 s5, $0x0;
	s5 =	sld [smem:$0x3FB3]  }
0x2b: {  	s6 =	sld [smem:$0x3FB4]  }
0x2c: {  	s7 =	sld [smem:$0x3FB5]  }
0x2d: {  	s3 =	simm.s32 $0x108;
	s8 =	sld [smem:$0x3FB6]  }
0x2e: {  	s3 =	simm.s32 @!p0 $0x1082;
	s9 =	sld [smem:$0x3FB7]  }
0x2f: {  	lr =	sadd.s32 s0, s3;
	s0 =	sld [smem:$0x3FAE]  }
0x30: {  	s3 =	sld [smem:$0x3FB1]  }
0x31: {  	[smem:$0x3FBA] =	sst s10  }
0x32: {  	s10 =	sld [smem:$0x3FB8];
	_ =	sdelay $0x3  }
0x33: {  	p0 =	seq.s32 s10, $0x1;
	s10 =	sld [smem:$0x3FBA];
	_ =	sdelay $0x3  }
0x34: {  	[smem:$0x3FBA] =	sst s10  }
0x35: {  	s10 =	sld [smem:$0x3FB9];
	_ =	sdelay $0x3  }
0x36: {  	p1 =	seq.s32 s10, $0x1;
	s10 =	sld [smem:$0x3FBA];
	_ =	sdelay $0x3  }
0x37: {  	[smem:$0x3FBA] =	sst s10  }
0x38: {  	s10 =	sld [smem:$0x3FBB]  }
0x39: {  	_ = 	snop;
	(pc) =	sbr.ind lr, $3  }
0x3a: {  	_ = 	snop  }
0x3b: {  	_ = 	snop  }
0x3c: {  	p2 =	seq.s32 s10, $0x1;
	s10 =	sld [smem:$0x3FBA]  }
0x3d: {  	_ =	shalt  }
0x3e: {  	_ =	shalt  }
0x3f: {  	_ =	shalt  }
0x40: {  	_ =	shalt  }
0x41: {  	_ =	shalt  }
0x42: {  	_ =	shalt  }
0x43: {  	_ =	shalt  }
0x44: {  	_ =	shalt  }
0x45: {  	_ =	shalt  }
0x46: {  	_ =	shalt  }
0x47: {  	_ =	shalt  }
0x48: {  	_ =	shalt  }
0x49: {  	_ =	shalt  }
0x4a: {  	_ =	shalt  }
0x4b: {  	_ =	shalt  }
0x4c: {  	_ =	shalt  }
0x4d: {  	_ =	shalt  }
0x4e: {  	_ =	shalt  }
0x4f: {  	_ =	shalt  }
0x50: {  	_ =	shalt  }
0x51: {  	_ =	shalt  }
0x52: {  	_ =	shalt  }
0x53: {  	_ =	shalt  }
0x54: {  	_ =	shalt  }
0x55: {  	_ =	shalt  }
0x56: {  	_ =	shalt  }
0x57: {  	_ =	shalt  }
0x58: {  	_ =	shalt  }
0x59: {  	_ =	shalt  }
0x5a: {  	_ =	shalt  }
0x5b: {  	_ =	shalt  }
0x5c: {  	_ =	shalt  }
0x5d: {  	_ =	shalt  }
0x5e: {  	_ =	shalt  }
0x5f: {  	_ =	shalt  }
0x60: {  	_ =	shalt  }
0x61: {  	_ =	shalt  }
0x62: {  	_ =	shalt  }
0x63: {  	_ =	shalt  }
0x64: {  	_ =	shalt  }
0x65: {  	_ =	shalt  }
0x66: {  	_ =	shalt  }
0x67: {  	_ =	shalt  }
0x68: {  	_ =	shalt  }
0x69: {  	_ =	shalt  }
0x6a: {  	_ =	shalt  }
0x6b: {  	_ =	shalt  }
0x6c: {  	_ =	shalt  }
0x6d: {  	_ =	shalt  }
0x6e: {  	_ =	shalt  }
0x6f: {  	_ =	shalt  }
0x70: {  	_ =	shalt  }
0x71: {  	_ =	shalt  }
0x72: {  	_ =	shalt  }
0x73: {  	_ =	shalt  }
0x74: {  	_ =	shalt  }
0x75: {  	_ =	shalt  }
0x76: {  	_ =	shalt  }
0x77: {  	_ =	shalt  }
0x78: {  	_ =	shalt  }
0x79: {  	_ =	shalt  }
0x7a: {  	_ =	shalt  }
0x7b: {  	_ =	shalt  }
0x7c: {  	_ =	shalt  }
0x7d: {  	_ =	shalt  }
0x7e: {  	_ =	shalt  }
0x7f: {  	_ =	shalt  }
0x80: {  	_ =	shalt  }
0x81: {  	_ =	shalt  }
0x82: {  	_ =	shalt  }
0x83: {  	_ =	shalt  }
0x84: {  	_ =	shalt  }
0x85: {  	_ =	shalt  }
0x86: {  	_ =	shalt  }
0x87: {  	_ =	shalt  }
.Lfunc_end0:
.L_simem_size_0:
called_computation_lowered:
.L_overlay_start_0:
0x88: {  	s2 =	sld [smem:$0x3FD9]  }
0x89: {  	s3 =	sld [smem:$0x3FFE];
	_ =	sdelay $0x1  }
0x8a: {  	s1 =	srdreg.scid  }
0x8b: {  	s0 =	sand.u32 $0x1, s1  }
0x8c: {  	s17 =	sshll.u32 s0, $0xA;
	s2 =	sadd.s32 s3, s2  }
0x8d: {  	s2 =	sadd.s32 s2, s17  }
0x8e: {  	[smem:$0x3FC6] =	sst s2  }
0x8f: {  	_ = 	snop  }
0x90: {  	s2 =	sld [smem:$0x3FD0];
	(tm) =	ssettm $0x1  }
0x91: {  	s18 =	sld [smem:$0x3FFB];
	_ =	sdelay $0x3  }
0x92: {  	_ =	strace s18  }
0x93: {  	s3 =	sld [smem:$0x3FFC];
	_ =	sdelay $0x3  }
0x94: {  	_ =	strace s3  }
0x95: {  	s3 =	sld [smem:$0x3FFD];
	_ =	sdelay $0x3  }
0x96: {  	_ =	strace s3  }
0x97: {  	_ =	strace $0x8FFFFFFF  }
0x98: {  	s19 =	sld [smem:$0x3FDB];
	_ =	sdelay $0x1  }
0x99: {  	s4 =	simm.s32 $_scs_section_size  }
0x9a: {  	s5 =	simm.s32 $_size__tile_overlayer_lowered;
	s6 =	simm.s32 $_tile_overlayer_lowered  }
0x9b: {  	s22 =	simm.s32 $0x1BFF;
	s21 =	sshll.u32 s6, $0x1;
	s3 =	sadd.s32 s4, s19  }
0x9c: {  	s7 =	simm.s32 $0x0;
	s20 =	sshll.u32 s5, $0x1;
	s5 =	sadd.s32 s21, s3  }
0x9d: {  	[timem:s7], [sflag:s22] =	dma.local [hbm:s5], s20  }
0x9e: {  	_ =	swait.ge [sflag:s22], s20  }
0x9f: {  	s4 =	ssub.s32 $0x0, s20;
	[sflag:s22] =	ssyncset.done $0x0  }
0xa0: {  	[sflag:s22] =	ssyncadd.s32 s4;
	_ =	sdelay $0x1  }
0xa1: {  	s23 =	simm.s32 $0x1B8B  }
0xa2: {  	_ =	swait.ge [sflag:s23], $0x1  }
0xa3: {  	[sflag:s23] =	ssyncset.done $0x0  }
0xa4: {  	s25 =	simm.s32 $0x1B8E;
	s24 =	sld [smem:$0x3FFE];
	[sflag:s23] =	ssyncadd.s32 $0xFFFFFFFF  }
0xa5: {  	s26 =	simm.s32 $execute0_lowered;
	[smem:$0x3FD2] =	sst s25  }
0xa6: {  	s5 =	sshll.u32 s26, $0x1;
	_ =	strace $0x80000046;
	[dreg:$0x1] =	wrdreg $0xFFFFFFFF  }
0xa7: {  	s28 =	simm.s32 $_size_execute0_lowered;
	s3 =	sadd.s32 s3, s5;
	[dreg:$0x0] =	wrdreg $0x0  }
0xa8: {  	s5 =	sshll.u32 s28, $0x1;
	[dreg:$0x2] =	wrdreg s3  }
0xa9: {  	[dreg:$0x3] =	wrdreg s5  }
0xaa: {  	[dreg:$0x4] =	wrdreg $0xC0  }
0xab: {  	_ =	task [dreg:s7], $0x5FFFF  }
0xac: {  	[dreg:$0x1] =	wrdreg $0xFFFFFFFF  }
0xad: {  	[dreg:$0x0] =	wrdreg $0x60  }
0xae: {  	[dreg:$0x2] =	wrdreg s24  }
0xaf: {  	[dreg:$0x3] =	wrdreg s2  }
0xb0: {  	[dreg:$0x4] =	wrdreg $0x9  }
0xb1: {  	_ =	task.clear_ibuf [dreg:s7], $0x5FFFF;
	_ =	strace $0x90000046  }
0xb2: {  	s29 =	simm.s32 $0x9;
	_ =	strace $0x80000048  }
0xb3: {  	_ =	swait.ge [sflag:s29], $0x1  }
0xb4: {  	[sflag:s29] =	ssyncadd.s32 $0xFFFFFFFF  }
0xb5: {  	_ =	strace $0x90000048  }
0xb6: {  	_ =	sfence  }
0xb7: {  	s30 =	sld [smem:$0x0];
	_ =	sdelay $0x2  }
0xb8: {  	s31 =	sshll.u32 s1, $0xD;
	s1 =	sshrl.u32 s1, $0x2  }
0xb9: {  	s3 =	sand.u32 $0x4000, s31;
	s1 =	sadd.s32 s1, s30  }
0xba: {  	s0 =	sor.u32 s3, s0;
	s1 =	sshll.u32 s1, $0x11  }
0xbb: {  	s0 =	sor.u32 s1, s0  }
0xbc: {  	s0 =	sadd.s32 $0x8F2B, s0  }
0xbd: {  	[sflag:s0] =	ssyncadd.remote.s32 $0x1  }
0xbe: {  	_ =	sfence.sel $0xFFFF  }
0xbf: {  	[dreg:$0x0] =	wrdreg $0xFFFFFFFF;
	(pc) =	sbr.abs _section_cstart, $3  }
0xc0: {  	[dreg:$0x1] =	wrdreg $0xFFFFFFFF  }
0xc1: {  	_ =	task.clear_ibuf [dreg:s7], $0x2FFFF;
	_ =	strace $0x9FFFFFFF  }
0xc2: {  	(tm) =	ssettm $0x7FFFFFFF  }
0xc3: {  	_ =	shalt  }
tec
execute0_lowered:
.L_overlay_start_1:
0x0: {  	(tag) =	ssettag $0x1  }
0x1: {  	v0 =	vimm.f32 $1.500000000e+01;
	vm0 =	vcmask $0x300  }
0x2: {  	vm14 =	vcmask $0x704;
	v0 =	vsel vm0, $0x0, v0  }
0x3: {  	vm15 =	vcmask $0xB08;
	v0 =	vsel vm14, $0x3F800000, v0  }
0x4: {  	vm4 =	vcmask $0xF0C;
	v0 =	vsel vm15, $0x40000000, v0  }
0x5: {  	s1 =	srdreg.scid;
	vm5 =	vcmask $0x1310;
	v0 =	vsel vm4, $0x40400000, v0  }
0x6: {  	s5 =	rddreg [dreg:$0x0];
	s0 =	stileid.u32;
	vm6 =	vcmask $0x1714;
	v0 =	vsel vm5, $0x40800000, v0  }
0x7: {  	s2 =	rddreg [dreg:$0x1];
	vm7 =	vcmask $0x1B18;
	s14 =	simm.s32 $0x3;
	s15 =	simm.s32 $0x400;
	v0 =	vsel vm6, $0x40A00000, v0  }
0x8: {  	vm8 =	vcmask $0x1F1C;
	s16 =	simm.s32 $0x80;
	s17 =	simm.s32 $0x2080;
	s18 =	simm.s32 $0x1;
	v0 =	vsel vm7, $0x40C00000, v0  }
0x9: {  	vm9 =	vcmask $0x2320;
	s19 =	simm.s32 $0x2;
	s20 =	simm.s32 $0x0;
	s6 =	sand.u32 $0x1, s1;
	v0 =	vsel vm8, $0x40E00000, v0  }
0xa: {  	vm10 =	vcmask $0x2724;
	s3 =	sshll.u32 s0, $0x8;
	s1 =	rddreg [dreg:$0x2];
	s8 =	sadd.s32 $0x30, s2;
	v0 =	vsel vm9, $0x41000000, v0  }
0xb: {  	vm11 =	vcmask $0x2B28;
	s9 =	sadd.s32 $0x40, s2;
	s10 =	sadd.s32 $0x50, s2;
	s11 =	sadd.s32 $0x60, s2;
	v0 =	vsel vm10, $0x41100000, v0  }
0xc: {  	vm12 =	vcmask $0x2F2C;
	s12 =	sadd.s32 $0x70, s2;
	s4 =	sshll.u32 s6, $0x7;
	s6 =	ssub.s32 $0x2, s6;
	v0 =	vsel vm11, $0x41200000, v0  }
0xd: {  	vm13 =	vcmask $0x3330;
	s3 =	sor.u32 s4, s3;
	s4 =	simm.s32 $0x0;
	s31 =	sshrl.u32 s6, $0x1;
	v0 =	vsel vm12, $0x41300000, v0  }
0xe: {  	vm14 =	vcmask $0x3734;
	s7 =	sshrl.u32 s3, $0x3;
	[smem:$0x7FF] =	sst s4;
	s13 =	ssub.s32 s6, s31;
	v0 =	vsel vm13, $0x41400000, v0  }
0xf: {  	vm15 =	vcmask $0x3B38;
	s6 =	sadd.s32 $0x10, s2;
	s5 =	sadd.s32 s7, s5;
	_ =	strace $0x80000047;
	v0 =	vsel vm14, $0x41500000, v0  }
0x10: {  	s7 =	sadd.s32 $0x20, s2;
	s13 =	smax.u32 s13, $0x1;
	s5 =	sadd.s32 $0x200, s5;
	v0 =	vsel vm15, $0x41600000, v0  }
.LBB2_1:
0x11: {  	[tilespmem:s4], [sflag:$0x3] =	stream.linear.gather [hbm4b:s5+s4], $0x80, $0x38;
	[tilespmem:$0x4080] =	vst v63  }
0x12: {  	_ =	swait.ge [sflag:s14], $0x80  }
0x13: {  	[sflag:s14] =	ssyncset.done $0x0  }
0x14: {  	s21 =	simm.s32 $0x0;
	[sflag:s14] =	ssyncadd.s32 $0xFFFFFF80  }
.LBB2_2:
0x15: {  	s22 =	sshll.u32 s21, $0x4  }
0x16: {  	v7 =	vld [tilespmem:s22+$0x0];
	_ =	sdelay $0x1  }
0x17: {  	v3 =	vadd.f32 $1.600000000e+01, v0;
	_ =	sdelay $0x1  }
0x18: {  	v1 =	vadd.f32 $1.600000000e+01, v3  }
0x19: {  	v8 =	vbroadcast v7, $0x0  }
0x1a: {  	p0 =	seq.s32 s21, $0x0;
	v2 =	vadd.f32 $1.600000000e+01, v1  }
0x1b: {  	s23 =	simm.s32 @!p0 $0x1;
	v4 =	vsub.f32 v8, v0;
	v5 =	vsub.f32 v8, v3  }
0x1c: {  	_ =	swait.ge @!p0 [sflag:s23], $0x2000;
	v9 =	vsub.f32 v8, v1;
	v10 =	vsub.f32 v8, v2  }
0x1d: {  	[sflag:s23] =	ssyncset.done @!p0 $0x0;
	v6 =	vmax.f32 v4, $0.0e+00;
	v5 =	vmax.f32 v5, $0.0e+00;
	v4 =	vadd.f32 $1.600000000e+01, v2  }
0x1e: {  	[sflag:s23] =	ssyncadd.s32 @!p0 $0xFFFFE000;
	s23 =	simm.s32 $0x0;
	v9 =	vmax.f32 v9, $0.0e+00;
	v10 =	vmax.f32 v10, $0.0e+00;
	v6 =	vmin.f32 v6, $1.000000000e+00  }
0x1f: {  	v5 =	vmin.f32 v5, $1.000000000e+00;
	[tilespmem:s23+$0x80] =	vst v6;
	v11 =	vsub.f32 v8, v4;
	v6 =	vadd.f32 $1.600000000e+01, v4  }
0x20: {  	[tilespmem:s23+$0x90] =	vst v5;
	v5 =	vmin.f32 v9, $1.000000000e+00;
	v9 =	vmin.f32 v10, $1.000000000e+00  }
0x21: {  	[tilespmem:s23+$0xA0] =	vst v5;
	v10 =	vmax.f32 v11, $0.0e+00;
	v11 =	vsub.f32 v8, v6;
	v5 =	vadd.f32 $1.600000000e+01, v6  }
0x22: {  	[tilespmem:s23+$0xB0] =	vst v9;
	v9 =	vmin.f32 v10, $1.000000000e+00  }
0x23: {  	s24 =	simm.s32 $0x200;
	s25 =	simm.s32 $0x400;
	[tilespmem:s23+$0xC0] =	vst v9;
	v11 =	vmax.f32 v11, $0.0e+00;
	v9 =	vsub.f32 v8, v5;
	v10 =	vadd.f32 $1.600000000e+01, v5  }
.LBB2_3:
0x24: {  	p1 =	sne.s32 s25, $0x7E00;
	v11 =	vmin.f32 v11, $1.000000000e+00  }
0x25: {  	[tilespmem:s23+$0xD0] =	vst v11;
	v9 =	vmax.f32 v9, $0.0e+00;
	v11 =	vsub.f32 v8, v10;
	v10 =	vadd.f32 $1.600000000e+01, v10  }
0x26: {  	v9 =	vmin.f32 v9, $1.000000000e+00  }
0x27: {  	v12 =	vsub.f32 v8, v10;
	v10 =	vadd.f32 $1.600000000e+01, v10;
	[tilespmem:s23+$0xE0] =	vst v9;
	v9 =	vmax.f32 v11, $0.0e+00  }
0x28: {  	v9 =	vmin.f32 v9, $1.000000000e+00  }
0x29: {  	v11 =	vmax.f32 v12, $0.0e+00;
	v12 =	vsub.f32 v8, v10;
	v10 =	vadd.f32 $1.600000000e+01, v10;
	[tilespmem:s23+$0xF0] =	vst v9  }
0x2a: {  	s23 =	sshra.s32 s24, $0x2;
	s24 =	smov.u32 s25;
	v9 =	vmin.f32 v11, $1.000000000e+00  }
0x2b: {  	[tilespmem:s23+$0x80] =	vst v9;
	v9 =	vmax.f32 v12, $0.0e+00;
	v11 =	vsub.f32 v8, v10;
	v10 =	vadd.f32 $1.600000000e+01, v10  }
0x2c: {  	v9 =	vmin.f32 v9, $1.000000000e+00  }
0x2d: {  	[tilespmem:s23+$0x90] =	vst v9;
	v9 =	vmax.f32 v11, $0.0e+00;
	v11 =	vsub.f32 v8, v10;
	v10 =	vadd.f32 $1.600000000e+01, v10  }
0x2e: {  	v9 =	vmin.f32 v9, $1.000000000e+00  }
.Ltmp0:
0x2f: {  	[tilespmem:s23+$0xA0] =	vst v9;
	v9 =	vmax.f32 v11, $0.0e+00;
	v11 =	vsub.f32 v8, v10;
	v10 =	vadd.f32 $1.600000000e+01, v10;
	(pc) =	sbr.rel @p1 .LBB2_3-.Ltmp0, $4  }
0x30: {  	v9 =	vmin.f32 v9, $1.000000000e+00  }
0x31: {  	[tilespmem:s23+$0xB0] =	vst v9;
	v9 =	vmax.f32 v11, $0.0e+00;
	v11 =	vsub.f32 v8, v10;
	v10 =	vadd.f32 $1.600000000e+01, v10  }
0x32: {  	v9 =	vmin.f32 v9, $1.000000000e+00  }
0x33: {  	s25 =	sadd.s32 $0x200, s25;
	[tilespmem:s23+$0xC0] =	vst v9;
	v11 =	vmax.f32 v11, $0.0e+00;
	v9 =	vsub.f32 v8, v10;
	v10 =	vadd.f32 $1.600000000e+01, v10  }
0x34: {  	_ = 	snop  }
0x35: {  	v12 =	vadd.f32 $1.600000000e+01, v10;
	_ =	sdelay $0x1  }
0x36: {  	v13 =	vadd.f32 $1.600000000e+01, v12;
	_ =	sdelay $0x1  }
0x37: {  	v14 =	vadd.f32 $1.600000000e+01, v13;
	_ =	sdelay $0x1  }
0x38: {  	v15 =	vadd.f32 $1.600000000e+01, v14  }
0x39: {  	v11 =	vmin.f32 v11, $1.000000000e+00;
	v10 =	vsub.f32 v8, v10  }
0x3a: {  	v9 =	vmax.f32 v9, $0.0e+00;
	v12 =	vsub.f32 v8, v12;
	v16 =	vadd.f32 $1.600000000e+01, v15  }
0x3b: {  	v9 =	vmin.f32 v9, $1.000000000e+00;
	v10 =	vmax.f32 v10, $0.0e+00;
	v13 =	vsub.f32 v8, v13  }
0x3c: {  	[tilespmem:s23+$0xD0] =	vst v11;
	v11 =	vmax.f32 v12, $0.0e+00;
	v57 =	vsub.f32 v8, v14;
	v58 =	vadd.f32 $1.600000000e+01, v16  }
0x3d: {  	[tilespmem:s23+$0xE0] =	vst v9;
	v9 =	vmin.f32 v10, $1.000000000e+00;
	v10 =	vmin.f32 v11, $1.000000000e+00;
	v11 =	vmax.f32 v13, $0.0e+00  }
0x3e: {  	s30 =	sshra.s32 s24, $0x2;
	[tilespmem:s23+$0xF0] =	vst v9;
	v9 =	vmax.f32 v57, $0.0e+00;
	v59 =	vsub.f32 v8, v15;
	v60 =	vadd.f32 $1.600000000e+01, v58  }
0x3f: {  	[tilespmem:s30+$0x80] =	vst v10;
	v10 =	vmin.f32 v11, $1.000000000e+00;
	v9 =	vmin.f32 v9, $1.000000000e+00  }
0x40: {  	[tilespmem:s30+$0x90] =	vst v10;
	v11 =	vsub.f32 v8, v16;
	v10 =	vmax.f32 v59, $0.0e+00;
	v62 =	vadd.f32 $1.600000000e+01, v60  }
0x41: {  	[tilespmem:s30+$0xA0] =	vst v9;
	v9 =	vmin.f32 v10, $1.000000000e+00;
	v61 =	vsub.f32 v8, v58  }
0x42: {  	v10 =	vmax.f32 v11, $0.0e+00;
	v11 =	vsub.f32 v8, v60;
	v8 =	vsub.f32 v8, v62  }
0x43: {  	[tilespmem:s30+$0xB0] =	vst v9;
	v9 =	vmin.f32 v10, $1.000000000e+00;
	v10 =	vmax.f32 v61, $0.0e+00  }
0x44: {  	[tilespmem:s30+$0xC0] =	vst v9;
	v9 =	vmin.f32 v10, $1.000000000e+00;
	v8 =	vmax.f32 v8, $0.0e+00  }
0x45: {  	s22 =	sor.u32 s3, s22;
	v10 =	vmax.f32 v11, $0.0e+00;
	[tilespmem:s30+$0xD0] =	vst v9;
	v8 =	vmin.f32 v8, $1.000000000e+00  }
0x46: {  	s22 =	sshll.u32 s22, $0xA;
	v9 =	vmin.f32 v10, $1.000000000e+00;
	[tilespmem:s30+$0xF0] =	vst v8;
	v8 =	vbroadcast v7, $0x1  }
0x47: {  	s31 =	sadd.s32 s2, s22;
	s23 =	simm.s32 @!p0 $0x2;
	[tilespmem:s30+$0xE0] =	vst v9  }
0x48: {  	[hbm4b:s31+s16] =	stream.strided.scatter [tilespmem:s16], [sflag:$0x1], $0x2000, s15, s16, $0x38;
	v9 =	vsub.f32 v8, v0;
	[tilespmem:$0x4080] =	vst v63  }
0x49: {  	_ =	swait.ge @!p0 [sflag:s23], $0x2000;
	v10 =	vsub.f32 v8, v3  }
0x4a: {  	v11 =	vsub.f32 v8, v1;
	[sflag:s23] =	ssyncset.done @!p0 $0x0;
	v9 =	vmax.f32 v9, $0.0e+00  }
0x4b: {  	v63 =	vsub.f32 v8, v2;
	[sflag:s23] =	ssyncadd.s32 @!p0 $0xFFFFE000;
	s23 =	simm.s32 $0x0;
	v10 =	vmax.f32 v10, $0.0e+00;
	v9 =	vmin.f32 v9, $1.000000000e+00  }
0x4c: {  	[tilespmem:s23+$0x2080] =	vst v9;
	v9 =	vmin.f32 v10, $1.000000000e+00;
	v10 =	vmax.f32 v11, $0.0e+00;
	v11 =	vsub.f32 v8, v4  }
0x4d: {  	[tilespmem:s23+$0x2090] =	vst v9;
	v9 =	vmin.f32 v10, $1.000000000e+00;
	v10 =	vmax.f32 v63, $0.0e+00  }
0x4e: {  	[tilespmem:s23+$0x20A0] =	vst v9;
	v9 =	vmin.f32 v10, $1.000000000e+00;
	v10 =	vmax.f32 v11, $0.0e+00;
	v11 =	vsub.f32 v8, v6  }
0x4f: {  	[tilespmem:s23+$0x20B0] =	vst v9;
	v9 =	vmin.f32 v10, $1.000000000e+00  }
0x50: {  	s24 =	simm.s32 $0x200;
	s25 =	simm.s32 $0x400;
	v10 =	vadd.f32 $1.600000000e+01, v5;
	[tilespmem:s23+$0x20C0] =	vst v9;
	v11 =	vmax.f32 v11, $0.0e+00;
	v9 =	vsub.f32 v8, v5  }
.LBB2_5:
0x51: {  	p0 =	sne.s32 s25, $0x7E00;
	v11 =	vmin.f32 v11, $1.000000000e+00  }
0x52: {  	[tilespmem:s23+$0x20D0] =	vst v11;
	v9 =	vmax.f32 v9, $0.0e+00;
	v11 =	vsub.f32 v8, v10;
	v10 =	vadd.f32 $1.600000000e+01, v10  }
0x53: {  	v9 =	vmin.f32 v9, $1.000000000e+00  }
0x54: {  	v12 =	vsub.f32 v8, v10;
	v10 =	vadd.f32 $1.600000000e+01, v10;
	[tilespmem:s23+$0x20E0] =	vst v9;
	v9 =	vmax.f32 v11, $0.0e+00  }
0x55: {  	v9 =	vmin.f32 v9, $1.000000000e+00  }
0x56: {  	v11 =	vmax.f32 v12, $0.0e+00;
	v12 =	vsub.f32 v8, v10;
	v10 =	vadd.f32 $1.600000000e+01, v10;
	[tilespmem:s23+$0x20F0] =	vst v9  }
0x57: {  	s23 =	sshra.s32 s24, $0x2;
	s24 =	smov.u32 s25;
	v9 =	vmin.f32 v11, $1.000000000e+00  }
0x58: {  	[tilespmem:s23+$0x2080] =	vst v9;
	v9 =	vmax.f32 v12, $0.0e+00;
	v11 =	vsub.f32 v8, v10;
	v10 =	vadd.f32 $1.600000000e+01, v10  }
0x59: {  	v9 =	vmin.f32 v9, $1.000000000e+00  }
0x5a: {  	[tilespmem:s23+$0x2090] =	vst v9;
	v9 =	vmax.f32 v11, $0.0e+00;
	v11 =	vsub.f32 v8, v10;
	v10 =	vadd.f32 $1.600000000e+01, v10  }
0x5b: {  	v9 =	vmin.f32 v9, $1.000000000e+00  }
.Ltmp1:
0x5c: {  	[tilespmem:s23+$0x20A0] =	vst v9;
	v9 =	vmax.f32 v11, $0.0e+00;
	v11 =	vsub.f32 v8, v10;
	v10 =	vadd.f32 $1.600000000e+01, v10;
	(pc) =	sbr.rel @p0 .LBB2_5-.Ltmp1, $4  }
0x5d: {  	v9 =	vmin.f32 v9, $1.000000000e+00  }
0x5e: {  	[tilespmem:s23+$0x20B0] =	vst v9;
	v9 =	vmax.f32 v11, $0.0e+00;
	v11 =	vsub.f32 v8, v10;
	v10 =	vadd.f32 $1.600000000e+01, v10  }
0x5f: {  	v9 =	vmin.f32 v9, $1.000000000e+00  }
0x60: {  	s25 =	sadd.s32 $0x200, s25;
	[tilespmem:s23+$0x20C0] =	vst v9;
	v11 =	vmax.f32 v11, $0.0e+00;
	v9 =	vsub.f32 v8, v10;
	v10 =	vadd.f32 $1.600000000e+01, v10  }
0x61: {  	_ = 	snop  }
0x62: {  	v12 =	vadd.f32 $1.600000000e+01, v10;
	_ =	sdelay $0x1  }
0x63: {  	v13 =	vadd.f32 $1.600000000e+01, v12;
	_ =	sdelay $0x1  }
0x64: {  	v14 =	vadd.f32 $1.600000000e+01, v13;
	_ =	sdelay $0x1  }
0x65: {  	v15 =	vadd.f32 $1.600000000e+01, v14  }
0x66: {  	v11 =	vmin.f32 v11, $1.000000000e+00;
	v10 =	vsub.f32 v8, v10  }
0x67: {  	v9 =	vmax.f32 v9, $0.0e+00;
	v12 =	vsub.f32 v8, v12;
	v16 =	vadd.f32 $1.600000000e+01, v15  }
0x68: {  	v9 =	vmin.f32 v9, $1.000000000e+00;
	v10 =	vmax.f32 v10, $0.0e+00;
	v13 =	vsub.f32 v8, v13  }
0x69: {  	[tilespmem:s23+$0x20D0] =	vst v11;
	v11 =	vmax.f32 v12, $0.0e+00;
	v57 =	vsub.f32 v8, v14;
	v58 =	vadd.f32 $1.600000000e+01, v16  }
0x6a: {  	[tilespmem:s23+$0x20E0] =	vst v9;
	v9 =	vmin.f32 v10, $1.000000000e+00;
	v10 =	vmin.f32 v11, $1.000000000e+00;
	v11 =	vmax.f32 v13, $0.0e+00  }
0x6b: {  	s30 =	sshra.s32 s24, $0x2;
	[tilespmem:s23+$0x20F0] =	vst v9;
	v9 =	vmax.f32 v57, $0.0e+00;
	v59 =	vsub.f32 v8, v15;
	v60 =	vadd.f32 $1.600000000e+01, v58  }
0x6c: {  	[tilespmem:s30+$0x2080] =	vst v10;
	v10 =	vmin.f32 v11, $1.000000000e+00;
	v9 =	vmin.f32 v9, $1.000000000e+00;
	v11 =	vsub.f32 v8, v16  }
0x6d: {  	[tilespmem:s30+$0x2090] =	vst v10;
	v10 =	vmax.f32 v59, $0.0e+00;
	v61 =	vsub.f32 v8, v58;
	v62 =	vadd.f32 $1.600000000e+01, v60  }
0x6e: {  	[tilespmem:s30+$0x20A0] =	vst v9;
	v9 =	vmin.f32 v10, $1.000000000e+00;
	v10 =	vmax.f32 v11, $0.0e+00;
	v11 =	vsub.f32 v8, v60  }
0x6f: {  	[tilespmem:s30+$0x20B0] =	vst v9;
	v9 =	vmin.f32 v10, $1.000000000e+00;
	v10 =	vmax.f32 v61, $0.0e+00;
	v8 =	vsub.f32 v8, v62  }
0x70: {  	[tilespmem:s30+$0x20C0] =	vst v9;
	v9 =	vmin.f32 v10, $1.000000000e+00;
	v10 =	vmax.f32 v11, $0.0e+00  }
0x71: {  	[tilespmem:s30+$0x20D0] =	vst v9;
	v9 =	vmin.f32 v10, $1.000000000e+00;
	v8 =	vmax.f32 v8, $0.0e+00  }
0x72: {  	[tilespmem:s30+$0x20E0] =	vst v9;
	v9 =	vmin.f32 v8, $1.000000000e+00;
	v8 =	vbroadcast v7, $0x2  }
0x73: {  	s31 =	sadd.s32 s22, s6;
	[tilespmem:s30+$0x20F0] =	vst v9  }
0x74: {  	[hbm4b:s31+s16] =	stream.strided.scatter [tilespmem:s17], [sflag:$0x2], $0x2000, s15, s16, $0x38;
	v9 =	vsub.f32 v8, v0;
	[tilespmem:$0x4080] =	vst v63  }
0x75: {  	v10 =	vsub.f32 v8, v3;
	_ =	swait.ge [sflag:s18], $0x2000  }
0x76: {  	v11 =	vsub.f32 v8, v1;
	[sflag:s18] =	ssyncset.done $0x0;
	v9 =	vmax.f32 v9, $0.0e+00  }
0x77: {  	s23 =	simm.s32 $0x0;
	v63 =	vsub.f32 v8, v2;
	v10 =	vmax.f32 v10, $0.0e+00;
	[sflag:s18] =	ssyncadd.s32 $0xFFFFE000;
	v9 =	vmin.f32 v9, $1.000000000e+00  }
0x78: {  	[tilespmem:s23+$0x80] =	vst v9;
	v9 =	vmin.f32 v10, $1.000000000e+00;
	v10 =	vmax.f32 v11, $0.0e+00;
	v11 =	vsub.f32 v8, v4  }
0x79: {  	[tilespmem:s23+$0x90] =	vst v9;
	v9 =	vmin.f32 v10, $1.000000000e+00;
	v10 =	vmax.f32 v63, $0.0e+00  }
0x7a: {  	[tilespmem:s23+$0xA0] =	vst v9;
	v9 =	vmin.f32 v10, $1.000000000e+00;
	v10 =	vmax.f32 v11, $0.0e+00;
	v11 =	vsub.f32 v8, v6  }
0x7b: {  	[tilespmem:s23+$0xB0] =	vst v9;
	v9 =	vmin.f32 v10, $1.000000000e+00  }
0x7c: {  	s24 =	simm.s32 $0x200;
	s25 =	simm.s32 $0x400;
	v10 =	vadd.f32 $1.600000000e+01, v5;
	[tilespmem:s23+$0xC0] =	vst v9;
	v11 =	vmax.f32 v11, $0.0e+00;
	v9 =	vsub.f32 v8, v5  }
.LBB2_7:
0x7d: {  	p0 =	sne.s32 s25, $0x7E00;
	v11 =	vmin.f32 v11, $1.000000000e+00  }
0x7e: {  	[tilespmem:s23+$0xD0] =	vst v11;
	v9 =	vmax.f32 v9, $0.0e+00;
	v11 =	vsub.f32 v8, v10;
	v10 =	vadd.f32 $1.600000000e+01, v10  }
0x7f: {  	v9 =	vmin.f32 v9, $1.000000000e+00  }
0x80: {  	v12 =	vsub.f32 v8, v10;
	v10 =	vadd.f32 $1.600000000e+01, v10;
	[tilespmem:s23+$0xE0] =	vst v9;
	v9 =	vmax.f32 v11, $0.0e+00  }
0x81: {  	v9 =	vmin.f32 v9, $1.000000000e+00  }
0x82: {  	v11 =	vmax.f32 v12, $0.0e+00;
	v12 =	vsub.f32 v8, v10;
	v10 =	vadd.f32 $1.600000000e+01, v10;
	[tilespmem:s23+$0xF0] =	vst v9  }
0x83: {  	s23 =	sshra.s32 s24, $0x2;
	s24 =	smov.u32 s25;
	v9 =	vmin.f32 v11, $1.000000000e+00  }
0x84: {  	[tilespmem:s23+$0x80] =	vst v9;
	v9 =	vmax.f32 v12, $0.0e+00;
	v11 =	vsub.f32 v8, v10;
	v10 =	vadd.f32 $1.600000000e+01, v10  }
0x85: {  	v9 =	vmin.f32 v9, $1.000000000e+00  }
0x86: {  	[tilespmem:s23+$0x90] =	vst v9;
	v9 =	vmax.f32 v11, $0.0e+00;
	v11 =	vsub.f32 v8, v10;
	v10 =	vadd.f32 $1.600000000e+01, v10  }
0x87: {  	v9 =	vmin.f32 v9, $1.000000000e+00  }
.Ltmp2:
0x88: {  	[tilespmem:s23+$0xA0] =	vst v9;
	v9 =	vmax.f32 v11, $0.0e+00;
	v11 =	vsub.f32 v8, v10;
	v10 =	vadd.f32 $1.600000000e+01, v10;
	(pc) =	sbr.rel @p0 .LBB2_7-.Ltmp2, $4  }
0x89: {  	v9 =	vmin.f32 v9, $1.000000000e+00  }
0x8a: {  	[tilespmem:s23+$0xB0] =	vst v9;
	v9 =	vmax.f32 v11, $0.0e+00;
	v11 =	vsub.f32 v8, v10;
	v10 =	vadd.f32 $1.600000000e+01, v10  }
0x8b: {  	v9 =	vmin.f32 v9, $1.000000000e+00  }
0x8c: {  	s25 =	sadd.s32 $0x200, s25;
	[tilespmem:s23+$0xC0] =	vst v9;
	v11 =	vmax.f32 v11, $0.0e+00;
	v9 =	vsub.f32 v8, v10;
	v10 =	vadd.f32 $1.600000000e+01, v10  }
0x8d: {  	_ = 	snop  }
0x8e: {  	v12 =	vadd.f32 $1.600000000e+01, v10;
	_ =	sdelay $0x1  }
0x8f: {  	v13 =	vadd.f32 $1.600000000e+01, v12;
	_ =	sdelay $0x1  }
0x90: {  	v14 =	vadd.f32 $1.600000000e+01, v13;
	_ =	sdelay $0x1  }
0x91: {  	v15 =	vadd.f32 $1.600000000e+01, v14  }
0x92: {  	v11 =	vmin.f32 v11, $1.000000000e+00;
	v10 =	vsub.f32 v8, v10  }
0x93: {  	v9 =	vmax.f32 v9, $0.0e+00;
	v12 =	vsub.f32 v8, v12;
	v16 =	vadd.f32 $1.600000000e+01, v15  }
0x94: {  	v9 =	vmin.f32 v9, $1.000000000e+00;
	v10 =	vmax.f32 v10, $0.0e+00;
	v13 =	vsub.f32 v8, v13  }
0x95: {  	[tilespmem:s23+$0xD0] =	vst v11;
	v11 =	vmax.f32 v12, $0.0e+00;
	v57 =	vsub.f32 v8, v14;
	v58 =	vadd.f32 $1.600000000e+01, v16  }
0x96: {  	[tilespmem:s23+$0xE0] =	vst v9;
	v9 =	vmin.f32 v10, $1.000000000e+00;
	v10 =	vmin.f32 v11, $1.000000000e+00;
	v11 =	vmax.f32 v13, $0.0e+00  }
0x97: {  	s30 =	sshra.s32 s24, $0x2;
	[tilespmem:s23+$0xF0] =	vst v9;
	v9 =	vmax.f32 v57, $0.0e+00;
	v59 =	vsub.f32 v8, v15;
	v60 =	vadd.f32 $1.600000000e+01, v58  }
0x98: {  	[tilespmem:s30+$0x80] =	vst v10;
	v10 =	vmin.f32 v11, $1.000000000e+00;
	v9 =	vmin.f32 v9, $1.000000000e+00;
	v11 =	vsub.f32 v8, v16  }
0x99: {  	[tilespmem:s30+$0x90] =	vst v10;
	v10 =	vmax.f32 v59, $0.0e+00;
	v61 =	vsub.f32 v8, v58;
	v62 =	vadd.f32 $1.600000000e+01, v60  }
0x9a: {  	[tilespmem:s30+$0xA0] =	vst v9;
	v9 =	vmin.f32 v10, $1.000000000e+00;
	v10 =	vmax.f32 v11, $0.0e+00;
	v11 =	vsub.f32 v8, v60  }
0x9b: {  	[tilespmem:s30+$0xB0] =	vst v9;
	v9 =	vmin.f32 v10, $1.000000000e+00;
	v10 =	vmax.f32 v61, $0.0e+00;
	v8 =	vsub.f32 v8, v62  }
0x9c: {  	[tilespmem:s30+$0xC0] =	vst v9;
	v9 =	vmin.f32 v10, $1.000000000e+00;
	v10 =	vmax.f32 v11, $0.0e+00  }
0x9d: {  	[tilespmem:s30+$0xD0] =	vst v9;
	v9 =	vmin.f32 v10, $1.000000000e+00;
	v8 =	vmax.f32 v8, $0.0e+00  }
0x9e: {  	[tilespmem:s30+$0xE0] =	vst v9;
	v9 =	vmin.f32 v8, $1.000000000e+00;
	v8 =	vbroadcast v7, $0x3  }
0x9f: {  	s31 =	sadd.s32 s22, s7;
	[tilespmem:s30+$0xF0] =	vst v9  }
0xa0: {  	[hbm4b:s31+s16] =	stream.strided.scatter [tilespmem:s16], [sflag:$0x1], $0x2000, s15, s16, $0x38;
	v9 =	vsub.f32 v8, v0;
	[tilespmem:$0x4080] =	vst v63  }
0xa1: {  	v10 =	vsub.f32 v8, v3;
	_ =	swait.ge [sflag:s19], $0x2000  }
0xa2: {  	v11 =	vsub.f32 v8, v1;
	[sflag:s19] =	ssyncset.done $0x0;
	v9 =	vmax.f32 v9, $0.0e+00  }
0xa3: {  	s23 =	simm.s32 $0x0;
	v63 =	vsub.f32 v8, v2;
	v10 =	vmax.f32 v10, $0.0e+00;
	[sflag:s19] =	ssyncadd.s32 $0xFFFFE000;
	v9 =	vmin.f32 v9, $1.000000000e+00  }
0xa4: {  	[tilespmem:s23+$0x2080] =	vst v9;
	v9 =	vmin.f32 v10, $1.000000000e+00;
	v10 =	vmax.f32 v11, $0.0e+00;
	v11 =	vsub.f32 v8, v4  }
0xa5: {  	[tilespmem:s23+$0x2090] =	vst v9;
	v9 =	vmin.f32 v10, $1.000000000e+00;
	v10 =	vmax.f32 v63, $0.0e+00  }
0xa6: {  	[tilespmem:s23+$0x20A0] =	vst v9;
	v9 =	vmin.f32 v10, $1.000000000e+00;
	v10 =	vmax.f32 v11, $0.0e+00;
	v11 =	vsub.f32 v8, v6  }
0xa7: {  	[tilespmem:s23+$0x20B0] =	vst v9;
	v9 =	vmin.f32 v10, $1.000000000e+00  }
0xa8: {  	s24 =	simm.s32 $0x200;
	s25 =	simm.s32 $0x400;
	v10 =	vadd.f32 $1.600000000e+01, v5;
	[tilespmem:s23+$0x20C0] =	vst v9;
	v11 =	vmax.f32 v11, $0.0e+00;
	v9 =	vsub.f32 v8, v5  }
.LBB2_9:
0xa9: {  	p0 =	sne.s32 s25, $0x7E00;
	v11 =	vmin.f32 v11, $1.000000000e+00  }
0xaa: {  	[tilespmem:s23+$0x20D0] =	vst v11;
	v9 =	vmax.f32 v9, $0.0e+00;
	v11 =	vsub.f32 v8, v10;
	v10 =	vadd.f32 $1.600000000e+01, v10  }
0xab: {  	v9 =	vmin.f32 v9, $1.000000000e+00  }
0xac: {  	v12 =	vsub.f32 v8, v10;
	v10 =	vadd.f32 $1.600000000e+01, v10;
	[tilespmem:s23+$0x20E0] =	vst v9;
	v9 =	vmax.f32 v11, $0.0e+00  }
0xad: {  	v9 =	vmin.f32 v9, $1.000000000e+00  }
0xae: {  	v11 =	vmax.f32 v12, $0.0e+00;
	v12 =	vsub.f32 v8, v10;
	v10 =	vadd.f32 $1.600000000e+01, v10;
	[tilespmem:s23+$0x20F0] =	vst v9  }
0xaf: {  	s23 =	sshra.s32 s24, $0x2;
	s24 =	smov.u32 s25;
	v9 =	vmin.f32 v11, $1.000000000e+00  }
0xb0: {  	[tilespmem:s23+$0x2080] =	vst v9;
	v9 =	vmax.f32 v12, $0.0e+00;
	v11 =	vsub.f32 v8, v10;
	v10 =	vadd.f32 $1.600000000e+01, v10  }
0xb1: {  	v9 =	vmin.f32 v9, $1.000000000e+00  }
0xb2: {  	[tilespmem:s23+$0x2090] =	vst v9;
	v9 =	vmax.f32 v11, $0.0e+00;
	v11 =	vsub.f32 v8, v10;
	v10 =	vadd.f32 $1.600000000e+01, v10  }
0xb3: {  	v9 =	vmin.f32 v9, $1.000000000e+00  }
.Ltmp3:
0xb4: {  	[tilespmem:s23+$0x20A0] =	vst v9;
	v9 =	vmax.f32 v11, $0.0e+00;
	v11 =	vsub.f32 v8, v10;
	v10 =	vadd.f32 $1.600000000e+01, v10;
	(pc) =	sbr.rel @p0 .LBB2_9-.Ltmp3, $4  }
0xb5: {  	v9 =	vmin.f32 v9, $1.000000000e+00  }
0xb6: {  	[tilespmem:s23+$0x20B0] =	vst v9;
	v9 =	vmax.f32 v11, $0.0e+00;
	v11 =	vsub.f32 v8, v10;
	v10 =	vadd.f32 $1.600000000e+01, v10  }
0xb7: {  	v9 =	vmin.f32 v9, $1.000000000e+00  }
0xb8: {  	s25 =	sadd.s32 $0x200, s25;
	[tilespmem:s23+$0x20C0] =	vst v9;
	v11 =	vmax.f32 v11, $0.0e+00;
	v9 =	vsub.f32 v8, v10;
	v10 =	vadd.f32 $1.600000000e+01, v10  }
0xb9: {  	_ = 	snop  }
0xba: {  	v12 =	vadd.f32 $1.600000000e+01, v10;
	_ =	sdelay $0x1  }
0xbb: {  	v13 =	vadd.f32 $1.600000000e+01, v12;
	_ =	sdelay $0x1  }
0xbc: {  	v14 =	vadd.f32 $1.600000000e+01, v13;
	_ =	sdelay $0x1  }
0xbd: {  	v15 =	vadd.f32 $1.600000000e+01, v14  }
0xbe: {  	v11 =	vmin.f32 v11, $1.000000000e+00;
	v10 =	vsub.f32 v8, v10  }
0xbf: {  	v9 =	vmax.f32 v9, $0.0e+00;
	v12 =	vsub.f32 v8, v12;
	v16 =	vadd.f32 $1.600000000e+01, v15  }
0xc0: {  	v9 =	vmin.f32 v9, $1.000000000e+00;
	v10 =	vmax.f32 v10, $0.0e+00;
	v13 =	vsub.f32 v8, v13  }
0xc1: {  	[tilespmem:s23+$0x20D0] =	vst v11;
	v11 =	vmax.f32 v12, $0.0e+00;
	v57 =	vsub.f32 v8, v14;
	v58 =	vadd.f32 $1.600000000e+01, v16  }
0xc2: {  	[tilespmem:s23+$0x20E0] =	vst v9;
	v9 =	vmin.f32 v10, $1.000000000e+00;
	v10 =	vmin.f32 v11, $1.000000000e+00;
	v11 =	vmax.f32 v13, $0.0e+00  }
0xc3: {  	s30 =	sshra.s32 s24, $0x2;
	[tilespmem:s23+$0x20F0] =	vst v9;
	v9 =	vmax.f32 v57, $0.0e+00;
	v59 =	vsub.f32 v8, v15;
	v60 =	vadd.f32 $1.600000000e+01, v58  }
0xc4: {  	[tilespmem:s30+$0x2080] =	vst v10;
	v10 =	vmin.f32 v11, $1.000000000e+00;
	v9 =	vmin.f32 v9, $1.000000000e+00;
	v11 =	vsub.f32 v8, v16  }
0xc5: {  	[tilespmem:s30+$0x2090] =	vst v10;
	v10 =	vmax.f32 v59, $0.0e+00;
	v61 =	vsub.f32 v8, v58;
	v62 =	vadd.f32 $1.600000000e+01, v60  }
0xc6: {  	[tilespmem:s30+$0x20A0] =	vst v9;
	v9 =	vmin.f32 v10, $1.000000000e+00;
	v10 =	vmax.f32 v11, $0.0e+00;
	v11 =	vsub.f32 v8, v60  }
0xc7: {  	[tilespmem:s30+$0x20B0] =	vst v9;
	v9 =	vmin.f32 v10, $1.000000000e+00;
	v10 =	vmax.f32 v61, $0.0e+00;
	v8 =	vsub.f32 v8, v62  }
0xc8: {  	[tilespmem:s30+$0x20C0] =	vst v9;
	v9 =	vmin.f32 v10, $1.000000000e+00;
	v10 =	vmax.f32 v11, $0.0e+00  }
0xc9: {  	[tilespmem:s30+$0x20D0] =	vst v9;
	v9 =	vmin.f32 v10, $1.000000000e+00;
	v8 =	vmax.f32 v8, $0.0e+00  }
0xca: {  	[tilespmem:s30+$0x20E0] =	vst v9;
	v9 =	vmin.f32 v8, $1.000000000e+00;
	v8 =	vbroadcast v7, $0x4  }
0xcb: {  	s31 =	sadd.s32 s22, s8;
	[tilespmem:s30+$0x20F0] =	vst v9  }
0xcc: {  	[hbm4b:s31+s16] =	stream.strided.scatter [tilespmem:s17], [sflag:$0x2], $0x2000, s15, s16, $0x38;
	v9 =	vsub.f32 v8, v0;
	[tilespmem:$0x4080] =	vst v63  }
0xcd: {  	v10 =	vsub.f32 v8, v3;
	_ =	swait.ge [sflag:s18], $0x2000  }
0xce: {  	v11 =	vsub.f32 v8, v1;
	[sflag:s18] =	ssyncset.done $0x0;
	v9 =	vmax.f32 v9, $0.0e+00  }
0xcf: {  	s23 =	simm.s32 $0x0;
	v63 =	vsub.f32 v8, v2;
	v10 =	vmax.f32 v10, $0.0e+00;
	[sflag:s18] =	ssyncadd.s32 $0xFFFFE000;
	v9 =	vmin.f32 v9, $1.000000000e+00  }
0xd0: {  	[tilespmem:s23+$0x80] =	vst v9;
	v9 =	vmin.f32 v10, $1.000000000e+00;
	v10 =	vmax.f32 v11, $0.0e+00;
	v11 =	vsub.f32 v8, v4  }
0xd1: {  	[tilespmem:s23+$0x90] =	vst v9;
	v9 =	vmin.f32 v10, $1.000000000e+00;
	v10 =	vmax.f32 v63, $0.0e+00  }
0xd2: {  	[tilespmem:s23+$0xA0] =	vst v9;
	v9 =	vmin.f32 v10, $1.000000000e+00;
	v10 =	vmax.f32 v11, $0.0e+00;
	v11 =	vsub.f32 v8, v6  }
0xd3: {  	[tilespmem:s23+$0xB0] =	vst v9;
	v9 =	vmin.f32 v10, $1.000000000e+00  }
0xd4: {  	s24 =	simm.s32 $0x200;
	s25 =	simm.s32 $0x400;
	v10 =	vadd.f32 $1.600000000e+01, v5;
	[tilespmem:s23+$0xC0] =	vst v9;
	v11 =	vmax.f32 v11, $0.0e+00;
	v9 =	vsub.f32 v8, v5  }
.LBB2_11:
0xd5: {  	p0 =	sne.s32 s25, $0x7E00;
	v11 =	vmin.f32 v11, $1.000000000e+00  }
0xd6: {  	[tilespmem:s23+$0xD0] =	vst v11;
	v9 =	vmax.f32 v9, $0.0e+00;
	v11 =	vsub.f32 v8, v10;
	v10 =	vadd.f32 $1.600000000e+01, v10  }
0xd7: {  	v9 =	vmin.f32 v9, $1.000000000e+00  }
0xd8: {  	v12 =	vsub.f32 v8, v10;
	v10 =	vadd.f32 $1.600000000e+01, v10;
	[tilespmem:s23+$0xE0] =	vst v9;
	v9 =	vmax.f32 v11, $0.0e+00  }
0xd9: {  	v9 =	vmin.f32 v9, $1.000000000e+00  }
0xda: {  	v11 =	vmax.f32 v12, $0.0e+00;
	v12 =	vsub.f32 v8, v10;
	v10 =	vadd.f32 $1.600000000e+01, v10;
	[tilespmem:s23+$0xF0] =	vst v9  }
0xdb: {  	s23 =	sshra.s32 s24, $0x2;
	s24 =	smov.u32 s25;
	v9 =	vmin.f32 v11, $1.000000000e+00  }
0xdc: {  	[tilespmem:s23+$0x80] =	vst v9;
	v9 =	vmax.f32 v12, $0.0e+00;
	v11 =	vsub.f32 v8, v10;
	v10 =	vadd.f32 $1.600000000e+01, v10  }
0xdd: {  	v9 =	vmin.f32 v9, $1.000000000e+00  }
0xde: {  	[tilespmem:s23+$0x90] =	vst v9;
	v9 =	vmax.f32 v11, $0.0e+00;
	v11 =	vsub.f32 v8, v10;
	v10 =	vadd.f32 $1.600000000e+01, v10  }
0xdf: {  	v9 =	vmin.f32 v9, $1.000000000e+00  }
.Ltmp4:
0xe0: {  	[tilespmem:s23+$0xA0] =	vst v9;
	v9 =	vmax.f32 v11, $0.0e+00;
	v11 =	vsub.f32 v8, v10;
	v10 =	vadd.f32 $1.600000000e+01, v10;
	(pc) =	sbr.rel @p0 .LBB2_11-.Ltmp4, $4  }
0xe1: {  	v9 =	vmin.f32 v9, $1.000000000e+00  }
0xe2: {  	[tilespmem:s23+$0xB0] =	vst v9;
	v9 =	vmax.f32 v11, $0.0e+00;
	v11 =	vsub.f32 v8, v10;
	v10 =	vadd.f32 $1.600000000e+01, v10  }
0xe3: {  	v9 =	vmin.f32 v9, $1.000000000e+00  }
0xe4: {  	s25 =	sadd.s32 $0x200, s25;
	[tilespmem:s23+$0xC0] =	vst v9;
	v11 =	vmax.f32 v11, $0.0e+00;
	v9 =	vsub.f32 v8, v10;
	v10 =	vadd.f32 $1.600000000e+01, v10  }
0xe5: {  	_ = 	snop  }
0xe6: {  	v12 =	vadd.f32 $1.600000000e+01, v10;
	_ =	sdelay $0x1  }
0xe7: {  	v13 =	vadd.f32 $1.600000000e+01, v12;
	_ =	sdelay $0x1  }
0xe8: {  	v14 =	vadd.f32 $1.600000000e+01, v13;
	_ =	sdelay $0x1  }
0xe9: {  	v15 =	vadd.f32 $1.600000000e+01, v14  }
0xea: {  	v11 =	vmin.f32 v11, $1.000000000e+00;
	v10 =	vsub.f32 v8, v10  }
0xeb: {  	v9 =	vmax.f32 v9, $0.0e+00;
	v12 =	vsub.f32 v8, v12;
	v16 =	vadd.f32 $1.600000000e+01, v15  }
0xec: {  	v9 =	vmin.f32 v9, $1.000000000e+00;
	v10 =	vmax.f32 v10, $0.0e+00;
	v13 =	vsub.f32 v8, v13  }
0xed: {  	[tilespmem:s23+$0xD0] =	vst v11;
	v11 =	vmax.f32 v12, $0.0e+00;
	v57 =	vsub.f32 v8, v14;
	v58 =	vadd.f32 $1.600000000e+01, v16  }
0xee: {  	[tilespmem:s23+$0xE0] =	vst v9;
	v9 =	vmin.f32 v10, $1.000000000e+00;
	v10 =	vmin.f32 v11, $1.000000000e+00;
	v11 =	vmax.f32 v13, $0.0e+00  }
0xef: {  	s30 =	sshra.s32 s24, $0x2;
	[tilespmem:s23+$0xF0] =	vst v9;
	v9 =	vmax.f32 v57, $0.0e+00;
	v59 =	vsub.f32 v8, v15;
	v60 =	vadd.f32 $1.600000000e+01, v58  }
0xf0: {  	[tilespmem:s30+$0x80] =	vst v10;
	v10 =	vmin.f32 v11, $1.000000000e+00;
	v9 =	vmin.f32 v9, $1.000000000e+00;
	v11 =	vsub.f32 v8, v16  }
0xf1: {  	[tilespmem:s30+$0x90] =	vst v10;
	v10 =	vmax.f32 v59, $0.0e+00;
	v61 =	vsub.f32 v8, v58;
	v62 =	vadd.f32 $1.600000000e+01, v60  }
0xf2: {  	[tilespmem:s30+$0xA0] =	vst v9;
	v9 =	vmin.f32 v10, $1.000000000e+00;
	v10 =	vmax.f32 v11, $0.0e+00;
	v11 =	vsub.f32 v8, v60  }
0xf3: {  	[tilespmem:s30+$0xB0] =	vst v9;
	v9 =	vmin.f32 v10, $1.000000000e+00;
	v10 =	vmax.f32 v61, $0.0e+00;
	v8 =	vsub.f32 v8, v62  }
0xf4: {  	[tilespmem:s30+$0xC0] =	vst v9;
	v9 =	vmin.f32 v10, $1.000000000e+00;
	v10 =	vmax.f32 v11, $0.0e+00  }
0xf5: {  	[tilespmem:s30+$0xD0] =	vst v9;
	v9 =	vmin.f32 v10, $1.000000000e+00;
	v8 =	vmax.f32 v8, $0.0e+00  }
0xf6: {  	[tilespmem:s30+$0xE0] =	vst v9;
	v9 =	vmin.f32 v8, $1.000000000e+00;
	v8 =	vbroadcast v7, $0x5  }
0xf7: {  	s31 =	sadd.s32 s22, s9;
	[tilespmem:s30+$0xF0] =	vst v9  }
0xf8: {  	[hbm4b:s31+s16] =	stream.strided.scatter [tilespmem:s16], [sflag:$0x1], $0x2000, s15, s16, $0x38;
	v9 =	vsub.f32 v8, v0;
	[tilespmem:$0x4080] =	vst v63  }
0xf9: {  	v10 =	vsub.f32 v8, v3;
	_ =	swait.ge [sflag:s19], $0x2000  }
0xfa: {  	v11 =	vsub.f32 v8, v1;
	[sflag:s19] =	ssyncset.done $0x0;
	v9 =	vmax.f32 v9, $0.0e+00  }
0xfb: {  	s23 =	simm.s32 $0x0;
	v63 =	vsub.f32 v8, v2;
	v10 =	vmax.f32 v10, $0.0e+00;
	[sflag:s19] =	ssyncadd.s32 $0xFFFFE000;
	v9 =	vmin.f32 v9, $1.000000000e+00  }
0xfc: {  	[tilespmem:s23+$0x2080] =	vst v9;
	v9 =	vmin.f32 v10, $1.000000000e+00;
	v10 =	vmax.f32 v11, $0.0e+00;
	v11 =	vsub.f32 v8, v4  }
0xfd: {  	[tilespmem:s23+$0x2090] =	vst v9;
	v9 =	vmin.f32 v10, $1.000000000e+00;
	v10 =	vmax.f32 v63, $0.0e+00  }
0xfe: {  	[tilespmem:s23+$0x20A0] =	vst v9;
	v9 =	vmin.f32 v10, $1.000000000e+00;
	v10 =	vmax.f32 v11, $0.0e+00;
	v11 =	vsub.f32 v8, v6  }
0xff: {  	[tilespmem:s23+$0x20B0] =	vst v9;
	v9 =	vmin.f32 v10, $1.000000000e+00  }
0x100: {  	s24 =	simm.s32 $0x200;
	s25 =	simm.s32 $0x400;
	v10 =	vadd.f32 $1.600000000e+01, v5;
	[tilespmem:s23+$0x20C0] =	vst v9;
	v11 =	vmax.f32 v11, $0.0e+00;
	v9 =	vsub.f32 v8, v5  }
.LBB2_13:
0x101: {  	p0 =	sne.s32 s25, $0x7E00;
	v11 =	vmin.f32 v11, $1.000000000e+00  }
0x102: {  	[tilespmem:s23+$0x20D0] =	vst v11;
	v9 =	vmax.f32 v9, $0.0e+00;
	v11 =	vsub.f32 v8, v10;
	v10 =	vadd.f32 $1.600000000e+01, v10  }
0x103: {  	v9 =	vmin.f32 v9, $1.000000000e+00  }
0x104: {  	v12 =	vsub.f32 v8, v10;
	v10 =	vadd.f32 $1.600000000e+01, v10;
	[tilespmem:s23+$0x20E0] =	vst v9;
	v9 =	vmax.f32 v11, $0.0e+00  }
0x105: {  	v9 =	vmin.f32 v9, $1.000000000e+00  }
0x106: {  	v11 =	vmax.f32 v12, $0.0e+00;
	v12 =	vsub.f32 v8, v10;
	v10 =	vadd.f32 $1.600000000e+01, v10;
	[tilespmem:s23+$0x20F0] =	vst v9  }
0x107: {  	s23 =	sshra.s32 s24, $0x2;
	s24 =	smov.u32 s25;
	v9 =	vmin.f32 v11, $1.000000000e+00  }
0x108: {  	[tilespmem:s23+$0x2080] =	vst v9;
	v9 =	vmax.f32 v12, $0.0e+00;
	v11 =	vsub.f32 v8, v10;
	v10 =	vadd.f32 $1.600000000e+01, v10  }
0x109: {  	v9 =	vmin.f32 v9, $1.000000000e+00  }
0x10a: {  	[tilespmem:s23+$0x2090] =	vst v9;
	v9 =	vmax.f32 v11, $0.0e+00;
	v11 =	vsub.f32 v8, v10;
	v10 =	vadd.f32 $1.600000000e+01, v10  }
0x10b: {  	v9 =	vmin.f32 v9, $1.000000000e+00  }
.Ltmp5:
0x10c: {  	[tilespmem:s23+$0x20A0] =	vst v9;
	v9 =	vmax.f32 v11, $0.0e+00;
	v11 =	vsub.f32 v8, v10;
	v10 =	vadd.f32 $1.600000000e+01, v10;
	(pc) =	sbr.rel @p0 .LBB2_13-.Ltmp5, $4  }
0x10d: {  	v9 =	vmin.f32 v9, $1.000000000e+00  }
0x10e: {  	[tilespmem:s23+$0x20B0] =	vst v9;
	v9 =	vmax.f32 v11, $0.0e+00;
	v11 =	vsub.f32 v8, v10;
	v10 =	vadd.f32 $1.600000000e+01, v10  }
0x10f: {  	v9 =	vmin.f32 v9, $1.000000000e+00  }
0x110: {  	s25 =	sadd.s32 $0x200, s25;
	[tilespmem:s23+$0x20C0] =	vst v9;
	v11 =	vmax.f32 v11, $0.0e+00;
	v9 =	vsub.f32 v8, v10;
	v10 =	vadd.f32 $1.600000000e+01, v10  }
0x111: {  	_ = 	snop  }
0x112: {  	v12 =	vadd.f32 $1.600000000e+01, v10;
	_ =	sdelay $0x1  }
0x113: {  	v13 =	vadd.f32 $1.600000000e+01, v12;
	_ =	sdelay $0x1  }
0x114: {  	v14 =	vadd.f32 $1.600000000e+01, v13;
	_ =	sdelay $0x1  }
0x115: {  	v15 =	vadd.f32 $1.600000000e+01, v14  }
0x116: {  	v11 =	vmin.f32 v11, $1.000000000e+00;
	v10 =	vsub.f32 v8, v10  }
0x117: {  	v9 =	vmax.f32 v9, $0.0e+00;
	v12 =	vsub.f32 v8, v12;
	v16 =	vadd.f32 $1.600000000e+01, v15  }
0x118: {  	v9 =	vmin.f32 v9, $1.000000000e+00;
	v10 =	vmax.f32 v10, $0.0e+00;
	v13 =	vsub.f32 v8, v13  }
0x119: {  	[tilespmem:s23+$0x20D0] =	vst v11;
	v11 =	vmax.f32 v12, $0.0e+00;
	v57 =	vsub.f32 v8, v14;
	v58 =	vadd.f32 $1.600000000e+01, v16  }
0x11a: {  	[tilespmem:s23+$0x20E0] =	vst v9;
	v9 =	vmin.f32 v10, $1.000000000e+00;
	v10 =	vmin.f32 v11, $1.000000000e+00;
	v11 =	vmax.f32 v13, $0.0e+00  }
0x11b: {  	s30 =	sshra.s32 s24, $0x2;
	[tilespmem:s23+$0x20F0] =	vst v9;
	v9 =	vmax.f32 v57, $0.0e+00;
	v59 =	vsub.f32 v8, v15;
	v60 =	vadd.f32 $1.600000000e+01, v58  }
0x11c: {  	[tilespmem:s30+$0x2080] =	vst v10;
	v10 =	vmin.f32 v11, $1.000000000e+00;
	v9 =	vmin.f32 v9, $1.000000000e+00;
	v11 =	vsub.f32 v8, v16  }
0x11d: {  	[tilespmem:s30+$0x2090] =	vst v10;
	v10 =	vmax.f32 v59, $0.0e+00;
	v61 =	vsub.f32 v8, v58;
	v62 =	vadd.f32 $1.600000000e+01, v60  }
0x11e: {  	[tilespmem:s30+$0x20A0] =	vst v9;
	v9 =	vmin.f32 v10, $1.000000000e+00;
	v10 =	vmax.f32 v11, $0.0e+00;
	v11 =	vsub.f32 v8, v60  }
0x11f: {  	[tilespmem:s30+$0x20B0] =	vst v9;
	v9 =	vmin.f32 v10, $1.000000000e+00;
	v10 =	vmax.f32 v61, $0.0e+00;
	v8 =	vsub.f32 v8, v62  }
0x120: {  	[tilespmem:s30+$0x20C0] =	vst v9;
	v9 =	vmin.f32 v10, $1.000000000e+00;
	v10 =	vmax.f32 v11, $0.0e+00  }
0x121: {  	[tilespmem:s30+$0x20D0] =	vst v9;
	v9 =	vmin.f32 v10, $1.000000000e+00;
	v8 =	vmax.f32 v8, $0.0e+00  }
0x122: {  	[tilespmem:s30+$0x20E0] =	vst v9;
	v9 =	vmin.f32 v8, $1.000000000e+00;
	v8 =	vbroadcast v7, $0x6  }
0x123: {  	s31 =	sadd.s32 s22, s10;
	[tilespmem:s30+$0x20F0] =	vst v9  }
0x124: {  	[hbm4b:s31+s16] =	stream.strided.scatter [tilespmem:s17], [sflag:$0x2], $0x2000, s15, s16, $0x38;
	v9 =	vsub.f32 v8, v0;
	[tilespmem:$0x4080] =	vst v63  }
0x125: {  	v10 =	vsub.f32 v8, v3;
	_ =	swait.ge [sflag:s18], $0x2000  }
0x126: {  	v11 =	vsub.f32 v8, v1;
	[sflag:s18] =	ssyncset.done $0x0;
	v9 =	vmax.f32 v9, $0.0e+00  }
0x127: {  	s23 =	simm.s32 $0x0;
	v63 =	vsub.f32 v8, v2;
	v10 =	vmax.f32 v10, $0.0e+00;
	[sflag:s18] =	ssyncadd.s32 $0xFFFFE000;
	v9 =	vmin.f32 v9, $1.000000000e+00  }
0x128: {  	[tilespmem:s23+$0x80] =	vst v9;
	v9 =	vmin.f32 v10, $1.000000000e+00;
	v10 =	vmax.f32 v11, $0.0e+00;
	v11 =	vsub.f32 v8, v4  }
0x129: {  	[tilespmem:s23+$0x90] =	vst v9;
	v9 =	vmin.f32 v10, $1.000000000e+00;
	v10 =	vmax.f32 v63, $0.0e+00  }
0x12a: {  	[tilespmem:s23+$0xA0] =	vst v9;
	v9 =	vmin.f32 v10, $1.000000000e+00;
	v10 =	vmax.f32 v11, $0.0e+00;
	v11 =	vsub.f32 v8, v6  }
0x12b: {  	[tilespmem:s23+$0xB0] =	vst v9;
	v9 =	vmin.f32 v10, $1.000000000e+00  }
0x12c: {  	s24 =	simm.s32 $0x200;
	s25 =	simm.s32 $0x400;
	v10 =	vadd.f32 $1.600000000e+01, v5;
	[tilespmem:s23+$0xC0] =	vst v9;
	v11 =	vmax.f32 v11, $0.0e+00;
	v9 =	vsub.f32 v8, v5  }
.LBB2_15:
0x12d: {  	p0 =	sne.s32 s25, $0x7E00;
	v11 =	vmin.f32 v11, $1.000000000e+00  }
0x12e: {  	[tilespmem:s23+$0xD0] =	vst v11;
	v9 =	vmax.f32 v9, $0.0e+00;
	v11 =	vsub.f32 v8, v10;
	v10 =	vadd.f32 $1.600000000e+01, v10  }
0x12f: {  	v9 =	vmin.f32 v9, $1.000000000e+00  }
0x130: {  	v12 =	vsub.f32 v8, v10;
	v10 =	vadd.f32 $1.600000000e+01, v10;
	[tilespmem:s23+$0xE0] =	vst v9;
	v9 =	vmax.f32 v11, $0.0e+00  }
0x131: {  	v9 =	vmin.f32 v9, $1.000000000e+00  }
0x132: {  	v11 =	vmax.f32 v12, $0.0e+00;
	v12 =	vsub.f32 v8, v10;
	v10 =	vadd.f32 $1.600000000e+01, v10;
	[tilespmem:s23+$0xF0] =	vst v9  }
0x133: {  	s23 =	sshra.s32 s24, $0x2;
	s24 =	smov.u32 s25;
	v9 =	vmin.f32 v11, $1.000000000e+00  }
0x134: {  	[tilespmem:s23+$0x80] =	vst v9;
	v9 =	vmax.f32 v12, $0.0e+00;
	v11 =	vsub.f32 v8, v10;
	v10 =	vadd.f32 $1.600000000e+01, v10  }
0x135: {  	v9 =	vmin.f32 v9, $1.000000000e+00  }
0x136: {  	[tilespmem:s23+$0x90] =	vst v9;
	v9 =	vmax.f32 v11, $0.0e+00;
	v11 =	vsub.f32 v8, v10;
	v10 =	vadd.f32 $1.600000000e+01, v10  }
0x137: {  	v9 =	vmin.f32 v9, $1.000000000e+00  }
.Ltmp6:
0x138: {  	[tilespmem:s23+$0xA0] =	vst v9;
	v9 =	vmax.f32 v11, $0.0e+00;
	v11 =	vsub.f32 v8, v10;
	v10 =	vadd.f32 $1.600000000e+01, v10;
	(pc) =	sbr.rel @p0 .LBB2_15-.Ltmp6, $4  }
0x139: {  	v9 =	vmin.f32 v9, $1.000000000e+00  }
0x13a: {  	[tilespmem:s23+$0xB0] =	vst v9;
	v9 =	vmax.f32 v11, $0.0e+00;
	v11 =	vsub.f32 v8, v10;
	v10 =	vadd.f32 $1.600000000e+01, v10  }
0x13b: {  	v9 =	vmin.f32 v9, $1.000000000e+00  }
0x13c: {  	s25 =	sadd.s32 $0x200, s25;
	[tilespmem:s23+$0xC0] =	vst v9;
	v11 =	vmax.f32 v11, $0.0e+00;
	v9 =	vsub.f32 v8, v10;
	v10 =	vadd.f32 $1.600000000e+01, v10  }
0x13d: {  	_ = 	snop  }
0x13e: {  	v12 =	vadd.f32 $1.600000000e+01, v10;
	_ =	sdelay $0x1  }
0x13f: {  	v13 =	vadd.f32 $1.600000000e+01, v12;
	_ =	sdelay $0x1  }
0x140: {  	v14 =	vadd.f32 $1.600000000e+01, v13;
	_ =	sdelay $0x1  }
0x141: {  	v15 =	vadd.f32 $1.600000000e+01, v14  }
0x142: {  	v11 =	vmin.f32 v11, $1.000000000e+00;
	v10 =	vsub.f32 v8, v10  }
0x143: {  	v9 =	vmax.f32 v9, $0.0e+00;
	v12 =	vsub.f32 v8, v12;
	v16 =	vadd.f32 $1.600000000e+01, v15  }
0x144: {  	v9 =	vmin.f32 v9, $1.000000000e+00;
	v10 =	vmax.f32 v10, $0.0e+00;
	v13 =	vsub.f32 v8, v13  }
0x145: {  	[tilespmem:s23+$0xD0] =	vst v11;
	v11 =	vmax.f32 v12, $0.0e+00;
	v57 =	vsub.f32 v8, v14;
	v58 =	vadd.f32 $1.600000000e+01, v16  }
0x146: {  	[tilespmem:s23+$0xE0] =	vst v9;
	v9 =	vmin.f32 v10, $1.000000000e+00;
	v10 =	vmin.f32 v11, $1.000000000e+00;
	v11 =	vmax.f32 v13, $0.0e+00  }
0x147: {  	s30 =	sshra.s32 s24, $0x2;
	[tilespmem:s23+$0xF0] =	vst v9;
	v9 =	vmax.f32 v57, $0.0e+00;
	v59 =	vsub.f32 v8, v15;
	v60 =	vadd.f32 $1.600000000e+01, v58  }
0x148: {  	[tilespmem:s30+$0x80] =	vst v10;
	v10 =	vmin.f32 v11, $1.000000000e+00;
	v9 =	vmin.f32 v9, $1.000000000e+00;
	v11 =	vsub.f32 v8, v16  }
0x149: {  	[tilespmem:s30+$0x90] =	vst v10;
	v10 =	vmax.f32 v59, $0.0e+00;
	v61 =	vsub.f32 v8, v58;
	v62 =	vadd.f32 $1.600000000e+01, v60  }
0x14a: {  	[tilespmem:s30+$0xA0] =	vst v9;
	v9 =	vmin.f32 v10, $1.000000000e+00;
	v10 =	vmax.f32 v11, $0.0e+00;
	v11 =	vsub.f32 v8, v60  }
0x14b: {  	[tilespmem:s30+$0xB0] =	vst v9;
	v9 =	vmin.f32 v10, $1.000000000e+00;
	v10 =	vmax.f32 v61, $0.0e+00;
	v8 =	vsub.f32 v8, v62  }
0x14c: {  	[tilespmem:s30+$0xC0] =	vst v9;
	v9 =	vmin.f32 v10, $1.000000000e+00;
	v10 =	vmax.f32 v11, $0.0e+00  }
0x14d: {  	[tilespmem:s30+$0xD0] =	vst v9;
	v9 =	vmin.f32 v10, $1.000000000e+00;
	v8 =	vmax.f32 v8, $0.0e+00  }
0x14e: {  	[tilespmem:s30+$0xE0] =	vst v9;
	v9 =	vmin.f32 v8, $1.000000000e+00;
	v8 =	vbroadcast v7, $0x7  }
0x14f: {  	s31 =	sadd.s32 s22, s11;
	[tilespmem:s30+$0xF0] =	vst v9  }
0x150: {  	[hbm4b:s31+s16] =	stream.strided.scatter [tilespmem:s16], [sflag:$0x1], $0x2000, s15, s16, $0x38;
	v9 =	vsub.f32 v8, v0;
	[tilespmem:$0x4080] =	vst v63  }
0x151: {  	v10 =	vsub.f32 v8, v3;
	_ =	swait.ge [sflag:s19], $0x2000  }
0x152: {  	v11 =	vsub.f32 v8, v1;
	[sflag:s19] =	ssyncset.done $0x0;
	v9 =	vmax.f32 v9, $0.0e+00  }
0x153: {  	s23 =	simm.s32 $0x0;
	v63 =	vsub.f32 v8, v2;
	v10 =	vmax.f32 v10, $0.0e+00;
	[sflag:s19] =	ssyncadd.s32 $0xFFFFE000;
	v9 =	vmin.f32 v9, $1.000000000e+00  }
0x154: {  	[tilespmem:s23+$0x2080] =	vst v9;
	v9 =	vmin.f32 v10, $1.000000000e+00;
	v10 =	vmax.f32 v11, $0.0e+00;
	v11 =	vsub.f32 v8, v4  }
0x155: {  	[tilespmem:s23+$0x2090] =	vst v9;
	v9 =	vmin.f32 v10, $1.000000000e+00;
	v10 =	vmax.f32 v63, $0.0e+00  }
0x156: {  	[tilespmem:s23+$0x20A0] =	vst v9;
	v9 =	vmin.f32 v10, $1.000000000e+00;
	v10 =	vmax.f32 v11, $0.0e+00;
	v11 =	vsub.f32 v8, v6  }
0x157: {  	[tilespmem:s23+$0x20B0] =	vst v9;
	v9 =	vmin.f32 v10, $1.000000000e+00  }
0x158: {  	s24 =	simm.s32 $0x200;
	s25 =	simm.s32 $0x400;
	v10 =	vadd.f32 $1.600000000e+01, v5;
	[tilespmem:s23+$0x20C0] =	vst v9;
	v11 =	vmax.f32 v11, $0.0e+00;
	v9 =	vsub.f32 v8, v5  }
.LBB2_17:
0x159: {  	p0 =	sne.s32 s25, $0x7E00;
	v11 =	vmin.f32 v11, $1.000000000e+00  }
0x15a: {  	[tilespmem:s23+$0x20D0] =	vst v11;
	v9 =	vmax.f32 v9, $0.0e+00;
	v11 =	vsub.f32 v8, v10;
	v10 =	vadd.f32 $1.600000000e+01, v10  }
0x15b: {  	v9 =	vmin.f32 v9, $1.000000000e+00  }
0x15c: {  	v12 =	vsub.f32 v8, v10;
	v10 =	vadd.f32 $1.600000000e+01, v10;
	[tilespmem:s23+$0x20E0] =	vst v9;
	v9 =	vmax.f32 v11, $0.0e+00  }
0x15d: {  	v9 =	vmin.f32 v9, $1.000000000e+00  }
0x15e: {  	v11 =	vmax.f32 v12, $0.0e+00;
	v12 =	vsub.f32 v8, v10;
	v10 =	vadd.f32 $1.600000000e+01, v10;
	[tilespmem:s23+$0x20F0] =	vst v9  }
0x15f: {  	s23 =	sshra.s32 s24, $0x2;
	s24 =	smov.u32 s25;
	v9 =	vmin.f32 v11, $1.000000000e+00  }
0x160: {  	[tilespmem:s23+$0x2080] =	vst v9;
	v9 =	vmax.f32 v12, $0.0e+00;
	v11 =	vsub.f32 v8, v10;
	v10 =	vadd.f32 $1.600000000e+01, v10  }
0x161: {  	v9 =	vmin.f32 v9, $1.000000000e+00  }
0x162: {  	[tilespmem:s23+$0x2090] =	vst v9;
	v9 =	vmax.f32 v11, $0.0e+00;
	v11 =	vsub.f32 v8, v10;
	v10 =	vadd.f32 $1.600000000e+01, v10  }
0x163: {  	v9 =	vmin.f32 v9, $1.000000000e+00  }
.Ltmp7:
0x164: {  	[tilespmem:s23+$0x20A0] =	vst v9;
	v9 =	vmax.f32 v11, $0.0e+00;
	v11 =	vsub.f32 v8, v10;
	v10 =	vadd.f32 $1.600000000e+01, v10;
	(pc) =	sbr.rel @p0 .LBB2_17-.Ltmp7, $4  }
0x165: {  	v9 =	vmin.f32 v9, $1.000000000e+00  }
0x166: {  	[tilespmem:s23+$0x20B0] =	vst v9;
	v9 =	vmax.f32 v11, $0.0e+00;
	v11 =	vsub.f32 v8, v10;
	v10 =	vadd.f32 $1.600000000e+01, v10  }
0x167: {  	v9 =	vmin.f32 v9, $1.000000000e+00  }
0x168: {  	s25 =	sadd.s32 $0x200, s25;
	[tilespmem:s23+$0x20C0] =	vst v9;
	v11 =	vmax.f32 v11, $0.0e+00;
	v9 =	vsub.f32 v8, v10;
	v10 =	vadd.f32 $1.600000000e+01, v10  }
0x169: {  	_ = 	snop  }
0x16a: {  	v12 =	vadd.f32 $1.600000000e+01, v10;
	_ =	sdelay $0x1  }
0x16b: {  	v13 =	vadd.f32 $1.600000000e+01, v12;
	_ =	sdelay $0x1  }
0x16c: {  	v14 =	vadd.f32 $1.600000000e+01, v13;
	_ =	sdelay $0x1  }
0x16d: {  	v15 =	vadd.f32 $1.600000000e+01, v14  }
0x16e: {  	v11 =	vmin.f32 v11, $1.000000000e+00;
	v10 =	vsub.f32 v8, v10  }
0x16f: {  	v9 =	vmax.f32 v9, $0.0e+00;
	v12 =	vsub.f32 v8, v12;
	v16 =	vadd.f32 $1.600000000e+01, v15  }
0x170: {  	v9 =	vmin.f32 v9, $1.000000000e+00;
	v10 =	vmax.f32 v10, $0.0e+00;
	v13 =	vsub.f32 v8, v13  }
0x171: {  	[tilespmem:s23+$0x20D0] =	vst v11;
	v11 =	vmax.f32 v12, $0.0e+00;
	v57 =	vsub.f32 v8, v14;
	v58 =	vadd.f32 $1.600000000e+01, v16  }
0x172: {  	[tilespmem:s23+$0x20E0] =	vst v9;
	v9 =	vmin.f32 v10, $1.000000000e+00;
	v10 =	vmin.f32 v11, $1.000000000e+00;
	v11 =	vmax.f32 v13, $0.0e+00  }
0x173: {  	s30 =	sshra.s32 s24, $0x2;
	[tilespmem:s23+$0x20F0] =	vst v9;
	v9 =	vmax.f32 v57, $0.0e+00;
	v59 =	vsub.f32 v8, v15;
	v60 =	vadd.f32 $1.600000000e+01, v58  }
0x174: {  	[tilespmem:s30+$0x2080] =	vst v10;
	v10 =	vmin.f32 v11, $1.000000000e+00;
	v9 =	vmin.f32 v9, $1.000000000e+00;
	v11 =	vsub.f32 v8, v16  }
0x175: {  	[tilespmem:s30+$0x2090] =	vst v10;
	v10 =	vmax.f32 v59, $0.0e+00;
	v61 =	vsub.f32 v8, v58;
	v62 =	vadd.f32 $1.600000000e+01, v60  }
0x176: {  	[tilespmem:s30+$0x20A0] =	vst v9;
	v9 =	vmin.f32 v10, $1.000000000e+00;
	v10 =	vmax.f32 v11, $0.0e+00;
	v11 =	vsub.f32 v8, v60  }
0x177: {  	[tilespmem:s30+$0x20B0] =	vst v9;
	v9 =	vmin.f32 v10, $1.000000000e+00;
	v10 =	vmax.f32 v61, $0.0e+00;
	v8 =	vsub.f32 v8, v62  }
0x178: {  	[tilespmem:s30+$0x20C0] =	vst v9;
	v9 =	vmin.f32 v10, $1.000000000e+00;
	v10 =	vmax.f32 v11, $0.0e+00  }
0x179: {  	[tilespmem:s30+$0x20D0] =	vst v9;
	v9 =	vmin.f32 v10, $1.000000000e+00;
	v8 =	vmax.f32 v8, $0.0e+00  }
0x17a: {  	[tilespmem:s30+$0x20E0] =	vst v9;
	v9 =	vmin.f32 v8, $1.000000000e+00;
	v8 =	vbroadcast v7, $0x8  }
0x17b: {  	s31 =	sadd.s32 s22, s12;
	[tilespmem:s30+$0x20F0] =	vst v9  }
0x17c: {  	[hbm4b:s31+s16] =	stream.strided.scatter [tilespmem:s17], [sflag:$0x2], $0x2000, s15, s16, $0x38;
	v9 =	vsub.f32 v8, v0;
	[tilespmem:$0x4080] =	vst v63  }
0x17d: {  	v10 =	vsub.f32 v8, v3;
	_ =	swait.ge [sflag:s18], $0x2000  }
0x17e: {  	v11 =	vsub.f32 v8, v1;
	[sflag:s18] =	ssyncset.done $0x0;
	v9 =	vmax.f32 v9, $0.0e+00  }
0x17f: {  	s23 =	simm.s32 $0x0;
	v63 =	vsub.f32 v8, v2;
	v10 =	vmax.f32 v10, $0.0e+00;
	[sflag:s18] =	ssyncadd.s32 $0xFFFFE000;
	v9 =	vmin.f32 v9, $1.000000000e+00  }
0x180: {  	[tilespmem:s23+$0x80] =	vst v9;
	v9 =	vmin.f32 v10, $1.000000000e+00;
	v10 =	vmax.f32 v11, $0.0e+00;
	v11 =	vsub.f32 v8, v4  }
0x181: {  	[tilespmem:s23+$0x90] =	vst v9;
	v9 =	vmin.f32 v10, $1.000000000e+00;
	v10 =	vmax.f32 v63, $0.0e+00  }
0x182: {  	[tilespmem:s23+$0xA0] =	vst v9;
	v9 =	vmin.f32 v10, $1.000000000e+00;
	v10 =	vmax.f32 v11, $0.0e+00;
	v11 =	vsub.f32 v8, v6  }
0x183: {  	[tilespmem:s23+$0xB0] =	vst v9;
	v9 =	vmin.f32 v10, $1.000000000e+00  }
0x184: {  	s24 =	simm.s32 $0x200;
	s25 =	simm.s32 $0x400;
	v10 =	vadd.f32 $1.600000000e+01, v5;
	[tilespmem:s23+$0xC0] =	vst v9;
	v11 =	vmax.f32 v11, $0.0e+00;
	v9 =	vsub.f32 v8, v5  }
.LBB2_19:
0x185: {  	p0 =	sne.s32 s25, $0x7E00;
	v11 =	vmin.f32 v11, $1.000000000e+00  }
0x186: {  	[tilespmem:s23+$0xD0] =	vst v11;
	v9 =	vmax.f32 v9, $0.0e+00;
	v11 =	vsub.f32 v8, v10;
	v10 =	vadd.f32 $1.600000000e+01, v10  }
0x187: {  	v9 =	vmin.f32 v9, $1.000000000e+00  }
0x188: {  	v12 =	vsub.f32 v8, v10;
	v10 =	vadd.f32 $1.600000000e+01, v10;
	[tilespmem:s23+$0xE0] =	vst v9;
	v9 =	vmax.f32 v11, $0.0e+00  }
0x189: {  	v9 =	vmin.f32 v9, $1.000000000e+00  }
0x18a: {  	v11 =	vmax.f32 v12, $0.0e+00;
	v12 =	vsub.f32 v8, v10;
	v10 =	vadd.f32 $1.600000000e+01, v10;
	[tilespmem:s23+$0xF0] =	vst v9  }
0x18b: {  	s23 =	sshra.s32 s24, $0x2;
	s24 =	smov.u32 s25;
	v9 =	vmin.f32 v11, $1.000000000e+00  }
0x18c: {  	[tilespmem:s23+$0x80] =	vst v9;
	v9 =	vmax.f32 v12, $0.0e+00;
	v11 =	vsub.f32 v8, v10;
	v10 =	vadd.f32 $1.600000000e+01, v10  }
0x18d: {  	v9 =	vmin.f32 v9, $1.000000000e+00  }
0x18e: {  	[tilespmem:s23+$0x90] =	vst v9;
	v9 =	vmax.f32 v11, $0.0e+00;
	v11 =	vsub.f32 v8, v10;
	v10 =	vadd.f32 $1.600000000e+01, v10  }
0x18f: {  	v9 =	vmin.f32 v9, $1.000000000e+00  }
.Ltmp8:
0x190: {  	[tilespmem:s23+$0xA0] =	vst v9;
	v9 =	vmax.f32 v11, $0.0e+00;
	v11 =	vsub.f32 v8, v10;
	v10 =	vadd.f32 $1.600000000e+01, v10;
	(pc) =	sbr.rel @p0 .LBB2_19-.Ltmp8, $4  }
0x191: {  	v9 =	vmin.f32 v9, $1.000000000e+00  }
0x192: {  	[tilespmem:s23+$0xB0] =	vst v9;
	v9 =	vmax.f32 v11, $0.0e+00;
	v11 =	vsub.f32 v8, v10;
	v10 =	vadd.f32 $1.600000000e+01, v10  }
0x193: {  	v9 =	vmin.f32 v9, $1.000000000e+00  }
0x194: {  	s25 =	sadd.s32 $0x200, s25;
	[tilespmem:s23+$0xC0] =	vst v9;
	v11 =	vmax.f32 v11, $0.0e+00;
	v9 =	vsub.f32 v8, v10;
	v10 =	vadd.f32 $1.600000000e+01, v10  }
0x195: {  	_ = 	snop  }
0x196: {  	v12 =	vadd.f32 $1.600000000e+01, v10;
	_ =	sdelay $0x1  }
0x197: {  	v13 =	vadd.f32 $1.600000000e+01, v12;
	_ =	sdelay $0x1  }
0x198: {  	v14 =	vadd.f32 $1.600000000e+01, v13;
	_ =	sdelay $0x1  }
0x199: {  	v15 =	vadd.f32 $1.600000000e+01, v14  }
0x19a: {  	v11 =	vmin.f32 v11, $1.000000000e+00;
	v10 =	vsub.f32 v8, v10  }
0x19b: {  	v9 =	vmax.f32 v9, $0.0e+00;
	v12 =	vsub.f32 v8, v12;
	v16 =	vadd.f32 $1.600000000e+01, v15  }
0x19c: {  	v9 =	vmin.f32 v9, $1.000000000e+00;
	v10 =	vmax.f32 v10, $0.0e+00;
	v13 =	vsub.f32 v8, v13  }
0x19d: {  	[tilespmem:s23+$0xD0] =	vst v11;
	v11 =	vmax.f32 v12, $0.0e+00;
	v57 =	vsub.f32 v8, v14;
	v58 =	vadd.f32 $1.600000000e+01, v16  }
0x19e: {  	[tilespmem:s23+$0xE0] =	vst v9;
	v9 =	vmin.f32 v10, $1.000000000e+00;
	v10 =	vmin.f32 v11, $1.000000000e+00;
	v11 =	vmax.f32 v13, $0.0e+00  }
0x19f: {  	s30 =	sshra.s32 s24, $0x2;
	[tilespmem:s23+$0xF0] =	vst v9;
	v9 =	vmax.f32 v57, $0.0e+00;
	v59 =	vsub.f32 v8, v15;
	v60 =	vadd.f32 $1.600000000e+01, v58  }
0x1a0: {  	[tilespmem:s30+$0x80] =	vst v10;
	v10 =	vmin.f32 v11, $1.000000000e+00;
	v9 =	vmin.f32 v9, $1.000000000e+00;
	v11 =	vsub.f32 v8, v16  }
0x1a1: {  	[tilespmem:s30+$0x90] =	vst v10;
	v10 =	vmax.f32 v59, $0.0e+00;
	v61 =	vsub.f32 v8, v58;
	v62 =	vadd.f32 $1.600000000e+01, v60  }
0x1a2: {  	[tilespmem:s30+$0xA0] =	vst v9;
	v9 =	vmin.f32 v10, $1.000000000e+00;
	v10 =	vmax.f32 v11, $0.0e+00;
	v11 =	vsub.f32 v8, v60  }
0x1a3: {  	[tilespmem:s30+$0xB0] =	vst v9;
	v9 =	vmin.f32 v10, $1.000000000e+00;
	v10 =	vmax.f32 v61, $0.0e+00;
	v8 =	vsub.f32 v8, v62  }
0x1a4: {  	[tilespmem:s30+$0xC0] =	vst v9;
	v9 =	vmin.f32 v10, $1.000000000e+00;
	v10 =	vmax.f32 v11, $0.0e+00  }
0x1a5: {  	[tilespmem:s30+$0xD0] =	vst v9;
	v9 =	vmin.f32 v10, $1.000000000e+00;
	v8 =	vmax.f32 v8, $0.0e+00  }
0x1a6: {  	s22 =	sor.u32 $0x2000, s22;
	[tilespmem:s30+$0xE0] =	vst v9;
	v9 =	vmin.f32 v8, $1.000000000e+00;
	v8 =	vbroadcast v7, $0x9  }
0x1a7: {  	s31 =	sadd.s32 s2, s22;
	[tilespmem:s30+$0xF0] =	vst v9  }
0x1a8: {  	[hbm4b:s31+s16] =	stream.strided.scatter [tilespmem:s16], [sflag:$0x1], $0x2000, s15, s16, $0x38;
	v9 =	vsub.f32 v8, v0;
	[tilespmem:$0x4080] =	vst v63  }
0x1a9: {  	v10 =	vsub.f32 v8, v3;
	_ =	swait.ge [sflag:s19], $0x2000  }
0x1aa: {  	v11 =	vsub.f32 v8, v1;
	[sflag:s19] =	ssyncset.done $0x0;
	v9 =	vmax.f32 v9, $0.0e+00  }
0x1ab: {  	s23 =	simm.s32 $0x0;
	v63 =	vsub.f32 v8, v2;
	v10 =	vmax.f32 v10, $0.0e+00;
	[sflag:s19] =	ssyncadd.s32 $0xFFFFE000;
	v9 =	vmin.f32 v9, $1.000000000e+00  }
0x1ac: {  	[tilespmem:s23+$0x2080] =	vst v9;
	v9 =	vmin.f32 v10, $1.000000000e+00;
	v10 =	vmax.f32 v11, $0.0e+00;
	v11 =	vsub.f32 v8, v4  }
0x1ad: {  	[tilespmem:s23+$0x2090] =	vst v9;
	v9 =	vmin.f32 v10, $1.000000000e+00;
	v10 =	vmax.f32 v63, $0.0e+00  }
0x1ae: {  	[tilespmem:s23+$0x20A0] =	vst v9;
	v9 =	vmin.f32 v10, $1.000000000e+00;
	v10 =	vmax.f32 v11, $0.0e+00;
	v11 =	vsub.f32 v8, v6  }
0x1af: {  	[tilespmem:s23+$0x20B0] =	vst v9;
	v9 =	vmin.f32 v10, $1.000000000e+00  }
0x1b0: {  	s24 =	simm.s32 $0x200;
	s25 =	simm.s32 $0x400;
	v10 =	vadd.f32 $1.600000000e+01, v5;
	[tilespmem:s23+$0x20C0] =	vst v9;
	v11 =	vmax.f32 v11, $0.0e+00;
	v9 =	vsub.f32 v8, v5  }
.LBB2_21:
0x1b1: {  	p0 =	sne.s32 s25, $0x7E00;
	v11 =	vmin.f32 v11, $1.000000000e+00  }
0x1b2: {  	[tilespmem:s23+$0x20D0] =	vst v11;
	v9 =	vmax.f32 v9, $0.0e+00;
	v11 =	vsub.f32 v8, v10;
	v10 =	vadd.f32 $1.600000000e+01, v10  }
0x1b3: {  	v9 =	vmin.f32 v9, $1.000000000e+00  }
0x1b4: {  	v12 =	vsub.f32 v8, v10;
	v10 =	vadd.f32 $1.600000000e+01, v10;
	[tilespmem:s23+$0x20E0] =	vst v9;
	v9 =	vmax.f32 v11, $0.0e+00  }
0x1b5: {  	v9 =	vmin.f32 v9, $1.000000000e+00  }
0x1b6: {  	v11 =	vmax.f32 v12, $0.0e+00;
	v12 =	vsub.f32 v8, v10;
	v10 =	vadd.f32 $1.600000000e+01, v10;
	[tilespmem:s23+$0x20F0] =	vst v9  }
0x1b7: {  	s23 =	sshra.s32 s24, $0x2;
	s24 =	smov.u32 s25;
	v9 =	vmin.f32 v11, $1.000000000e+00  }
0x1b8: {  	[tilespmem:s23+$0x2080] =	vst v9;
	v9 =	vmax.f32 v12, $0.0e+00;
	v11 =	vsub.f32 v8, v10;
	v10 =	vadd.f32 $1.600000000e+01, v10  }
0x1b9: {  	v9 =	vmin.f32 v9, $1.000000000e+00  }
0x1ba: {  	[tilespmem:s23+$0x2090] =	vst v9;
	v9 =	vmax.f32 v11, $0.0e+00;
	v11 =	vsub.f32 v8, v10;
	v10 =	vadd.f32 $1.600000000e+01, v10  }
0x1bb: {  	v9 =	vmin.f32 v9, $1.000000000e+00  }
.Ltmp9:
0x1bc: {  	[tilespmem:s23+$0x20A0] =	vst v9;
	v9 =	vmax.f32 v11, $0.0e+00;
	v11 =	vsub.f32 v8, v10;
	v10 =	vadd.f32 $1.600000000e+01, v10;
	(pc) =	sbr.rel @p0 .LBB2_21-.Ltmp9, $4  }
0x1bd: {  	v9 =	vmin.f32 v9, $1.000000000e+00  }
0x1be: {  	[tilespmem:s23+$0x20B0] =	vst v9;
	v9 =	vmax.f32 v11, $0.0e+00;
	v11 =	vsub.f32 v8, v10;
	v10 =	vadd.f32 $1.600000000e+01, v10  }
0x1bf: {  	v9 =	vmin.f32 v9, $1.000000000e+00  }
0x1c0: {  	s25 =	sadd.s32 $0x200, s25;
	[tilespmem:s23+$0x20C0] =	vst v9;
	v11 =	vmax.f32 v11, $0.0e+00;
	v9 =	vsub.f32 v8, v10;
	v10 =	vadd.f32 $1.600000000e+01, v10  }
0x1c1: {  	_ = 	snop  }
0x1c2: {  	v12 =	vadd.f32 $1.600000000e+01, v10;
	_ =	sdelay $0x1  }
0x1c3: {  	v13 =	vadd.f32 $1.600000000e+01, v12;
	_ =	sdelay $0x1  }
0x1c4: {  	v14 =	vadd.f32 $1.600000000e+01, v13;
	_ =	sdelay $0x1  }
0x1c5: {  	v15 =	vadd.f32 $1.600000000e+01, v14  }
0x1c6: {  	v11 =	vmin.f32 v11, $1.000000000e+00;
	v10 =	vsub.f32 v8, v10  }
0x1c7: {  	v9 =	vmax.f32 v9, $0.0e+00;
	v12 =	vsub.f32 v8, v12;
	v16 =	vadd.f32 $1.600000000e+01, v15  }
0x1c8: {  	v9 =	vmin.f32 v9, $1.000000000e+00;
	v10 =	vmax.f32 v10, $0.0e+00;
	v13 =	vsub.f32 v8, v13  }
0x1c9: {  	[tilespmem:s23+$0x20D0] =	vst v11;
	v11 =	vmax.f32 v12, $0.0e+00;
	v57 =	vsub.f32 v8, v14;
	v58 =	vadd.f32 $1.600000000e+01, v16  }
0x1ca: {  	[tilespmem:s23+$0x20E0] =	vst v9;
	v9 =	vmin.f32 v10, $1.000000000e+00;
	v10 =	vmin.f32 v11, $1.000000000e+00;
	v11 =	vmax.f32 v13, $0.0e+00  }
0x1cb: {  	s30 =	sshra.s32 s24, $0x2;
	[tilespmem:s23+$0x20F0] =	vst v9;
	v9 =	vmax.f32 v57, $0.0e+00;
	v59 =	vsub.f32 v8, v15;
	v60 =	vadd.f32 $1.600000000e+01, v58  }
0x1cc: {  	[tilespmem:s30+$0x2080] =	vst v10;
	v10 =	vmin.f32 v11, $1.000000000e+00;
	v9 =	vmin.f32 v9, $1.000000000e+00;
	v11 =	vsub.f32 v8, v16  }
0x1cd: {  	[tilespmem:s30+$0x2090] =	vst v10;
	v10 =	vmax.f32 v59, $0.0e+00;
	v61 =	vsub.f32 v8, v58;
	v62 =	vadd.f32 $1.600000000e+01, v60  }
0x1ce: {  	[tilespmem:s30+$0x20A0] =	vst v9;
	v9 =	vmin.f32 v10, $1.000000000e+00;
	v10 =	vmax.f32 v11, $0.0e+00;
	v11 =	vsub.f32 v8, v60  }
0x1cf: {  	[tilespmem:s30+$0x20B0] =	vst v9;
	v9 =	vmin.f32 v10, $1.000000000e+00;
	v10 =	vmax.f32 v61, $0.0e+00;
	v8 =	vsub.f32 v8, v62  }
0x1d0: {  	[tilespmem:s30+$0x20C0] =	vst v9;
	v9 =	vmin.f32 v10, $1.000000000e+00;
	v10 =	vmax.f32 v11, $0.0e+00  }
0x1d1: {  	[tilespmem:s30+$0x20D0] =	vst v9;
	v9 =	vmin.f32 v10, $1.000000000e+00;
	v8 =	vmax.f32 v8, $0.0e+00  }
0x1d2: {  	[tilespmem:s30+$0x20E0] =	vst v9;
	v9 =	vmin.f32 v8, $1.000000000e+00;
	v8 =	vbroadcast v7, $0xA  }
0x1d3: {  	s31 =	sadd.s32 s22, s6;
	[tilespmem:s30+$0x20F0] =	vst v9  }
0x1d4: {  	[hbm4b:s31+s16] =	stream.strided.scatter [tilespmem:s17], [sflag:$0x2], $0x2000, s15, s16, $0x38;
	v9 =	vsub.f32 v8, v0;
	[tilespmem:$0x4080] =	vst v63  }
0x1d5: {  	v10 =	vsub.f32 v8, v3;
	_ =	swait.ge [sflag:s18], $0x2000  }
0x1d6: {  	v11 =	vsub.f32 v8, v1;
	[sflag:s18] =	ssyncset.done $0x0;
	v9 =	vmax.f32 v9, $0.0e+00  }
0x1d7: {  	s23 =	simm.s32 $0x0;
	v63 =	vsub.f32 v8, v2;
	v10 =	vmax.f32 v10, $0.0e+00;
	[sflag:s18] =	ssyncadd.s32 $0xFFFFE000;
	v9 =	vmin.f32 v9, $1.000000000e+00  }
0x1d8: {  	[tilespmem:s23+$0x80] =	vst v9;
	v9 =	vmin.f32 v10, $1.000000000e+00;
	v10 =	vmax.f32 v11, $0.0e+00;
	v11 =	vsub.f32 v8, v4  }
0x1d9: {  	[tilespmem:s23+$0x90] =	vst v9;
	v9 =	vmin.f32 v10, $1.000000000e+00;
	v10 =	vmax.f32 v63, $0.0e+00  }
0x1da: {  	[tilespmem:s23+$0xA0] =	vst v9;
	v9 =	vmin.f32 v10, $1.000000000e+00;
	v10 =	vmax.f32 v11, $0.0e+00;
	v11 =	vsub.f32 v8, v6  }
0x1db: {  	[tilespmem:s23+$0xB0] =	vst v9;
	v9 =	vmin.f32 v10, $1.000000000e+00  }
0x1dc: {  	s24 =	simm.s32 $0x200;
	s25 =	simm.s32 $0x400;
	v10 =	vadd.f32 $1.600000000e+01, v5;
	[tilespmem:s23+$0xC0] =	vst v9;
	v11 =	vmax.f32 v11, $0.0e+00;
	v9 =	vsub.f32 v8, v5  }
.LBB2_23:
0x1dd: {  	p0 =	sne.s32 s25, $0x7E00;
	v11 =	vmin.f32 v11, $1.000000000e+00  }
0x1de: {  	[tilespmem:s23+$0xD0] =	vst v11;
	v9 =	vmax.f32 v9, $0.0e+00;
	v11 =	vsub.f32 v8, v10;
	v10 =	vadd.f32 $1.600000000e+01, v10  }
0x1df: {  	v9 =	vmin.f32 v9, $1.000000000e+00  }
0x1e0: {  	v12 =	vsub.f32 v8, v10;
	v10 =	vadd.f32 $1.600000000e+01, v10;
	[tilespmem:s23+$0xE0] =	vst v9;
	v9 =	vmax.f32 v11, $0.0e+00  }
0x1e1: {  	v9 =	vmin.f32 v9, $1.000000000e+00  }
0x1e2: {  	v11 =	vmax.f32 v12, $0.0e+00;
	v12 =	vsub.f32 v8, v10;
	v10 =	vadd.f32 $1.600000000e+01, v10;
	[tilespmem:s23+$0xF0] =	vst v9  }
0x1e3: {  	s23 =	sshra.s32 s24, $0x2;
	s24 =	smov.u32 s25;
	v9 =	vmin.f32 v11, $1.000000000e+00  }
0x1e4: {  	[tilespmem:s23+$0x80] =	vst v9;
	v9 =	vmax.f32 v12, $0.0e+00;
	v11 =	vsub.f32 v8, v10;
	v10 =	vadd.f32 $1.600000000e+01, v10  }
0x1e5: {  	v9 =	vmin.f32 v9, $1.000000000e+00  }
0x1e6: {  	[tilespmem:s23+$0x90] =	vst v9;
	v9 =	vmax.f32 v11, $0.0e+00;
	v11 =	vsub.f32 v8, v10;
	v10 =	vadd.f32 $1.600000000e+01, v10  }
0x1e7: {  	v9 =	vmin.f32 v9, $1.000000000e+00  }
.Ltmp10:
0x1e8: {  	[tilespmem:s23+$0xA0] =	vst v9;
	v9 =	vmax.f32 v11, $0.0e+00;
	v11 =	vsub.f32 v8, v10;
	v10 =	vadd.f32 $1.600000000e+01, v10;
	(pc) =	sbr.rel @p0 .LBB2_23-.Ltmp10, $4  }
0x1e9: {  	v9 =	vmin.f32 v9, $1.000000000e+00  }
0x1ea: {  	[tilespmem:s23+$0xB0] =	vst v9;
	v9 =	vmax.f32 v11, $0.0e+00;
	v11 =	vsub.f32 v8, v10;
	v10 =	vadd.f32 $1.600000000e+01, v10  }
0x1eb: {  	v9 =	vmin.f32 v9, $1.000000000e+00  }
0x1ec: {  	s25 =	sadd.s32 $0x200, s25;
	[tilespmem:s23+$0xC0] =	vst v9;
	v11 =	vmax.f32 v11, $0.0e+00;
	v9 =	vsub.f32 v8, v10;
	v10 =	vadd.f32 $1.600000000e+01, v10  }
0x1ed: {  	_ = 	snop  }
0x1ee: {  	v12 =	vadd.f32 $1.600000000e+01, v10;
	_ =	sdelay $0x1  }
0x1ef: {  	v13 =	vadd.f32 $1.600000000e+01, v12;
	_ =	sdelay $0x1  }
0x1f0: {  	v14 =	vadd.f32 $1.600000000e+01, v13;
	_ =	sdelay $0x1  }
0x1f1: {  	v15 =	vadd.f32 $1.600000000e+01, v14  }
0x1f2: {  	v11 =	vmin.f32 v11, $1.000000000e+00;
	v10 =	vsub.f32 v8, v10  }
0x1f3: {  	v9 =	vmax.f32 v9, $0.0e+00;
	v12 =	vsub.f32 v8, v12;
	v16 =	vadd.f32 $1.600000000e+01, v15  }
0x1f4: {  	v9 =	vmin.f32 v9, $1.000000000e+00;
	v10 =	vmax.f32 v10, $0.0e+00;
	v13 =	vsub.f32 v8, v13  }
0x1f5: {  	[tilespmem:s23+$0xD0] =	vst v11;
	v11 =	vmax.f32 v12, $0.0e+00;
	v57 =	vsub.f32 v8, v14;
	v58 =	vadd.f32 $1.600000000e+01, v16  }
0x1f6: {  	[tilespmem:s23+$0xE0] =	vst v9;
	v9 =	vmin.f32 v10, $1.000000000e+00;
	v10 =	vmin.f32 v11, $1.000000000e+00;
	v11 =	vmax.f32 v13, $0.0e+00  }
0x1f7: {  	s30 =	sshra.s32 s24, $0x2;
	[tilespmem:s23+$0xF0] =	vst v9;
	v9 =	vmax.f32 v57, $0.0e+00;
	v59 =	vsub.f32 v8, v15;
	v60 =	vadd.f32 $1.600000000e+01, v58  }
0x1f8: {  	[tilespmem:s30+$0x80] =	vst v10;
	v10 =	vmin.f32 v11, $1.000000000e+00;
	v9 =	vmin.f32 v9, $1.000000000e+00;
	v11 =	vsub.f32 v8, v16  }
0x1f9: {  	[tilespmem:s30+$0x90] =	vst v10;
	v10 =	vmax.f32 v59, $0.0e+00;
	v61 =	vsub.f32 v8, v58;
	v62 =	vadd.f32 $1.600000000e+01, v60  }
0x1fa: {  	[tilespmem:s30+$0xA0] =	vst v9;
	v9 =	vmin.f32 v10, $1.000000000e+00;
	v10 =	vmax.f32 v11, $0.0e+00;
	v11 =	vsub.f32 v8, v60  }
0x1fb: {  	[tilespmem:s30+$0xB0] =	vst v9;
	v9 =	vmin.f32 v10, $1.000000000e+00;
	v10 =	vmax.f32 v61, $0.0e+00;
	v8 =	vsub.f32 v8, v62  }
0x1fc: {  	[tilespmem:s30+$0xC0] =	vst v9;
	v9 =	vmin.f32 v10, $1.000000000e+00;
	v10 =	vmax.f32 v11, $0.0e+00  }
0x1fd: {  	[tilespmem:s30+$0xD0] =	vst v9;
	v9 =	vmin.f32 v10, $1.000000000e+00;
	v8 =	vmax.f32 v8, $0.0e+00  }
0x1fe: {  	[tilespmem:s30+$0xE0] =	vst v9;
	v9 =	vmin.f32 v8, $1.000000000e+00;
	v8 =	vbroadcast v7, $0xB  }
0x1ff: {  	s31 =	sadd.s32 s22, s7;
	[tilespmem:s30+$0xF0] =	vst v9  }
0x200: {  	[hbm4b:s31+s16] =	stream.strided.scatter [tilespmem:s16], [sflag:$0x1], $0x2000, s15, s16, $0x38;
	v9 =	vsub.f32 v8, v0;
	[tilespmem:$0x4080] =	vst v63  }
0x201: {  	v10 =	vsub.f32 v8, v3;
	_ =	swait.ge [sflag:s19], $0x2000  }
0x202: {  	v11 =	vsub.f32 v8, v1;
	[sflag:s19] =	ssyncset.done $0x0;
	v9 =	vmax.f32 v9, $0.0e+00  }
0x203: {  	s23 =	simm.s32 $0x0;
	v63 =	vsub.f32 v8, v2;
	v10 =	vmax.f32 v10, $0.0e+00;
	[sflag:s19] =	ssyncadd.s32 $0xFFFFE000;
	v9 =	vmin.f32 v9, $1.000000000e+00  }
0x204: {  	[tilespmem:s23+$0x2080] =	vst v9;
	v9 =	vmin.f32 v10, $1.000000000e+00;
	v10 =	vmax.f32 v11, $0.0e+00;
	v11 =	vsub.f32 v8, v4  }
0x205: {  	[tilespmem:s23+$0x2090] =	vst v9;
	v9 =	vmin.f32 v10, $1.000000000e+00;
	v10 =	vmax.f32 v63, $0.0e+00  }
0x206: {  	[tilespmem:s23+$0x20A0] =	vst v9;
	v9 =	vmin.f32 v10, $1.000000000e+00;
	v10 =	vmax.f32 v11, $0.0e+00;
	v11 =	vsub.f32 v8, v6  }
0x207: {  	[tilespmem:s23+$0x20B0] =	vst v9;
	v9 =	vmin.f32 v10, $1.000000000e+00  }
0x208: {  	s24 =	simm.s32 $0x200;
	s25 =	simm.s32 $0x400;
	v10 =	vadd.f32 $1.600000000e+01, v5;
	[tilespmem:s23+$0x20C0] =	vst v9;
	v11 =	vmax.f32 v11, $0.0e+00;
	v9 =	vsub.f32 v8, v5  }
.LBB2_25:
0x209: {  	p0 =	sne.s32 s25, $0x7E00;
	v11 =	vmin.f32 v11, $1.000000000e+00  }
0x20a: {  	[tilespmem:s23+$0x20D0] =	vst v11;
	v9 =	vmax.f32 v9, $0.0e+00;
	v11 =	vsub.f32 v8, v10;
	v10 =	vadd.f32 $1.600000000e+01, v10  }
0x20b: {  	v9 =	vmin.f32 v9, $1.000000000e+00  }
0x20c: {  	v12 =	vsub.f32 v8, v10;
	v10 =	vadd.f32 $1.600000000e+01, v10;
	[tilespmem:s23+$0x20E0] =	vst v9;
	v9 =	vmax.f32 v11, $0.0e+00  }
0x20d: {  	v9 =	vmin.f32 v9, $1.000000000e+00  }
0x20e: {  	v11 =	vmax.f32 v12, $0.0e+00;
	v12 =	vsub.f32 v8, v10;
	v10 =	vadd.f32 $1.600000000e+01, v10;
	[tilespmem:s23+$0x20F0] =	vst v9  }
0x20f: {  	s23 =	sshra.s32 s24, $0x2;
	s24 =	smov.u32 s25;
	v9 =	vmin.f32 v11, $1.000000000e+00  }
0x210: {  	[tilespmem:s23+$0x2080] =	vst v9;
	v9 =	vmax.f32 v12, $0.0e+00;
	v11 =	vsub.f32 v8, v10;
	v10 =	vadd.f32 $1.600000000e+01, v10  }
0x211: {  	v9 =	vmin.f32 v9, $1.000000000e+00  }
0x212: {  	[tilespmem:s23+$0x2090] =	vst v9;
	v9 =	vmax.f32 v11, $0.0e+00;
	v11 =	vsub.f32 v8, v10;
	v10 =	vadd.f32 $1.600000000e+01, v10  }
0x213: {  	v9 =	vmin.f32 v9, $1.000000000e+00  }
.Ltmp11:
0x214: {  	[tilespmem:s23+$0x20A0] =	vst v9;
	v9 =	vmax.f32 v11, $0.0e+00;
	v11 =	vsub.f32 v8, v10;
	v10 =	vadd.f32 $1.600000000e+01, v10;
	(pc) =	sbr.rel @p0 .LBB2_25-.Ltmp11, $4  }
0x215: {  	v9 =	vmin.f32 v9, $1.000000000e+00  }
0x216: {  	[tilespmem:s23+$0x20B0] =	vst v9;
	v9 =	vmax.f32 v11, $0.0e+00;
	v11 =	vsub.f32 v8, v10;
	v10 =	vadd.f32 $1.600000000e+01, v10  }
0x217: {  	v9 =	vmin.f32 v9, $1.000000000e+00  }
0x218: {  	s25 =	sadd.s32 $0x200, s25;
	[tilespmem:s23+$0x20C0] =	vst v9;
	v11 =	vmax.f32 v11, $0.0e+00;
	v9 =	vsub.f32 v8, v10;
	v10 =	vadd.f32 $1.600000000e+01, v10  }
0x219: {  	_ = 	snop  }
0x21a: {  	v12 =	vadd.f32 $1.600000000e+01, v10;
	_ =	sdelay $0x1  }
0x21b: {  	v13 =	vadd.f32 $1.600000000e+01, v12;
	_ =	sdelay $0x1  }
0x21c: {  	v14 =	vadd.f32 $1.600000000e+01, v13;
	_ =	sdelay $0x1  }
0x21d: {  	v15 =	vadd.f32 $1.600000000e+01, v14  }
0x21e: {  	v11 =	vmin.f32 v11, $1.000000000e+00;
	v10 =	vsub.f32 v8, v10  }
0x21f: {  	v9 =	vmax.f32 v9, $0.0e+00;
	v12 =	vsub.f32 v8, v12;
	v16 =	vadd.f32 $1.600000000e+01, v15  }
0x220: {  	v9 =	vmin.f32 v9, $1.000000000e+00;
	v10 =	vmax.f32 v10, $0.0e+00;
	v13 =	vsub.f32 v8, v13  }
0x221: {  	[tilespmem:s23+$0x20D0] =	vst v11;
	v11 =	vmax.f32 v12, $0.0e+00;
	v57 =	vsub.f32 v8, v14;
	v58 =	vadd.f32 $1.600000000e+01, v16  }
0x222: {  	[tilespmem:s23+$0x20E0] =	vst v9;
	v9 =	vmin.f32 v10, $1.000000000e+00;
	v10 =	vmin.f32 v11, $1.000000000e+00;
	v11 =	vmax.f32 v13, $0.0e+00  }
0x223: {  	s30 =	sshra.s32 s24, $0x2;
	[tilespmem:s23+$0x20F0] =	vst v9;
	v9 =	vmax.f32 v57, $0.0e+00;
	v59 =	vsub.f32 v8, v15;
	v60 =	vadd.f32 $1.600000000e+01, v58  }
0x224: {  	[tilespmem:s30+$0x2080] =	vst v10;
	v10 =	vmin.f32 v11, $1.000000000e+00;
	v9 =	vmin.f32 v9, $1.000000000e+00;
	v11 =	vsub.f32 v8, v16  }
0x225: {  	[tilespmem:s30+$0x2090] =	vst v10;
	v10 =	vmax.f32 v59, $0.0e+00;
	v61 =	vsub.f32 v8, v58;
	v62 =	vadd.f32 $1.600000000e+01, v60  }
0x226: {  	[tilespmem:s30+$0x20A0] =	vst v9;
	v9 =	vmin.f32 v10, $1.000000000e+00;
	v10 =	vmax.f32 v11, $0.0e+00;
	v11 =	vsub.f32 v8, v60  }
0x227: {  	[tilespmem:s30+$0x20B0] =	vst v9;
	v9 =	vmin.f32 v10, $1.000000000e+00;
	v10 =	vmax.f32 v61, $0.0e+00;
	v8 =	vsub.f32 v8, v62  }
0x228: {  	[tilespmem:s30+$0x20C0] =	vst v9;
	v9 =	vmin.f32 v10, $1.000000000e+00;
	v10 =	vmax.f32 v11, $0.0e+00  }
0x229: {  	[tilespmem:s30+$0x20D0] =	vst v9;
	v9 =	vmin.f32 v10, $1.000000000e+00;
	v8 =	vmax.f32 v8, $0.0e+00  }
0x22a: {  	[tilespmem:s30+$0x20E0] =	vst v9;
	v9 =	vmin.f32 v8, $1.000000000e+00;
	v8 =	vbroadcast v7, $0xC  }
0x22b: {  	s31 =	sadd.s32 s22, s8;
	[tilespmem:s30+$0x20F0] =	vst v9  }
0x22c: {  	[hbm4b:s31+s16] =	stream.strided.scatter [tilespmem:s17], [sflag:$0x2], $0x2000, s15, s16, $0x38;
	v9 =	vsub.f32 v8, v0;
	[tilespmem:$0x4080] =	vst v63  }
0x22d: {  	v10 =	vsub.f32 v8, v3;
	_ =	swait.ge [sflag:s18], $0x2000  }
0x22e: {  	v11 =	vsub.f32 v8, v1;
	[sflag:s18] =	ssyncset.done $0x0;
	v9 =	vmax.f32 v9, $0.0e+00  }
0x22f: {  	s23 =	simm.s32 $0x0;
	v63 =	vsub.f32 v8, v2;
	v10 =	vmax.f32 v10, $0.0e+00;
	[sflag:s18] =	ssyncadd.s32 $0xFFFFE000;
	v9 =	vmin.f32 v9, $1.000000000e+00  }
0x230: {  	[tilespmem:s23+$0x80] =	vst v9;
	v9 =	vmin.f32 v10, $1.000000000e+00;
	v10 =	vmax.f32 v11, $0.0e+00;
	v11 =	vsub.f32 v8, v4  }
0x231: {  	[tilespmem:s23+$0x90] =	vst v9;
	v9 =	vmin.f32 v10, $1.000000000e+00;
	v10 =	vmax.f32 v63, $0.0e+00  }
0x232: {  	[tilespmem:s23+$0xA0] =	vst v9;
	v9 =	vmin.f32 v10, $1.000000000e+00;
	v10 =	vmax.f32 v11, $0.0e+00;
	v11 =	vsub.f32 v8, v6  }
0x233: {  	[tilespmem:s23+$0xB0] =	vst v9;
	v9 =	vmin.f32 v10, $1.000000000e+00  }
0x234: {  	s24 =	simm.s32 $0x200;
	s25 =	simm.s32 $0x400;
	v10 =	vadd.f32 $1.600000000e+01, v5;
	[tilespmem:s23+$0xC0] =	vst v9;
	v11 =	vmax.f32 v11, $0.0e+00;
	v9 =	vsub.f32 v8, v5  }
.LBB2_27:
0x235: {  	p0 =	sne.s32 s25, $0x7E00;
	v11 =	vmin.f32 v11, $1.000000000e+00  }
0x236: {  	[tilespmem:s23+$0xD0] =	vst v11;
	v9 =	vmax.f32 v9, $0.0e+00;
	v11 =	vsub.f32 v8, v10;
	v10 =	vadd.f32 $1.600000000e+01, v10  }
0x237: {  	v9 =	vmin.f32 v9, $1.000000000e+00  }
0x238: {  	v12 =	vsub.f32 v8, v10;
	v10 =	vadd.f32 $1.600000000e+01, v10;
	[tilespmem:s23+$0xE0] =	vst v9;
	v9 =	vmax.f32 v11, $0.0e+00  }
0x239: {  	v9 =	vmin.f32 v9, $1.000000000e+00  }
0x23a: {  	v11 =	vmax.f32 v12, $0.0e+00;
	v12 =	vsub.f32 v8, v10;
	v10 =	vadd.f32 $1.600000000e+01, v10;
	[tilespmem:s23+$0xF0] =	vst v9  }
0x23b: {  	s23 =	sshra.s32 s24, $0x2;
	s24 =	smov.u32 s25;
	v9 =	vmin.f32 v11, $1.000000000e+00  }
0x23c: {  	[tilespmem:s23+$0x80] =	vst v9;
	v9 =	vmax.f32 v12, $0.0e+00;
	v11 =	vsub.f32 v8, v10;
	v10 =	vadd.f32 $1.600000000e+01, v10  }
0x23d: {  	v9 =	vmin.f32 v9, $1.000000000e+00  }
0x23e: {  	[tilespmem:s23+$0x90] =	vst v9;
	v9 =	vmax.f32 v11, $0.0e+00;
	v11 =	vsub.f32 v8, v10;
	v10 =	vadd.f32 $1.600000000e+01, v10  }
0x23f: {  	v9 =	vmin.f32 v9, $1.000000000e+00  }
.Ltmp12:
0x240: {  	[tilespmem:s23+$0xA0] =	vst v9;
	v9 =	vmax.f32 v11, $0.0e+00;
	v11 =	vsub.f32 v8, v10;
	v10 =	vadd.f32 $1.600000000e+01, v10;
	(pc) =	sbr.rel @p0 .LBB2_27-.Ltmp12, $4  }
0x241: {  	v9 =	vmin.f32 v9, $1.000000000e+00  }
0x242: {  	[tilespmem:s23+$0xB0] =	vst v9;
	v9 =	vmax.f32 v11, $0.0e+00;
	v11 =	vsub.f32 v8, v10;
	v10 =	vadd.f32 $1.600000000e+01, v10  }
0x243: {  	v9 =	vmin.f32 v9, $1.000000000e+00  }
0x244: {  	s25 =	sadd.s32 $0x200, s25;
	[tilespmem:s23+$0xC0] =	vst v9;
	v11 =	vmax.f32 v11, $0.0e+00;
	v9 =	vsub.f32 v8, v10;
	v10 =	vadd.f32 $1.600000000e+01, v10  }
0x245: {  	_ = 	snop  }
0x246: {  	v12 =	vadd.f32 $1.600000000e+01, v10;
	_ =	sdelay $0x1  }
0x247: {  	v13 =	vadd.f32 $1.600000000e+01, v12;
	_ =	sdelay $0x1  }
0x248: {  	v14 =	vadd.f32 $1.600000000e+01, v13;
	_ =	sdelay $0x1  }
0x249: {  	v15 =	vadd.f32 $1.600000000e+01, v14  }
0x24a: {  	v11 =	vmin.f32 v11, $1.000000000e+00;
	v10 =	vsub.f32 v8, v10  }
0x24b: {  	v9 =	vmax.f32 v9, $0.0e+00;
	v12 =	vsub.f32 v8, v12;
	v16 =	vadd.f32 $1.600000000e+01, v15  }
0x24c: {  	v9 =	vmin.f32 v9, $1.000000000e+00;
	v10 =	vmax.f32 v10, $0.0e+00;
	v13 =	vsub.f32 v8, v13  }
0x24d: {  	[tilespmem:s23+$0xD0] =	vst v11;
	v11 =	vmax.f32 v12, $0.0e+00;
	v57 =	vsub.f32 v8, v14;
	v58 =	vadd.f32 $1.600000000e+01, v16  }
0x24e: {  	[tilespmem:s23+$0xE0] =	vst v9;
	v9 =	vmin.f32 v10, $1.000000000e+00;
	v10 =	vmin.f32 v11, $1.000000000e+00;
	v11 =	vmax.f32 v13, $0.0e+00  }
0x24f: {  	s30 =	sshra.s32 s24, $0x2;
	[tilespmem:s23+$0xF0] =	vst v9;
	v9 =	vmax.f32 v57, $0.0e+00;
	v59 =	vsub.f32 v8, v15;
	v60 =	vadd.f32 $1.600000000e+01, v58  }
0x250: {  	[tilespmem:s30+$0x80] =	vst v10;
	v10 =	vmin.f32 v11, $1.000000000e+00;
	v9 =	vmin.f32 v9, $1.000000000e+00;
	v11 =	vsub.f32 v8, v16  }
0x251: {  	[tilespmem:s30+$0x90] =	vst v10;
	v10 =	vmax.f32 v59, $0.0e+00;
	v61 =	vsub.f32 v8, v58;
	v62 =	vadd.f32 $1.600000000e+01, v60  }
0x252: {  	[tilespmem:s30+$0xA0] =	vst v9;
	v9 =	vmin.f32 v10, $1.000000000e+00;
	v10 =	vmax.f32 v11, $0.0e+00;
	v11 =	vsub.f32 v8, v60  }
0x253: {  	[tilespmem:s30+$0xB0] =	vst v9;
	v9 =	vmin.f32 v10, $1.000000000e+00;
	v10 =	vmax.f32 v61, $0.0e+00;
	v8 =	vsub.f32 v8, v62  }
0x254: {  	[tilespmem:s30+$0xC0] =	vst v9;
	v9 =	vmin.f32 v10, $1.000000000e+00;
	v10 =	vmax.f32 v11, $0.0e+00  }
0x255: {  	[tilespmem:s30+$0xD0] =	vst v9;
	v9 =	vmin.f32 v10, $1.000000000e+00;
	v8 =	vmax.f32 v8, $0.0e+00  }
0x256: {  	[tilespmem:s30+$0xE0] =	vst v9;
	v9 =	vmin.f32 v8, $1.000000000e+00;
	v8 =	vbroadcast v7, $0xD  }
0x257: {  	s31 =	sadd.s32 s22, s9;
	[tilespmem:s30+$0xF0] =	vst v9  }
0x258: {  	[hbm4b:s31+s16] =	stream.strided.scatter [tilespmem:s16], [sflag:$0x1], $0x2000, s15, s16, $0x38;
	v9 =	vsub.f32 v8, v0;
	[tilespmem:$0x4080] =	vst v63  }
0x259: {  	v10 =	vsub.f32 v8, v3;
	_ =	swait.ge [sflag:s19], $0x2000  }
0x25a: {  	v11 =	vsub.f32 v8, v1;
	[sflag:s19] =	ssyncset.done $0x0;
	v9 =	vmax.f32 v9, $0.0e+00  }
0x25b: {  	s23 =	simm.s32 $0x0;
	v63 =	vsub.f32 v8, v2;
	v10 =	vmax.f32 v10, $0.0e+00;
	[sflag:s19] =	ssyncadd.s32 $0xFFFFE000;
	v9 =	vmin.f32 v9, $1.000000000e+00  }
0x25c: {  	[tilespmem:s23+$0x2080] =	vst v9;
	v9 =	vmin.f32 v10, $1.000000000e+00;
	v10 =	vmax.f32 v11, $0.0e+00;
	v11 =	vsub.f32 v8, v4  }
0x25d: {  	[tilespmem:s23+$0x2090] =	vst v9;
	v9 =	vmin.f32 v10, $1.000000000e+00;
	v10 =	vmax.f32 v63, $0.0e+00  }
0x25e: {  	[tilespmem:s23+$0x20A0] =	vst v9;
	v9 =	vmin.f32 v10, $1.000000000e+00;
	v10 =	vmax.f32 v11, $0.0e+00;
	v11 =	vsub.f32 v8, v6  }
0x25f: {  	[tilespmem:s23+$0x20B0] =	vst v9;
	v9 =	vmin.f32 v10, $1.000000000e+00  }
0x260: {  	s24 =	simm.s32 $0x200;
	s25 =	simm.s32 $0x400;
	v10 =	vadd.f32 $1.600000000e+01, v5;
	[tilespmem:s23+$0x20C0] =	vst v9;
	v11 =	vmax.f32 v11, $0.0e+00;
	v9 =	vsub.f32 v8, v5  }
.LBB2_29:
0x261: {  	p0 =	sne.s32 s25, $0x7E00;
	v11 =	vmin.f32 v11, $1.000000000e+00  }
0x262: {  	[tilespmem:s23+$0x20D0] =	vst v11;
	v9 =	vmax.f32 v9, $0.0e+00;
	v11 =	vsub.f32 v8, v10;
	v10 =	vadd.f32 $1.600000000e+01, v10  }
0x263: {  	v9 =	vmin.f32 v9, $1.000000000e+00  }
0x264: {  	v12 =	vsub.f32 v8, v10;
	v10 =	vadd.f32 $1.600000000e+01, v10;
	[tilespmem:s23+$0x20E0] =	vst v9;
	v9 =	vmax.f32 v11, $0.0e+00  }
0x265: {  	v9 =	vmin.f32 v9, $1.000000000e+00  }
0x266: {  	v11 =	vmax.f32 v12, $0.0e+00;
	v12 =	vsub.f32 v8, v10;
	v10 =	vadd.f32 $1.600000000e+01, v10;
	[tilespmem:s23+$0x20F0] =	vst v9  }
0x267: {  	s23 =	sshra.s32 s24, $0x2;
	s24 =	smov.u32 s25;
	v9 =	vmin.f32 v11, $1.000000000e+00  }
0x268: {  	[tilespmem:s23+$0x2080] =	vst v9;
	v9 =	vmax.f32 v12, $0.0e+00;
	v11 =	vsub.f32 v8, v10;
	v10 =	vadd.f32 $1.600000000e+01, v10  }
0x269: {  	v9 =	vmin.f32 v9, $1.000000000e+00  }
0x26a: {  	[tilespmem:s23+$0x2090] =	vst v9;
	v9 =	vmax.f32 v11, $0.0e+00;
	v11 =	vsub.f32 v8, v10;
	v10 =	vadd.f32 $1.600000000e+01, v10  }
0x26b: {  	v9 =	vmin.f32 v9, $1.000000000e+00  }
.Ltmp13:
0x26c: {  	[tilespmem:s23+$0x20A0] =	vst v9;
	v9 =	vmax.f32 v11, $0.0e+00;
	v11 =	vsub.f32 v8, v10;
	v10 =	vadd.f32 $1.600000000e+01, v10;
	(pc) =	sbr.rel @p0 .LBB2_29-.Ltmp13, $4  }
0x26d: {  	v9 =	vmin.f32 v9, $1.000000000e+00  }
0x26e: {  	[tilespmem:s23+$0x20B0] =	vst v9;
	v9 =	vmax.f32 v11, $0.0e+00;
	v11 =	vsub.f32 v8, v10;
	v10 =	vadd.f32 $1.600000000e+01, v10  }
0x26f: {  	v9 =	vmin.f32 v9, $1.000000000e+00  }
0x270: {  	s25 =	sadd.s32 $0x200, s25;
	[tilespmem:s23+$0x20C0] =	vst v9;
	v11 =	vmax.f32 v11, $0.0e+00;
	v9 =	vsub.f32 v8, v10;
	v10 =	vadd.f32 $1.600000000e+01, v10  }
0x271: {  	_ = 	snop  }
0x272: {  	v12 =	vadd.f32 $1.600000000e+01, v10;
	_ =	sdelay $0x1  }
0x273: {  	v13 =	vadd.f32 $1.600000000e+01, v12;
	_ =	sdelay $0x1  }
0x274: {  	v14 =	vadd.f32 $1.600000000e+01, v13;
	_ =	sdelay $0x1  }
0x275: {  	v15 =	vadd.f32 $1.600000000e+01, v14  }
0x276: {  	v11 =	vmin.f32 v11, $1.000000000e+00;
	v10 =	vsub.f32 v8, v10  }
0x277: {  	v9 =	vmax.f32 v9, $0.0e+00;
	v12 =	vsub.f32 v8, v12;
	v16 =	vadd.f32 $1.600000000e+01, v15  }
0x278: {  	v9 =	vmin.f32 v9, $1.000000000e+00;
	v10 =	vmax.f32 v10, $0.0e+00;
	v13 =	vsub.f32 v8, v13  }
0x279: {  	[tilespmem:s23+$0x20D0] =	vst v11;
	v11 =	vmax.f32 v12, $0.0e+00;
	v57 =	vsub.f32 v8, v14;
	v58 =	vadd.f32 $1.600000000e+01, v16  }
0x27a: {  	[tilespmem:s23+$0x20E0] =	vst v9;
	v9 =	vmin.f32 v10, $1.000000000e+00;
	v10 =	vmin.f32 v11, $1.000000000e+00;
	v11 =	vmax.f32 v13, $0.0e+00  }
0x27b: {  	s30 =	sshra.s32 s24, $0x2;
	[tilespmem:s23+$0x20F0] =	vst v9;
	v9 =	vmax.f32 v57, $0.0e+00;
	v59 =	vsub.f32 v8, v15;
	v60 =	vadd.f32 $1.600000000e+01, v58  }
0x27c: {  	[tilespmem:s30+$0x2080] =	vst v10;
	v10 =	vmin.f32 v11, $1.000000000e+00;
	v9 =	vmin.f32 v9, $1.000000000e+00;
	v11 =	vsub.f32 v8, v16  }
0x27d: {  	[tilespmem:s30+$0x2090] =	vst v10;
	v10 =	vmax.f32 v59, $0.0e+00;
	v61 =	vsub.f32 v8, v58;
	v62 =	vadd.f32 $1.600000000e+01, v60  }
0x27e: {  	[tilespmem:s30+$0x20A0] =	vst v9;
	v9 =	vmin.f32 v10, $1.000000000e+00;
	v10 =	vmax.f32 v11, $0.0e+00;
	v11 =	vsub.f32 v8, v60  }
0x27f: {  	[tilespmem:s30+$0x20B0] =	vst v9;
	v9 =	vmin.f32 v10, $1.000000000e+00;
	v10 =	vmax.f32 v61, $0.0e+00;
	v8 =	vsub.f32 v8, v62  }
0x280: {  	[tilespmem:s30+$0x20C0] =	vst v9;
	v9 =	vmin.f32 v10, $1.000000000e+00;
	v10 =	vmax.f32 v11, $0.0e+00  }
0x281: {  	[tilespmem:s30+$0x20D0] =	vst v9;
	v9 =	vmin.f32 v10, $1.000000000e+00;
	v8 =	vmax.f32 v8, $0.0e+00  }
0x282: {  	[tilespmem:s30+$0x20E0] =	vst v9;
	v9 =	vmin.f32 v8, $1.000000000e+00;
	v8 =	vbroadcast v7, $0xE  }
0x283: {  	s31 =	sadd.s32 s22, s10;
	[tilespmem:s30+$0x20F0] =	vst v9  }
0x284: {  	[hbm4b:s31+s16] =	stream.strided.scatter [tilespmem:s17], [sflag:$0x2], $0x2000, s15, s16, $0x38;
	v9 =	vsub.f32 v8, v0;
	[tilespmem:$0x4080] =	vst v63  }
0x285: {  	v10 =	vsub.f32 v8, v3;
	_ =	swait.ge [sflag:s18], $0x2000  }
0x286: {  	v11 =	vsub.f32 v8, v1;
	[sflag:s18] =	ssyncset.done $0x0;
	v9 =	vmax.f32 v9, $0.0e+00  }
0x287: {  	s23 =	simm.s32 $0x0;
	v63 =	vsub.f32 v8, v2;
	v10 =	vmax.f32 v10, $0.0e+00;
	[sflag:s18] =	ssyncadd.s32 $0xFFFFE000;
	v9 =	vmin.f32 v9, $1.000000000e+00  }
0x288: {  	[tilespmem:s23+$0x80] =	vst v9;
	v9 =	vmin.f32 v10, $1.000000000e+00;
	v10 =	vmax.f32 v11, $0.0e+00;
	v11 =	vsub.f32 v8, v4  }
0x289: {  	[tilespmem:s23+$0x90] =	vst v9;
	v9 =	vmin.f32 v10, $1.000000000e+00;
	v10 =	vmax.f32 v63, $0.0e+00  }
0x28a: {  	[tilespmem:s23+$0xA0] =	vst v9;
	v9 =	vmin.f32 v10, $1.000000000e+00;
	v10 =	vmax.f32 v11, $0.0e+00;
	v11 =	vsub.f32 v8, v6  }
0x28b: {  	[tilespmem:s23+$0xB0] =	vst v9;
	v9 =	vmin.f32 v10, $1.000000000e+00  }
0x28c: {  	s24 =	simm.s32 $0x200;
	s25 =	simm.s32 $0x400;
	v10 =	vadd.f32 $1.600000000e+01, v5;
	[tilespmem:s23+$0xC0] =	vst v9;
	v11 =	vmax.f32 v11, $0.0e+00;
	v9 =	vsub.f32 v8, v5  }
.LBB2_31:
0x28d: {  	p0 =	sne.s32 s25, $0x7E00;
	v11 =	vmin.f32 v11, $1.000000000e+00  }
0x28e: {  	[tilespmem:s23+$0xD0] =	vst v11;
	v9 =	vmax.f32 v9, $0.0e+00;
	v11 =	vsub.f32 v8, v10;
	v10 =	vadd.f32 $1.600000000e+01, v10  }
0x28f: {  	v9 =	vmin.f32 v9, $1.000000000e+00  }
0x290: {  	v12 =	vsub.f32 v8, v10;
	v10 =	vadd.f32 $1.600000000e+01, v10;
	[tilespmem:s23+$0xE0] =	vst v9;
	v9 =	vmax.f32 v11, $0.0e+00  }
0x291: {  	v9 =	vmin.f32 v9, $1.000000000e+00  }
0x292: {  	v11 =	vmax.f32 v12, $0.0e+00;
	v12 =	vsub.f32 v8, v10;
	v10 =	vadd.f32 $1.600000000e+01, v10;
	[tilespmem:s23+$0xF0] =	vst v9  }
0x293: {  	s23 =	sshra.s32 s24, $0x2;
	s24 =	smov.u32 s25;
	v9 =	vmin.f32 v11, $1.000000000e+00  }
0x294: {  	[tilespmem:s23+$0x80] =	vst v9;
	v9 =	vmax.f32 v12, $0.0e+00;
	v11 =	vsub.f32 v8, v10;
	v10 =	vadd.f32 $1.600000000e+01, v10  }
0x295: {  	v9 =	vmin.f32 v9, $1.000000000e+00  }
0x296: {  	[tilespmem:s23+$0x90] =	vst v9;
	v9 =	vmax.f32 v11, $0.0e+00;
	v11 =	vsub.f32 v8, v10;
	v10 =	vadd.f32 $1.600000000e+01, v10  }
0x297: {  	v9 =	vmin.f32 v9, $1.000000000e+00  }
.Ltmp14:
0x298: {  	[tilespmem:s23+$0xA0] =	vst v9;
	v9 =	vmax.f32 v11, $0.0e+00;
	v11 =	vsub.f32 v8, v10;
	v10 =	vadd.f32 $1.600000000e+01, v10;
	(pc) =	sbr.rel @p0 .LBB2_31-.Ltmp14, $4  }
0x299: {  	v9 =	vmin.f32 v9, $1.000000000e+00  }
0x29a: {  	[tilespmem:s23+$0xB0] =	vst v9;
	v9 =	vmax.f32 v11, $0.0e+00;
	v11 =	vsub.f32 v8, v10;
	v10 =	vadd.f32 $1.600000000e+01, v10  }
0x29b: {  	v9 =	vmin.f32 v9, $1.000000000e+00  }
0x29c: {  	s25 =	sadd.s32 $0x200, s25;
	[tilespmem:s23+$0xC0] =	vst v9;
	v11 =	vmax.f32 v11, $0.0e+00;
	v9 =	vsub.f32 v8, v10;
	v10 =	vadd.f32 $1.600000000e+01, v10  }
0x29d: {  	_ = 	snop  }
0x29e: {  	v12 =	vadd.f32 $1.600000000e+01, v10;
	_ =	sdelay $0x1  }
0x29f: {  	v13 =	vadd.f32 $1.600000000e+01, v12;
	_ =	sdelay $0x1  }
0x2a0: {  	v14 =	vadd.f32 $1.600000000e+01, v13;
	_ =	sdelay $0x1  }
0x2a1: {  	v15 =	vadd.f32 $1.600000000e+01, v14  }
0x2a2: {  	v11 =	vmin.f32 v11, $1.000000000e+00;
	v41 =	vsub.f32 v8, v10  }
0x2a3: {  	v9 =	vmax.f32 v9, $0.0e+00;
	v12 =	vsub.f32 v8, v12;
	v16 =	vadd.f32 $1.600000000e+01, v15  }
0x2a4: {  	v9 =	vmin.f32 v9, $1.000000000e+00;
	v10 =	vmax.f32 v41, $0.0e+00;
	v13 =	vsub.f32 v8, v13  }
0x2a5: {  	[tilespmem:s23+$0xD0] =	vst v11;
	v42 =	vmax.f32 v12, $0.0e+00;
	v43 =	vsub.f32 v8, v14;
	v44 =	vadd.f32 $1.600000000e+01, v16  }
0x2a6: {  	[tilespmem:s23+$0xE0] =	vst v9;
	v45 =	vmin.f32 v10, $1.000000000e+00;
	v46 =	vmin.f32 v42, $1.000000000e+00;
	v47 =	vmax.f32 v13, $0.0e+00  }
0x2a7: {  	s30 =	sshra.s32 s24, $0x2;
	[tilespmem:s23+$0xF0] =	vst v45;
	v48 =	vmax.f32 v43, $0.0e+00;
	v49 =	vsub.f32 v8, v15;
	v50 =	vadd.f32 $1.600000000e+01, v44  }
0x2a8: {  	[tilespmem:s30+$0x80] =	vst v46;
	v51 =	vmin.f32 v47, $1.000000000e+00;
	v9 =	vmin.f32 v48, $1.000000000e+00;
	v52 =	vsub.f32 v8, v16  }
0x2a9: {  	[tilespmem:s30+$0x90] =	vst v51;
	v53 =	vmax.f32 v49, $0.0e+00;
	v54 =	vsub.f32 v8, v44;
	v55 =	vadd.f32 $1.600000000e+01, v50  }
0x2aa: {  	[tilespmem:s30+$0xA0] =	vst v9;
	v56 =	vmin.f32 v53, $1.000000000e+00;
	v57 =	vmax.f32 v52, $0.0e+00;
	v58 =	vsub.f32 v8, v50  }
0x2ab: {  	[tilespmem:s30+$0xB0] =	vst v56;
	v59 =	vmin.f32 v57, $1.000000000e+00;
	v60 =	vmax.f32 v54, $0.0e+00;
	v8 =	vsub.f32 v8, v55  }
0x2ac: {  	[tilespmem:s30+$0xC0] =	vst v59;
	v61 =	vmin.f32 v60, $1.000000000e+00;
	v62 =	vmax.f32 v58, $0.0e+00  }
0x2ad: {  	[tilespmem:s30+$0xD0] =	vst v61;
	v63 =	vmin.f32 v62, $1.000000000e+00;
	v8 =	vmax.f32 v8, $0.0e+00  }
0x2ae: {  	v7 =	vbroadcast v7, $0xF;
	[tilespmem:s30+$0xE0] =	vst v63;
	v8 =	vmin.f32 v8, $1.000000000e+00  }
0x2af: {  	s31 =	sadd.s32 s22, s11;
	[tilespmem:s30+$0xF0] =	vst v8  }
0x2b0: {  	v8 =	vsub.f32 v7, v0;
	[hbm4b:s31+s16] =	stream.strided.scatter [tilespmem:s16], [sflag:$0x1], $0x2000, s15, s16, $0x38;
	[tilespmem:$0x4080] =	vst v63  }
0x2b1: {  	v3 =	vsub.f32 v7, v3;
	_ =	swait.ge [sflag:s19], $0x2000  }
0x2b2: {  	v1 =	vsub.f32 v7, v1;
	v8 =	vmax.f32 v8, $0.0e+00;
	[sflag:s19] =	ssyncset.done $0x0  }
0x2b3: {  	v2 =	vsub.f32 v7, v2;
	v3 =	vmax.f32 v3, $0.0e+00;
	s23 =	simm.s32 $0x0;
	v8 =	vmin.f32 v8, $1.000000000e+00;
	[sflag:s19] =	ssyncadd.s32 $0xFFFFE000  }
0x2b4: {  	v4 =	vsub.f32 v7, v4;
	v1 =	vmax.f32 v1, $0.0e+00;
	v3 =	vmin.f32 v3, $1.000000000e+00;
	[tilespmem:s23+$0x2080] =	vst v8  }
0x2b5: {  	v2 =	vmax.f32 v2, $0.0e+00;
	v1 =	vmin.f32 v1, $1.000000000e+00;
	[tilespmem:s23+$0x2090] =	vst v3  }
0x2b6: {  	[tilespmem:s23+$0x20A0] =	vst v1;
	v1 =	vmin.f32 v2, $1.000000000e+00;
	v2 =	vmax.f32 v4, $0.0e+00;
	v3 =	vsub.f32 v7, v6  }
0x2b7: {  	[tilespmem:s23+$0x20B0] =	vst v1;
	v1 =	vmin.f32 v2, $1.000000000e+00  }
0x2b8: {  	s24 =	simm.s32 $0x200;
	s25 =	simm.s32 $0x400;
	v2 =	vadd.f32 $1.600000000e+01, v5;
	[tilespmem:s23+$0x20C0] =	vst v1;
	v3 =	vmax.f32 v3, $0.0e+00;
	v1 =	vsub.f32 v7, v5  }
.LBB2_33:
0x2b9: {  	p0 =	sne.s32 s25, $0x7E00;
	v3 =	vmin.f32 v3, $1.000000000e+00  }
0x2ba: {  	[tilespmem:s23+$0x20D0] =	vst v3;
	v1 =	vmax.f32 v1, $0.0e+00;
	v3 =	vsub.f32 v7, v2;
	v2 =	vadd.f32 $1.600000000e+01, v2  }
0x2bb: {  	v1 =	vmin.f32 v1, $1.000000000e+00  }
0x2bc: {  	v4 =	vsub.f32 v7, v2;
	v2 =	vadd.f32 $1.600000000e+01, v2;
	[tilespmem:s23+$0x20E0] =	vst v1;
	v1 =	vmax.f32 v3, $0.0e+00  }
0x2bd: {  	v1 =	vmin.f32 v1, $1.000000000e+00  }
0x2be: {  	v3 =	vmax.f32 v4, $0.0e+00;
	v4 =	vsub.f32 v7, v2;
	v2 =	vadd.f32 $1.600000000e+01, v2;
	[tilespmem:s23+$0x20F0] =	vst v1  }
0x2bf: {  	s23 =	sshra.s32 s24, $0x2;
	s24 =	smov.u32 s25;
	v1 =	vmin.f32 v3, $1.000000000e+00  }
0x2c0: {  	[tilespmem:s23+$0x2080] =	vst v1;
	v1 =	vmax.f32 v4, $0.0e+00;
	v3 =	vsub.f32 v7, v2;
	v2 =	vadd.f32 $1.600000000e+01, v2  }
0x2c1: {  	v1 =	vmin.f32 v1, $1.000000000e+00  }
0x2c2: {  	[tilespmem:s23+$0x2090] =	vst v1;
	v1 =	vmax.f32 v3, $0.0e+00;
	v3 =	vsub.f32 v7, v2;
	v2 =	vadd.f32 $1.600000000e+01, v2  }
0x2c3: {  	v1 =	vmin.f32 v1, $1.000000000e+00  }
.Ltmp15:
0x2c4: {  	[tilespmem:s23+$0x20A0] =	vst v1;
	v1 =	vmax.f32 v3, $0.0e+00;
	v3 =	vsub.f32 v7, v2;
	v2 =	vadd.f32 $1.600000000e+01, v2;
	(pc) =	sbr.rel @p0 .LBB2_33-.Ltmp15, $4  }
0x2c5: {  	v1 =	vmin.f32 v1, $1.000000000e+00  }
0x2c6: {  	[tilespmem:s23+$0x20B0] =	vst v1;
	v1 =	vmax.f32 v3, $0.0e+00;
	v3 =	vsub.f32 v7, v2;
	v2 =	vadd.f32 $1.600000000e+01, v2  }
0x2c7: {  	v1 =	vmin.f32 v1, $1.000000000e+00  }
0x2c8: {  	s25 =	sadd.s32 $0x200, s25;
	[tilespmem:s23+$0x20C0] =	vst v1;
	v3 =	vmax.f32 v3, $0.0e+00;
	v1 =	vsub.f32 v7, v2;
	v2 =	vadd.f32 $1.600000000e+01, v2  }
0x2c9: {  	_ = 	snop  }
0x2ca: {  	v4 =	vadd.f32 $1.600000000e+01, v2;
	_ =	sdelay $0x1  }
0x2cb: {  	v5 =	vadd.f32 $1.600000000e+01, v4;
	_ =	sdelay $0x1  }
0x2cc: {  	v6 =	vadd.f32 $1.600000000e+01, v5;
	_ =	sdelay $0x1  }
0x2cd: {  	v8 =	vadd.f32 $1.600000000e+01, v6  }
0x2ce: {  	v3 =	vmin.f32 v3, $1.000000000e+00;
	v2 =	vsub.f32 v7, v2  }
0x2cf: {  	v1 =	vmax.f32 v1, $0.0e+00;
	v4 =	vsub.f32 v7, v4;
	v9 =	vadd.f32 $1.600000000e+01, v8  }
0x2d0: {  	v1 =	vmin.f32 v1, $1.000000000e+00;
	v2 =	vmax.f32 v2, $0.0e+00;
	v5 =	vsub.f32 v7, v5  }
0x2d1: {  	[tilespmem:s23+$0x20D0] =	vst v3;
	v3 =	vmax.f32 v4, $0.0e+00;
	v57 =	vsub.f32 v7, v6;
	v58 =	vadd.f32 $1.600000000e+01, v9  }
0x2d2: {  	[tilespmem:s23+$0x20E0] =	vst v1;
	v1 =	vmin.f32 v2, $1.000000000e+00;
	v2 =	vmin.f32 v3, $1.000000000e+00;
	v3 =	vmax.f32 v5, $0.0e+00  }
0x2d3: {  	s31 =	sshra.s32 s24, $0x2;
	[tilespmem:s23+$0x20F0] =	vst v1;
	v1 =	vmax.f32 v57, $0.0e+00;
	v59 =	vsub.f32 v7, v8;
	v60 =	vadd.f32 $1.600000000e+01, v58  }
0x2d4: {  	[tilespmem:s31+$0x2080] =	vst v2;
	v2 =	vmin.f32 v3, $1.000000000e+00;
	v1 =	vmin.f32 v1, $1.000000000e+00;
	v3 =	vsub.f32 v7, v9  }
0x2d5: {  	[tilespmem:s31+$0x2090] =	vst v2;
	v2 =	vmax.f32 v59, $0.0e+00;
	v61 =	vsub.f32 v7, v58;
	v62 =	vadd.f32 $1.600000000e+01, v60  }
0x2d6: {  	s21 =	sadd.s32 $0x1, s21;
	[tilespmem:s31+$0x20A0] =	vst v1;
	v1 =	vmin.f32 v2, $1.000000000e+00;
	v2 =	vmax.f32 v3, $0.0e+00;
	v3 =	vsub.f32 v7, v60  }
0x2d7: {  	p0 =	sne.s32 s21, $0x8;
	[tilespmem:s31+$0x20B0] =	vst v1;
	v1 =	vmin.f32 v2, $1.000000000e+00;
	v2 =	vmax.f32 v61, $0.0e+00;
	v63 =	vsub.f32 v7, v62  }
.Ltmp16:
0x2d8: {  	[tilespmem:s31+$0x20C0] =	vst v1;
	v1 =	vmin.f32 v2, $1.000000000e+00;
	v2 =	vmax.f32 v3, $0.0e+00;
	(pc) =	sbr.rel @p0 .LBB2_2-.Ltmp16, $4  }
0x2d9: {  	[tilespmem:s31+$0x20D0] =	vst v1;
	v1 =	vmin.f32 v2, $1.000000000e+00;
	v2 =	vmax.f32 v63, $0.0e+00  }
0x2da: {  	[tilespmem:s31+$0x20E0] =	vst v1;
	v1 =	vmin.f32 v2, $1.000000000e+00  }
0x2db: {  	s22 =	sadd.s32 s22, s12;
	[tilespmem:s31+$0x20F0] =	vst v1  }
0x2dc: {  	[hbm4b:s22+s16] =	stream.strided.scatter [tilespmem:s17], [sflag:$0x2], $0x2000, s15, s16, $0x38;
	[tilespmem:$0x4080] =	vst v63  }
0x2dd: {  	s20 =	sadd.s32 $0x1, s20  }
0x2de: {  	_ =	swait.ge [sflag:s18], $0x2000;
	p0 =	sne.s32 s20, s13  }
.Ltmp17:
0x2df: {  	[sflag:s18] =	ssyncset.done $0x0;
	(pc) =	sbr.rel @p0 .LBB2_1-.Ltmp17, $4  }
0x2e0: {  	[sflag:s18] =	ssyncadd.s32 $0xFFFFE000  }
0x2e1: {  	_ =	swait.ge [sflag:s19], $0x2000  }
0x2e2: {  	[sflag:s19] =	ssyncset.done $0x0  }
0x2e3: {  	[sflag:s19] =	ssyncadd.s32 $0xFFFFE000  }
0x2e4: {  	_ =	sfence.sel $0x180000  }
0x2e5: {  	[bflag:$0x0] =	sbarrier.arrive $0xFFFF  }
0x2e6: {  	p0 =	sne.s32 s0, $0x0;
	_ =	strace $0x90000047  }
0x2e7: {  	s0 =	sadd.s32 @!p0 $0x100000, s1;
	[bflag:$0x2] =	sbarrier.arrive $0xFFFF  }
0x2e8: {  	[sflag:s0] =	ssyncadd.tile.s32 @!p0 $0x1;
	_ =	shalt  }
.Lfunc_end2:
_tile_overlayer_lowered:
.L_overlay_start_2:
0x2e9: {  	(tag) =	ssettag $0x2  }
0x2ea: {  	s0 =	rddreg [dreg:$0x0];
	s2 =	stileid.u32  }
0x2eb: {  	s1 =	rddreg [dreg:$0x1];
	p0 =	sne.s32 s2, $0x0  }
0x2ec: {  	s3 =	rddreg [dreg:$0x2];
	[bflag:$0x3] =	sbarrier.arrive $0xFFFF;
	s2 =	simm.s32 @!p0 $0x1C03  }
0x2ed: {  	[timem:s3], [sflag:s2] =	dma.local @!p0 [hbm:s0], s1  }
0x2ee: {  	s0 =	simm.s32 @!p0 $0x3  }
0x2ef: {  	_ =	swait.ge @!p0 [sflag:s0], s1  }
0x2f0: {  	s1 =	ssub.s32 @!p0 $0x0, s1;
	[sflag:s0] =	ssyncset.done @!p0 $0x0  }
0x2f1: {  	[sflag:s0] =	ssyncadd.s32 @!p0 s1  }
0x2f2: {  	[bflag:$0x3] =	sbarrier.arrive $0xFFFF  }
0x2f3: {  	_ =	shalt  }

</sc_bundles>
